<compile_context>
chip_gen: v7x
topology: tpu7x:2x2x1
jax: 0.10.2.dev20260603
libtpu: 0.0.44.dev20260713+nightly
codegen_flags: <defaults>
</compile_context>

<pallas_src>
import math

import jax
import jax.numpy as jnp
from jax import lax
from jax.experimental import pallas as pl
from jax.experimental.pallas import tpu as pltpu
from jax.experimental.pallas import tpu_sc as plsc

D = 64
SCALE = math.sqrt(D)
V = 1000000
B = 16384
S = 50

NUM_CORES = 2
NUM_SUBCORES = 16
NW = NUM_CORES * NUM_SUBCORES
LANES = 16

BSTRIPE = B // NW
GCHUNK = 128


HSTRIPE = BSTRIPE // 2


def _body(xt_hbm, emb_hbm, out_hbm, idx_v, g_v, o_v,
          sem, sem2, semw, semw2):
    wid = lax.axis_index("s") * NUM_CORES + lax.axis_index("c")
    b0 = wid * BSTRIPE
    pltpu.sync_copy(xt_hbm.at[:, pl.ds(b0, BSTRIPE)], idx_v)
    gsems = (sem, sem2)
    wsems = (semw, semw2)

    def gather_unit(s, half, gbuf):
        return [
            pltpu.async_copy(
                emb_hbm.at[idx_v.at[
                    s, pl.ds(half * HSTRIPE + h * GCHUNK, GCHUNK)]],
                g_v.at[gbuf, pl.ds(h * GCHUNK, GCHUNK)],
                gsems[gbuf],
            )
            for h in range(HSTRIPE // GCHUNK)
        ]

    def transpose_unit(buf, s, half, first):
        boff = b0 + half * HSTRIPE
        dst = out_hbm.at[s, :, pl.ds(boff, HSTRIPE)]
        osrc = o_v.at[buf, :, pl.ds(0, HSTRIPE)]

        @pl.when(jnp.logical_not(first))
        def _():
            pltpu.make_async_copy(osrc, dst, wsems[buf]).wait()

        ob = o_v.at[buf]

        def row_body(j, c2):
            for cg in range(D // LANES):
                vals = g_v[buf, j, pl.ds(cg * LANES, LANES)] * SCALE
                cvec = lax.iota(jnp.int32, LANES) + cg * LANES
                jvec = jnp.full((LANES,), j, jnp.int32)
                plsc.store_scatter(ob, [cvec, jvec], vals)
            return c2

        lax.fori_loop(0, HSTRIPE, row_body, 0, unroll=16)
        pltpu.async_copy(osrc, dst, wsems[buf])

    for cp in gather_unit(0, 0, 0):
        cp.wait()

    def t_body(tt, c3):
        cps = gather_unit(tt, 1, 1)
        transpose_unit(0, tt, 0, tt == 0)
        for cp in cps:
            cp.wait()

        @pl.when(tt + 1 < S)
        def _():
            cps2 = gather_unit(tt + 1, 0, 0)
            transpose_unit(1, tt, 1, tt == 0)
            for cp in cps2:
                cp.wait()

        @pl.when(tt + 1 == S)
        def _():
            transpose_unit(1, tt, 1, tt == 0)

        return c3

    lax.fori_loop(0, S, t_body, 0)
    pltpu.make_async_copy(
        o_v.at[0, :, pl.ds(0, HSTRIPE)],
        out_hbm.at[S - 1, :, pl.ds(b0, HSTRIPE)],
        semw,
    ).wait()
    pltpu.make_async_copy(
        o_v.at[1, :, pl.ds(0, HSTRIPE)],
        out_hbm.at[S - 1, :, pl.ds(b0 + HSTRIPE, HSTRIPE)],
        semw2,
    ).wait()


@jax.jit
def _lookup(xt, emb):
    mesh = plsc.VectorSubcoreMesh(core_axis_name="c", subcore_axis_name="s")
    f = pl.kernel(
        _body,
        out_type=jax.ShapeDtypeStruct((S, D, B), jnp.float32),
        mesh=mesh,
        scratch_types=[
            pltpu.VMEM((S, BSTRIPE), jnp.int32),
            pltpu.VMEM((2, HSTRIPE, D), jnp.float32),
            pltpu.VMEM((2, D, HSTRIPE + 1), jnp.float32),
            pltpu.SemaphoreType.DMA,
            pltpu.SemaphoreType.DMA,
            pltpu.SemaphoreType.DMA,
            pltpu.SemaphoreType.DMA,
        ],
        compiler_params=pltpu.CompilerParams(
            use_tc_tiling_on_sc=False, needs_layout_passes=False),
    )
    return f(xt, emb)


def kernel(x, emb):
    xt = x.T.astype(jnp.int32)
    out3 = _lookup(xt, emb)
    return out3.transpose(2, 0, 1)

# --- scband reference (transcript-rebuilt; emitter-appended) ---
"""Pipeline reference for scband-custom-embeddings-3289944949349 (READ-ONLY COPY).

The authoritative reference and input builder live on the scoring server;
editing this copy changes nothing except your own understanding.
"""

import jax, jax.numpy as jnp
import numpy as np
import math

VOCAB = 1000000
D_MODEL = 64

def setup_inputs(seed: int = 0) -> dict:
    key = jax.random.key(seed)
    k1, k2 = jax.random.split(key)
    x = jax.random.randint(k1, (16384, 50), 0, VOCAB, dtype=jnp.int64) if jax.config.jax_enable_x64 else jax.random.randint(k1, (16384, 50), 0, VOCAB, dtype=jnp.int32)
    emb = jax.random.normal(k2, (VOCAB, D_MODEL), dtype=jnp.float32)
    return {"x": x, "emb": emb}

def reference(x, emb):
    sqrt_d = math.sqrt(D_MODEL)
    out = jnp.take(emb, x, axis=0) * sqrt_d
    return out

if __name__ == "__main__":
    import jax
    _d = setup_inputs()
    print(jax.jit(kernel)(*tuple(_d.values())))

</pallas_src>

<mosaic_0001>
#map = affine_map<(d0, d1) -> (0, 0)>
#map1 = affine_map<(d0, d1) -> (0, 0, 0)>
module attributes {stable_mosaic.version = 14 : i64} {
  func.func @_body(%arg0: i32, %arg1: i32, %arg2: memref<50x16384xi32, #tpu.memory_space<hbm>>, %arg3: memref<1000000x64xf32, #tpu.memory_space<hbm>>, %arg4: memref<50x64x16384xf32, #tpu.memory_space<hbm>>, %arg5: memref<50x512xi32, #tpu.memory_space<vmem>>, %arg6: memref<2x256x64xf32, #tpu.memory_space<vmem>>, %arg7: memref<2x64x257xf32, #tpu.memory_space<vmem>>, %arg8: memref<!tpu.dma_semaphore, #tpu.memory_space<semaphore_mem>>, %arg9: memref<!tpu.dma_semaphore, #tpu.memory_space<semaphore_mem>>, %arg10: memref<!tpu.dma_semaphore, #tpu.memory_space<semaphore_mem>>, %arg11: memref<!tpu.dma_semaphore, #tpu.memory_space<semaphore_mem>>) attributes {dimension_semantics = [#tpu.dimension_semantics<core_parallel>, #tpu.dimension_semantics<subcore_parallel>], iteration_bounds = array<i64: 2, 16>, scalar_prefetch = 0 : i64, scratch_operands = 7 : i64, tpu.core_type = #tpu.core_type<sc_vector_subcore>, window_params = [{transform_indices = #map}, {transform_indices = #map}, {transform_indices = #map1}]} {
    %mul3A = arith.constant 2 : i32
    %mul3A_0 = arith.muli %arg1, %mul3A : i32
    %add3A = arith.addi %mul3A_0, %arg0 : i32
    %mul3A_1 = arith.constant 512 : i32
    %mul3A_2 = arith.muli %add3A, %mul3A_1 : i32
    "tpu.region"() ({
      %run_scoped3A = tpu.sem_alloc : memref<!tpu.dma_semaphore, #tpu.memory_space<semaphore_mem>>
      %dma_start3A_88 = arith.constant 0 : i32
      %dma_start3A_89 = tpu.memref_slice %arg2[%dma_start3A_88, %mul3A_2] : memref<50x16384xi32, #tpu.memory_space<hbm>> -> memref<50x512xi32, #tpu.memory_space<hbm>>
      %dma_start3A_90 = arith.constant 0 : i32
      %dma_start3A_91 = tpu.memref_slice %arg2[%dma_start3A_90, %mul3A_2] : memref<50x16384xi32, #tpu.memory_space<hbm>> -> memref<50x512xi32, #tpu.memory_space<hbm>>
      tpu.enqueue_dma source(%dma_start3A_91 : memref<50x512xi32, #tpu.memory_space<hbm>>) target(%arg5 : memref<50x512xi32, #tpu.memory_space<vmem>>) target_semaphore(%run_scoped3A : memref<!tpu.dma_semaphore, #tpu.memory_space<semaphore_mem>>)
      %dma_wait3A_92 = arith.constant 0 : i32
      %dma_wait3A_93 = tpu.memref_slice %arg2[%dma_wait3A_92, %mul3A_2] : memref<50x16384xi32, #tpu.memory_space<hbm>> -> memref<50x512xi32, #tpu.memory_space<hbm>>
      %dma_wait3A_94 = arith.constant 0 : i32
      %dma_wait3A_95 = tpu.memref_slice %arg2[%dma_wait3A_94, %mul3A_2] : memref<50x16384xi32, #tpu.memory_space<hbm>> -> memref<50x512xi32, #tpu.memory_space<hbm>>
      tpu.wait_dma2 semaphore(%run_scoped3A : memref<!tpu.dma_semaphore, #tpu.memory_space<semaphore_mem>>) src(%dma_wait3A_95 : memref<50x512xi32, #tpu.memory_space<hbm>>) dst(%arg5 : memref<50x512xi32, #tpu.memory_space<vmem>>)
      tpu.yield
    }) : () -> ()
    %dma_start3A = arith.constant 0 : i32
    %dma_start3A_3 = arith.constant 0 : i32
    %dma_start3A_4 = arith.constant 0 : i32
    %dma_start3A_5 = arith.constant 0 : i32
    %dma_start3A_6 = tpu.memref_slice %arg6[%dma_start3A_3, %dma_start3A_4, %dma_start3A_5] : memref<2x256x64xf32, #tpu.memory_space<vmem>> -> memref<1x128x64xf32, #tpu.memory_space<vmem>>
    %dma_start3A_7 = tpu.memref_squeeze %dma_start3A_6 : memref<1x128x64xf32, #tpu.memory_space<vmem>> -> memref<128x64xf32, #tpu.memory_space<vmem>>
    %dma_start3A_8 = arith.constant 0 : i32
    %dma_start3A_9 = tpu.memref_slice %arg5[%dma_start3A, %dma_start3A_8] : memref<50x512xi32, #tpu.memory_space<vmem>> -> memref<1x128xi32, #tpu.memory_space<vmem>>
    %dma_start3A_10 = tpu.memref_squeeze %dma_start3A_9 : memref<1x128xi32, #tpu.memory_space<vmem>> -> memref<128xi32, #tpu.memory_space<vmem>>
    %dma_start3A_11 = arith.constant 0 : i32
    %dma_start3A_12 = arith.constant 0 : i32
    %dma_start3A_13 = tpu.memref_slice %arg3[%dma_start3A_11, %dma_start3A_12] : memref<1000000x64xf32, #tpu.memory_space<hbm>> -> memref<1000000x64xf32, #tpu.memory_space<hbm>>
    tpu.enqueue_indirect_dma source(%dma_start3A_13 : memref<1000000x64xf32, #tpu.memory_space<hbm>>) target(%dma_start3A_7 : memref<128x64xf32, #tpu.memory_space<vmem>>) offsets(%dma_start3A_10 : memref<128xi32, #tpu.memory_space<vmem>>) semaphore(%arg8 : memref<!tpu.dma_semaphore, #tpu.memory_space<semaphore_mem>>)
    %dma_start3A_14 = arith.constant 0 : i32
    %dma_start3A_15 = arith.constant 0 : i32
    %dma_start3A_16 = arith.constant 128 : i32
    %dma_start3A_17 = arith.constant 0 : i32
    %dma_start3A_18 = tpu.memref_slice %arg6[%dma_start3A_15, %dma_start3A_16, %dma_start3A_17] : memref<2x256x64xf32, #tpu.memory_space<vmem>> -> memref<1x128x64xf32, #tpu.memory_space<vmem>>
    %dma_start3A_19 = tpu.memref_squeeze %dma_start3A_18 : memref<1x128x64xf32, #tpu.memory_space<vmem>> -> memref<128x64xf32, #tpu.memory_space<vmem>>
    %dma_start3A_20 = arith.constant 128 : i32
    %dma_start3A_21 = tpu.memref_slice %arg5[%dma_start3A_14, %dma_start3A_20] : memref<50x512xi32, #tpu.memory_space<vmem>> -> memref<1x128xi32, #tpu.memory_space<vmem>>
    %dma_start3A_22 = tpu.memref_squeeze %dma_start3A_21 : memref<1x128xi32, #tpu.memory_space<vmem>> -> memref<128xi32, #tpu.memory_space<vmem>>
    %dma_start3A_23 = arith.constant 0 : i32
    %dma_start3A_24 = arith.constant 0 : i32
    %dma_start3A_25 = tpu.memref_slice %arg3[%dma_start3A_23, %dma_start3A_24] : memref<1000000x64xf32, #tpu.memory_space<hbm>> -> memref<1000000x64xf32, #tpu.memory_space<hbm>>
    tpu.enqueue_indirect_dma source(%dma_start3A_25 : memref<1000000x64xf32, #tpu.memory_space<hbm>>) target(%dma_start3A_19 : memref<128x64xf32, #tpu.memory_space<vmem>>) offsets(%dma_start3A_22 : memref<128xi32, #tpu.memory_space<vmem>>) semaphore(%arg8 : memref<!tpu.dma_semaphore, #tpu.memory_space<semaphore_mem>>)
    %dma_wait3A = arith.constant 0 : i32
    %dma_wait3A_26 = arith.constant 0 : i32
    %dma_wait3A_27 = arith.constant 0 : i32
    %dma_wait3A_28 = arith.constant 0 : i32
    %dma_wait3A_29 = tpu.memref_slice %arg6[%dma_wait3A_26, %dma_wait3A_27, %dma_wait3A_28] : memref<2x256x64xf32, #tpu.memory_space<vmem>> -> memref<1x128x64xf32, #tpu.memory_space<vmem>>
    %dma_wait3A_30 = tpu.memref_squeeze %dma_wait3A_29 : memref<1x128x64xf32, #tpu.memory_space<vmem>> -> memref<128x64xf32, #tpu.memory_space<vmem>>
    %dma_wait3A_31 = arith.constant 0 : i32
    %dma_wait3A_32 = tpu.memref_slice %arg5[%dma_wait3A, %dma_wait3A_31] : memref<50x512xi32, #tpu.memory_space<vmem>> -> memref<1x128xi32, #tpu.memory_space<vmem>>
    %dma_wait3A_33 = tpu.memref_squeeze %dma_wait3A_32 : memref<1x128xi32, #tpu.memory_space<vmem>> -> memref<128xi32, #tpu.memory_space<vmem>>
    %dma_wait3A_34 = arith.constant 0 : i32
    %dma_wait3A_35 = arith.constant 0 : i32
    %dma_wait3A_36 = tpu.memref_slice %arg3[%dma_wait3A_34, %dma_wait3A_35] : memref<1000000x64xf32, #tpu.memory_space<hbm>> -> memref<1000000x64xf32, #tpu.memory_space<hbm>>
    tpu.wait_indirect_dma semaphore(%arg8 : memref<!tpu.dma_semaphore, #tpu.memory_space<semaphore_mem>>) src(%dma_wait3A_36 : memref<1000000x64xf32, #tpu.memory_space<hbm>>) dst(%dma_wait3A_30 : memref<128x64xf32, #tpu.memory_space<vmem>>)
    %dma_wait3A_37 = arith.constant 0 : i32
    %dma_wait3A_38 = arith.constant 0 : i32
    %dma_wait3A_39 = arith.constant 128 : i32
    %dma_wait3A_40 = arith.constant 0 : i32
    %dma_wait3A_41 = tpu.memref_slice %arg6[%dma_wait3A_38, %dma_wait3A_39, %dma_wait3A_40] : memref<2x256x64xf32, #tpu.memory_space<vmem>> -> memref<1x128x64xf32, #tpu.memory_space<vmem>>
    %dma_wait3A_42 = tpu.memref_squeeze %dma_wait3A_41 : memref<1x128x64xf32, #tpu.memory_space<vmem>> -> memref<128x64xf32, #tpu.memory_space<vmem>>
    %dma_wait3A_43 = arith.constant 128 : i32
    %dma_wait3A_44 = tpu.memref_slice %arg5[%dma_wait3A_37, %dma_wait3A_43] : memref<50x512xi32, #tpu.memory_space<vmem>> -> memref<1x128xi32, #tpu.memory_space<vmem>>
    %dma_wait3A_45 = tpu.memref_squeeze %dma_wait3A_44 : memref<1x128xi32, #tpu.memory_space<vmem>> -> memref<128xi32, #tpu.memory_space<vmem>>
    %dma_wait3A_46 = arith.constant 0 : i32
    %dma_wait3A_47 = arith.constant 0 : i32
    %dma_wait3A_48 = tpu.memref_slice %arg3[%dma_wait3A_46, %dma_wait3A_47] : memref<1000000x64xf32, #tpu.memory_space<hbm>> -> memref<1000000x64xf32, #tpu.memory_space<hbm>>
    tpu.wait_indirect_dma semaphore(%arg8 : memref<!tpu.dma_semaphore, #tpu.memory_space<semaphore_mem>>) src(%dma_wait3A_48 : memref<1000000x64xf32, #tpu.memory_space<hbm>>) dst(%dma_wait3A_42 : memref<128x64xf32, #tpu.memory_space<vmem>>)
    %scan3A = arith.constant 0 : i32
    %scan3A_49 = arith.constant 0 : i32
    %scan3A_50 = arith.constant 50 : i32
    %scan3A_51 = arith.addi %scan3A_49, %scan3A_50 : i32
    %scan3A_52 = arith.constant 1 : i32
    scf.for %scan3A_88 = %scan3A_49 to %scan3A_51 step %scan3A_52  : i32 {
      %dma_start3A_89 = arith.constant 1 : i32
      %dma_start3A_90 = arith.constant 0 : i32
      %dma_start3A_91 = arith.constant 0 : i32
      %dma_start3A_92 = tpu.memref_slice %arg6[%dma_start3A_89, %dma_start3A_90, %dma_start3A_91] : memref<2x256x64xf32, #tpu.memory_space<vmem>> -> memref<1x128x64xf32, #tpu.memory_space<vmem>>
      %dma_start3A_93 = tpu.memref_squeeze %dma_start3A_92 : memref<1x128x64xf32, #tpu.memory_space<vmem>> -> memref<128x64xf32, #tpu.memory_space<vmem>>
      %dma_start3A_94 = arith.constant 256 : i32
      %dma_start3A_95 = tpu.memref_slice %arg5[%scan3A_88, %dma_start3A_94] : memref<50x512xi32, #tpu.memory_space<vmem>> -> memref<1x128xi32, #tpu.memory_space<vmem>>
      %dma_start3A_96 = tpu.memref_squeeze %dma_start3A_95 : memref<1x128xi32, #tpu.memory_space<vmem>> -> memref<128xi32, #tpu.memory_space<vmem>>
      %dma_start3A_97 = arith.constant 0 : i32
      %dma_start3A_98 = arith.constant 0 : i32
      %dma_start3A_99 = tpu.memref_slice %arg3[%dma_start3A_97, %dma_start3A_98] : memref<1000000x64xf32, #tpu.memory_space<hbm>> -> memref<1000000x64xf32, #tpu.memory_space<hbm>>
      tpu.enqueue_indirect_dma source(%dma_start3A_99 : memref<1000000x64xf32, #tpu.memory_space<hbm>>) target(%dma_start3A_93 : memref<128x64xf32, #tpu.memory_space<vmem>>) offsets(%dma_start3A_96 : memref<128xi32, #tpu.memory_space<vmem>>) semaphore(%arg9 : memref<!tpu.dma_semaphore, #tpu.memory_space<semaphore_mem>>)
      %dma_start3A_100 = arith.constant 1 : i32
      %dma_start3A_101 = arith.constant 128 : i32
      %dma_start3A_102 = arith.constant 0 : i32
      %dma_start3A_103 = tpu.memref_slice %arg6[%dma_start3A_100, %dma_start3A_101, %dma_start3A_102] : memref<2x256x64xf32, #tpu.memory_space<vmem>> -> memref<1x128x64xf32, #tpu.memory_space<vmem>>
      %dma_start3A_104 = tpu.memref_squeeze %dma_start3A_103 : memref<1x128x64xf32, #tpu.memory_space<vmem>> -> memref<128x64xf32, #tpu.memory_space<vmem>>
      %dma_start3A_105 = arith.constant 384 : i32
      %dma_start3A_106 = tpu.memref_slice %arg5[%scan3A_88, %dma_start3A_105] : memref<50x512xi32, #tpu.memory_space<vmem>> -> memref<1x128xi32, #tpu.memory_space<vmem>>
      %dma_start3A_107 = tpu.memref_squeeze %dma_start3A_106 : memref<1x128xi32, #tpu.memory_space<vmem>> -> memref<128xi32, #tpu.memory_space<vmem>>
      %dma_start3A_108 = arith.constant 0 : i32
      %dma_start3A_109 = arith.constant 0 : i32
      %dma_start3A_110 = tpu.memref_slice %arg3[%dma_start3A_108, %dma_start3A_109] : memref<1000000x64xf32, #tpu.memory_space<hbm>> -> memref<1000000x64xf32, #tpu.memory_space<hbm>>
      tpu.enqueue_indirect_dma source(%dma_start3A_110 : memref<1000000x64xf32, #tpu.memory_space<hbm>>) target(%dma_start3A_104 : memref<128x64xf32, #tpu.memory_space<vmem>>) offsets(%dma_start3A_107 : memref<128xi32, #tpu.memory_space<vmem>>) semaphore(%arg9 : memref<!tpu.dma_semaphore, #tpu.memory_space<semaphore_mem>>)
      %eq3A = arith.constant 0 : i32
      %eq3A_111 = arith.cmpi eq, %scan3A_88, %eq3A : i32
      %add3A_112 = arith.constant 0 : i32
      %add3A_113 = arith.addi %mul3A_2, %add3A_112 : i32
      %not3A = arith.constant true
      %not3A_114 = arith.xori %eq3A_111, %not3A : i1
      %convert_element_type3A = arith.extui %not3A_114 : i1 to i32
      %cond3A = arith.constant 0 : i32
      %cond3A_115 = arith.constant 0 : i32
      %cond3A_116 = arith.cmpi ne, %convert_element_type3A, %cond3A_115 : i32
      scf.if %cond3A_116 {
        %dma_wait3A_174 = arith.constant 0 : i32
        %dma_wait3A_175 = arith.constant 0 : i32
        %dma_wait3A_176 = tpu.memref_slice %arg7[%cond3A, %dma_wait3A_174, %dma_wait3A_175] : memref<2x64x257xf32, #tpu.memory_space<vmem>> -> memref<1x64x256xf32, #tpu.memory_space<vmem>>
        %dma_wait3A_177 = tpu.memref_squeeze %dma_wait3A_176 : memref<1x64x256xf32, #tpu.memory_space<vmem>> -> memref<64x256xf32, #tpu.memory_space<vmem>>
        %dma_wait3A_178 = arith.constant 0 : i32
        %dma_wait3A_179 = tpu.memref_slice %arg4[%scan3A_88, %dma_wait3A_178, %add3A_113] : memref<50x64x16384xf32, #tpu.memory_space<hbm>> -> memref<1x64x256xf32, #tpu.memory_space<hbm>>
        %dma_wait3A_180 = tpu.memref_squeeze %dma_wait3A_179 : memref<1x64x256xf32, #tpu.memory_space<hbm>> -> memref<64x256xf32, #tpu.memory_space<hbm>>
        %dma_wait3A_181 = arith.constant 0 : i32
        %dma_wait3A_182 = tpu.memref_slice %arg4[%scan3A_88, %dma_wait3A_181, %add3A_113] : memref<50x64x16384xf32, #tpu.memory_space<hbm>> -> memref<1x64x256xf32, #tpu.memory_space<hbm>>
        %dma_wait3A_183 = tpu.memref_squeeze %dma_wait3A_182 : memref<1x64x256xf32, #tpu.memory_space<hbm>> -> memref<64x256xf32, #tpu.memory_space<hbm>>
        %dma_wait3A_184 = arith.constant 0 : i32
        %dma_wait3A_185 = arith.constant 0 : i32
        %dma_wait3A_186 = tpu.memref_slice %arg7[%cond3A, %dma_wait3A_184, %dma_wait3A_185] : memref<2x64x257xf32, #tpu.memory_space<vmem>> -> memref<1x64x256xf32, #tpu.memory_space<vmem>>
        %dma_wait3A_187 = tpu.memref_squeeze %dma_wait3A_186 : memref<1x64x256xf32, #tpu.memory_space<vmem>> -> memref<64x256xf32, #tpu.memory_space<vmem>>
        tpu.wait_dma2 semaphore(%arg10 : memref<!tpu.dma_semaphore, #tpu.memory_space<semaphore_mem>>) src(%dma_wait3A_187 : memref<64x256xf32, #tpu.memory_space<vmem>>) dst(%dma_wait3A_183 : memref<64x256xf32, #tpu.memory_space<hbm>>)
      } else {
      }
      %scan3A_117 = arith.constant 0 : i32
      %scan3A_118 = arith.constant 0 : i32
      %scan3A_119 = arith.constant 0 : i32
      %scan3A_120 = arith.constant 256 : i32
      %scan3A_121 = arith.addi %scan3A_119, %scan3A_120 : i32
      %scan3A_122 = arith.constant 16 : i32
      scf.for %scan3A_174 = %scan3A_119 to %scan3A_121 step %scan3A_122  : i32 {
        %get3A = arith.constant 0 : i32
        %get3A_175 = arith.index_cast %get3A : i32 to index
        %get3A_176 = arith.index_cast %scan3A_174 : i32 to index
        %get3A_177 = arith.constant 0 : index
        %get3A_178 = tpu.vector_load %arg6[%get3A_175, %get3A_176, %get3A_177] {strides = array<i32>} : memref<2x256x64xf32, #tpu.memory_space<vmem>>, vector<16xf32>,
        %mul3A_179 = arith.constant 8.000000e+00 : f32
        %mul3A_180 = vector.broadcast %mul3A_179 : f32 to vector<16xf32>
        %mul3A_181 = arith.mulf %get3A_178, %mul3A_180 : vector<16xf32>
        %iota3A = tpu.iota {dimensions = array<i32: 0>} : vector<16xi32>
        %add3A_182 = arith.constant 0 : i32
        %add3A_183 = vector.broadcast %add3A_182 : i32 to vector<16xi32>
        %add3A_184 = arith.addi %iota3A, %add3A_183 : vector<16xi32>
        %broadcast_in_dim3A = vector.broadcast %scan3A_174 : i32 to vector<16xi32>
        %scatter3A = arith.constant 0 : i32
        %scatter3A_185 = arith.constant 0 : i32
        %scatter3A_186 = tpu.memref_slice %arg7[%scan3A_118, %scatter3A, %scatter3A_185] : memref<2x64x257xf32, #tpu.memory_space<vmem>> -> memref<1x64x257xf32, #tpu.memory_space<vmem>>
        %scatter3A_187 = tpu.memref_squeeze %scatter3A_186 : memref<1x64x257xf32, #tpu.memory_space<vmem>> -> memref<64x257xf32, #tpu.memory_space<vmem>>
        tpu.vector_store_idx %scatter3A_187[%add3A_184, %broadcast_in_dim3A], %mul3A_181 : memref<64x257xf32, #tpu.memory_space<vmem>>[vector<16xi32>, vector<16xi32>], vector<16xf32>,
        %get3A_188 = arith.constant 0 : i32
        %get3A_189 = arith.index_cast %get3A_188 : i32 to index
        %get3A_190 = arith.index_cast %scan3A_174 : i32 to index
        %get3A_191 = arith.constant 16 : index
        %get3A_192 = tpu.vector_load %arg6[%get3A_189, %get3A_190, %get3A_191] {strides = array<i32>} : memref<2x256x64xf32, #tpu.memory_space<vmem>>, vector<16xf32>,
        %mul3A_193 = arith.constant 8.000000e+00 : f32
        %mul3A_194 = vector.broadcast %mul3A_193 : f32 to vector<16xf32>
        %mul3A_195 = arith.mulf %get3A_192, %mul3A_194 : vector<16xf32>
        %iota3A_196 = tpu.iota {dimensions = array<i32: 0>} : vector<16xi32>
        %add3A_197 = arith.constant 16 : i32
        %add3A_198 = vector.broadcast %add3A_197 : i32 to vector<16xi32>
        %add3A_199 = arith.addi %iota3A_196, %add3A_198 : vector<16xi32>
        %broadcast_in_dim3A_200 = vector.broadcast %scan3A_174 : i32 to vector<16xi32>
        %scatter3A_201 = arith.constant 0 : i32
        %scatter3A_202 = arith.constant 0 : i32
        %scatter3A_203 = tpu.memref_slice %arg7[%scan3A_118, %scatter3A_201, %scatter3A_202] : memref<2x64x257xf32, #tpu.memory_space<vmem>> -> memref<1x64x257xf32, #tpu.memory_space<vmem>>
        %scatter3A_204 = tpu.memref_squeeze %scatter3A_203 : memref<1x64x257xf32, #tpu.memory_space<vmem>> -> memref<64x257xf32, #tpu.memory_space<vmem>>
        tpu.vector_store_idx %scatter3A_204[%add3A_199, %broadcast_in_dim3A_200], %mul3A_195 : memref<64x257xf32, #tpu.memory_space<vmem>>[vector<16xi32>, vector<16xi32>], vector<16xf32>,
        %get3A_205 = arith.constant 0 : i32
        %get3A_206 = arith.index_cast %get3A_205 : i32 to index
        %get3A_207 = arith.index_cast %scan3A_174 : i32 to index
        %get3A_208 = arith.constant 32 : index
        %get3A_209 = tpu.vector_load %arg6[%get3A_206, %get3A_207, %get3A_208] {strides = array<i32>} : memref<2x256x64xf32, #tpu.memory_space<vmem>>, vector<16xf32>,
        %mul3A_210 = arith.constant 8.000000e+00 : f32
        %mul3A_211 = vector.broadcast %mul3A_210 : f32 to vector<16xf32>
        %mul3A_212 = arith.mulf %get3A_209, %mul3A_211 : vector<16xf32>
        %iota3A_213 = tpu.iota {dimensions = array<i32: 0>} : vector<16xi32>
        %add3A_214 = arith.constant 32 : i32
        %add3A_215 = vector.broadcast %add3A_214 : i32 to vector<16xi32>
        %add3A_216 = arith.addi %iota3A_213, %add3A_215 : vector<16xi32>
        %broadcast_in_dim3A_217 = vector.broadcast %scan3A_174 : i32 to vector<16xi32>
        %scatter3A_218 = arith.constant 0 : i32
        %scatter3A_219 = arith.constant 0 : i32
        %scatter3A_220 = tpu.memref_slice %arg7[%scan3A_118, %scatter3A_218, %scatter3A_219] : memref<2x64x257xf32, #tpu.memory_space<vmem>> -> memref<1x64x257xf32, #tpu.memory_space<vmem>>
        %scatter3A_221 = tpu.memref_squeeze %scatter3A_220 : memref<1x64x257xf32, #tpu.memory_space<vmem>> -> memref<64x257xf32, #tpu.memory_space<vmem>>
        tpu.vector_store_idx %scatter3A_221[%add3A_216, %broadcast_in_dim3A_217], %mul3A_212 : memref<64x257xf32, #tpu.memory_space<vmem>>[vector<16xi32>, vector<16xi32>], vector<16xf32>,
        %get3A_222 = arith.constant 0 : i32
        %get3A_223 = arith.index_cast %get3A_222 : i32 to index
        %get3A_224 = arith.index_cast %scan3A_174 : i32 to index
        %get3A_225 = arith.constant 48 : index
        %get3A_226 = tpu.vector_load %arg6[%get3A_223, %get3A_224, %get3A_225] {strides = array<i32>} : memref<2x256x64xf32, #tpu.memory_space<vmem>>, vector<16xf32>,
        %mul3A_227 = arith.constant 8.000000e+00 : f32
        %mul3A_228 = vector.broadcast %mul3A_227 : f32 to vector<16xf32>
        %mul3A_229 = arith.mulf %get3A_226, %mul3A_228 : vector<16xf32>
        %iota3A_230 = tpu.iota {dimensions = array<i32: 0>} : vector<16xi32>
        %add3A_231 = arith.constant 48 : i32
        %add3A_232 = vector.broadcast %add3A_231 : i32 to vector<16xi32>
        %add3A_233 = arith.addi %iota3A_230, %add3A_232 : vector<16xi32>
        %broadcast_in_dim3A_234 = vector.broadcast %scan3A_174 : i32 to vector<16xi32>
        %scatter3A_235 = arith.constant 0 : i32
        %scatter3A_236 = arith.constant 0 : i32
        %scatter3A_237 = tpu.memref_slice %arg7[%scan3A_118, %scatter3A_235, %scatter3A_236] : memref<2x64x257xf32, #tpu.memory_space<vmem>> -> memref<1x64x257xf32, #tpu.memory_space<vmem>>
        %scatter3A_238 = tpu.memref_squeeze %scatter3A_237 : memref<1x64x257xf32, #tpu.memory_space<vmem>> -> memref<64x257xf32, #tpu.memory_space<vmem>>
        tpu.vector_store_idx %scatter3A_238[%add3A_233, %broadcast_in_dim3A_234], %mul3A_229 : memref<64x257xf32, #tpu.memory_space<vmem>>[vector<16xi32>, vector<16xi32>], vector<16xf32>,
        %scan3A_239 = arith.constant 1 : i32
        %scan3A_240 = arith.addi %scan3A_174, %scan3A_239 : i32
        %get3A_241 = arith.constant 0 : i32
        %get3A_242 = arith.index_cast %get3A_241 : i32 to index
        %get3A_243 = arith.index_cast %scan3A_240 : i32 to index
        %get3A_244 = arith.constant 0 : index
        %get3A_245 = tpu.vector_load %arg6[%get3A_242, %get3A_243, %get3A_244] {strides = array<i32>} : memref<2x256x64xf32, #tpu.memory_space<vmem>>, vector<16xf32>,
        %mul3A_246 = arith.constant 8.000000e+00 : f32
        %mul3A_247 = vector.broadcast %mul3A_246 : f32 to vector<16xf32>
        %mul3A_248 = arith.mulf %get3A_245, %mul3A_247 : vector<16xf32>
        %iota3A_249 = tpu.iota {dimensions = array<i32: 0>} : vector<16xi32>
        %add3A_250 = arith.constant 0 : i32
        %add3A_251 = vector.broadcast %add3A_250 : i32 to vector<16xi32>
        %add3A_252 = arith.addi %iota3A_249, %add3A_251 : vector<16xi32>
        %broadcast_in_dim3A_253 = vector.broadcast %scan3A_240 : i32 to vector<16xi32>
        %scatter3A_254 = arith.constant 0 : i32
        %scatter3A_255 = arith.constant 0 : i32
        %scatter3A_256 = tpu.memref_slice %arg7[%scan3A_118, %scatter3A_254, %scatter3A_255] : memref<2x64x257xf32, #tpu.memory_space<vmem>> -> memref<1x64x257xf32, #tpu.memory_space<vmem>>
        %scatter3A_257 = tpu.memref_squeeze %scatter3A_256 : memref<1x64x257xf32, #tpu.memory_space<vmem>> -> memref<64x257xf32, #tpu.memory_space<vmem>>
        tpu.vector_store_idx %scatter3A_257[%add3A_252, %broadcast_in_dim3A_253], %mul3A_248 : memref<64x257xf32, #tpu.memory_space<vmem>>[vector<16xi32>, vector<16xi32>], vector<16xf32>,
        %get3A_258 = arith.constant 0 : i32
        %get3A_259 = arith.index_cast %get3A_258 : i32 to index
        %get3A_260 = arith.index_cast %scan3A_240 : i32 to index
        %get3A_261 = arith.constant 16 : index
        %get3A_262 = tpu.vector_load %arg6[%get3A_259, %get3A_260, %get3A_261] {strides = array<i32>} : memref<2x256x64xf32, #tpu.memory_space<vmem>>, vector<16xf32>,
        %mul3A_263 = arith.constant 8.000000e+00 : f32
        %mul3A_264 = vector.broadcast %mul3A_263 : f32 to vector<16xf32>
        %mul3A_265 = arith.mulf %get3A_262, %mul3A_264 : vector<16xf32>
        %iota3A_266 = tpu.iota {dimensions = array<i32: 0>} : vector<16xi32>
        %add3A_267 = arith.constant 16 : i32
        %add3A_268 = vector.broadcast %add3A_267 : i32 to vector<16xi32>
        %add3A_269 = arith.addi %iota3A_266, %add3A_268 : vector<16xi32>
        %broadcast_in_dim3A_270 = vector.broadcast %scan3A_240 : i32 to vector<16xi32>
        %scatter3A_271 = arith.constant 0 : i32
        %scatter3A_272 = arith.constant 0 : i32
        %scatter3A_273 = tpu.memref_slice %arg7[%scan3A_118, %scatter3A_271, %scatter3A_272] : memref<2x64x257xf32, #tpu.memory_space<vmem>> -> memref<1x64x257xf32, #tpu.memory_space<vmem>>
        %scatter3A_274 = tpu.memref_squeeze %scatter3A_273 : memref<1x64x257xf32, #tpu.memory_space<vmem>> -> memref<64x257xf32, #tpu.memory_space<vmem>>
        tpu.vector_store_idx %scatter3A_274[%add3A_269, %broadcast_in_dim3A_270], %mul3A_265 : memref<64x257xf32, #tpu.memory_space<vmem>>[vector<16xi32>, vector<16xi32>], vector<16xf32>,
        %get3A_275 = arith.constant 0 : i32
        %get3A_276 = arith.index_cast %get3A_275 : i32 to index
        %get3A_277 = arith.index_cast %scan3A_240 : i32 to index
        %get3A_278 = arith.constant 32 : index
        %get3A_279 = tpu.vector_load %arg6[%get3A_276, %get3A_277, %get3A_278] {strides = array<i32>} : memref<2x256x64xf32, #tpu.memory_space<vmem>>, vector<16xf32>,
        %mul3A_280 = arith.constant 8.000000e+00 : f32
        %mul3A_281 = vector.broadcast %mul3A_280 : f32 to vector<16xf32>
        %mul3A_282 = arith.mulf %get3A_279, %mul3A_281 : vector<16xf32>
        %iota3A_283 = tpu.iota {dimensions = array<i32: 0>} : vector<16xi32>
        %add3A_284 = arith.constant 32 : i32
        %add3A_285 = vector.broadcast %add3A_284 : i32 to vector<16xi32>
        %add3A_286 = arith.addi %iota3A_283, %add3A_285 : vector<16xi32>
        %broadcast_in_dim3A_287 = vector.broadcast %scan3A_240 : i32 to vector<16xi32>
        %scatter3A_288 = arith.constant 0 : i32
        %scatter3A_289 = arith.constant 0 : i32
        %scatter3A_290 = tpu.memref_slice %arg7[%scan3A_118, %scatter3A_288, %scatter3A_289] : memref<2x64x257xf32, #tpu.memory_space<vmem>> -> memref<1x64x257xf32, #tpu.memory_space<vmem>>
        %scatter3A_291 = tpu.memref_squeeze %scatter3A_290 : memref<1x64x257xf32, #tpu.memory_space<vmem>> -> memref<64x257xf32, #tpu.memory_space<vmem>>
        tpu.vector_store_idx %scatter3A_291[%add3A_286, %broadcast_in_dim3A_287], %mul3A_282 : memref<64x257xf32, #tpu.memory_space<vmem>>[vector<16xi32>, vector<16xi32>], vector<16xf32>,
        %get3A_292 = arith.constant 0 : i32
        %get3A_293 = arith.index_cast %get3A_292 : i32 to index
        %get3A_294 = arith.index_cast %scan3A_240 : i32 to index
        %get3A_295 = arith.constant 48 : index
        %get3A_296 = tpu.vector_load %arg6[%get3A_293, %get3A_294, %get3A_295] {strides = array<i32>} : memref<2x256x64xf32, #tpu.memory_space<vmem>>, vector<16xf32>,
        %mul3A_297 = arith.constant 8.000000e+00 : f32
        %mul3A_298 = vector.broadcast %mul3A_297 : f32 to vector<16xf32>
        %mul3A_299 = arith.mulf %get3A_296, %mul3A_298 : vector<16xf32>
        %iota3A_300 = tpu.iota {dimensions = array<i32: 0>} : vector<16xi32>
        %add3A_301 = arith.constant 48 : i32
        %add3A_302 = vector.broadcast %add3A_301 : i32 to vector<16xi32>
        %add3A_303 = arith.addi %iota3A_300, %add3A_302 : vector<16xi32>
        %broadcast_in_dim3A_304 = vector.broadcast %scan3A_240 : i32 to vector<16xi32>
        %scatter3A_305 = arith.constant 0 : i32
        %scatter3A_306 = arith.constant 0 : i32
        %scatter3A_307 = tpu.memref_slice %arg7[%scan3A_118, %scatter3A_305, %scatter3A_306] : memref<2x64x257xf32, #tpu.memory_space<vmem>> -> memref<1x64x257xf32, #tpu.memory_space<vmem>>
        %scatter3A_308 = tpu.memref_squeeze %scatter3A_307 : memref<1x64x257xf32, #tpu.memory_space<vmem>> -> memref<64x257xf32, #tpu.memory_space<vmem>>
        tpu.vector_store_idx %scatter3A_308[%add3A_303, %broadcast_in_dim3A_304], %mul3A_299 : memref<64x257xf32, #tpu.memory_space<vmem>>[vector<16xi32>, vector<16xi32>], vector<16xf32>,
        %scan3A_309 = arith.constant 2 : i32
        %scan3A_310 = arith.addi %scan3A_174, %scan3A_309 : i32
        %get3A_311 = arith.constant 0 : i32
        %get3A_312 = arith.index_cast %get3A_311 : i32 to index
        %get3A_313 = arith.index_cast %scan3A_310 : i32 to index
        %get3A_314 = arith.constant 0 : index
        %get3A_315 = tpu.vector_load %arg6[%get3A_312, %get3A_313, %get3A_314] {strides = array<i32>} : memref<2x256x64xf32, #tpu.memory_space<vmem>>, vector<16xf32>,
        %mul3A_316 = arith.constant 8.000000e+00 : f32
        %mul3A_317 = vector.broadcast %mul3A_316 : f32 to vector<16xf32>
        %mul3A_318 = arith.mulf %get3A_315, %mul3A_317 : vector<16xf32>
        %iota3A_319 = tpu.iota {dimensions = array<i32: 0>} : vector<16xi32>
        %add3A_320 = arith.constant 0 : i32
        %add3A_321 = vector.broadcast %add3A_320 : i32 to vector<16xi32>
        %add3A_322 = arith.addi %iota3A_319, %add3A_321 : vector<16xi32>
        %broadcast_in_dim3A_323 = vector.broadcast %scan3A_310 : i32 to vector<16xi32>
        %scatter3A_324 = arith.constant 0 : i32
        %scatter3A_325 = arith.constant 0 : i32
        %scatter3A_326 = tpu.memref_slice %arg7[%scan3A_118, %scatter3A_324, %scatter3A_325] : memref<2x64x257xf32, #tpu.memory_space<vmem>> -> memref<1x64x257xf32, #tpu.memory_space<vmem>>
        %scatter3A_327 = tpu.memref_squeeze %scatter3A_326 : memref<1x64x257xf32, #tpu.memory_space<vmem>> -> memref<64x257xf32, #tpu.memory_space<vmem>>
        tpu.vector_store_idx %scatter3A_327[%add3A_322, %broadcast_in_dim3A_323], %mul3A_318 : memref<64x257xf32, #tpu.memory_space<vmem>>[vector<16xi32>, vector<16xi32>], vector<16xf32>,
        %get3A_328 = arith.constant 0 : i32
        %get3A_329 = arith.index_cast %get3A_328 : i32 to index
        %get3A_330 = arith.index_cast %scan3A_310 : i32 to index
        %get3A_331 = arith.constant 16 : index
        %get3A_332 = tpu.vector_load %arg6[%get3A_329, %get3A_330, %get3A_331] {strides = array<i32>} : memref<2x256x64xf32, #tpu.memory_space<vmem>>, vector<16xf32>,
        %mul3A_333 = arith.constant 8.000000e+00 : f32
        %mul3A_334 = vector.broadcast %mul3A_333 : f32 to vector<16xf32>
        %mul3A_335 = arith.mulf %get3A_332, %mul3A_334 : vector<16xf32>
        %iota3A_336 = tpu.iota {dimensions = array<i32: 0>} : vector<16xi32>
        %add3A_337 = arith.constant 16 : i32
        %add3A_338 = vector.broadcast %add3A_337 : i32 to vector<16xi32>
        %add3A_339 = arith.addi %iota3A_336, %add3A_338 : vector<16xi32>
        %broadcast_in_dim3A_340 = vector.broadcast %scan3A_310 : i32 to vector<16xi32>
        %scatter3A_341 = arith.constant 0 : i32
        %scatter3A_342 = arith.constant 0 : i32
        %scatter3A_343 = tpu.memref_slice %arg7[%scan3A_118, %scatter3A_341, %scatter3A_342] : memref<2x64x257xf32, #tpu.memory_space<vmem>> -> memref<1x64x257xf32, #tpu.memory_space<vmem>>
        %scatter3A_344 = tpu.memref_squeeze %scatter3A_343 : memref<1x64x257xf32, #tpu.memory_space<vmem>> -> memref<64x257xf32, #tpu.memory_space<vmem>>
        tpu.vector_store_idx %scatter3A_344[%add3A_339, %broadcast_in_dim3A_340], %mul3A_335 : memref<64x257xf32, #tpu.memory_space<vmem>>[vector<16xi32>, vector<16xi32>], vector<16xf32>,
        %get3A_345 = arith.constant 0 : i32
        %get3A_346 = arith.index_cast %get3A_345 : i32 to index
        %get3A_347 = arith.index_cast %scan3A_310 : i32 to index
        %get3A_348 = arith.constant 32 : index
        %get3A_349 = tpu.vector_load %arg6[%get3A_346, %get3A_347, %get3A_348] {strides = array<i32>} : memref<2x256x64xf32, #tpu.memory_space<vmem>>, vector<16xf32>,
        %mul3A_350 = arith.constant 8.000000e+00 : f32
        %mul3A_351 = vector.broadcast %mul3A_350 : f32 to vector<16xf32>
        %mul3A_352 = arith.mulf %get3A_349, %mul3A_351 : vector<16xf32>
        %iota3A_353 = tpu.iota {dimensions = array<i32: 0>} : vector<16xi32>
        %add3A_354 = arith.constant 32 : i32
        %add3A_355 = vector.broadcast %add3A_354 : i32 to vector<16xi32>
        %add3A_356 = arith.addi %iota3A_353, %add3A_355 : vector<16xi32>
        %broadcast_in_dim3A_357 = vector.broadcast %scan3A_310 : i32 to vector<16xi32>
        %scatter3A_358 = arith.constant 0 : i32
        %scatter3A_359 = arith.constant 0 : i32
        %scatter3A_360 = tpu.memref_slice %arg7[%scan3A_118, %scatter3A_358, %scatter3A_359] : memref<2x64x257xf32, #tpu.memory_space<vmem>> -> memref<1x64x257xf32, #tpu.memory_space<vmem>>
        %scatter3A_361 = tpu.memref_squeeze %scatter3A_360 : memref<1x64x257xf32, #tpu.memory_space<vmem>> -> memref<64x257xf32, #tpu.memory_space<vmem>>
        tpu.vector_store_idx %scatter3A_361[%add3A_356, %broadcast_in_dim3A_357], %mul3A_352 : memref<64x257xf32, #tpu.memory_space<vmem>>[vector<16xi32>, vector<16xi32>], vector<16xf32>,
        %get3A_362 = arith.constant 0 : i32
        %get3A_363 = arith.index_cast %get3A_362 : i32 to index
        %get3A_364 = arith.index_cast %scan3A_310 : i32 to index
        %get3A_365 = arith.constant 48 : index
        %get3A_366 = tpu.vector_load %arg6[%get3A_363, %get3A_364, %get3A_365] {strides = array<i32>} : memref<2x256x64xf32, #tpu.memory_space<vmem>>, vector<16xf32>,
        %mul3A_367 = arith.constant 8.000000e+00 : f32
        %mul3A_368 = vector.broadcast %mul3A_367 : f32 to vector<16xf32>
        %mul3A_369 = arith.mulf %get3A_366, %mul3A_368 : vector<16xf32>
        %iota3A_370 = tpu.iota {dimensions = array<i32: 0>} : vector<16xi32>
        %add3A_371 = arith.constant 48 : i32
        %add3A_372 = vector.broadcast %add3A_371 : i32 to vector<16xi32>
        %add3A_373 = arith.addi %iota3A_370, %add3A_372 : vector<16xi32>
        %broadcast_in_dim3A_374 = vector.broadcast %scan3A_310 : i32 to vector<16xi32>
        %scatter3A_375 = arith.constant 0 : i32
        %scatter3A_376 = arith.constant 0 : i32
        %scatter3A_377 = tpu.memref_slice %arg7[%scan3A_118, %scatter3A_375, %scatter3A_376] : memref<2x64x257xf32, #tpu.memory_space<vmem>> -> memref<1x64x257xf32, #tpu.memory_space<vmem>>
        %scatter3A_378 = tpu.memref_squeeze %scatter3A_377 : memref<1x64x257xf32, #tpu.memory_space<vmem>> -> memref<64x257xf32, #tpu.memory_space<vmem>>
        tpu.vector_store_idx %scatter3A_378[%add3A_373, %broadcast_in_dim3A_374], %mul3A_369 : memref<64x257xf32, #tpu.memory_space<vmem>>[vector<16xi32>, vector<16xi32>], vector<16xf32>,
        %scan3A_379 = arith.constant 3 : i32
        %scan3A_380 = arith.addi %scan3A_174, %scan3A_379 : i32
        %get3A_381 = arith.constant 0 : i32
        %get3A_382 = arith.index_cast %get3A_381 : i32 to index
        %get3A_383 = arith.index_cast %scan3A_380 : i32 to index
        %get3A_384 = arith.constant 0 : index
        %get3A_385 = tpu.vector_load %arg6[%get3A_382, %get3A_383, %get3A_384] {strides = array<i32>} : memref<2x256x64xf32, #tpu.memory_space<vmem>>, vector<16xf32>,
        %mul3A_386 = arith.constant 8.000000e+00 : f32
        %mul3A_387 = vector.broadcast %mul3A_386 : f32 to vector<16xf32>
        %mul3A_388 = arith.mulf %get3A_385, %mul3A_387 : vector<16xf32>
        %iota3A_389 = tpu.iota {dimensions = array<i32: 0>} : vector<16xi32>
        %add3A_390 = arith.constant 0 : i32
        %add3A_391 = vector.broadcast %add3A_390 : i32 to vector<16xi32>
        %add3A_392 = arith.addi %iota3A_389, %add3A_391 : vector<16xi32>
        %broadcast_in_dim3A_393 = vector.broadcast %scan3A_380 : i32 to vector<16xi32>
        %scatter3A_394 = arith.constant 0 : i32
        %scatter3A_395 = arith.constant 0 : i32
        %scatter3A_396 = tpu.memref_slice %arg7[%scan3A_118, %scatter3A_394, %scatter3A_395] : memref<2x64x257xf32, #tpu.memory_space<vmem>> -> memref<1x64x257xf32, #tpu.memory_space<vmem>>
        %scatter3A_397 = tpu.memref_squeeze %scatter3A_396 : memref<1x64x257xf32, #tpu.memory_space<vmem>> -> memref<64x257xf32, #tpu.memory_space<vmem>>
        tpu.vector_store_idx %scatter3A_397[%add3A_392, %broadcast_in_dim3A_393], %mul3A_388 : memref<64x257xf32, #tpu.memory_space<vmem>>[vector<16xi32>, vector<16xi32>], vector<16xf32>,
        %get3A_398 = arith.constant 0 : i32
        %get3A_399 = arith.index_cast %get3A_398 : i32 to index
        %get3A_400 = arith.index_cast %scan3A_380 : i32 to index
        %get3A_401 = arith.constant 16 : index
        %get3A_402 = tpu.vector_load %arg6[%get3A_399, %get3A_400, %get3A_401] {strides = array<i32>} : memref<2x256x64xf32, #tpu.memory_space<vmem>>, vector<16xf32>,
        %mul3A_403 = arith.constant 8.000000e+00 : f32
        %mul3A_404 = vector.broadcast %mul3A_403 : f32 to vector<16xf32>
        %mul3A_405 = arith.mulf %get3A_402, %mul3A_404 : vector<16xf32>
        %iota3A_406 = tpu.iota {dimensions = array<i32: 0>} : vector<16xi32>
        %add3A_407 = arith.constant 16 : i32
        %add3A_408 = vector.broadcast %add3A_407 : i32 to vector<16xi32>
        %add3A_409 = arith.addi %iota3A_406, %add3A_408 : vector<16xi32>
        %broadcast_in_dim3A_410 = vector.broadcast %scan3A_380 : i32 to vector<16xi32>
        %scatter3A_411 = arith.constant 0 : i32
        %scatter3A_412 = arith.constant 0 : i32
        %scatter3A_413 = tpu.memref_slice %arg7[%scan3A_118, %scatter3A_411, %scatter3A_412] : memref<2x64x257xf32, #tpu.memory_space<vmem>> -> memref<1x64x257xf32, #tpu.memory_space<vmem>>
        %scatter3A_414 = tpu.memref_squeeze %scatter3A_413 : memref<1x64x257xf32, #tpu.memory_space<vmem>> -> memref<64x257xf32, #tpu.memory_space<vmem>>
        tpu.vector_store_idx %scatter3A_414[%add3A_409, %broadcast_in_dim3A_410], %mul3A_405 : memref<64x257xf32, #tpu.memory_space<vmem>>[vector<16xi32>, vector<16xi32>], vector<16xf32>,
        %get3A_415 = arith.constant 0 : i32
        %get3A_416 = arith.index_cast %get3A_415 : i32 to index
        %get3A_417 = arith.index_cast %scan3A_380 : i32 to index
        %get3A_418 = arith.constant 32 : index
        %get3A_419 = tpu.vector_load %arg6[%get3A_416, %get3A_417, %get3A_418] {strides = array<i32>} : memref<2x256x64xf32, #tpu.memory_space<vmem>>, vector<16xf32>,
        %mul3A_420 = arith.constant 8.000000e+00 : f32
        %mul3A_421 = vector.broadcast %mul3A_420 : f32 to vector<16xf32>
        %mul3A_422 = arith.mulf %get3A_419, %mul3A_421 : vector<16xf32>
        %iota3A_423 = tpu.iota {dimensions = array<i32: 0>} : vector<16xi32>
        %add3A_424 = arith.constant 32 : i32
        %add3A_425 = vector.broadcast %add3A_424 : i32 to vector<16xi32>
        %add3A_426 = arith.addi %iota3A_423, %add3A_425 : vector<16xi32>
        %broadcast_in_dim3A_427 = vector.broadcast %scan3A_380 : i32 to vector<16xi32>
        %scatter3A_428 = arith.constant 0 : i32
        %scatter3A_429 = arith.constant 0 : i32
        %scatter3A_430 = tpu.memref_slice %arg7[%scan3A_118, %scatter3A_428, %scatter3A_429] : memref<2x64x257xf32, #tpu.memory_space<vmem>> -> memref<1x64x257xf32, #tpu.memory_space<vmem>>
        %scatter3A_431 = tpu.memref_squeeze %scatter3A_430 : memref<1x64x257xf32, #tpu.memory_space<vmem>> -> memref<64x257xf32, #tpu.memory_space<vmem>>
        tpu.vector_store_idx %scatter3A_431[%add3A_426, %broadcast_in_dim3A_427], %mul3A_422 : memref<64x257xf32, #tpu.memory_space<vmem>>[vector<16xi32>, vector<16xi32>], vector<16xf32>,
        %get3A_432 = arith.constant 0 : i32
        %get3A_433 = arith.index_cast %get3A_432 : i32 to index
        %get3A_434 = arith.index_cast %scan3A_380 : i32 to index
        %get3A_435 = arith.constant 48 : index
        %get3A_436 = tpu.vector_load %arg6[%get3A_433, %get3A_434, %get3A_435] {strides = array<i32>} : memref<2x256x64xf32, #tpu.memory_space<vmem>>, vector<16xf32>,
        %mul3A_437 = arith.constant 8.000000e+00 : f32
        %mul3A_438 = vector.broadcast %mul3A_437 : f32 to vector<16xf32>
        %mul3A_439 = arith.mulf %get3A_436, %mul3A_438 : vector<16xf32>
        %iota3A_440 = tpu.iota {dimensions = array<i32: 0>} : vector<16xi32>
        %add3A_441 = arith.constant 48 : i32
        %add3A_442 = vector.broadcast %add3A_441 : i32 to vector<16xi32>
        %add3A_443 = arith.addi %iota3A_440, %add3A_442 : vector<16xi32>
        %broadcast_in_dim3A_444 = vector.broadcast %scan3A_380 : i32 to vector<16xi32>
        %scatter3A_445 = arith.constant 0 : i32
        %scatter3A_446 = arith.constant 0 : i32
        %scatter3A_447 = tpu.memref_slice %arg7[%scan3A_118, %scatter3A_445, %scatter3A_446] : memref<2x64x257xf32, #tpu.memory_space<vmem>> -> memref<1x64x257xf32, #tpu.memory_space<vmem>>
        %scatter3A_448 = tpu.memref_squeeze %scatter3A_447 : memref<1x64x257xf32, #tpu.memory_space<vmem>> -> memref<64x257xf32, #tpu.memory_space<vmem>>
        tpu.vector_store_idx %scatter3A_448[%add3A_443, %broadcast_in_dim3A_444], %mul3A_439 : memref<64x257xf32, #tpu.memory_space<vmem>>[vector<16xi32>, vector<16xi32>], vector<16xf32>,
        %scan3A_449 = arith.constant 4 : i32
        %scan3A_450 = arith.addi %scan3A_174, %scan3A_449 : i32
        %get3A_451 = arith.constant 0 : i32
        %get3A_452 = arith.index_cast %get3A_451 : i32 to index
        %get3A_453 = arith.index_cast %scan3A_450 : i32 to index
        %get3A_454 = arith.constant 0 : index
        %get3A_455 = tpu.vector_load %arg6[%get3A_452, %get3A_453, %get3A_454] {strides = array<i32>} : memref<2x256x64xf32, #tpu.memory_space<vmem>>, vector<16xf32>,
        %mul3A_456 = arith.constant 8.000000e+00 : f32
        %mul3A_457 = vector.broadcast %mul3A_456 : f32 to vector<16xf32>
        %mul3A_458 = arith.mulf %get3A_455, %mul3A_457 : vector<16xf32>
        %iota3A_459 = tpu.iota {dimensions = array<i32: 0>} : vector<16xi32>
        %add3A_460 = arith.constant 0 : i32
        %add3A_461 = vector.broadcast %add3A_460 : i32 to vector<16xi32>
        %add3A_462 = arith.addi %iota3A_459, %add3A_461 : vector<16xi32>
        %broadcast_in_dim3A_463 = vector.broadcast %scan3A_450 : i32 to vector<16xi32>
        %scatter3A_464 = arith.constant 0 : i32
        %scatter3A_465 = arith.constant 0 : i32
        %scatter3A_466 = tpu.memref_slice %arg7[%scan3A_118, %scatter3A_464, %scatter3A_465] : memref<2x64x257xf32, #tpu.memory_space<vmem>> -> memref<1x64x257xf32, #tpu.memory_space<vmem>>
        %scatter3A_467 = tpu.memref_squeeze %scatter3A_466 : memref<1x64x257xf32, #tpu.memory_space<vmem>> -> memref<64x257xf32, #tpu.memory_space<vmem>>
        tpu.vector_store_idx %scatter3A_467[%add3A_462, %broadcast_in_dim3A_463], %mul3A_458 : memref<64x257xf32, #tpu.memory_space<vmem>>[vector<16xi32>, vector<16xi32>], vector<16xf32>,
        %get3A_468 = arith.constant 0 : i32
        %get3A_469 = arith.index_cast %get3A_468 : i32 to index
        %get3A_470 = arith.index_cast %scan3A_450 : i32 to index
        %get3A_471 = arith.constant 16 : index
        %get3A_472 = tpu.vector_load %arg6[%get3A_469, %get3A_470, %get3A_471] {strides = array<i32>} : memref<2x256x64xf32, #tpu.memory_space<vmem>>, vector<16xf32>,
        %mul3A_473 = arith.constant 8.000000e+00 : f32
        %mul3A_474 = vector.broadcast %mul3A_473 : f32 to vector<16xf32>
        %mul3A_475 = arith.mulf %get3A_472, %mul3A_474 : vector<16xf32>
        %iota3A_476 = tpu.iota {dimensions = array<i32: 0>} : vector<16xi32>
        %add3A_477 = arith.constant 16 : i32
        %add3A_478 = vector.broadcast %add3A_477 : i32 to vector<16xi32>
        %add3A_479 = arith.addi %iota3A_476, %add3A_478 : vector<16xi32>
        %broadcast_in_dim3A_480 = vector.broadcast %scan3A_450 : i32 to vector<16xi32>
        %scatter3A_481 = arith.constant 0 : i32
        %scatter3A_482 = arith.constant 0 : i32
        %scatter3A_483 = tpu.memref_slice %arg7[%scan3A_118, %scatter3A_481, %scatter3A_482] : memref<2x64x257xf32, #tpu.memory_space<vmem>> -> memref<1x64x257xf32, #tpu.memory_space<vmem>>
        %scatter3A_484 = tpu.memref_squeeze %scatter3A_483 : memref<1x64x257xf32, #tpu.memory_space<vmem>> -> memref<64x257xf32, #tpu.memory_space<vmem>>
        tpu.vector_store_idx %scatter3A_484[%add3A_479, %broadcast_in_dim3A_480], %mul3A_475 : memref<64x257xf32, #tpu.memory_space<vmem>>[vector<16xi32>, vector<16xi32>], vector<16xf32>,
        %get3A_485 = arith.constant 0 : i32
        %get3A_486 = arith.index_cast %get3A_485 : i32 to index
        %get3A_487 = arith.index_cast %scan3A_450 : i32 to index
        %get3A_488 = arith.constant 32 : index
        %get3A_489 = tpu.vector_load %arg6[%get3A_486, %get3A_487, %get3A_488] {strides = array<i32>} : memref<2x256x64xf32, #tpu.memory_space<vmem>>, vector<16xf32>,
        %mul3A_490 = arith.constant 8.000000e+00 : f32
        %mul3A_491 = vector.broadcast %mul3A_490 : f32 to vector<16xf32>
        %mul3A_492 = arith.mulf %get3A_489, %mul3A_491 : vector<16xf32>
        %iota3A_493 = tpu.iota {dimensions = array<i32: 0>} : vector<16xi32>
        %add3A_494 = arith.constant 32 : i32
        %add3A_495 = vector.broadcast %add3A_494 : i32 to vector<16xi32>
        %add3A_496 = arith.addi %iota3A_493, %add3A_495 : vector<16xi32>
        %broadcast_in_dim3A_497 = vector.broadcast %scan3A_450 : i32 to vector<16xi32>
        %scatter3A_498 = arith.constant 0 : i32
        %scatter3A_499 = arith.constant 0 : i32
        %scatter3A_500 = tpu.memref_slice %arg7[%scan3A_118, %scatter3A_498, %scatter3A_499] : memref<2x64x257xf32, #tpu.memory_space<vmem>> -> memref<1x64x257xf32, #tpu.memory_space<vmem>>
        %scatter3A_501 = tpu.memref_squeeze %scatter3A_500 : memref<1x64x257xf32, #tpu.memory_space<vmem>> -> memref<64x257xf32, #tpu.memory_space<vmem>>
        tpu.vector_store_idx %scatter3A_501[%add3A_496, %broadcast_in_dim3A_497], %mul3A_492 : memref<64x257xf32, #tpu.memory_space<vmem>>[vector<16xi32>, vector<16xi32>], vector<16xf32>,
        %get3A_502 = arith.constant 0 : i32
        %get3A_503 = arith.index_cast %get3A_502 : i32 to index
        %get3A_504 = arith.index_cast %scan3A_450 : i32 to index
        %get3A_505 = arith.constant 48 : index
        %get3A_506 = tpu.vector_load %arg6[%get3A_503, %get3A_504, %get3A_505] {strides = array<i32>} : memref<2x256x64xf32, #tpu.memory_space<vmem>>, vector<16xf32>,
        %mul3A_507 = arith.constant 8.000000e+00 : f32
        %mul3A_508 = vector.broadcast %mul3A_507 : f32 to vector<16xf32>
        %mul3A_509 = arith.mulf %get3A_506, %mul3A_508 : vector<16xf32>
        %iota3A_510 = tpu.iota {dimensions = array<i32: 0>} : vector<16xi32>
        %add3A_511 = arith.constant 48 : i32
        %add3A_512 = vector.broadcast %add3A_511 : i32 to vector<16xi32>
        %add3A_513 = arith.addi %iota3A_510, %add3A_512 : vector<16xi32>
        %broadcast_in_dim3A_514 = vector.broadcast %scan3A_450 : i32 to vector<16xi32>
        %scatter3A_515 = arith.constant 0 : i32
        %scatter3A_516 = arith.constant 0 : i32
        %scatter3A_517 = tpu.memref_slice %arg7[%scan3A_118, %scatter3A_515, %scatter3A_516] : memref<2x64x257xf32, #tpu.memory_space<vmem>> -> memref<1x64x257xf32, #tpu.memory_space<vmem>>
        %scatter3A_518 = tpu.memref_squeeze %scatter3A_517 : memref<1x64x257xf32, #tpu.memory_space<vmem>> -> memref<64x257xf32, #tpu.memory_space<vmem>>
        tpu.vector_store_idx %scatter3A_518[%add3A_513, %broadcast_in_dim3A_514], %mul3A_509 : memref<64x257xf32, #tpu.memory_space<vmem>>[vector<16xi32>, vector<16xi32>], vector<16xf32>,
        %scan3A_519 = arith.constant 5 : i32
        %scan3A_520 = arith.addi %scan3A_174, %scan3A_519 : i32
        %get3A_521 = arith.constant 0 : i32
        %get3A_522 = arith.index_cast %get3A_521 : i32 to index
        %get3A_523 = arith.index_cast %scan3A_520 : i32 to index
        %get3A_524 = arith.constant 0 : index
        %get3A_525 = tpu.vector_load %arg6[%get3A_522, %get3A_523, %get3A_524] {strides = array<i32>} : memref<2x256x64xf32, #tpu.memory_space<vmem>>, vector<16xf32>,
        %mul3A_526 = arith.constant 8.000000e+00 : f32
        %mul3A_527 = vector.broadcast %mul3A_526 : f32 to vector<16xf32>
        %mul3A_528 = arith.mulf %get3A_525, %mul3A_527 : vector<16xf32>
        %iota3A_529 = tpu.iota {dimensions = array<i32: 0>} : vector<16xi32>
        %add3A_530 = arith.constant 0 : i32
        %add3A_531 = vector.broadcast %add3A_530 : i32 to vector<16xi32>
        %add3A_532 = arith.addi %iota3A_529, %add3A_531 : vector<16xi32>
        %broadcast_in_dim3A_533 = vector.broadcast %scan3A_520 : i32 to vector<16xi32>
        %scatter3A_534 = arith.constant 0 : i32
        %scatter3A_535 = arith.constant 0 : i32
        %scatter3A_536 = tpu.memref_slice %arg7[%scan3A_118, %scatter3A_534, %scatter3A_535] : memref<2x64x257xf32, #tpu.memory_space<vmem>> -> memref<1x64x257xf32, #tpu.memory_space<vmem>>
        %scatter3A_537 = tpu.memref_squeeze %scatter3A_536 : memref<1x64x257xf32, #tpu.memory_space<vmem>> -> memref<64x257xf32, #tpu.memory_space<vmem>>
        tpu.vector_store_idx %scatter3A_537[%add3A_532, %broadcast_in_dim3A_533], %mul3A_528 : memref<64x257xf32, #tpu.memory_space<vmem>>[vector<16xi32>, vector<16xi32>], vector<16xf32>,
        %get3A_538 = arith.constant 0 : i32
        %get3A_539 = arith.index_cast %get3A_538 : i32 to index
        %get3A_540 = arith.index_cast %scan3A_520 : i32 to index
        %get3A_541 = arith.constant 16 : index
        %get3A_542 = tpu.vector_load %arg6[%get3A_539, %get3A_540, %get3A_541] {strides = array<i32>} : memref<2x256x64xf32, #tpu.memory_space<vmem>>, vector<16xf32>,
        %mul3A_543 = arith.constant 8.000000e+00 : f32
        %mul3A_544 = vector.broadcast %mul3A_543 : f32 to vector<16xf32>
        %mul3A_545 = arith.mulf %get3A_542, %mul3A_544 : vector<16xf32>
        %iota3A_546 = tpu.iota {dimensions = array<i32: 0>} : vector<16xi32>
        %add3A_547 = arith.constant 16 : i32
        %add3A_548 = vector.broadcast %add3A_547 : i32 to vector<16xi32>
        %add3A_549 = arith.addi %iota3A_546, %add3A_548 : vector<16xi32>
        %broadcast_in_dim3A_550 = vector.broadcast %scan3A_520 : i32 to vector<16xi32>
        %scatter3A_551 = arith.constant 0 : i32
        %scatter3A_552 = arith.constant 0 : i32
        %scatter3A_553 = tpu.memref_slice %arg7[%scan3A_118, %scatter3A_551, %scatter3A_552] : memref<2x64x257xf32, #tpu.memory_space<vmem>> -> memref<1x64x257xf32, #tpu.memory_space<vmem>>
        %scatter3A_554 = tpu.memref_squeeze %scatter3A_553 : memref<1x64x257xf32, #tpu.memory_space<vmem>> -> memref<64x257xf32, #tpu.memory_space<vmem>>
        tpu.vector_store_idx %scatter3A_554[%add3A_549, %broadcast_in_dim3A_550], %mul3A_545 : memref<64x257xf32, #tpu.memory_space<vmem>>[vector<16xi32>, vector<16xi32>], vector<16xf32>,
        %get3A_555 = arith.constant 0 : i32
        %get3A_556 = arith.index_cast %get3A_555 : i32 to index
        %get3A_557 = arith.index_cast %scan3A_520 : i32 to index
        %get3A_558 = arith.constant 32 : index
        %get3A_559 = tpu.vector_load %arg6[%get3A_556, %get3A_557, %get3A_558] {strides = array<i32>} : memref<2x256x64xf32, #tpu.memory_space<vmem>>, vector<16xf32>,
        %mul3A_560 = arith.constant 8.000000e+00 : f32
        %mul3A_561 = vector.broadcast %mul3A_560 : f32 to vector<16xf32>
        %mul3A_562 = arith.mulf %get3A_559, %mul3A_561 : vector<16xf32>
        %iota3A_563 = tpu.iota {dimensions = array<i32: 0>} : vector<16xi32>
        %add3A_564 = arith.constant 32 : i32
        %add3A_565 = vector.broadcast %add3A_564 : i32 to vector<16xi32>
        %add3A_566 = arith.addi %iota3A_563, %add3A_565 : vector<16xi32>
        %broadcast_in_dim3A_567 = vector.broadcast %scan3A_520 : i32 to vector<16xi32>
        %scatter3A_568 = arith.constant 0 : i32
        %scatter3A_569 = arith.constant 0 : i32
        %scatter3A_570 = tpu.memref_slice %arg7[%scan3A_118, %scatter3A_568, %scatter3A_569] : memref<2x64x257xf32, #tpu.memory_space<vmem>> -> memref<1x64x257xf32, #tpu.memory_space<vmem>>
        %scatter3A_571 = tpu.memref_squeeze %scatter3A_570 : memref<1x64x257xf32, #tpu.memory_space<vmem>> -> memref<64x257xf32, #tpu.memory_space<vmem>>
        tpu.vector_store_idx %scatter3A_571[%add3A_566, %broadcast_in_dim3A_567], %mul3A_562 : memref<64x257xf32, #tpu.memory_space<vmem>>[vector<16xi32>, vector<16xi32>], vector<16xf32>,
        %get3A_572 = arith.constant 0 : i32
        %get3A_573 = arith.index_cast %get3A_572 : i32 to index
        %get3A_574 = arith.index_cast %scan3A_520 : i32 to index
        %get3A_575 = arith.constant 48 : index
        %get3A_576 = tpu.vector_load %arg6[%get3A_573, %get3A_574, %get3A_575] {strides = array<i32>} : memref<2x256x64xf32, #tpu.memory_space<vmem>>, vector<16xf32>,
        %mul3A_577 = arith.constant 8.000000e+00 : f32
        %mul3A_578 = vector.broadcast %mul3A_577 : f32 to vector<16xf32>
        %mul3A_579 = arith.mulf %get3A_576, %mul3A_578 : vector<16xf32>
        %iota3A_580 = tpu.iota {dimensions = array<i32: 0>} : vector<16xi32>
        %add3A_581 = arith.constant 48 : i32
        %add3A_582 = vector.broadcast %add3A_581 : i32 to vector<16xi32>
        %add3A_583 = arith.addi %iota3A_580, %add3A_582 : vector<16xi32>
        %broadcast_in_dim3A_584 = vector.broadcast %scan3A_520 : i32 to vector<16xi32>
        %scatter3A_585 = arith.constant 0 : i32
        %scatter3A_586 = arith.constant 0 : i32
        %scatter3A_587 = tpu.memref_slice %arg7[%scan3A_118, %scatter3A_585, %scatter3A_586] : memref<2x64x257xf32, #tpu.memory_space<vmem>> -> memref<1x64x257xf32, #tpu.memory_space<vmem>>
        %scatter3A_588 = tpu.memref_squeeze %scatter3A_587 : memref<1x64x257xf32, #tpu.memory_space<vmem>> -> memref<64x257xf32, #tpu.memory_space<vmem>>
        tpu.vector_store_idx %scatter3A_588[%add3A_583, %broadcast_in_dim3A_584], %mul3A_579 : memref<64x257xf32, #tpu.memory_space<vmem>>[vector<16xi32>, vector<16xi32>], vector<16xf32>,
        %scan3A_589 = arith.constant 6 : i32
        %scan3A_590 = arith.addi %scan3A_174, %scan3A_589 : i32
        %get3A_591 = arith.constant 0 : i32
        %get3A_592 = arith.index_cast %get3A_591 : i32 to index
        %get3A_593 = arith.index_cast %scan3A_590 : i32 to index
        %get3A_594 = arith.constant 0 : index
        %get3A_595 = tpu.vector_load %arg6[%get3A_592, %get3A_593, %get3A_594] {strides = array<i32>} : memref<2x256x64xf32, #tpu.memory_space<vmem>>, vector<16xf32>,
        %mul3A_596 = arith.constant 8.000000e+00 : f32
        %mul3A_597 = vector.broadcast %mul3A_596 : f32 to vector<16xf32>
        %mul3A_598 = arith.mulf %get3A_595, %mul3A_597 : vector<16xf32>
        %iota3A_599 = tpu.iota {dimensions = array<i32: 0>} : vector<16xi32>
        %add3A_600 = arith.constant 0 : i32
        %add3A_601 = vector.broadcast %add3A_600 : i32 to vector<16xi32>
        %add3A_602 = arith.addi %iota3A_599, %add3A_601 : vector<16xi32>
        %broadcast_in_dim3A_603 = vector.broadcast %scan3A_590 : i32 to vector<16xi32>
        %scatter3A_604 = arith.constant 0 : i32
        %scatter3A_605 = arith.constant 0 : i32
        %scatter3A_606 = tpu.memref_slice %arg7[%scan3A_118, %scatter3A_604, %scatter3A_605] : memref<2x64x257xf32, #tpu.memory_space<vmem>> -> memref<1x64x257xf32, #tpu.memory_space<vmem>>
        %scatter3A_607 = tpu.memref_squeeze %scatter3A_606 : memref<1x64x257xf32, #tpu.memory_space<vmem>> -> memref<64x257xf32, #tpu.memory_space<vmem>>
        tpu.vector_store_idx %scatter3A_607[%add3A_602, %broadcast_in_dim3A_603], %mul3A_598 : memref<64x257xf32, #tpu.memory_space<vmem>>[vector<16xi32>, vector<16xi32>], vector<16xf32>,
        %get3A_608 = arith.constant 0 : i32
        %get3A_609 = arith.index_cast %get3A_608 : i32 to index
        %get3A_610 = arith.index_cast %scan3A_590 : i32 to index
        %get3A_611 = arith.constant 16 : index
        %get3A_612 = tpu.vector_load %arg6[%get3A_609, %get3A_610, %get3A_611] {strides = array<i32>} : memref<2x256x64xf32, #tpu.memory_space<vmem>>, vector<16xf32>,
        %mul3A_613 = arith.constant 8.000000e+00 : f32
        %mul3A_614 = vector.broadcast %mul3A_613 : f32 to vector<16xf32>
        %mul3A_615 = arith.mulf %get3A_612, %mul3A_614 : vector<16xf32>
        %iota3A_616 = tpu.iota {dimensions = array<i32: 0>} : vector<16xi32>
        %add3A_617 = arith.constant 16 : i32
        %add3A_618 = vector.broadcast %add3A_617 : i32 to vector<16xi32>
        %add3A_619 = arith.addi %iota3A_616, %add3A_618 : vector<16xi32>
        %broadcast_in_dim3A_620 = vector.broadcast %scan3A_590 : i32 to vector<16xi32>
        %scatter3A_621 = arith.constant 0 : i32
        %scatter3A_622 = arith.constant 0 : i32
        %scatter3A_623 = tpu.memref_slice %arg7[%scan3A_118, %scatter3A_621, %scatter3A_622] : memref<2x64x257xf32, #tpu.memory_space<vmem>> -> memref<1x64x257xf32, #tpu.memory_space<vmem>>
        %scatter3A_624 = tpu.memref_squeeze %scatter3A_623 : memref<1x64x257xf32, #tpu.memory_space<vmem>> -> memref<64x257xf32, #tpu.memory_space<vmem>>
        tpu.vector_store_idx %scatter3A_624[%add3A_619, %broadcast_in_dim3A_620], %mul3A_615 : memref<64x257xf32, #tpu.memory_space<vmem>>[vector<16xi32>, vector<16xi32>], vector<16xf32>,
        %get3A_625 = arith.constant 0 : i32
        %get3A_626 = arith.index_cast %get3A_625 : i32 to index
        %get3A_627 = arith.index_cast %scan3A_590 : i32 to index
        %get3A_628 = arith.constant 32 : index
        %get3A_629 = tpu.vector_load %arg6[%get3A_626, %get3A_627, %get3A_628] {strides = array<i32>} : memref<2x256x64xf32, #tpu.memory_space<vmem>>, vector<16xf32>,
        %mul3A_630 = arith.constant 8.000000e+00 : f32
        %mul3A_631 = vector.broadcast %mul3A_630 : f32 to vector<16xf32>
        %mul3A_632 = arith.mulf %get3A_629, %mul3A_631 : vector<16xf32>
        %iota3A_633 = tpu.iota {dimensions = array<i32: 0>} : vector<16xi32>
        %add3A_634 = arith.constant 32 : i32
        %add3A_635 = vector.broadcast %add3A_634 : i32 to vector<16xi32>
        %add3A_636 = arith.addi %iota3A_633, %add3A_635 : vector<16xi32>
        %broadcast_in_dim3A_637 = vector.broadcast %scan3A_590 : i32 to vector<16xi32>
        %scatter3A_638 = arith.constant 0 : i32
        %scatter3A_639 = arith.constant 0 : i32
        %scatter3A_640 = tpu.memref_slice %arg7[%scan3A_118, %scatter3A_638, %scatter3A_639] : memref<2x64x257xf32, #tpu.memory_space<vmem>> -> memref<1x64x257xf32, #tpu.memory_space<vmem>>
        %scatter3A_641 = tpu.memref_squeeze %scatter3A_640 : memref<1x64x257xf32, #tpu.memory_space<vmem>> -> memref<64x257xf32, #tpu.memory_space<vmem>>
        tpu.vector_store_idx %scatter3A_641[%add3A_636, %broadcast_in_dim3A_637], %mul3A_632 : memref<64x257xf32, #tpu.memory_space<vmem>>[vector<16xi32>, vector<16xi32>], vector<16xf32>,
        %get3A_642 = arith.constant 0 : i32
        %get3A_643 = arith.index_cast %get3A_642 : i32 to index
        %get3A_644 = arith.index_cast %scan3A_590 : i32 to index
        %get3A_645 = arith.constant 48 : index
        %get3A_646 = tpu.vector_load %arg6[%get3A_643, %get3A_644, %get3A_645] {strides = array<i32>} : memref<2x256x64xf32, #tpu.memory_space<vmem>>, vector<16xf32>,
        %mul3A_647 = arith.constant 8.000000e+00 : f32
        %mul3A_648 = vector.broadcast %mul3A_647 : f32 to vector<16xf32>
        %mul3A_649 = arith.mulf %get3A_646, %mul3A_648 : vector<16xf32>
        %iota3A_650 = tpu.iota {dimensions = array<i32: 0>} : vector<16xi32>
        %add3A_651 = arith.constant 48 : i32
        %add3A_652 = vector.broadcast %add3A_651 : i32 to vector<16xi32>
        %add3A_653 = arith.addi %iota3A_650, %add3A_652 : vector<16xi32>
        %broadcast_in_dim3A_654 = vector.broadcast %scan3A_590 : i32 to vector<16xi32>
        %scatter3A_655 = arith.constant 0 : i32
        %scatter3A_656 = arith.constant 0 : i32
        %scatter3A_657 = tpu.memref_slice %arg7[%scan3A_118, %scatter3A_655, %scatter3A_656] : memref<2x64x257xf32, #tpu.memory_space<vmem>> -> memref<1x64x257xf32, #tpu.memory_space<vmem>>
        %scatter3A_658 = tpu.memref_squeeze %scatter3A_657 : memref<1x64x257xf32, #tpu.memory_space<vmem>> -> memref<64x257xf32, #tpu.memory_space<vmem>>
        tpu.vector_store_idx %scatter3A_658[%add3A_653, %broadcast_in_dim3A_654], %mul3A_649 : memref<64x257xf32, #tpu.memory_space<vmem>>[vector<16xi32>, vector<16xi32>], vector<16xf32>,
        %scan3A_659 = arith.constant 7 : i32
        %scan3A_660 = arith.addi %scan3A_174, %scan3A_659 : i32
        %get3A_661 = arith.constant 0 : i32
        %get3A_662 = arith.index_cast %get3A_661 : i32 to index
        %get3A_663 = arith.index_cast %scan3A_660 : i32 to index
        %get3A_664 = arith.constant 0 : index
        %get3A_665 = tpu.vector_load %arg6[%get3A_662, %get3A_663, %get3A_664] {strides = array<i32>} : memref<2x256x64xf32, #tpu.memory_space<vmem>>, vector<16xf32>,
        %mul3A_666 = arith.constant 8.000000e+00 : f32
        %mul3A_667 = vector.broadcast %mul3A_666 : f32 to vector<16xf32>
        %mul3A_668 = arith.mulf %get3A_665, %mul3A_667 : vector<16xf32>
        %iota3A_669 = tpu.iota {dimensions = array<i32: 0>} : vector<16xi32>
        %add3A_670 = arith.constant 0 : i32
        %add3A_671 = vector.broadcast %add3A_670 : i32 to vector<16xi32>
        %add3A_672 = arith.addi %iota3A_669, %add3A_671 : vector<16xi32>
        %broadcast_in_dim3A_673 = vector.broadcast %scan3A_660 : i32 to vector<16xi32>
        %scatter3A_674 = arith.constant 0 : i32
        %scatter3A_675 = arith.constant 0 : i32
        %scatter3A_676 = tpu.memref_slice %arg7[%scan3A_118, %scatter3A_674, %scatter3A_675] : memref<2x64x257xf32, #tpu.memory_space<vmem>> -> memref<1x64x257xf32, #tpu.memory_space<vmem>>
        %scatter3A_677 = tpu.memref_squeeze %scatter3A_676 : memref<1x64x257xf32, #tpu.memory_space<vmem>> -> memref<64x257xf32, #tpu.memory_space<vmem>>
        tpu.vector_store_idx %scatter3A_677[%add3A_672, %broadcast_in_dim3A_673], %mul3A_668 : memref<64x257xf32, #tpu.memory_space<vmem>>[vector<16xi32>, vector<16xi32>], vector<16xf32>,
        %get3A_678 = arith.constant 0 : i32
        %get3A_679 = arith.index_cast %get3A_678 : i32 to index
        %get3A_680 = arith.index_cast %scan3A_660 : i32 to index
        %get3A_681 = arith.constant 16 : index
        %get3A_682 = tpu.vector_load %arg6[%get3A_679, %get3A_680, %get3A_681] {strides = array<i32>} : memref<2x256x64xf32, #tpu.memory_space<vmem>>, vector<16xf32>,
        %mul3A_683 = arith.constant 8.000000e+00 : f32
        %mul3A_684 = vector.broadcast %mul3A_683 : f32 to vector<16xf32>
        %mul3A_685 = arith.mulf %get3A_682, %mul3A_684 : vector<16xf32>
        %iota3A_686 = tpu.iota {dimensions = array<i32: 0>} : vector<16xi32>
        %add3A_687 = arith.constant 16 : i32
        %add3A_688 = vector.broadcast %add3A_687 : i32 to vector<16xi32>
        %add3A_689 = arith.addi %iota3A_686, %add3A_688 : vector<16xi32>
        %broadcast_in_dim3A_690 = vector.broadcast %scan3A_660 : i32 to vector<16xi32>
        %scatter3A_691 = arith.constant 0 : i32
        %scatter3A_692 = arith.constant 0 : i32
        %scatter3A_693 = tpu.memref_slice %arg7[%scan3A_118, %scatter3A_691, %scatter3A_692] : memref<2x64x257xf32, #tpu.memory_space<vmem>> -> memref<1x64x257xf32, #tpu.memory_space<vmem>>
        %scatter3A_694 = tpu.memref_squeeze %scatter3A_693 : memref<1x64x257xf32, #tpu.memory_space<vmem>> -> memref<64x257xf32, #tpu.memory_space<vmem>>
        tpu.vector_store_idx %scatter3A_694[%add3A_689, %broadcast_in_dim3A_690], %mul3A_685 : memref<64x257xf32, #tpu.memory_space<vmem>>[vector<16xi32>, vector<16xi32>], vector<16xf32>,
        %get3A_695 = arith.constant 0 : i32
        %get3A_696 = arith.index_cast %get3A_695 : i32 to index
        %get3A_697 = arith.index_cast %scan3A_660 : i32 to index
        %get3A_698 = arith.constant 32 : index
        %get3A_699 = tpu.vector_load %arg6[%get3A_696, %get3A_697, %get3A_698] {strides = array<i32>} : memref<2x256x64xf32, #tpu.memory_space<vmem>>, vector<16xf32>,
        %mul3A_700 = arith.constant 8.000000e+00 : f32
        %mul3A_701 = vector.broadcast %mul3A_700 : f32 to vector<16xf32>
        %mul3A_702 = arith.mulf %get3A_699, %mul3A_701 : vector<16xf32>
        %iota3A_703 = tpu.iota {dimensions = array<i32: 0>} : vector<16xi32>
        %add3A_704 = arith.constant 32 : i32
        %add3A_705 = vector.broadcast %add3A_704 : i32 to vector<16xi32>
        %add3A_706 = arith.addi %iota3A_703, %add3A_705 : vector<16xi32>
        %broadcast_in_dim3A_707 = vector.broadcast %scan3A_660 : i32 to vector<16xi32>
        %scatter3A_708 = arith.constant 0 : i32
        %scatter3A_709 = arith.constant 0 : i32
        %scatter3A_710 = tpu.memref_slice %arg7[%scan3A_118, %scatter3A_708, %scatter3A_709] : memref<2x64x257xf32, #tpu.memory_space<vmem>> -> memref<1x64x257xf32, #tpu.memory_space<vmem>>
        %scatter3A_711 = tpu.memref_squeeze %scatter3A_710 : memref<1x64x257xf32, #tpu.memory_space<vmem>> -> memref<64x257xf32, #tpu.memory_space<vmem>>
        tpu.vector_store_idx %scatter3A_711[%add3A_706, %broadcast_in_dim3A_707], %mul3A_702 : memref<64x257xf32, #tpu.memory_space<vmem>>[vector<16xi32>, vector<16xi32>], vector<16xf32>,
        %get3A_712 = arith.constant 0 : i32
        %get3A_713 = arith.index_cast %get3A_712 : i32 to index
        %get3A_714 = arith.index_cast %scan3A_660 : i32 to index
        %get3A_715 = arith.constant 48 : index
        %get3A_716 = tpu.vector_load %arg6[%get3A_713, %get3A_714, %get3A_715] {strides = array<i32>} : memref<2x256x64xf32, #tpu.memory_space<vmem>>, vector<16xf32>,
        %mul3A_717 = arith.constant 8.000000e+00 : f32
        %mul3A_718 = vector.broadcast %mul3A_717 : f32 to vector<16xf32>
        %mul3A_719 = arith.mulf %get3A_716, %mul3A_718 : vector<16xf32>
        %iota3A_720 = tpu.iota {dimensions = array<i32: 0>} : vector<16xi32>
        %add3A_721 = arith.constant 48 : i32
        %add3A_722 = vector.broadcast %add3A_721 : i32 to vector<16xi32>
        %add3A_723 = arith.addi %iota3A_720, %add3A_722 : vector<16xi32>
        %broadcast_in_dim3A_724 = vector.broadcast %scan3A_660 : i32 to vector<16xi32>
        %scatter3A_725 = arith.constant 0 : i32
        %scatter3A_726 = arith.constant 0 : i32
        %scatter3A_727 = tpu.memref_slice %arg7[%scan3A_118, %scatter3A_725, %scatter3A_726] : memref<2x64x257xf32, #tpu.memory_space<vmem>> -> memref<1x64x257xf32, #tpu.memory_space<vmem>>
        %scatter3A_728 = tpu.memref_squeeze %scatter3A_727 : memref<1x64x257xf32, #tpu.memory_space<vmem>> -> memref<64x257xf32, #tpu.memory_space<vmem>>
        tpu.vector_store_idx %scatter3A_728[%add3A_723, %broadcast_in_dim3A_724], %mul3A_719 : memref<64x257xf32, #tpu.memory_space<vmem>>[vector<16xi32>, vector<16xi32>], vector<16xf32>,
        %scan3A_729 = arith.constant 8 : i32
        %scan3A_730 = arith.addi %scan3A_174, %scan3A_729 : i32
        %get3A_731 = arith.constant 0 : i32
        %get3A_732 = arith.index_cast %get3A_731 : i32 to index
        %get3A_733 = arith.index_cast %scan3A_730 : i32 to index
        %get3A_734 = arith.constant 0 : index
        %get3A_735 = tpu.vector_load %arg6[%get3A_732, %get3A_733, %get3A_734] {strides = array<i32>} : memref<2x256x64xf32, #tpu.memory_space<vmem>>, vector<16xf32>,
        %mul3A_736 = arith.constant 8.000000e+00 : f32
        %mul3A_737 = vector.broadcast %mul3A_736 : f32 to vector<16xf32>
        %mul3A_738 = arith.mulf %get3A_735, %mul3A_737 : vector<16xf32>
        %iota3A_739 = tpu.iota {dimensions = array<i32: 0>} : vector<16xi32>
        %add3A_740 = arith.constant 0 : i32
        %add3A_741 = vector.broadcast %add3A_740 : i32 to vector<16xi32>
        %add3A_742 = arith.addi %iota3A_739, %add3A_741 : vector<16xi32>
        %broadcast_in_dim3A_743 = vector.broadcast %scan3A_730 : i32 to vector<16xi32>
        %scatter3A_744 = arith.constant 0 : i32
        %scatter3A_745 = arith.constant 0 : i32
        %scatter3A_746 = tpu.memref_slice %arg7[%scan3A_118, %scatter3A_744, %scatter3A_745] : memref<2x64x257xf32, #tpu.memory_space<vmem>> -> memref<1x64x257xf32, #tpu.memory_space<vmem>>
        %scatter3A_747 = tpu.memref_squeeze %scatter3A_746 : memref<1x64x257xf32, #tpu.memory_space<vmem>> -> memref<64x257xf32, #tpu.memory_space<vmem>>
        tpu.vector_store_idx %scatter3A_747[%add3A_742, %broadcast_in_dim3A_743], %mul3A_738 : memref<64x257xf32, #tpu.memory_space<vmem>>[vector<16xi32>, vector<16xi32>], vector<16xf32>,
        %get3A_748 = arith.constant 0 : i32
        %get3A_749 = arith.index_cast %get3A_748 : i32 to index
        %get3A_750 = arith.index_cast %scan3A_730 : i32 to index
        %get3A_751 = arith.constant 16 : index
        %get3A_752 = tpu.vector_load %arg6[%get3A_749, %get3A_750, %get3A_751] {strides = array<i32>} : memref<2x256x64xf32, #tpu.memory_space<vmem>>, vector<16xf32>,
        %mul3A_753 = arith.constant 8.000000e+00 : f32
        %mul3A_754 = vector.broadcast %mul3A_753 : f32 to vector<16xf32>
        %mul3A_755 = arith.mulf %get3A_752, %mul3A_754 : vector<16xf32>
        %iota3A_756 = tpu.iota {dimensions = array<i32: 0>} : vector<16xi32>
        %add3A_757 = arith.constant 16 : i32
        %add3A_758 = vector.broadcast %add3A_757 : i32 to vector<16xi32>
        %add3A_759 = arith.addi %iota3A_756, %add3A_758 : vector<16xi32>
        %broadcast_in_dim3A_760 = vector.broadcast %scan3A_730 : i32 to vector<16xi32>
        %scatter3A_761 = arith.constant 0 : i32
        %scatter3A_762 = arith.constant 0 : i32
        %scatter3A_763 = tpu.memref_slice %arg7[%scan3A_118, %scatter3A_761, %scatter3A_762] : memref<2x64x257xf32, #tpu.memory_space<vmem>> -> memref<1x64x257xf32, #tpu.memory_space<vmem>>
        %scatter3A_764 = tpu.memref_squeeze %scatter3A_763 : memref<1x64x257xf32, #tpu.memory_space<vmem>> -> memref<64x257xf32, #tpu.memory_space<vmem>>
        tpu.vector_store_idx %scatter3A_764[%add3A_759, %broadcast_in_dim3A_760], %mul3A_755 : memref<64x257xf32, #tpu.memory_space<vmem>>[vector<16xi32>, vector<16xi32>], vector<16xf32>,
        %get3A_765 = arith.constant 0 : i32
        %get3A_766 = arith.index_cast %get3A_765 : i32 to index
        %get3A_767 = arith.index_cast %scan3A_730 : i32 to index
        %get3A_768 = arith.constant 32 : index
        %get3A_769 = tpu.vector_load %arg6[%get3A_766, %get3A_767, %get3A_768] {strides = array<i32>} : memref<2x256x64xf32, #tpu.memory_space<vmem>>, vector<16xf32>,
        %mul3A_770 = arith.constant 8.000000e+00 : f32
        %mul3A_771 = vector.broadcast %mul3A_770 : f32 to vector<16xf32>
        %mul3A_772 = arith.mulf %get3A_769, %mul3A_771 : vector<16xf32>
        %iota3A_773 = tpu.iota {dimensions = array<i32: 0>} : vector<16xi32>
        %add3A_774 = arith.constant 32 : i32
        %add3A_775 = vector.broadcast %add3A_774 : i32 to vector<16xi32>
        %add3A_776 = arith.addi %iota3A_773, %add3A_775 : vector<16xi32>
        %broadcast_in_dim3A_777 = vector.broadcast %scan3A_730 : i32 to vector<16xi32>
        %scatter3A_778 = arith.constant 0 : i32
        %scatter3A_779 = arith.constant 0 : i32
        %scatter3A_780 = tpu.memref_slice %arg7[%scan3A_118, %scatter3A_778, %scatter3A_779] : memref<2x64x257xf32, #tpu.memory_space<vmem>> -> memref<1x64x257xf32, #tpu.memory_space<vmem>>
        %scatter3A_781 = tpu.memref_squeeze %scatter3A_780 : memref<1x64x257xf32, #tpu.memory_space<vmem>> -> memref<64x257xf32, #tpu.memory_space<vmem>>
        tpu.vector_store_idx %scatter3A_781[%add3A_776, %broadcast_in_dim3A_777], %mul3A_772 : memref<64x257xf32, #tpu.memory_space<vmem>>[vector<16xi32>, vector<16xi32>], vector<16xf32>,
        %get3A_782 = arith.constant 0 : i32
        %get3A_783 = arith.index_cast %get3A_782 : i32 to index
        %get3A_784 = arith.index_cast %scan3A_730 : i32 to index
        %get3A_785 = arith.constant 48 : index
        %get3A_786 = tpu.vector_load %arg6[%get3A_783, %get3A_784, %get3A_785] {strides = array<i32>} : memref<2x256x64xf32, #tpu.memory_space<vmem>>, vector<16xf32>,
        %mul3A_787 = arith.constant 8.000000e+00 : f32
        %mul3A_788 = vector.broadcast %mul3A_787 : f32 to vector<16xf32>
        %mul3A_789 = arith.mulf %get3A_786, %mul3A_788 : vector<16xf32>
        %iota3A_790 = tpu.iota {dimensions = array<i32: 0>} : vector<16xi32>
        %add3A_791 = arith.constant 48 : i32
        %add3A_792 = vector.broadcast %add3A_791 : i32 to vector<16xi32>
        %add3A_793 = arith.addi %iota3A_790, %add3A_792 : vector<16xi32>
        %broadcast_in_dim3A_794 = vector.broadcast %scan3A_730 : i32 to vector<16xi32>
        %scatter3A_795 = arith.constant 0 : i32
        %scatter3A_796 = arith.constant 0 : i32
        %scatter3A_797 = tpu.memref_slice %arg7[%scan3A_118, %scatter3A_795, %scatter3A_796] : memref<2x64x257xf32, #tpu.memory_space<vmem>> -> memref<1x64x257xf32, #tpu.memory_space<vmem>>
        %scatter3A_798 = tpu.memref_squeeze %scatter3A_797 : memref<1x64x257xf32, #tpu.memory_space<vmem>> -> memref<64x257xf32, #tpu.memory_space<vmem>>
        tpu.vector_store_idx %scatter3A_798[%add3A_793, %broadcast_in_dim3A_794], %mul3A_789 : memref<64x257xf32, #tpu.memory_space<vmem>>[vector<16xi32>, vector<16xi32>], vector<16xf32>,
        %scan3A_799 = arith.constant 9 : i32
        %scan3A_800 = arith.addi %scan3A_174, %scan3A_799 : i32
        %get3A_801 = arith.constant 0 : i32
        %get3A_802 = arith.index_cast %get3A_801 : i32 to index
        %get3A_803 = arith.index_cast %scan3A_800 : i32 to index
        %get3A_804 = arith.constant 0 : index
        %get3A_805 = tpu.vector_load %arg6[%get3A_802, %get3A_803, %get3A_804] {strides = array<i32>} : memref<2x256x64xf32, #tpu.memory_space<vmem>>, vector<16xf32>,
        %mul3A_806 = arith.constant 8.000000e+00 : f32
        %mul3A_807 = vector.broadcast %mul3A_806 : f32 to vector<16xf32>
        %mul3A_808 = arith.mulf %get3A_805, %mul3A_807 : vector<16xf32>
        %iota3A_809 = tpu.iota {dimensions = array<i32: 0>} : vector<16xi32>
        %add3A_810 = arith.constant 0 : i32
        %add3A_811 = vector.broadcast %add3A_810 : i32 to vector<16xi32>
        %add3A_812 = arith.addi %iota3A_809, %add3A_811 : vector<16xi32>
        %broadcast_in_dim3A_813 = vector.broadcast %scan3A_800 : i32 to vector<16xi32>
        %scatter3A_814 = arith.constant 0 : i32
        %scatter3A_815 = arith.constant 0 : i32
        %scatter3A_816 = tpu.memref_slice %arg7[%scan3A_118, %scatter3A_814, %scatter3A_815] : memref<2x64x257xf32, #tpu.memory_space<vmem>> -> memref<1x64x257xf32, #tpu.memory_space<vmem>>
        %scatter3A_817 = tpu.memref_squeeze %scatter3A_816 : memref<1x64x257xf32, #tpu.memory_space<vmem>> -> memref<64x257xf32, #tpu.memory_space<vmem>>
        tpu.vector_store_idx %scatter3A_817[%add3A_812, %broadcast_in_dim3A_813], %mul3A_808 : memref<64x257xf32, #tpu.memory_space<vmem>>[vector<16xi32>, vector<16xi32>], vector<16xf32>,
        %get3A_818 = arith.constant 0 : i32
        %get3A_819 = arith.index_cast %get3A_818 : i32 to index
        %get3A_820 = arith.index_cast %scan3A_800 : i32 to index
        %get3A_821 = arith.constant 16 : index
        %get3A_822 = tpu.vector_load %arg6[%get3A_819, %get3A_820, %get3A_821] {strides = array<i32>} : memref<2x256x64xf32, #tpu.memory_space<vmem>>, vector<16xf32>,
        %mul3A_823 = arith.constant 8.000000e+00 : f32
        %mul3A_824 = vector.broadcast %mul3A_823 : f32 to vector<16xf32>
        %mul3A_825 = arith.mulf %get3A_822, %mul3A_824 : vector<16xf32>
        %iota3A_826 = tpu.iota {dimensions = array<i32: 0>} : vector<16xi32>
        %add3A_827 = arith.constant 16 : i32
        %add3A_828 = vector.broadcast %add3A_827 : i32 to vector<16xi32>
        %add3A_829 = arith.addi %iota3A_826, %add3A_828 : vector<16xi32>
        %broadcast_in_dim3A_830 = vector.broadcast %scan3A_800 : i32 to vector<16xi32>
        %scatter3A_831 = arith.constant 0 : i32
        %scatter3A_832 = arith.constant 0 : i32
        %scatter3A_833 = tpu.memref_slice %arg7[%scan3A_118, %scatter3A_831, %scatter3A_832] : memref<2x64x257xf32, #tpu.memory_space<vmem>> -> memref<1x64x257xf32, #tpu.memory_space<vmem>>
        %scatter3A_834 = tpu.memref_squeeze %scatter3A_833 : memref<1x64x257xf32, #tpu.memory_space<vmem>> -> memref<64x257xf32, #tpu.memory_space<vmem>>
        tpu.vector_store_idx %scatter3A_834[%add3A_829, %broadcast_in_dim3A_830], %mul3A_825 : memref<64x257xf32, #tpu.memory_space<vmem>>[vector<16xi32>, vector<16xi32>], vector<16xf32>,
        %get3A_835 = arith.constant 0 : i32
        %get3A_836 = arith.index_cast %get3A_835 : i32 to index
        %get3A_837 = arith.index_cast %scan3A_800 : i32 to index
        %get3A_838 = arith.constant 32 : index
        %get3A_839 = tpu.vector_load %arg6[%get3A_836, %get3A_837, %get3A_838] {strides = array<i32>} : memref<2x256x64xf32, #tpu.memory_space<vmem>>, vector<16xf32>,
        %mul3A_840 = arith.constant 8.000000e+00 : f32
        %mul3A_841 = vector.broadcast %mul3A_840 : f32 to vector<16xf32>
        %mul3A_842 = arith.mulf %get3A_839, %mul3A_841 : vector<16xf32>
        %iota3A_843 = tpu.iota {dimensions = array<i32: 0>} : vector<16xi32>
        %add3A_844 = arith.constant 32 : i32
        %add3A_845 = vector.broadcast %add3A_844 : i32 to vector<16xi32>
        %add3A_846 = arith.addi %iota3A_843, %add3A_845 : vector<16xi32>
        %broadcast_in_dim3A_847 = vector.broadcast %scan3A_800 : i32 to vector<16xi32>
        %scatter3A_848 = arith.constant 0 : i32
        %scatter3A_849 = arith.constant 0 : i32
        %scatter3A_850 = tpu.memref_slice %arg7[%scan3A_118, %scatter3A_848, %scatter3A_849] : memref<2x64x257xf32, #tpu.memory_space<vmem>> -> memref<1x64x257xf32, #tpu.memory_space<vmem>>
        %scatter3A_851 = tpu.memref_squeeze %scatter3A_850 : memref<1x64x257xf32, #tpu.memory_space<vmem>> -> memref<64x257xf32, #tpu.memory_space<vmem>>
        tpu.vector_store_idx %scatter3A_851[%add3A_846, %broadcast_in_dim3A_847], %mul3A_842 : memref<64x257xf32, #tpu.memory_space<vmem>>[vector<16xi32>, vector<16xi32>], vector<16xf32>,
        %get3A_852 = arith.constant 0 : i32
        %get3A_853 = arith.index_cast %get3A_852 : i32 to index
        %get3A_854 = arith.index_cast %scan3A_800 : i32 to index
        %get3A_855 = arith.constant 48 : index
        %get3A_856 = tpu.vector_load %arg6[%get3A_853, %get3A_854, %get3A_855] {strides = array<i32>} : memref<2x256x64xf32, #tpu.memory_space<vmem>>, vector<16xf32>,
        %mul3A_857 = arith.constant 8.000000e+00 : f32
        %mul3A_858 = vector.broadcast %mul3A_857 : f32 to vector<16xf32>
        %mul3A_859 = arith.mulf %get3A_856, %mul3A_858 : vector<16xf32>
        %iota3A_860 = tpu.iota {dimensions = array<i32: 0>} : vector<16xi32>
        %add3A_861 = arith.constant 48 : i32
        %add3A_862 = vector.broadcast %add3A_861 : i32 to vector<16xi32>
        %add3A_863 = arith.addi %iota3A_860, %add3A_862 : vector<16xi32>
        %broadcast_in_dim3A_864 = vector.broadcast %scan3A_800 : i32 to vector<16xi32>
        %scatter3A_865 = arith.constant 0 : i32
        %scatter3A_866 = arith.constant 0 : i32
        %scatter3A_867 = tpu.memref_slice %arg7[%scan3A_118, %scatter3A_865, %scatter3A_866] : memref<2x64x257xf32, #tpu.memory_space<vmem>> -> memref<1x64x257xf32, #tpu.memory_space<vmem>>
        %scatter3A_868 = tpu.memref_squeeze %scatter3A_867 : memref<1x64x257xf32, #tpu.memory_space<vmem>> -> memref<64x257xf32, #tpu.memory_space<vmem>>
        tpu.vector_store_idx %scatter3A_868[%add3A_863, %broadcast_in_dim3A_864], %mul3A_859 : memref<64x257xf32, #tpu.memory_space<vmem>>[vector<16xi32>, vector<16xi32>], vector<16xf32>,
        %scan3A_869 = arith.constant 10 : i32
        %scan3A_870 = arith.addi %scan3A_174, %scan3A_869 : i32
        %get3A_871 = arith.constant 0 : i32
        %get3A_872 = arith.index_cast %get3A_871 : i32 to index
        %get3A_873 = arith.index_cast %scan3A_870 : i32 to index
        %get3A_874 = arith.constant 0 : index
        %get3A_875 = tpu.vector_load %arg6[%get3A_872, %get3A_873, %get3A_874] {strides = array<i32>} : memref<2x256x64xf32, #tpu.memory_space<vmem>>, vector<16xf32>,
        %mul3A_876 = arith.constant 8.000000e+00 : f32
        %mul3A_877 = vector.broadcast %mul3A_876 : f32 to vector<16xf32>
        %mul3A_878 = arith.mulf %get3A_875, %mul3A_877 : vector<16xf32>
        %iota3A_879 = tpu.iota {dimensions = array<i32: 0>} : vector<16xi32>
        %add3A_880 = arith.constant 0 : i32
        %add3A_881 = vector.broadcast %add3A_880 : i32 to vector<16xi32>
        %add3A_882 = arith.addi %iota3A_879, %add3A_881 : vector<16xi32>
        %broadcast_in_dim3A_883 = vector.broadcast %scan3A_870 : i32 to vector<16xi32>
        %scatter3A_884 = arith.constant 0 : i32
        %scatter3A_885 = arith.constant 0 : i32
        %scatter3A_886 = tpu.memref_slice %arg7[%scan3A_118, %scatter3A_884, %scatter3A_885] : memref<2x64x257xf32, #tpu.memory_space<vmem>> -> memref<1x64x257xf32, #tpu.memory_space<vmem>>
        %scatter3A_887 = tpu.memref_squeeze %scatter3A_886 : memref<1x64x257xf32, #tpu.memory_space<vmem>> -> memref<64x257xf32, #tpu.memory_space<vmem>>
        tpu.vector_store_idx %scatter3A_887[%add3A_882, %broadcast_in_dim3A_883], %mul3A_878 : memref<64x257xf32, #tpu.memory_space<vmem>>[vector<16xi32>, vector<16xi32>], vector<16xf32>,
        %get3A_888 = arith.constant 0 : i32
        %get3A_889 = arith.index_cast %get3A_888 : i32 to index
        %get3A_890 = arith.index_cast %scan3A_870 : i32 to index
        %get3A_891 = arith.constant 16 : index
        %get3A_892 = tpu.vector_load %arg6[%get3A_889, %get3A_890, %get3A_891] {strides = array<i32>} : memref<2x256x64xf32, #tpu.memory_space<vmem>>, vector<16xf32>,
        %mul3A_893 = arith.constant 8.000000e+00 : f32
        %mul3A_894 = vector.broadcast %mul3A_893 : f32 to vector<16xf32>
        %mul3A_895 = arith.mulf %get3A_892, %mul3A_894 : vector<16xf32>
        %iota3A_896 = tpu.iota {dimensions = array<i32: 0>} : vector<16xi32>
        %add3A_897 = arith.constant 16 : i32
        %add3A_898 = vector.broadcast %add3A_897 : i32 to vector<16xi32>
        %add3A_899 = arith.addi %iota3A_896, %add3A_898 : vector<16xi32>
        %broadcast_in_dim3A_900 = vector.broadcast %scan3A_870 : i32 to vector<16xi32>
        %scatter3A_901 = arith.constant 0 : i32
        %scatter3A_902 = arith.constant 0 : i32
        %scatter3A_903 = tpu.memref_slice %arg7[%scan3A_118, %scatter3A_901, %scatter3A_902] : memref<2x64x257xf32, #tpu.memory_space<vmem>> -> memref<1x64x257xf32, #tpu.memory_space<vmem>>
        %scatter3A_904 = tpu.memref_squeeze %scatter3A_903 : memref<1x64x257xf32, #tpu.memory_space<vmem>> -> memref<64x257xf32, #tpu.memory_space<vmem>>
        tpu.vector_store_idx %scatter3A_904[%add3A_899, %broadcast_in_dim3A_900], %mul3A_895 : memref<64x257xf32, #tpu.memory_space<vmem>>[vector<16xi32>, vector<16xi32>], vector<16xf32>,
        %get3A_905 = arith.constant 0 : i32
        %get3A_906 = arith.index_cast %get3A_905 : i32 to index
        %get3A_907 = arith.index_cast %scan3A_870 : i32 to index
        %get3A_908 = arith.constant 32 : index
        %get3A_909 = tpu.vector_load %arg6[%get3A_906, %get3A_907, %get3A_908] {strides = array<i32>} : memref<2x256x64xf32, #tpu.memory_space<vmem>>, vector<16xf32>,
        %mul3A_910 = arith.constant 8.000000e+00 : f32
        %mul3A_911 = vector.broadcast %mul3A_910 : f32 to vector<16xf32>
        %mul3A_912 = arith.mulf %get3A_909, %mul3A_911 : vector<16xf32>
        %iota3A_913 = tpu.iota {dimensions = array<i32: 0>} : vector<16xi32>
        %add3A_914 = arith.constant 32 : i32
        %add3A_915 = vector.broadcast %add3A_914 : i32 to vector<16xi32>
        %add3A_916 = arith.addi %iota3A_913, %add3A_915 : vector<16xi32>
        %broadcast_in_dim3A_917 = vector.broadcast %scan3A_870 : i32 to vector<16xi32>
        %scatter3A_918 = arith.constant 0 : i32
        %scatter3A_919 = arith.constant 0 : i32
        %scatter3A_920 = tpu.memref_slice %arg7[%scan3A_118, %scatter3A_918, %scatter3A_919] : memref<2x64x257xf32, #tpu.memory_space<vmem>> -> memref<1x64x257xf32, #tpu.memory_space<vmem>>
        %scatter3A_921 = tpu.memref_squeeze %scatter3A_920 : memref<1x64x257xf32, #tpu.memory_space<vmem>> -> memref<64x257xf32, #tpu.memory_space<vmem>>
        tpu.vector_store_idx %scatter3A_921[%add3A_916, %broadcast_in_dim3A_917], %mul3A_912 : memref<64x257xf32, #tpu.memory_space<vmem>>[vector<16xi32>, vector<16xi32>], vector<16xf32>,
        %get3A_922 = arith.constant 0 : i32
        %get3A_923 = arith.index_cast %get3A_922 : i32 to index
        %get3A_924 = arith.index_cast %scan3A_870 : i32 to index
        %get3A_925 = arith.constant 48 : index
        %get3A_926 = tpu.vector_load %arg6[%get3A_923, %get3A_924, %get3A_925] {strides = array<i32>} : memref<2x256x64xf32, #tpu.memory_space<vmem>>, vector<16xf32>,
        %mul3A_927 = arith.constant 8.000000e+00 : f32
        %mul3A_928 = vector.broadcast %mul3A_927 : f32 to vector<16xf32>
        %mul3A_929 = arith.mulf %get3A_926, %mul3A_928 : vector<16xf32>
        %iota3A_930 = tpu.iota {dimensions = array<i32: 0>} : vector<16xi32>
        %add3A_931 = arith.constant 48 : i32
        %add3A_932 = vector.broadcast %add3A_931 : i32 to vector<16xi32>
        %add3A_933 = arith.addi %iota3A_930, %add3A_932 : vector<16xi32>
        %broadcast_in_dim3A_934 = vector.broadcast %scan3A_870 : i32 to vector<16xi32>
        %scatter3A_935 = arith.constant 0 : i32
        %scatter3A_936 = arith.constant 0 : i32
        %scatter3A_937 = tpu.memref_slice %arg7[%scan3A_118, %scatter3A_935, %scatter3A_936] : memref<2x64x257xf32, #tpu.memory_space<vmem>> -> memref<1x64x257xf32, #tpu.memory_space<vmem>>
        %scatter3A_938 = tpu.memref_squeeze %scatter3A_937 : memref<1x64x257xf32, #tpu.memory_space<vmem>> -> memref<64x257xf32, #tpu.memory_space<vmem>>
        tpu.vector_store_idx %scatter3A_938[%add3A_933, %broadcast_in_dim3A_934], %mul3A_929 : memref<64x257xf32, #tpu.memory_space<vmem>>[vector<16xi32>, vector<16xi32>], vector<16xf32>,
        %scan3A_939 = arith.constant 11 : i32
        %scan3A_940 = arith.addi %scan3A_174, %scan3A_939 : i32
        %get3A_941 = arith.constant 0 : i32
        %get3A_942 = arith.index_cast %get3A_941 : i32 to index
        %get3A_943 = arith.index_cast %scan3A_940 : i32 to index
        %get3A_944 = arith.constant 0 : index
        %get3A_945 = tpu.vector_load %arg6[%get3A_942, %get3A_943, %get3A_944] {strides = array<i32>} : memref<2x256x64xf32, #tpu.memory_space<vmem>>, vector<16xf32>,
        %mul3A_946 = arith.constant 8.000000e+00 : f32
        %mul3A_947 = vector.broadcast %mul3A_946 : f32 to vector<16xf32>
        %mul3A_948 = arith.mulf %get3A_945, %mul3A_947 : vector<16xf32>
        %iota3A_949 = tpu.iota {dimensions = array<i32: 0>} : vector<16xi32>
        %add3A_950 = arith.constant 0 : i32
        %add3A_951 = vector.broadcast %add3A_950 : i32 to vector<16xi32>
        %add3A_952 = arith.addi %iota3A_949, %add3A_951 : vector<16xi32>
        %broadcast_in_dim3A_953 = vector.broadcast %scan3A_940 : i32 to vector<16xi32>
        %scatter3A_954 = arith.constant 0 : i32
        %scatter3A_955 = arith.constant 0 : i32
        %scatter3A_956 = tpu.memref_slice %arg7[%scan3A_118, %scatter3A_954, %scatter3A_955] : memref<2x64x257xf32, #tpu.memory_space<vmem>> -> memref<1x64x257xf32, #tpu.memory_space<vmem>>
        %scatter3A_957 = tpu.memref_squeeze %scatter3A_956 : memref<1x64x257xf32, #tpu.memory_space<vmem>> -> memref<64x257xf32, #tpu.memory_space<vmem>>
        tpu.vector_store_idx %scatter3A_957[%add3A_952, %broadcast_in_dim3A_953], %mul3A_948 : memref<64x257xf32, #tpu.memory_space<vmem>>[vector<16xi32>, vector<16xi32>], vector<16xf32>,
        %get3A_958 = arith.constant 0 : i32
        %get3A_959 = arith.index_cast %get3A_958 : i32 to index
        %get3A_960 = arith.index_cast %scan3A_940 : i32 to index
        %get3A_961 = arith.constant 16 : index
        %get3A_962 = tpu.vector_load %arg6[%get3A_959, %get3A_960, %get3A_961] {strides = array<i32>} : memref<2x256x64xf32, #tpu.memory_space<vmem>>, vector<16xf32>,
        %mul3A_963 = arith.constant 8.000000e+00 : f32
        %mul3A_964 = vector.broadcast %mul3A_963 : f32 to vector<16xf32>
        %mul3A_965 = arith.mulf %get3A_962, %mul3A_964 : vector<16xf32>
        %iota3A_966 = tpu.iota {dimensions = array<i32: 0>} : vector<16xi32>
        %add3A_967 = arith.constant 16 : i32
        %add3A_968 = vector.broadcast %add3A_967 : i32 to vector<16xi32>
        %add3A_969 = arith.addi %iota3A_966, %add3A_968 : vector<16xi32>
        %broadcast_in_dim3A_970 = vector.broadcast %scan3A_940 : i32 to vector<16xi32>
        %scatter3A_971 = arith.constant 0 : i32
        %scatter3A_972 = arith.constant 0 : i32
        %scatter3A_973 = tpu.memref_slice %arg7[%scan3A_118, %scatter3A_971, %scatter3A_972] : memref<2x64x257xf32, #tpu.memory_space<vmem>> -> memref<1x64x257xf32, #tpu.memory_space<vmem>>
        %scatter3A_974 = tpu.memref_squeeze %scatter3A_973 : memref<1x64x257xf32, #tpu.memory_space<vmem>> -> memref<64x257xf32, #tpu.memory_space<vmem>>
        tpu.vector_store_idx %scatter3A_974[%add3A_969, %broadcast_in_dim3A_970], %mul3A_965 : memref<64x257xf32, #tpu.memory_space<vmem>>[vector<16xi32>, vector<16xi32>], vector<16xf32>,
        %get3A_975 = arith.constant 0 : i32
        %get3A_976 = arith.index_cast %get3A_975 : i32 to index
        %get3A_977 = arith.index_cast %scan3A_940 : i32 to index
        %get3A_978 = arith.constant 32 : index
        %get3A_979 = tpu.vector_load %arg6[%get3A_976, %get3A_977, %get3A_978] {strides = array<i32>} : memref<2x256x64xf32, #tpu.memory_space<vmem>>, vector<16xf32>,
        %mul3A_980 = arith.constant 8.000000e+00 : f32
        %mul3A_981 = vector.broadcast %mul3A_980 : f32 to vector<16xf32>
        %mul3A_982 = arith.mulf %get3A_979, %mul3A_981 : vector<16xf32>
        %iota3A_983 = tpu.iota {dimensions = array<i32: 0>} : vector<16xi32>
        %add3A_984 = arith.constant 32 : i32
        %add3A_985 = vector.broadcast %add3A_984 : i32 to vector<16xi32>
        %add3A_986 = arith.addi %iota3A_983, %add3A_985 : vector<16xi32>
        %broadcast_in_dim3A_987 = vector.broadcast %scan3A_940 : i32 to vector<16xi32>
        %scatter3A_988 = arith.constant 0 : i32
        %scatter3A_989 = arith.constant 0 : i32
        %scatter3A_990 = tpu.memref_slice %arg7[%scan3A_118, %scatter3A_988, %scatter3A_989] : memref<2x64x257xf32, #tpu.memory_space<vmem>> -> memref<1x64x257xf32, #tpu.memory_space<vmem>>
        %scatter3A_991 = tpu.memref_squeeze %scatter3A_990 : memref<1x64x257xf32, #tpu.memory_space<vmem>> -> memref<64x257xf32, #tpu.memory_space<vmem>>
        tpu.vector_store_idx %scatter3A_991[%add3A_986, %broadcast_in_dim3A_987], %mul3A_982 : memref<64x257xf32, #tpu.memory_space<vmem>>[vector<16xi32>, vector<16xi32>], vector<16xf32>,
        %get3A_992 = arith.constant 0 : i32
        %get3A_993 = arith.index_cast %get3A_992 : i32 to index
        %get3A_994 = arith.index_cast %scan3A_940 : i32 to index
        %get3A_995 = arith.constant 48 : index
        %get3A_996 = tpu.vector_load %arg6[%get3A_993, %get3A_994, %get3A_995] {strides = array<i32>} : memref<2x256x64xf32, #tpu.memory_space<vmem>>, vector<16xf32>,
        %mul3A_997 = arith.constant 8.000000e+00 : f32
        %mul3A_998 = vector.broadcast %mul3A_997 : f32 to vector<16xf32>
        %mul3A_999 = arith.mulf %get3A_996, %mul3A_998 : vector<16xf32>
        %iota3A_1000 = tpu.iota {dimensions = array<i32: 0>} : vector<16xi32>
        %add3A_1001 = arith.constant 48 : i32
        %add3A_1002 = vector.broadcast %add3A_1001 : i32 to vector<16xi32>
        %add3A_1003 = arith.addi %iota3A_1000, %add3A_1002 : vector<16xi32>
        %broadcast_in_dim3A_1004 = vector.broadcast %scan3A_940 : i32 to vector<16xi32>
        %scatter3A_1005 = arith.constant 0 : i32
        %scatter3A_1006 = arith.constant 0 : i32
        %scatter3A_1007 = tpu.memref_slice %arg7[%scan3A_118, %scatter3A_1005, %scatter3A_1006] : memref<2x64x257xf32, #tpu.memory_space<vmem>> -> memref<1x64x257xf32, #tpu.memory_space<vmem>>
        %scatter3A_1008 = tpu.memref_squeeze %scatter3A_1007 : memref<1x64x257xf32, #tpu.memory_space<vmem>> -> memref<64x257xf32, #tpu.memory_space<vmem>>
        tpu.vector_store_idx %scatter3A_1008[%add3A_1003, %broadcast_in_dim3A_1004], %mul3A_999 : memref<64x257xf32, #tpu.memory_space<vmem>>[vector<16xi32>, vector<16xi32>], vector<16xf32>,
        %scan3A_1009 = arith.constant 12 : i32
        %scan3A_1010 = arith.addi %scan3A_174, %scan3A_1009 : i32
        %get3A_1011 = arith.constant 0 : i32
        %get3A_1012 = arith.index_cast %get3A_1011 : i32 to index
        %get3A_1013 = arith.index_cast %scan3A_1010 : i32 to index
        %get3A_1014 = arith.constant 0 : index
        %get3A_1015 = tpu.vector_load %arg6[%get3A_1012, %get3A_1013, %get3A_1014] {strides = array<i32>} : memref<2x256x64xf32, #tpu.memory_space<vmem>>, vector<16xf32>,
        %mul3A_1016 = arith.constant 8.000000e+00 : f32
        %mul3A_1017 = vector.broadcast %mul3A_1016 : f32 to vector<16xf32>
        %mul3A_1018 = arith.mulf %get3A_1015, %mul3A_1017 : vector<16xf32>
        %iota3A_1019 = tpu.iota {dimensions = array<i32: 0>} : vector<16xi32>
        %add3A_1020 = arith.constant 0 : i32
        %add3A_1021 = vector.broadcast %add3A_1020 : i32 to vector<16xi32>
        %add3A_1022 = arith.addi %iota3A_1019, %add3A_1021 : vector<16xi32>
        %broadcast_in_dim3A_1023 = vector.broadcast %scan3A_1010 : i32 to vector<16xi32>
        %scatter3A_1024 = arith.constant 0 : i32
        %scatter3A_1025 = arith.constant 0 : i32
        %scatter3A_1026 = tpu.memref_slice %arg7[%scan3A_118, %scatter3A_1024, %scatter3A_1025] : memref<2x64x257xf32, #tpu.memory_space<vmem>> -> memref<1x64x257xf32, #tpu.memory_space<vmem>>
        %scatter3A_1027 = tpu.memref_squeeze %scatter3A_1026 : memref<1x64x257xf32, #tpu.memory_space<vmem>> -> memref<64x257xf32, #tpu.memory_space<vmem>>
        tpu.vector_store_idx %scatter3A_1027[%add3A_1022, %broadcast_in_dim3A_1023], %mul3A_1018 : memref<64x257xf32, #tpu.memory_space<vmem>>[vector<16xi32>, vector<16xi32>], vector<16xf32>,
        %get3A_1028 = arith.constant 0 : i32
        %get3A_1029 = arith.index_cast %get3A_1028 : i32 to index
        %get3A_1030 = arith.index_cast %scan3A_1010 : i32 to index
        %get3A_1031 = arith.constant 16 : index
        %get3A_1032 = tpu.vector_load %arg6[%get3A_1029, %get3A_1030, %get3A_1031] {strides = array<i32>} : memref<2x256x64xf32, #tpu.memory_space<vmem>>, vector<16xf32>,
        %mul3A_1033 = arith.constant 8.000000e+00 : f32
        %mul3A_1034 = vector.broadcast %mul3A_1033 : f32 to vector<16xf32>
        %mul3A_1035 = arith.mulf %get3A_1032, %mul3A_1034 : vector<16xf32>
        %iota3A_1036 = tpu.iota {dimensions = array<i32: 0>} : vector<16xi32>
        %add3A_1037 = arith.constant 16 : i32
        %add3A_1038 = vector.broadcast %add3A_1037 : i32 to vector<16xi32>
        %add3A_1039 = arith.addi %iota3A_1036, %add3A_1038 : vector<16xi32>
        %broadcast_in_dim3A_1040 = vector.broadcast %scan3A_1010 : i32 to vector<16xi32>
        %scatter3A_1041 = arith.constant 0 : i32
        %scatter3A_1042 = arith.constant 0 : i32
        %scatter3A_1043 = tpu.memref_slice %arg7[%scan3A_118, %scatter3A_1041, %scatter3A_1042] : memref<2x64x257xf32, #tpu.memory_space<vmem>> -> memref<1x64x257xf32, #tpu.memory_space<vmem>>
        %scatter3A_1044 = tpu.memref_squeeze %scatter3A_1043 : memref<1x64x257xf32, #tpu.memory_space<vmem>> -> memref<64x257xf32, #tpu.memory_space<vmem>>
        tpu.vector_store_idx %scatter3A_1044[%add3A_1039, %broadcast_in_dim3A_1040], %mul3A_1035 : memref<64x257xf32, #tpu.memory_space<vmem>>[vector<16xi32>, vector<16xi32>], vector<16xf32>,
        %get3A_1045 = arith.constant 0 : i32
        %get3A_1046 = arith.index_cast %get3A_1045 : i32 to index
        %get3A_1047 = arith.index_cast %scan3A_1010 : i32 to index
        %get3A_1048 = arith.constant 32 : index
        %get3A_1049 = tpu.vector_load %arg6[%get3A_1046, %get3A_1047, %get3A_1048] {strides = array<i32>} : memref<2x256x64xf32, #tpu.memory_space<vmem>>, vector<16xf32>,
        %mul3A_1050 = arith.constant 8.000000e+00 : f32
        %mul3A_1051 = vector.broadcast %mul3A_1050 : f32 to vector<16xf32>
        %mul3A_1052 = arith.mulf %get3A_1049, %mul3A_1051 : vector<16xf32>
        %iota3A_1053 = tpu.iota {dimensions = array<i32: 0>} : vector<16xi32>
        %add3A_1054 = arith.constant 32 : i32
        %add3A_1055 = vector.broadcast %add3A_1054 : i32 to vector<16xi32>
        %add3A_1056 = arith.addi %iota3A_1053, %add3A_1055 : vector<16xi32>
        %broadcast_in_dim3A_1057 = vector.broadcast %scan3A_1010 : i32 to vector<16xi32>
        %scatter3A_1058 = arith.constant 0 : i32
        %scatter3A_1059 = arith.constant 0 : i32
        %scatter3A_1060 = tpu.memref_slice %arg7[%scan3A_118, %scatter3A_1058, %scatter3A_1059] : memref<2x64x257xf32, #tpu.memory_space<vmem>> -> memref<1x64x257xf32, #tpu.memory_space<vmem>>
        %scatter3A_1061 = tpu.memref_squeeze %scatter3A_1060 : memref<1x64x257xf32, #tpu.memory_space<vmem>> -> memref<64x257xf32, #tpu.memory_space<vmem>>
        tpu.vector_store_idx %scatter3A_1061[%add3A_1056, %broadcast_in_dim3A_1057], %mul3A_1052 : memref<64x257xf32, #tpu.memory_space<vmem>>[vector<16xi32>, vector<16xi32>], vector<16xf32>,
        %get3A_1062 = arith.constant 0 : i32
        %get3A_1063 = arith.index_cast %get3A_1062 : i32 to index
        %get3A_1064 = arith.index_cast %scan3A_1010 : i32 to index
        %get3A_1065 = arith.constant 48 : index
        %get3A_1066 = tpu.vector_load %arg6[%get3A_1063, %get3A_1064, %get3A_1065] {strides = array<i32>} : memref<2x256x64xf32, #tpu.memory_space<vmem>>, vector<16xf32>,
        %mul3A_1067 = arith.constant 8.000000e+00 : f32
        %mul3A_1068 = vector.broadcast %mul3A_1067 : f32 to vector<16xf32>
        %mul3A_1069 = arith.mulf %get3A_1066, %mul3A_1068 : vector<16xf32>
        %iota3A_1070 = tpu.iota {dimensions = array<i32: 0>} : vector<16xi32>
        %add3A_1071 = arith.constant 48 : i32
        %add3A_1072 = vector.broadcast %add3A_1071 : i32 to vector<16xi32>
        %add3A_1073 = arith.addi %iota3A_1070, %add3A_1072 : vector<16xi32>
        %broadcast_in_dim3A_1074 = vector.broadcast %scan3A_1010 : i32 to vector<16xi32>
        %scatter3A_1075 = arith.constant 0 : i32
        %scatter3A_1076 = arith.constant 0 : i32
        %scatter3A_1077 = tpu.memref_slice %arg7[%scan3A_118, %scatter3A_1075, %scatter3A_1076] : memref<2x64x257xf32, #tpu.memory_space<vmem>> -> memref<1x64x257xf32, #tpu.memory_space<vmem>>
        %scatter3A_1078 = tpu.memref_squeeze %scatter3A_1077 : memref<1x64x257xf32, #tpu.memory_space<vmem>> -> memref<64x257xf32, #tpu.memory_space<vmem>>
        tpu.vector_store_idx %scatter3A_1078[%add3A_1073, %broadcast_in_dim3A_1074], %mul3A_1069 : memref<64x257xf32, #tpu.memory_space<vmem>>[vector<16xi32>, vector<16xi32>], vector<16xf32>,
        %scan3A_1079 = arith.constant 13 : i32
        %scan3A_1080 = arith.addi %scan3A_174, %scan3A_1079 : i32
        %get3A_1081 = arith.constant 0 : i32
        %get3A_1082 = arith.index_cast %get3A_1081 : i32 to index
        %get3A_1083 = arith.index_cast %scan3A_1080 : i32 to index
        %get3A_1084 = arith.constant 0 : index
        %get3A_1085 = tpu.vector_load %arg6[%get3A_1082, %get3A_1083, %get3A_1084] {strides = array<i32>} : memref<2x256x64xf32, #tpu.memory_space<vmem>>, vector<16xf32>,
        %mul3A_1086 = arith.constant 8.000000e+00 : f32
        %mul3A_1087 = vector.broadcast %mul3A_1086 : f32 to vector<16xf32>
        %mul3A_1088 = arith.mulf %get3A_1085, %mul3A_1087 : vector<16xf32>
        %iota3A_1089 = tpu.iota {dimensions = array<i32: 0>} : vector<16xi32>
        %add3A_1090 = arith.constant 0 : i32
        %add3A_1091 = vector.broadcast %add3A_1090 : i32 to vector<16xi32>
        %add3A_1092 = arith.addi %iota3A_1089, %add3A_1091 : vector<16xi32>
        %broadcast_in_dim3A_1093 = vector.broadcast %scan3A_1080 : i32 to vector<16xi32>
        %scatter3A_1094 = arith.constant 0 : i32
        %scatter3A_1095 = arith.constant 0 : i32
        %scatter3A_1096 = tpu.memref_slice %arg7[%scan3A_118, %scatter3A_1094, %scatter3A_1095] : memref<2x64x257xf32, #tpu.memory_space<vmem>> -> memref<1x64x257xf32, #tpu.memory_space<vmem>>
        %scatter3A_1097 = tpu.memref_squeeze %scatter3A_1096 : memref<1x64x257xf32, #tpu.memory_space<vmem>> -> memref<64x257xf32, #tpu.memory_space<vmem>>
        tpu.vector_store_idx %scatter3A_1097[%add3A_1092, %broadcast_in_dim3A_1093], %mul3A_1088 : memref<64x257xf32, #tpu.memory_space<vmem>>[vector<16xi32>, vector<16xi32>], vector<16xf32>,
        %get3A_1098 = arith.constant 0 : i32
        %get3A_1099 = arith.index_cast %get3A_1098 : i32 to index
        %get3A_1100 = arith.index_cast %scan3A_1080 : i32 to index
        %get3A_1101 = arith.constant 16 : index
        %get3A_1102 = tpu.vector_load %arg6[%get3A_1099, %get3A_1100, %get3A_1101] {strides = array<i32>} : memref<2x256x64xf32, #tpu.memory_space<vmem>>, vector<16xf32>,
        %mul3A_1103 = arith.constant 8.000000e+00 : f32
        %mul3A_1104 = vector.broadcast %mul3A_1103 : f32 to vector<16xf32>
        %mul3A_1105 = arith.mulf %get3A_1102, %mul3A_1104 : vector<16xf32>
        %iota3A_1106 = tpu.iota {dimensions = array<i32: 0>} : vector<16xi32>
        %add3A_1107 = arith.constant 16 : i32
        %add3A_1108 = vector.broadcast %add3A_1107 : i32 to vector<16xi32>
        %add3A_1109 = arith.addi %iota3A_1106, %add3A_1108 : vector<16xi32>
        %broadcast_in_dim3A_1110 = vector.broadcast %scan3A_1080 : i32 to vector<16xi32>
        %scatter3A_1111 = arith.constant 0 : i32
        %scatter3A_1112 = arith.constant 0 : i32
        %scatter3A_1113 = tpu.memref_slice %arg7[%scan3A_118, %scatter3A_1111, %scatter3A_1112] : memref<2x64x257xf32, #tpu.memory_space<vmem>> -> memref<1x64x257xf32, #tpu.memory_space<vmem>>
        %scatter3A_1114 = tpu.memref_squeeze %scatter3A_1113 : memref<1x64x257xf32, #tpu.memory_space<vmem>> -> memref<64x257xf32, #tpu.memory_space<vmem>>
        tpu.vector_store_idx %scatter3A_1114[%add3A_1109, %broadcast_in_dim3A_1110], %mul3A_1105 : memref<64x257xf32, #tpu.memory_space<vmem>>[vector<16xi32>, vector<16xi32>], vector<16xf32>,
        %get3A_1115 = arith.constant 0 : i32
        %get3A_1116 = arith.index_cast %get3A_1115 : i32 to index
        %get3A_1117 = arith.index_cast %scan3A_1080 : i32 to index
        %get3A_1118 = arith.constant 32 : index
        %get3A_1119 = tpu.vector_load %arg6[%get3A_1116, %get3A_1117, %get3A_1118] {strides = array<i32>} : memref<2x256x64xf32, #tpu.memory_space<vmem>>, vector<16xf32>,
        %mul3A_1120 = arith.constant 8.000000e+00 : f32
        %mul3A_1121 = vector.broadcast %mul3A_1120 : f32 to vector<16xf32>
        %mul3A_1122 = arith.mulf %get3A_1119, %mul3A_1121 : vector<16xf32>
        %iota3A_1123 = tpu.iota {dimensions = array<i32: 0>} : vector<16xi32>
        %add3A_1124 = arith.constant 32 : i32
        %add3A_1125 = vector.broadcast %add3A_1124 : i32 to vector<16xi32>
        %add3A_1126 = arith.addi %iota3A_1123, %add3A_1125 : vector<16xi32>
        %broadcast_in_dim3A_1127 = vector.broadcast %scan3A_1080 : i32 to vector<16xi32>
        %scatter3A_1128 = arith.constant 0 : i32
        %scatter3A_1129 = arith.constant 0 : i32
        %scatter3A_1130 = tpu.memref_slice %arg7[%scan3A_118, %scatter3A_1128, %scatter3A_1129] : memref<2x64x257xf32, #tpu.memory_space<vmem>> -> memref<1x64x257xf32, #tpu.memory_space<vmem>>
        %scatter3A_1131 = tpu.memref_squeeze %scatter3A_1130 : memref<1x64x257xf32, #tpu.memory_space<vmem>> -> memref<64x257xf32, #tpu.memory_space<vmem>>
        tpu.vector_store_idx %scatter3A_1131[%add3A_1126, %broadcast_in_dim3A_1127], %mul3A_1122 : memref<64x257xf32, #tpu.memory_space<vmem>>[vector<16xi32>, vector<16xi32>], vector<16xf32>,
        %get3A_1132 = arith.constant 0 : i32
        %get3A_1133 = arith.index_cast %get3A_1132 : i32 to index
        %get3A_1134 = arith.index_cast %scan3A_1080 : i32 to index
        %get3A_1135 = arith.constant 48 : index
        %get3A_1136 = tpu.vector_load %arg6[%get3A_1133, %get3A_1134, %get3A_1135] {strides = array<i32>} : memref<2x256x64xf32, #tpu.memory_space<vmem>>, vector<16xf32>,
        %mul3A_1137 = arith.constant 8.000000e+00 : f32
        %mul3A_1138 = vector.broadcast %mul3A_1137 : f32 to vector<16xf32>
        %mul3A_1139 = arith.mulf %get3A_1136, %mul3A_1138 : vector<16xf32>
        %iota3A_1140 = tpu.iota {dimensions = array<i32: 0>} : vector<16xi32>
        %add3A_1141 = arith.constant 48 : i32
        %add3A_1142 = vector.broadcast %add3A_1141 : i32 to vector<16xi32>
        %add3A_1143 = arith.addi %iota3A_1140, %add3A_1142 : vector<16xi32>
        %broadcast_in_dim3A_1144 = vector.broadcast %scan3A_1080 : i32 to vector<16xi32>
        %scatter3A_1145 = arith.constant 0 : i32
        %scatter3A_1146 = arith.constant 0 : i32
        %scatter3A_1147 = tpu.memref_slice %arg7[%scan3A_118, %scatter3A_1145, %scatter3A_1146] : memref<2x64x257xf32, #tpu.memory_space<vmem>> -> memref<1x64x257xf32, #tpu.memory_space<vmem>>
        %scatter3A_1148 = tpu.memref_squeeze %scatter3A_1147 : memref<1x64x257xf32, #tpu.memory_space<vmem>> -> memref<64x257xf32, #tpu.memory_space<vmem>>
        tpu.vector_store_idx %scatter3A_1148[%add3A_1143, %broadcast_in_dim3A_1144], %mul3A_1139 : memref<64x257xf32, #tpu.memory_space<vmem>>[vector<16xi32>, vector<16xi32>], vector<16xf32>,
        %scan3A_1149 = arith.constant 14 : i32
        %scan3A_1150 = arith.addi %scan3A_174, %scan3A_1149 : i32
        %get3A_1151 = arith.constant 0 : i32
        %get3A_1152 = arith.index_cast %get3A_1151 : i32 to index
        %get3A_1153 = arith.index_cast %scan3A_1150 : i32 to index
        %get3A_1154 = arith.constant 0 : index
        %get3A_1155 = tpu.vector_load %arg6[%get3A_1152, %get3A_1153, %get3A_1154] {strides = array<i32>} : memref<2x256x64xf32, #tpu.memory_space<vmem>>, vector<16xf32>,
        %mul3A_1156 = arith.constant 8.000000e+00 : f32
        %mul3A_1157 = vector.broadcast %mul3A_1156 : f32 to vector<16xf32>
        %mul3A_1158 = arith.mulf %get3A_1155, %mul3A_1157 : vector<16xf32>
        %iota3A_1159 = tpu.iota {dimensions = array<i32: 0>} : vector<16xi32>
        %add3A_1160 = arith.constant 0 : i32
        %add3A_1161 = vector.broadcast %add3A_1160 : i32 to vector<16xi32>
        %add3A_1162 = arith.addi %iota3A_1159, %add3A_1161 : vector<16xi32>
        %broadcast_in_dim3A_1163 = vector.broadcast %scan3A_1150 : i32 to vector<16xi32>
        %scatter3A_1164 = arith.constant 0 : i32
        %scatter3A_1165 = arith.constant 0 : i32
        %scatter3A_1166 = tpu.memref_slice %arg7[%scan3A_118, %scatter3A_1164, %scatter3A_1165] : memref<2x64x257xf32, #tpu.memory_space<vmem>> -> memref<1x64x257xf32, #tpu.memory_space<vmem>>
        %scatter3A_1167 = tpu.memref_squeeze %scatter3A_1166 : memref<1x64x257xf32, #tpu.memory_space<vmem>> -> memref<64x257xf32, #tpu.memory_space<vmem>>
        tpu.vector_store_idx %scatter3A_1167[%add3A_1162, %broadcast_in_dim3A_1163], %mul3A_1158 : memref<64x257xf32, #tpu.memory_space<vmem>>[vector<16xi32>, vector<16xi32>], vector<16xf32>,
        %get3A_1168 = arith.constant 0 : i32
        %get3A_1169 = arith.index_cast %get3A_1168 : i32 to index
        %get3A_1170 = arith.index_cast %scan3A_1150 : i32 to index
        %get3A_1171 = arith.constant 16 : index
        %get3A_1172 = tpu.vector_load %arg6[%get3A_1169, %get3A_1170, %get3A_1171] {strides = array<i32>} : memref<2x256x64xf32, #tpu.memory_space<vmem>>, vector<16xf32>,
        %mul3A_1173 = arith.constant 8.000000e+00 : f32
        %mul3A_1174 = vector.broadcast %mul3A_1173 : f32 to vector<16xf32>
        %mul3A_1175 = arith.mulf %get3A_1172, %mul3A_1174 : vector<16xf32>
        %iota3A_1176 = tpu.iota {dimensions = array<i32: 0>} : vector<16xi32>
        %add3A_1177 = arith.constant 16 : i32
        %add3A_1178 = vector.broadcast %add3A_1177 : i32 to vector<16xi32>
        %add3A_1179 = arith.addi %iota3A_1176, %add3A_1178 : vector<16xi32>
        %broadcast_in_dim3A_1180 = vector.broadcast %scan3A_1150 : i32 to vector<16xi32>
        %scatter3A_1181 = arith.constant 0 : i32
        %scatter3A_1182 = arith.constant 0 : i32
        %scatter3A_1183 = tpu.memref_slice %arg7[%scan3A_118, %scatter3A_1181, %scatter3A_1182] : memref<2x64x257xf32, #tpu.memory_space<vmem>> -> memref<1x64x257xf32, #tpu.memory_space<vmem>>
        %scatter3A_1184 = tpu.memref_squeeze %scatter3A_1183 : memref<1x64x257xf32, #tpu.memory_space<vmem>> -> memref<64x257xf32, #tpu.memory_space<vmem>>
        tpu.vector_store_idx %scatter3A_1184[%add3A_1179, %broadcast_in_dim3A_1180], %mul3A_1175 : memref<64x257xf32, #tpu.memory_space<vmem>>[vector<16xi32>, vector<16xi32>], vector<16xf32>,
        %get3A_1185 = arith.constant 0 : i32
        %get3A_1186 = arith.index_cast %get3A_1185 : i32 to index
        %get3A_1187 = arith.index_cast %scan3A_1150 : i32 to index
        %get3A_1188 = arith.constant 32 : index
        %get3A_1189 = tpu.vector_load %arg6[%get3A_1186, %get3A_1187, %get3A_1188] {strides = array<i32>} : memref<2x256x64xf32, #tpu.memory_space<vmem>>, vector<16xf32>,
        %mul3A_1190 = arith.constant 8.000000e+00 : f32
        %mul3A_1191 = vector.broadcast %mul3A_1190 : f32 to vector<16xf32>
        %mul3A_1192 = arith.mulf %get3A_1189, %mul3A_1191 : vector<16xf32>
        %iota3A_1193 = tpu.iota {dimensions = array<i32: 0>} : vector<16xi32>
        %add3A_1194 = arith.constant 32 : i32
        %add3A_1195 = vector.broadcast %add3A_1194 : i32 to vector<16xi32>
        %add3A_1196 = arith.addi %iota3A_1193, %add3A_1195 : vector<16xi32>
        %broadcast_in_dim3A_1197 = vector.broadcast %scan3A_1150 : i32 to vector<16xi32>
        %scatter3A_1198 = arith.constant 0 : i32
        %scatter3A_1199 = arith.constant 0 : i32
        %scatter3A_1200 = tpu.memref_slice %arg7[%scan3A_118, %scatter3A_1198, %scatter3A_1199] : memref<2x64x257xf32, #tpu.memory_space<vmem>> -> memref<1x64x257xf32, #tpu.memory_space<vmem>>
        %scatter3A_1201 = tpu.memref_squeeze %scatter3A_1200 : memref<1x64x257xf32, #tpu.memory_space<vmem>> -> memref<64x257xf32, #tpu.memory_space<vmem>>
        tpu.vector_store_idx %scatter3A_1201[%add3A_1196, %broadcast_in_dim3A_1197], %mul3A_1192 : memref<64x257xf32, #tpu.memory_space<vmem>>[vector<16xi32>, vector<16xi32>], vector<16xf32>,
        %get3A_1202 = arith.constant 0 : i32
        %get3A_1203 = arith.index_cast %get3A_1202 : i32 to index
        %get3A_1204 = arith.index_cast %scan3A_1150 : i32 to index
        %get3A_1205 = arith.constant 48 : index
        %get3A_1206 = tpu.vector_load %arg6[%get3A_1203, %get3A_1204, %get3A_1205] {strides = array<i32>} : memref<2x256x64xf32, #tpu.memory_space<vmem>>, vector<16xf32>,
        %mul3A_1207 = arith.constant 8.000000e+00 : f32
        %mul3A_1208 = vector.broadcast %mul3A_1207 : f32 to vector<16xf32>
        %mul3A_1209 = arith.mulf %get3A_1206, %mul3A_1208 : vector<16xf32>
        %iota3A_1210 = tpu.iota {dimensions = array<i32: 0>} : vector<16xi32>
        %add3A_1211 = arith.constant 48 : i32
        %add3A_1212 = vector.broadcast %add3A_1211 : i32 to vector<16xi32>
        %add3A_1213 = arith.addi %iota3A_1210, %add3A_1212 : vector<16xi32>
        %broadcast_in_dim3A_1214 = vector.broadcast %scan3A_1150 : i32 to vector<16xi32>
        %scatter3A_1215 = arith.constant 0 : i32
        %scatter3A_1216 = arith.constant 0 : i32
        %scatter3A_1217 = tpu.memref_slice %arg7[%scan3A_118, %scatter3A_1215, %scatter3A_1216] : memref<2x64x257xf32, #tpu.memory_space<vmem>> -> memref<1x64x257xf32, #tpu.memory_space<vmem>>
        %scatter3A_1218 = tpu.memref_squeeze %scatter3A_1217 : memref<1x64x257xf32, #tpu.memory_space<vmem>> -> memref<64x257xf32, #tpu.memory_space<vmem>>
        tpu.vector_store_idx %scatter3A_1218[%add3A_1213, %broadcast_in_dim3A_1214], %mul3A_1209 : memref<64x257xf32, #tpu.memory_space<vmem>>[vector<16xi32>, vector<16xi32>], vector<16xf32>,
        %scan3A_1219 = arith.constant 15 : i32
        %scan3A_1220 = arith.addi %scan3A_174, %scan3A_1219 : i32
        %get3A_1221 = arith.constant 0 : i32
        %get3A_1222 = arith.index_cast %get3A_1221 : i32 to index
        %get3A_1223 = arith.index_cast %scan3A_1220 : i32 to index
        %get3A_1224 = arith.constant 0 : index
        %get3A_1225 = tpu.vector_load %arg6[%get3A_1222, %get3A_1223, %get3A_1224] {strides = array<i32>} : memref<2x256x64xf32, #tpu.memory_space<vmem>>, vector<16xf32>,
        %mul3A_1226 = arith.constant 8.000000e+00 : f32
        %mul3A_1227 = vector.broadcast %mul3A_1226 : f32 to vector<16xf32>
        %mul3A_1228 = arith.mulf %get3A_1225, %mul3A_1227 : vector<16xf32>
        %iota3A_1229 = tpu.iota {dimensions = array<i32: 0>} : vector<16xi32>
        %add3A_1230 = arith.constant 0 : i32
        %add3A_1231 = vector.broadcast %add3A_1230 : i32 to vector<16xi32>
        %add3A_1232 = arith.addi %iota3A_1229, %add3A_1231 : vector<16xi32>
        %broadcast_in_dim3A_1233 = vector.broadcast %scan3A_1220 : i32 to vector<16xi32>
        %scatter3A_1234 = arith.constant 0 : i32
        %scatter3A_1235 = arith.constant 0 : i32
        %scatter3A_1236 = tpu.memref_slice %arg7[%scan3A_118, %scatter3A_1234, %scatter3A_1235] : memref<2x64x257xf32, #tpu.memory_space<vmem>> -> memref<1x64x257xf32, #tpu.memory_space<vmem>>
        %scatter3A_1237 = tpu.memref_squeeze %scatter3A_1236 : memref<1x64x257xf32, #tpu.memory_space<vmem>> -> memref<64x257xf32, #tpu.memory_space<vmem>>
        tpu.vector_store_idx %scatter3A_1237[%add3A_1232, %broadcast_in_dim3A_1233], %mul3A_1228 : memref<64x257xf32, #tpu.memory_space<vmem>>[vector<16xi32>, vector<16xi32>], vector<16xf32>,
        %get3A_1238 = arith.constant 0 : i32
        %get3A_1239 = arith.index_cast %get3A_1238 : i32 to index
        %get3A_1240 = arith.index_cast %scan3A_1220 : i32 to index
        %get3A_1241 = arith.constant 16 : index
        %get3A_1242 = tpu.vector_load %arg6[%get3A_1239, %get3A_1240, %get3A_1241] {strides = array<i32>} : memref<2x256x64xf32, #tpu.memory_space<vmem>>, vector<16xf32>,
        %mul3A_1243 = arith.constant 8.000000e+00 : f32
        %mul3A_1244 = vector.broadcast %mul3A_1243 : f32 to vector<16xf32>
        %mul3A_1245 = arith.mulf %get3A_1242, %mul3A_1244 : vector<16xf32>
        %iota3A_1246 = tpu.iota {dimensions = array<i32: 0>} : vector<16xi32>
        %add3A_1247 = arith.constant 16 : i32
        %add3A_1248 = vector.broadcast %add3A_1247 : i32 to vector<16xi32>
        %add3A_1249 = arith.addi %iota3A_1246, %add3A_1248 : vector<16xi32>
        %broadcast_in_dim3A_1250 = vector.broadcast %scan3A_1220 : i32 to vector<16xi32>
        %scatter3A_1251 = arith.constant 0 : i32
        %scatter3A_1252 = arith.constant 0 : i32
        %scatter3A_1253 = tpu.memref_slice %arg7[%scan3A_118, %scatter3A_1251, %scatter3A_1252] : memref<2x64x257xf32, #tpu.memory_space<vmem>> -> memref<1x64x257xf32, #tpu.memory_space<vmem>>
        %scatter3A_1254 = tpu.memref_squeeze %scatter3A_1253 : memref<1x64x257xf32, #tpu.memory_space<vmem>> -> memref<64x257xf32, #tpu.memory_space<vmem>>
        tpu.vector_store_idx %scatter3A_1254[%add3A_1249, %broadcast_in_dim3A_1250], %mul3A_1245 : memref<64x257xf32, #tpu.memory_space<vmem>>[vector<16xi32>, vector<16xi32>], vector<16xf32>,
        %get3A_1255 = arith.constant 0 : i32
        %get3A_1256 = arith.index_cast %get3A_1255 : i32 to index
        %get3A_1257 = arith.index_cast %scan3A_1220 : i32 to index
        %get3A_1258 = arith.constant 32 : index
        %get3A_1259 = tpu.vector_load %arg6[%get3A_1256, %get3A_1257, %get3A_1258] {strides = array<i32>} : memref<2x256x64xf32, #tpu.memory_space<vmem>>, vector<16xf32>,
        %mul3A_1260 = arith.constant 8.000000e+00 : f32
        %mul3A_1261 = vector.broadcast %mul3A_1260 : f32 to vector<16xf32>
        %mul3A_1262 = arith.mulf %get3A_1259, %mul3A_1261 : vector<16xf32>
        %iota3A_1263 = tpu.iota {dimensions = array<i32: 0>} : vector<16xi32>
        %add3A_1264 = arith.constant 32 : i32
        %add3A_1265 = vector.broadcast %add3A_1264 : i32 to vector<16xi32>
        %add3A_1266 = arith.addi %iota3A_1263, %add3A_1265 : vector<16xi32>
        %broadcast_in_dim3A_1267 = vector.broadcast %scan3A_1220 : i32 to vector<16xi32>
        %scatter3A_1268 = arith.constant 0 : i32
        %scatter3A_1269 = arith.constant 0 : i32
        %scatter3A_1270 = tpu.memref_slice %arg7[%scan3A_118, %scatter3A_1268, %scatter3A_1269] : memref<2x64x257xf32, #tpu.memory_space<vmem>> -> memref<1x64x257xf32, #tpu.memory_space<vmem>>
        %scatter3A_1271 = tpu.memref_squeeze %scatter3A_1270 : memref<1x64x257xf32, #tpu.memory_space<vmem>> -> memref<64x257xf32, #tpu.memory_space<vmem>>
        tpu.vector_store_idx %scatter3A_1271[%add3A_1266, %broadcast_in_dim3A_1267], %mul3A_1262 : memref<64x257xf32, #tpu.memory_space<vmem>>[vector<16xi32>, vector<16xi32>], vector<16xf32>,
        %get3A_1272 = arith.constant 0 : i32
        %get3A_1273 = arith.index_cast %get3A_1272 : i32 to index
        %get3A_1274 = arith.index_cast %scan3A_1220 : i32 to index
        %get3A_1275 = arith.constant 48 : index
        %get3A_1276 = tpu.vector_load %arg6[%get3A_1273, %get3A_1274, %get3A_1275] {strides = array<i32>} : memref<2x256x64xf32, #tpu.memory_space<vmem>>, vector<16xf32>,
        %mul3A_1277 = arith.constant 8.000000e+00 : f32
        %mul3A_1278 = vector.broadcast %mul3A_1277 : f32 to vector<16xf32>
        %mul3A_1279 = arith.mulf %get3A_1276, %mul3A_1278 : vector<16xf32>
        %iota3A_1280 = tpu.iota {dimensions = array<i32: 0>} : vector<16xi32>
        %add3A_1281 = arith.constant 48 : i32
        %add3A_1282 = vector.broadcast %add3A_1281 : i32 to vector<16xi32>
        %add3A_1283 = arith.addi %iota3A_1280, %add3A_1282 : vector<16xi32>
        %broadcast_in_dim3A_1284 = vector.broadcast %scan3A_1220 : i32 to vector<16xi32>
        %scatter3A_1285 = arith.constant 0 : i32
        %scatter3A_1286 = arith.constant 0 : i32
        %scatter3A_1287 = tpu.memref_slice %arg7[%scan3A_118, %scatter3A_1285, %scatter3A_1286] : memref<2x64x257xf32, #tpu.memory_space<vmem>> -> memref<1x64x257xf32, #tpu.memory_space<vmem>>
        %scatter3A_1288 = tpu.memref_squeeze %scatter3A_1287 : memref<1x64x257xf32, #tpu.memory_space<vmem>> -> memref<64x257xf32, #tpu.memory_space<vmem>>
        tpu.vector_store_idx %scatter3A_1288[%add3A_1283, %broadcast_in_dim3A_1284], %mul3A_1279 : memref<64x257xf32, #tpu.memory_space<vmem>>[vector<16xi32>, vector<16xi32>], vector<16xf32>,
      }
      %scan3A_123 = arith.constant 256 : i32
      %dma_start3A_124 = arith.constant 0 : i32
      %dma_start3A_125 = arith.constant 0 : i32
      %dma_start3A_126 = arith.constant 0 : i32
      %dma_start3A_127 = tpu.memref_slice %arg7[%dma_start3A_124, %dma_start3A_125, %dma_start3A_126] : memref<2x64x257xf32, #tpu.memory_space<vmem>> -> memref<1x64x256xf32, #tpu.memory_space<vmem>>
      %dma_start3A_128 = tpu.memref_squeeze %dma_start3A_127 : memref<1x64x256xf32, #tpu.memory_space<vmem>> -> memref<64x256xf32, #tpu.memory_space<vmem>>
      %dma_start3A_129 = arith.constant 0 : i32
      %dma_start3A_130 = tpu.memref_slice %arg4[%scan3A_88, %dma_start3A_129, %add3A_113] : memref<50x64x16384xf32, #tpu.memory_space<hbm>> -> memref<1x64x256xf32, #tpu.memory_space<hbm>>
      %dma_start3A_131 = tpu.memref_squeeze %dma_start3A_130 : memref<1x64x256xf32, #tpu.memory_space<hbm>> -> memref<64x256xf32, #tpu.memory_space<hbm>>
      %dma_start3A_132 = arith.constant 0 : i32
      %dma_start3A_133 = tpu.memref_slice %arg4[%scan3A_88, %dma_start3A_132, %add3A_113] : memref<50x64x16384xf32, #tpu.memory_space<hbm>> -> memref<1x64x256xf32, #tpu.memory_space<hbm>>
      %dma_start3A_134 = tpu.memref_squeeze %dma_start3A_133 : memref<1x64x256xf32, #tpu.memory_space<hbm>> -> memref<64x256xf32, #tpu.memory_space<hbm>>
      %dma_start3A_135 = arith.constant 0 : i32
      %dma_start3A_136 = arith.constant 0 : i32
      %dma_start3A_137 = tpu.memref_slice %arg7[%dma_start3A_124, %dma_start3A_135, %dma_start3A_136] : memref<2x64x257xf32, #tpu.memory_space<vmem>> -> memref<1x64x256xf32, #tpu.memory_space<vmem>>
      %dma_start3A_138 = tpu.memref_squeeze %dma_start3A_137 : memref<1x64x256xf32, #tpu.memory_space<vmem>> -> memref<64x256xf32, #tpu.memory_space<vmem>>
      tpu.enqueue_dma source(%dma_start3A_138 : memref<64x256xf32, #tpu.memory_space<vmem>>) target(%dma_start3A_134 : memref<64x256xf32, #tpu.memory_space<hbm>>) target_semaphore(%arg10 : memref<!tpu.dma_semaphore, #tpu.memory_space<semaphore_mem>>)
      %dma_wait3A_139 = arith.constant 1 : i32
      %dma_wait3A_140 = arith.constant 0 : i32
      %dma_wait3A_141 = arith.constant 0 : i32
      %dma_wait3A_142 = tpu.memref_slice %arg6[%dma_wait3A_139, %dma_wait3A_140, %dma_wait3A_141] : memref<2x256x64xf32, #tpu.memory_space<vmem>> -> memref<1x128x64xf32, #tpu.memory_space<vmem>>
      %dma_wait3A_143 = tpu.memref_squeeze %dma_wait3A_142 : memref<1x128x64xf32, #tpu.memory_space<vmem>> -> memref<128x64xf32, #tpu.memory_space<vmem>>
      %dma_wait3A_144 = arith.constant 256 : i32
      %dma_wait3A_145 = tpu.memref_slice %arg5[%scan3A_88, %dma_wait3A_144] : memref<50x512xi32, #tpu.memory_space<vmem>> -> memref<1x128xi32, #tpu.memory_space<vmem>>
      %dma_wait3A_146 = tpu.memref_squeeze %dma_wait3A_145 : memref<1x128xi32, #tpu.memory_space<vmem>> -> memref<128xi32, #tpu.memory_space<vmem>>
      %dma_wait3A_147 = arith.constant 0 : i32
      %dma_wait3A_148 = arith.constant 0 : i32
      %dma_wait3A_149 = tpu.memref_slice %arg3[%dma_wait3A_147, %dma_wait3A_148] : memref<1000000x64xf32, #tpu.memory_space<hbm>> -> memref<1000000x64xf32, #tpu.memory_space<hbm>>
      tpu.wait_indirect_dma semaphore(%arg9 : memref<!tpu.dma_semaphore, #tpu.memory_space<semaphore_mem>>) src(%dma_wait3A_149 : memref<1000000x64xf32, #tpu.memory_space<hbm>>) dst(%dma_wait3A_143 : memref<128x64xf32, #tpu.memory_space<vmem>>)
      %dma_wait3A_150 = arith.constant 1 : i32
      %dma_wait3A_151 = arith.constant 128 : i32
      %dma_wait3A_152 = arith.constant 0 : i32
      %dma_wait3A_153 = tpu.memref_slice %arg6[%dma_wait3A_150, %dma_wait3A_151, %dma_wait3A_152] : memref<2x256x64xf32, #tpu.memory_space<vmem>> -> memref<1x128x64xf32, #tpu.memory_space<vmem>>
      %dma_wait3A_154 = tpu.memref_squeeze %dma_wait3A_153 : memref<1x128x64xf32, #tpu.memory_space<vmem>> -> memref<128x64xf32, #tpu.memory_space<vmem>>
      %dma_wait3A_155 = arith.constant 384 : i32
      %dma_wait3A_156 = tpu.memref_slice %arg5[%scan3A_88, %dma_wait3A_155] : memref<50x512xi32, #tpu.memory_space<vmem>> -> memref<1x128xi32, #tpu.memory_space<vmem>>
      %dma_wait3A_157 = tpu.memref_squeeze %dma_wait3A_156 : memref<1x128xi32, #tpu.memory_space<vmem>> -> memref<128xi32, #tpu.memory_space<vmem>>
      %dma_wait3A_158 = arith.constant 0 : i32
      %dma_wait3A_159 = arith.constant 0 : i32
      %dma_wait3A_160 = tpu.memref_slice %arg3[%dma_wait3A_158, %dma_wait3A_159] : memref<1000000x64xf32, #tpu.memory_space<hbm>> -> memref<1000000x64xf32, #tpu.memory_space<hbm>>
      tpu.wait_indirect_dma semaphore(%arg9 : memref<!tpu.dma_semaphore, #tpu.memory_space<semaphore_mem>>) src(%dma_wait3A_160 : memref<1000000x64xf32, #tpu.memory_space<hbm>>) dst(%dma_wait3A_154 : memref<128x64xf32, #tpu.memory_space<vmem>>)
      %add3A_161 = arith.constant 1 : i32
      %add3A_162 = arith.addi %scan3A_88, %add3A_161 : i32
      %lt3A = arith.constant 50 : i32
      %lt3A_163 = arith.cmpi slt, %add3A_162, %lt3A : i32
      %convert_element_type3A_164 = arith.extui %lt3A_163 : i1 to i32
      %cond3A_165 = arith.constant 0 : i32
      %cond3A_166 = arith.cmpi ne, %convert_element_type3A_164, %cond3A_165 : i32
      scf.if %cond3A_166 {
        %add3A_174 = arith.constant 1 : i32
        %add3A_175 = arith.addi %scan3A_88, %add3A_174 : i32
        %dma_start3A_176 = arith.constant 0 : i32
        %dma_start3A_177 = arith.constant 0 : i32
        %dma_start3A_178 = arith.constant 0 : i32
        %dma_start3A_179 = tpu.memref_slice %arg6[%dma_start3A_176, %dma_start3A_177, %dma_start3A_178] : memref<2x256x64xf32, #tpu.memory_space<vmem>> -> memref<1x128x64xf32, #tpu.memory_space<vmem>>
        %dma_start3A_180 = tpu.memref_squeeze %dma_start3A_179 : memref<1x128x64xf32, #tpu.memory_space<vmem>> -> memref<128x64xf32, #tpu.memory_space<vmem>>
        %dma_start3A_181 = arith.constant 0 : i32
        %dma_start3A_182 = tpu.memref_slice %arg5[%add3A_175, %dma_start3A_181] : memref<50x512xi32, #tpu.memory_space<vmem>> -> memref<1x128xi32, #tpu.memory_space<vmem>>
        %dma_start3A_183 = tpu.memref_squeeze %dma_start3A_182 : memref<1x128xi32, #tpu.memory_space<vmem>> -> memref<128xi32, #tpu.memory_space<vmem>>
        %dma_start3A_184 = arith.constant 0 : i32
        %dma_start3A_185 = arith.constant 0 : i32
        %dma_start3A_186 = tpu.memref_slice %arg3[%dma_start3A_184, %dma_start3A_185] : memref<1000000x64xf32, #tpu.memory_space<hbm>> -> memref<1000000x64xf32, #tpu.memory_space<hbm>>
        tpu.enqueue_indirect_dma source(%dma_start3A_186 : memref<1000000x64xf32, #tpu.memory_space<hbm>>) target(%dma_start3A_180 : memref<128x64xf32, #tpu.memory_space<vmem>>) offsets(%dma_start3A_183 : memref<128xi32, #tpu.memory_space<vmem>>) semaphore(%arg8 : memref<!tpu.dma_semaphore, #tpu.memory_space<semaphore_mem>>)
        %dma_start3A_187 = arith.constant 0 : i32
        %dma_start3A_188 = arith.constant 128 : i32
        %dma_start3A_189 = arith.constant 0 : i32
        %dma_start3A_190 = tpu.memref_slice %arg6[%dma_start3A_187, %dma_start3A_188, %dma_start3A_189] : memref<2x256x64xf32, #tpu.memory_space<vmem>> -> memref<1x128x64xf32, #tpu.memory_space<vmem>>
        %dma_start3A_191 = tpu.memref_squeeze %dma_start3A_190 : memref<1x128x64xf32, #tpu.memory_space<vmem>> -> memref<128x64xf32, #tpu.memory_space<vmem>>
        %dma_start3A_192 = arith.constant 128 : i32
        %dma_start3A_193 = tpu.memref_slice %arg5[%add3A_175, %dma_start3A_192] : memref<50x512xi32, #tpu.memory_space<vmem>> -> memref<1x128xi32, #tpu.memory_space<vmem>>
        %dma_start3A_194 = tpu.memref_squeeze %dma_start3A_193 : memref<1x128xi32, #tpu.memory_space<vmem>> -> memref<128xi32, #tpu.memory_space<vmem>>
        %dma_start3A_195 = arith.constant 0 : i32
        %dma_start3A_196 = arith.constant 0 : i32
        %dma_start3A_197 = tpu.memref_slice %arg3[%dma_start3A_195, %dma_start3A_196] : memref<1000000x64xf32, #tpu.memory_space<hbm>> -> memref<1000000x64xf32, #tpu.memory_space<hbm>>
        tpu.enqueue_indirect_dma source(%dma_start3A_197 : memref<1000000x64xf32, #tpu.memory_space<hbm>>) target(%dma_start3A_191 : memref<128x64xf32, #tpu.memory_space<vmem>>) offsets(%dma_start3A_194 : memref<128xi32, #tpu.memory_space<vmem>>) semaphore(%arg8 : memref<!tpu.dma_semaphore, #tpu.memory_space<semaphore_mem>>)
        %eq3A_198 = arith.constant 0 : i32
        %eq3A_199 = arith.cmpi eq, %scan3A_88, %eq3A_198 : i32
        %add3A_200 = arith.constant 256 : i32
        %add3A_201 = arith.addi %mul3A_2, %add3A_200 : i32
        %not3A_202 = arith.constant true
        %not3A_203 = arith.xori %eq3A_199, %not3A_202 : i1
        %convert_element_type3A_204 = arith.extui %not3A_203 : i1 to i32
        %cond3A_205 = arith.constant 1 : i32
        %cond3A_206 = arith.constant 0 : i32
        %cond3A_207 = arith.cmpi ne, %convert_element_type3A_204, %cond3A_206 : i32
        scf.if %cond3A_207 {
          %dma_wait3A_252 = arith.constant 0 : i32
          %dma_wait3A_253 = arith.constant 0 : i32
          %dma_wait3A_254 = tpu.memref_slice %arg7[%cond3A_205, %dma_wait3A_252, %dma_wait3A_253] : memref<2x64x257xf32, #tpu.memory_space<vmem>> -> memref<1x64x256xf32, #tpu.memory_space<vmem>>
          %dma_wait3A_255 = tpu.memref_squeeze %dma_wait3A_254 : memref<1x64x256xf32, #tpu.memory_space<vmem>> -> memref<64x256xf32, #tpu.memory_space<vmem>>
          %dma_wait3A_256 = arith.constant 0 : i32
          %dma_wait3A_257 = tpu.memref_slice %arg4[%scan3A_88, %dma_wait3A_256, %add3A_201] : memref<50x64x16384xf32, #tpu.memory_space<hbm>> -> memref<1x64x256xf32, #tpu.memory_space<hbm>>
          %dma_wait3A_258 = tpu.memref_squeeze %dma_wait3A_257 : memref<1x64x256xf32, #tpu.memory_space<hbm>> -> memref<64x256xf32, #tpu.memory_space<hbm>>
          %dma_wait3A_259 = arith.constant 0 : i32
          %dma_wait3A_260 = tpu.memref_slice %arg4[%scan3A_88, %dma_wait3A_259, %add3A_201] : memref<50x64x16384xf32, #tpu.memory_space<hbm>> -> memref<1x64x256xf32, #tpu.memory_space<hbm>>
          %dma_wait3A_261 = tpu.memref_squeeze %dma_wait3A_260 : memref<1x64x256xf32, #tpu.memory_space<hbm>> -> memref<64x256xf32, #tpu.memory_space<hbm>>
          %dma_wait3A_262 = arith.constant 0 : i32
          %dma_wait3A_263 = arith.constant 0 : i32
          %dma_wait3A_264 = tpu.memref_slice %arg7[%cond3A_205, %dma_wait3A_262, %dma_wait3A_263] : memref<2x64x257xf32, #tpu.memory_space<vmem>> -> memref<1x64x256xf32, #tpu.memory_space<vmem>>
          %dma_wait3A_265 = tpu.memref_squeeze %dma_wait3A_264 : memref<1x64x256xf32, #tpu.memory_space<vmem>> -> memref<64x256xf32, #tpu.memory_space<vmem>>
          tpu.wait_dma2 semaphore(%arg11 : memref<!tpu.dma_semaphore, #tpu.memory_space<semaphore_mem>>) src(%dma_wait3A_265 : memref<64x256xf32, #tpu.memory_space<vmem>>) dst(%dma_wait3A_261 : memref<64x256xf32, #tpu.memory_space<hbm>>)
        } else {
        }
        %scan3A_208 = arith.constant 0 : i32
        %scan3A_209 = arith.constant 1 : i32
        %scan3A_210 = arith.constant 0 : i32
        %scan3A_211 = arith.constant 256 : i32
        %scan3A_212 = arith.addi %scan3A_210, %scan3A_211 : i32
        %scan3A_213 = arith.constant 16 : i32
        scf.for %scan3A_252 = %scan3A_210 to %scan3A_212 step %scan3A_213  : i32 {
          %get3A = arith.constant 1 : i32
          %get3A_253 = arith.index_cast %get3A : i32 to index
          %get3A_254 = arith.index_cast %scan3A_252 : i32 to index
          %get3A_255 = arith.constant 0 : index
          %get3A_256 = tpu.vector_load %arg6[%get3A_253, %get3A_254, %get3A_255] {strides = array<i32>} : memref<2x256x64xf32, #tpu.memory_space<vmem>>, vector<16xf32>,
          %mul3A_257 = arith.constant 8.000000e+00 : f32
          %mul3A_258 = vector.broadcast %mul3A_257 : f32 to vector<16xf32>
          %mul3A_259 = arith.mulf %get3A_256, %mul3A_258 : vector<16xf32>
          %iota3A = tpu.iota {dimensions = array<i32: 0>} : vector<16xi32>
          %add3A_260 = arith.constant 0 : i32
          %add3A_261 = vector.broadcast %add3A_260 : i32 to vector<16xi32>
          %add3A_262 = arith.addi %iota3A, %add3A_261 : vector<16xi32>
          %broadcast_in_dim3A = vector.broadcast %scan3A_252 : i32 to vector<16xi32>
          %scatter3A = arith.constant 0 : i32
          %scatter3A_263 = arith.constant 0 : i32
          %scatter3A_264 = tpu.memref_slice %arg7[%scan3A_209, %scatter3A, %scatter3A_263] : memref<2x64x257xf32, #tpu.memory_space<vmem>> -> memref<1x64x257xf32, #tpu.memory_space<vmem>>
          %scatter3A_265 = tpu.memref_squeeze %scatter3A_264 : memref<1x64x257xf32, #tpu.memory_space<vmem>> -> memref<64x257xf32, #tpu.memory_space<vmem>>
          tpu.vector_store_idx %scatter3A_265[%add3A_262, %broadcast_in_dim3A], %mul3A_259 : memref<64x257xf32, #tpu.memory_space<vmem>>[vector<16xi32>, vector<16xi32>], vector<16xf32>,
          %get3A_266 = arith.constant 1 : i32
          %get3A_267 = arith.index_cast %get3A_266 : i32 to index
          %get3A_268 = arith.index_cast %scan3A_252 : i32 to index
          %get3A_269 = arith.constant 16 : index
          %get3A_270 = tpu.vector_load %arg6[%get3A_267, %get3A_268, %get3A_269] {strides = array<i32>} : memref<2x256x64xf32, #tpu.memory_space<vmem>>, vector<16xf32>,
          %mul3A_271 = arith.constant 8.000000e+00 : f32
          %mul3A_272 = vector.broadcast %mul3A_271 : f32 to vector<16xf32>
          %mul3A_273 = arith.mulf %get3A_270, %mul3A_272 : vector<16xf32>
          %iota3A_274 = tpu.iota {dimensions = array<i32: 0>} : vector<16xi32>
          %add3A_275 = arith.constant 16 : i32
          %add3A_276 = vector.broadcast %add3A_275 : i32 to vector<16xi32>
          %add3A_277 = arith.addi %iota3A_274, %add3A_276 : vector<16xi32>
          %broadcast_in_dim3A_278 = vector.broadcast %scan3A_252 : i32 to vector<16xi32>
          %scatter3A_279 = arith.constant 0 : i32
          %scatter3A_280 = arith.constant 0 : i32
          %scatter3A_281 = tpu.memref_slice %arg7[%scan3A_209, %scatter3A_279, %scatter3A_280] : memref<2x64x257xf32, #tpu.memory_space<vmem>> -> memref<1x64x257xf32, #tpu.memory_space<vmem>>
          %scatter3A_282 = tpu.memref_squeeze %scatter3A_281 : memref<1x64x257xf32, #tpu.memory_space<vmem>> -> memref<64x257xf32, #tpu.memory_space<vmem>>
          tpu.vector_store_idx %scatter3A_282[%add3A_277, %broadcast_in_dim3A_278], %mul3A_273 : memref<64x257xf32, #tpu.memory_space<vmem>>[vector<16xi32>, vector<16xi32>], vector<16xf32>,
          %get3A_283 = arith.constant 1 : i32
          %get3A_284 = arith.index_cast %get3A_283 : i32 to index
          %get3A_285 = arith.index_cast %scan3A_252 : i32 to index
          %get3A_286 = arith.constant 32 : index
          %get3A_287 = tpu.vector_load %arg6[%get3A_284, %get3A_285, %get3A_286] {strides = array<i32>} : memref<2x256x64xf32, #tpu.memory_space<vmem>>, vector<16xf32>,
          %mul3A_288 = arith.constant 8.000000e+00 : f32
          %mul3A_289 = vector.broadcast %mul3A_288 : f32 to vector<16xf32>
          %mul3A_290 = arith.mulf %get3A_287, %mul3A_289 : vector<16xf32>
          %iota3A_291 = tpu.iota {dimensions = array<i32: 0>} : vector<16xi32>
          %add3A_292 = arith.constant 32 : i32
          %add3A_293 = vector.broadcast %add3A_292 : i32 to vector<16xi32>
          %add3A_294 = arith.addi %iota3A_291, %add3A_293 : vector<16xi32>
          %broadcast_in_dim3A_295 = vector.broadcast %scan3A_252 : i32 to vector<16xi32>
          %scatter3A_296 = arith.constant 0 : i32
          %scatter3A_297 = arith.constant 0 : i32
          %scatter3A_298 = tpu.memref_slice %arg7[%scan3A_209, %scatter3A_296, %scatter3A_297] : memref<2x64x257xf32, #tpu.memory_space<vmem>> -> memref<1x64x257xf32, #tpu.memory_space<vmem>>
          %scatter3A_299 = tpu.memref_squeeze %scatter3A_298 : memref<1x64x257xf32, #tpu.memory_space<vmem>> -> memref<64x257xf32, #tpu.memory_space<vmem>>
          tpu.vector_store_idx %scatter3A_299[%add3A_294, %broadcast_in_dim3A_295], %mul3A_290 : memref<64x257xf32, #tpu.memory_space<vmem>>[vector<16xi32>, vector<16xi32>], vector<16xf32>,
          %get3A_300 = arith.constant 1 : i32
          %get3A_301 = arith.index_cast %get3A_300 : i32 to index
          %get3A_302 = arith.index_cast %scan3A_252 : i32 to index
          %get3A_303 = arith.constant 48 : index
          %get3A_304 = tpu.vector_load %arg6[%get3A_301, %get3A_302, %get3A_303] {strides = array<i32>} : memref<2x256x64xf32, #tpu.memory_space<vmem>>, vector<16xf32>,
          %mul3A_305 = arith.constant 8.000000e+00 : f32
          %mul3A_306 = vector.broadcast %mul3A_305 : f32 to vector<16xf32>
          %mul3A_307 = arith.mulf %get3A_304, %mul3A_306 : vector<16xf32>
          %iota3A_308 = tpu.iota {dimensions = array<i32: 0>} : vector<16xi32>
          %add3A_309 = arith.constant 48 : i32
          %add3A_310 = vector.broadcast %add3A_309 : i32 to vector<16xi32>
          %add3A_311 = arith.addi %iota3A_308, %add3A_310 : vector<16xi32>
          %broadcast_in_dim3A_312 = vector.broadcast %scan3A_252 : i32 to vector<16xi32>
          %scatter3A_313 = arith.constant 0 : i32
          %scatter3A_314 = arith.constant 0 : i32
          %scatter3A_315 = tpu.memref_slice %arg7[%scan3A_209, %scatter3A_313, %scatter3A_314] : memref<2x64x257xf32, #tpu.memory_space<vmem>> -> memref<1x64x257xf32, #tpu.memory_space<vmem>>
          %scatter3A_316 = tpu.memref_squeeze %scatter3A_315 : memref<1x64x257xf32, #tpu.memory_space<vmem>> -> memref<64x257xf32, #tpu.memory_space<vmem>>
          tpu.vector_store_idx %scatter3A_316[%add3A_311, %broadcast_in_dim3A_312], %mul3A_307 : memref<64x257xf32, #tpu.memory_space<vmem>>[vector<16xi32>, vector<16xi32>], vector<16xf32>,
          %scan3A_317 = arith.constant 1 : i32
          %scan3A_318 = arith.addi %scan3A_252, %scan3A_317 : i32
          %get3A_319 = arith.constant 1 : i32
          %get3A_320 = arith.index_cast %get3A_319 : i32 to index
          %get3A_321 = arith.index_cast %scan3A_318 : i32 to index
          %get3A_322 = arith.constant 0 : index
          %get3A_323 = tpu.vector_load %arg6[%get3A_320, %get3A_321, %get3A_322] {strides = array<i32>} : memref<2x256x64xf32, #tpu.memory_space<vmem>>, vector<16xf32>,
          %mul3A_324 = arith.constant 8.000000e+00 : f32
          %mul3A_325 = vector.broadcast %mul3A_324 : f32 to vector<16xf32>
          %mul3A_326 = arith.mulf %get3A_323, %mul3A_325 : vector<16xf32>
          %iota3A_327 = tpu.iota {dimensions = array<i32: 0>} : vector<16xi32>
          %add3A_328 = arith.constant 0 : i32
          %add3A_329 = vector.broadcast %add3A_328 : i32 to vector<16xi32>
          %add3A_330 = arith.addi %iota3A_327, %add3A_329 : vector<16xi32>
          %broadcast_in_dim3A_331 = vector.broadcast %scan3A_318 : i32 to vector<16xi32>
          %scatter3A_332 = arith.constant 0 : i32
          %scatter3A_333 = arith.constant 0 : i32
          %scatter3A_334 = tpu.memref_slice %arg7[%scan3A_209, %scatter3A_332, %scatter3A_333] : memref<2x64x257xf32, #tpu.memory_space<vmem>> -> memref<1x64x257xf32, #tpu.memory_space<vmem>>
          %scatter3A_335 = tpu.memref_squeeze %scatter3A_334 : memref<1x64x257xf32, #tpu.memory_space<vmem>> -> memref<64x257xf32, #tpu.memory_space<vmem>>
          tpu.vector_store_idx %scatter3A_335[%add3A_330, %broadcast_in_dim3A_331], %mul3A_326 : memref<64x257xf32, #tpu.memory_space<vmem>>[vector<16xi32>, vector<16xi32>], vector<16xf32>,
          %get3A_336 = arith.constant 1 : i32
          %get3A_337 = arith.index_cast %get3A_336 : i32 to index
          %get3A_338 = arith.index_cast %scan3A_318 : i32 to index
          %get3A_339 = arith.constant 16 : index
          %get3A_340 = tpu.vector_load %arg6[%get3A_337, %get3A_338, %get3A_339] {strides = array<i32>} : memref<2x256x64xf32, #tpu.memory_space<vmem>>, vector<16xf32>,
          %mul3A_341 = arith.constant 8.000000e+00 : f32
          %mul3A_342 = vector.broadcast %mul3A_341 : f32 to vector<16xf32>
          %mul3A_343 = arith.mulf %get3A_340, %mul3A_342 : vector<16xf32>
          %iota3A_344 = tpu.iota {dimensions = array<i32: 0>} : vector<16xi32>
          %add3A_345 = arith.constant 16 : i32
          %add3A_346 = vector.broadcast %add3A_345 : i32 to vector<16xi32>
          %add3A_347 = arith.addi %iota3A_344, %add3A_346 : vector<16xi32>
          %broadcast_in_dim3A_348 = vector.broadcast %scan3A_318 : i32 to vector<16xi32>
          %scatter3A_349 = arith.constant 0 : i32
          %scatter3A_350 = arith.constant 0 : i32
          %scatter3A_351 = tpu.memref_slice %arg7[%scan3A_209, %scatter3A_349, %scatter3A_350] : memref<2x64x257xf32, #tpu.memory_space<vmem>> -> memref<1x64x257xf32, #tpu.memory_space<vmem>>
          %scatter3A_352 = tpu.memref_squeeze %scatter3A_351 : memref<1x64x257xf32, #tpu.memory_space<vmem>> -> memref<64x257xf32, #tpu.memory_space<vmem>>
          tpu.vector_store_idx %scatter3A_352[%add3A_347, %broadcast_in_dim3A_348], %mul3A_343 : memref<64x257xf32, #tpu.memory_space<vmem>>[vector<16xi32>, vector<16xi32>], vector<16xf32>,
          %get3A_353 = arith.constant 1 : i32
          %get3A_354 = arith.index_cast %get3A_353 : i32 to index
          %get3A_355 = arith.index_cast %scan3A_318 : i32 to index
          %get3A_356 = arith.constant 32 : index
          %get3A_357 = tpu.vector_load %arg6[%get3A_354, %get3A_355, %get3A_356] {strides = array<i32>} : memref<2x256x64xf32, #tpu.memory_space<vmem>>, vector<16xf32>,
          %mul3A_358 = arith.constant 8.000000e+00 : f32
          %mul3A_359 = vector.broadcast %mul3A_358 : f32 to vector<16xf32>
          %mul3A_360 = arith.mulf %get3A_357, %mul3A_359 : vector<16xf32>
          %iota3A_361 = tpu.iota {dimensions = array<i32: 0>} : vector<16xi32>
          %add3A_362 = arith.constant 32 : i32
          %add3A_363 = vector.broadcast %add3A_362 : i32 to vector<16xi32>
          %add3A_364 = arith.addi %iota3A_361, %add3A_363 : vector<16xi32>
          %broadcast_in_dim3A_365 = vector.broadcast %scan3A_318 : i32 to vector<16xi32>
          %scatter3A_366 = arith.constant 0 : i32
          %scatter3A_367 = arith.constant 0 : i32
          %scatter3A_368 = tpu.memref_slice %arg7[%scan3A_209, %scatter3A_366, %scatter3A_367] : memref<2x64x257xf32, #tpu.memory_space<vmem>> -> memref<1x64x257xf32, #tpu.memory_space<vmem>>
          %scatter3A_369 = tpu.memref_squeeze %scatter3A_368 : memref<1x64x257xf32, #tpu.memory_space<vmem>> -> memref<64x257xf32, #tpu.memory_space<vmem>>
          tpu.vector_store_idx %scatter3A_369[%add3A_364, %broadcast_in_dim3A_365], %mul3A_360 : memref<64x257xf32, #tpu.memory_space<vmem>>[vector<16xi32>, vector<16xi32>], vector<16xf32>,
          %get3A_370 = arith.constant 1 : i32
          %get3A_371 = arith.index_cast %get3A_370 : i32 to index
          %get3A_372 = arith.index_cast %scan3A_318 : i32 to index
          %get3A_373 = arith.constant 48 : index
          %get3A_374 = tpu.vector_load %arg6[%get3A_371, %get3A_372, %get3A_373] {strides = array<i32>} : memref<2x256x64xf32, #tpu.memory_space<vmem>>, vector<16xf32>,
          %mul3A_375 = arith.constant 8.000000e+00 : f32
          %mul3A_376 = vector.broadcast %mul3A_375 : f32 to vector<16xf32>
          %mul3A_377 = arith.mulf %get3A_374, %mul3A_376 : vector<16xf32>
          %iota3A_378 = tpu.iota {dimensions = array<i32: 0>} : vector<16xi32>
          %add3A_379 = arith.constant 48 : i32
          %add3A_380 = vector.broadcast %add3A_379 : i32 to vector<16xi32>
          %add3A_381 = arith.addi %iota3A_378, %add3A_380 : vector<16xi32>
          %broadcast_in_dim3A_382 = vector.broadcast %scan3A_318 : i32 to vector<16xi32>
          %scatter3A_383 = arith.constant 0 : i32
          %scatter3A_384 = arith.constant 0 : i32
          %scatter3A_385 = tpu.memref_slice %arg7[%scan3A_209, %scatter3A_383, %scatter3A_384] : memref<2x64x257xf32, #tpu.memory_space<vmem>> -> memref<1x64x257xf32, #tpu.memory_space<vmem>>
          %scatter3A_386 = tpu.memref_squeeze %scatter3A_385 : memref<1x64x257xf32, #tpu.memory_space<vmem>> -> memref<64x257xf32, #tpu.memory_space<vmem>>
          tpu.vector_store_idx %scatter3A_386[%add3A_381, %broadcast_in_dim3A_382], %mul3A_377 : memref<64x257xf32, #tpu.memory_space<vmem>>[vector<16xi32>, vector<16xi32>], vector<16xf32>,
          %scan3A_387 = arith.constant 2 : i32
          %scan3A_388 = arith.addi %scan3A_252, %scan3A_387 : i32
          %get3A_389 = arith.constant 1 : i32
          %get3A_390 = arith.index_cast %get3A_389 : i32 to index
          %get3A_391 = arith.index_cast %scan3A_388 : i32 to index
          %get3A_392 = arith.constant 0 : index
          %get3A_393 = tpu.vector_load %arg6[%get3A_390, %get3A_391, %get3A_392] {strides = array<i32>} : memref<2x256x64xf32, #tpu.memory_space<vmem>>, vector<16xf32>,
          %mul3A_394 = arith.constant 8.000000e+00 : f32
          %mul3A_395 = vector.broadcast %mul3A_394 : f32 to vector<16xf32>
          %mul3A_396 = arith.mulf %get3A_393, %mul3A_395 : vector<16xf32>
          %iota3A_397 = tpu.iota {dimensions = array<i32: 0>} : vector<16xi32>
          %add3A_398 = arith.constant 0 : i32
          %add3A_399 = vector.broadcast %add3A_398 : i32 to vector<16xi32>
          %add3A_400 = arith.addi %iota3A_397, %add3A_399 : vector<16xi32>
          %broadcast_in_dim3A_401 = vector.broadcast %scan3A_388 : i32 to vector<16xi32>
          %scatter3A_402 = arith.constant 0 : i32
          %scatter3A_403 = arith.constant 0 : i32
          %scatter3A_404 = tpu.memref_slice %arg7[%scan3A_209, %scatter3A_402, %scatter3A_403] : memref<2x64x257xf32, #tpu.memory_space<vmem>> -> memref<1x64x257xf32, #tpu.memory_space<vmem>>
          %scatter3A_405 = tpu.memref_squeeze %scatter3A_404 : memref<1x64x257xf32, #tpu.memory_space<vmem>> -> memref<64x257xf32, #tpu.memory_space<vmem>>
          tpu.vector_store_idx %scatter3A_405[%add3A_400, %broadcast_in_dim3A_401], %mul3A_396 : memref<64x257xf32, #tpu.memory_space<vmem>>[vector<16xi32>, vector<16xi32>], vector<16xf32>,
          %get3A_406 = arith.constant 1 : i32
          %get3A_407 = arith.index_cast %get3A_406 : i32 to index
          %get3A_408 = arith.index_cast %scan3A_388 : i32 to index
          %get3A_409 = arith.constant 16 : index
          %get3A_410 = tpu.vector_load %arg6[%get3A_407, %get3A_408, %get3A_409] {strides = array<i32>} : memref<2x256x64xf32, #tpu.memory_space<vmem>>, vector<16xf32>,
          %mul3A_411 = arith.constant 8.000000e+00 : f32
          %mul3A_412 = vector.broadcast %mul3A_411 : f32 to vector<16xf32>
          %mul3A_413 = arith.mulf %get3A_410, %mul3A_412 : vector<16xf32>
          %iota3A_414 = tpu.iota {dimensions = array<i32: 0>} : vector<16xi32>
          %add3A_415 = arith.constant 16 : i32
          %add3A_416 = vector.broadcast %add3A_415 : i32 to vector<16xi32>
          %add3A_417 = arith.addi %iota3A_414, %add3A_416 : vector<16xi32>
          %broadcast_in_dim3A_418 = vector.broadcast %scan3A_388 : i32 to vector<16xi32>
          %scatter3A_419 = arith.constant 0 : i32
          %scatter3A_420 = arith.constant 0 : i32
          %scatter3A_421 = tpu.memref_slice %arg7[%scan3A_209, %scatter3A_419, %scatter3A_420] : memref<2x64x257xf32, #tpu.memory_space<vmem>> -> memref<1x64x257xf32, #tpu.memory_space<vmem>>
          %scatter3A_422 = tpu.memref_squeeze %scatter3A_421 : memref<1x64x257xf32, #tpu.memory_space<vmem>> -> memref<64x257xf32, #tpu.memory_space<vmem>>
          tpu.vector_store_idx %scatter3A_422[%add3A_417, %broadcast_in_dim3A_418], %mul3A_413 : memref<64x257xf32, #tpu.memory_space<vmem>>[vector<16xi32>, vector<16xi32>], vector<16xf32>,
          %get3A_423 = arith.constant 1 : i32
          %get3A_424 = arith.index_cast %get3A_423 : i32 to index
          %get3A_425 = arith.index_cast %scan3A_388 : i32 to index
          %get3A_426 = arith.constant 32 : index
          %get3A_427 = tpu.vector_load %arg6[%get3A_424, %get3A_425, %get3A_426] {strides = array<i32>} : memref<2x256x64xf32, #tpu.memory_space<vmem>>, vector<16xf32>,
          %mul3A_428 = arith.constant 8.000000e+00 : f32
          %mul3A_429 = vector.broadcast %mul3A_428 : f32 to vector<16xf32>
          %mul3A_430 = arith.mulf %get3A_427, %mul3A_429 : vector<16xf32>
          %iota3A_431 = tpu.iota {dimensions = array<i32: 0>} : vector<16xi32>
          %add3A_432 = arith.constant 32 : i32
          %add3A_433 = vector.broadcast %add3A_432 : i32 to vector<16xi32>
          %add3A_434 = arith.addi %iota3A_431, %add3A_433 : vector<16xi32>
          %broadcast_in_dim3A_435 = vector.broadcast %scan3A_388 : i32 to vector<16xi32>
          %scatter3A_436 = arith.constant 0 : i32
          %scatter3A_437 = arith.constant 0 : i32
          %scatter3A_438 = tpu.memref_slice %arg7[%scan3A_209, %scatter3A_436, %scatter3A_437] : memref<2x64x257xf32, #tpu.memory_space<vmem>> -> memref<1x64x257xf32, #tpu.memory_space<vmem>>
          %scatter3A_439 = tpu.memref_squeeze %scatter3A_438 : memref<1x64x257xf32, #tpu.memory_space<vmem>> -> memref<64x257xf32, #tpu.memory_space<vmem>>
          tpu.vector_store_idx %scatter3A_439[%add3A_434, %broadcast_in_dim3A_435], %mul3A_430 : memref<64x257xf32, #tpu.memory_space<vmem>>[vector<16xi32>, vector<16xi32>], vector<16xf32>,
          %get3A_440 = arith.constant 1 : i32
          %get3A_441 = arith.index_cast %get3A_440 : i32 to index
          %get3A_442 = arith.index_cast %scan3A_388 : i32 to index
          %get3A_443 = arith.constant 48 : index
          %get3A_444 = tpu.vector_load %arg6[%get3A_441, %get3A_442, %get3A_443] {strides = array<i32>} : memref<2x256x64xf32, #tpu.memory_space<vmem>>, vector<16xf32>,
          %mul3A_445 = arith.constant 8.000000e+00 : f32
          %mul3A_446 = vector.broadcast %mul3A_445 : f32 to vector<16xf32>
          %mul3A_447 = arith.mulf %get3A_444, %mul3A_446 : vector<16xf32>
          %iota3A_448 = tpu.iota {dimensions = array<i32: 0>} : vector<16xi32>
          %add3A_449 = arith.constant 48 : i32
          %add3A_450 = vector.broadcast %add3A_449 : i32 to vector<16xi32>
          %add3A_451 = arith.addi %iota3A_448, %add3A_450 : vector<16xi32>
          %broadcast_in_dim3A_452 = vector.broadcast %scan3A_388 : i32 to vector<16xi32>
          %scatter3A_453 = arith.constant 0 : i32
          %scatter3A_454 = arith.constant 0 : i32
          %scatter3A_455 = tpu.memref_slice %arg7[%scan3A_209, %scatter3A_453, %scatter3A_454] : memref<2x64x257xf32, #tpu.memory_space<vmem>> -> memref<1x64x257xf32, #tpu.memory_space<vmem>>
          %scatter3A_456 = tpu.memref_squeeze %scatter3A_455 : memref<1x64x257xf32, #tpu.memory_space<vmem>> -> memref<64x257xf32, #tpu.memory_space<vmem>>
          tpu.vector_store_idx %scatter3A_456[%add3A_451, %broadcast_in_dim3A_452], %mul3A_447 : memref<64x257xf32, #tpu.memory_space<vmem>>[vector<16xi32>, vector<16xi32>], vector<16xf32>,
          %scan3A_457 = arith.constant 3 : i32
          %scan3A_458 = arith.addi %scan3A_252, %scan3A_457 : i32
          %get3A_459 = arith.constant 1 : i32
          %get3A_460 = arith.index_cast %get3A_459 : i32 to index
          %get3A_461 = arith.index_cast %scan3A_458 : i32 to index
          %get3A_462 = arith.constant 0 : index
          %get3A_463 = tpu.vector_load %arg6[%get3A_460, %get3A_461, %get3A_462] {strides = array<i32>} : memref<2x256x64xf32, #tpu.memory_space<vmem>>, vector<16xf32>,
          %mul3A_464 = arith.constant 8.000000e+00 : f32
          %mul3A_465 = vector.broadcast %mul3A_464 : f32 to vector<16xf32>
          %mul3A_466 = arith.mulf %get3A_463, %mul3A_465 : vector<16xf32>
          %iota3A_467 = tpu.iota {dimensions = array<i32: 0>} : vector<16xi32>
          %add3A_468 = arith.constant 0 : i32
          %add3A_469 = vector.broadcast %add3A_468 : i32 to vector<16xi32>
          %add3A_470 = arith.addi %iota3A_467, %add3A_469 : vector<16xi32>
          %broadcast_in_dim3A_471 = vector.broadcast %scan3A_458 : i32 to vector<16xi32>
          %scatter3A_472 = arith.constant 0 : i32
          %scatter3A_473 = arith.constant 0 : i32
          %scatter3A_474 = tpu.memref_slice %arg7[%scan3A_209, %scatter3A_472, %scatter3A_473] : memref<2x64x257xf32, #tpu.memory_space<vmem>> -> memref<1x64x257xf32, #tpu.memory_space<vmem>>
          %scatter3A_475 = tpu.memref_squeeze %scatter3A_474 : memref<1x64x257xf32, #tpu.memory_space<vmem>> -> memref<64x257xf32, #tpu.memory_space<vmem>>
          tpu.vector_store_idx %scatter3A_475[%add3A_470, %broadcast_in_dim3A_471], %mul3A_466 : memref<64x257xf32, #tpu.memory_space<vmem>>[vector<16xi32>, vector<16xi32>], vector<16xf32>,
          %get3A_476 = arith.constant 1 : i32
          %get3A_477 = arith.index_cast %get3A_476 : i32 to index
          %get3A_478 = arith.index_cast %scan3A_458 : i32 to index
          %get3A_479 = arith.constant 16 : index
          %get3A_480 = tpu.vector_load %arg6[%get3A_477, %get3A_478, %get3A_479] {strides = array<i32>} : memref<2x256x64xf32, #tpu.memory_space<vmem>>, vector<16xf32>,
          %mul3A_481 = arith.constant 8.000000e+00 : f32
          %mul3A_482 = vector.broadcast %mul3A_481 : f32 to vector<16xf32>
          %mul3A_483 = arith.mulf %get3A_480, %mul3A_482 : vector<16xf32>
          %iota3A_484 = tpu.iota {dimensions = array<i32: 0>} : vector<16xi32>
          %add3A_485 = arith.constant 16 : i32
          %add3A_486 = vector.broadcast %add3A_485 : i32 to vector<16xi32>
          %add3A_487 = arith.addi %iota3A_484, %add3A_486 : vector<16xi32>
          %broadcast_in_dim3A_488 = vector.broadcast %scan3A_458 : i32 to vector<16xi32>
          %scatter3A_489 = arith.constant 0 : i32
          %scatter3A_490 = arith.constant 0 : i32
          %scatter3A_491 = tpu.memref_slice %arg7[%scan3A_209, %scatter3A_489, %scatter3A_490] : memref<2x64x257xf32, #tpu.memory_space<vmem>> -> memref<1x64x257xf32, #tpu.memory_space<vmem>>
          %scatter3A_492 = tpu.memref_squeeze %scatter3A_491 : memref<1x64x257xf32, #tpu.memory_space<vmem>> -> memref<64x257xf32, #tpu.memory_space<vmem>>
          tpu.vector_store_idx %scatter3A_492[%add3A_487, %broadcast_in_dim3A_488], %mul3A_483 : memref<64x257xf32, #tpu.memory_space<vmem>>[vector<16xi32>, vector<16xi32>], vector<16xf32>,
          %get3A_493 = arith.constant 1 : i32
          %get3A_494 = arith.index_cast %get3A_493 : i32 to index
          %get3A_495 = arith.index_cast %scan3A_458 : i32 to index
          %get3A_496 = arith.constant 32 : index
          %get3A_497 = tpu.vector_load %arg6[%get3A_494, %get3A_495, %get3A_496] {strides = array<i32>} : memref<2x256x64xf32, #tpu.memory_space<vmem>>, vector<16xf32>,
          %mul3A_498 = arith.constant 8.000000e+00 : f32
          %mul3A_499 = vector.broadcast %mul3A_498 : f32 to vector<16xf32>
          %mul3A_500 = arith.mulf %get3A_497, %mul3A_499 : vector<16xf32>
          %iota3A_501 = tpu.iota {dimensions = array<i32: 0>} : vector<16xi32>
          %add3A_502 = arith.constant 32 : i32
          %add3A_503 = vector.broadcast %add3A_502 : i32 to vector<16xi32>
          %add3A_504 = arith.addi %iota3A_501, %add3A_503 : vector<16xi32>
          %broadcast_in_dim3A_505 = vector.broadcast %scan3A_458 : i32 to vector<16xi32>
          %scatter3A_506 = arith.constant 0 : i32
          %scatter3A_507 = arith.constant 0 : i32
          %scatter3A_508 = tpu.memref_slice %arg7[%scan3A_209, %scatter3A_506, %scatter3A_507] : memref<2x64x257xf32, #tpu.memory_space<vmem>> -> memref<1x64x257xf32, #tpu.memory_space<vmem>>
          %scatter3A_509 = tpu.memref_squeeze %scatter3A_508 : memref<1x64x257xf32, #tpu.memory_space<vmem>> -> memref<64x257xf32, #tpu.memory_space<vmem>>
          tpu.vector_store_idx %scatter3A_509[%add3A_504, %broadcast_in_dim3A_505], %mul3A_500 : memref<64x257xf32, #tpu.memory_space<vmem>>[vector<16xi32>, vector<16xi32>], vector<16xf32>,
          %get3A_510 = arith.constant 1 : i32
          %get3A_511 = arith.index_cast %get3A_510 : i32 to index
          %get3A_512 = arith.index_cast %scan3A_458 : i32 to index
          %get3A_513 = arith.constant 48 : index
          %get3A_514 = tpu.vector_load %arg6[%get3A_511, %get3A_512, %get3A_513] {strides = array<i32>} : memref<2x256x64xf32, #tpu.memory_space<vmem>>, vector<16xf32>,
          %mul3A_515 = arith.constant 8.000000e+00 : f32
          %mul3A_516 = vector.broadcast %mul3A_515 : f32 to vector<16xf32>
          %mul3A_517 = arith.mulf %get3A_514, %mul3A_516 : vector<16xf32>
          %iota3A_518 = tpu.iota {dimensions = array<i32: 0>} : vector<16xi32>
          %add3A_519 = arith.constant 48 : i32
          %add3A_520 = vector.broadcast %add3A_519 : i32 to vector<16xi32>
          %add3A_521 = arith.addi %iota3A_518, %add3A_520 : vector<16xi32>
          %broadcast_in_dim3A_522 = vector.broadcast %scan3A_458 : i32 to vector<16xi32>
          %scatter3A_523 = arith.constant 0 : i32
          %scatter3A_524 = arith.constant 0 : i32
          %scatter3A_525 = tpu.memref_slice %arg7[%scan3A_209, %scatter3A_523, %scatter3A_524] : memref<2x64x257xf32, #tpu.memory_space<vmem>> -> memref<1x64x257xf32, #tpu.memory_space<vmem>>
          %scatter3A_526 = tpu.memref_squeeze %scatter3A_525 : memref<1x64x257xf32, #tpu.memory_space<vmem>> -> memref<64x257xf32, #tpu.memory_space<vmem>>
          tpu.vector_store_idx %scatter3A_526[%add3A_521, %broadcast_in_dim3A_522], %mul3A_517 : memref<64x257xf32, #tpu.memory_space<vmem>>[vector<16xi32>, vector<16xi32>], vector<16xf32>,
          %scan3A_527 = arith.constant 4 : i32
          %scan3A_528 = arith.addi %scan3A_252, %scan3A_527 : i32
          %get3A_529 = arith.constant 1 : i32
          %get3A_530 = arith.index_cast %get3A_529 : i32 to index
          %get3A_531 = arith.index_cast %scan3A_528 : i32 to index
          %get3A_532 = arith.constant 0 : index
          %get3A_533 = tpu.vector_load %arg6[%get3A_530, %get3A_531, %get3A_532] {strides = array<i32>} : memref<2x256x64xf32, #tpu.memory_space<vmem>>, vector<16xf32>,
          %mul3A_534 = arith.constant 8.000000e+00 : f32
          %mul3A_535 = vector.broadcast %mul3A_534 : f32 to vector<16xf32>
          %mul3A_536 = arith.mulf %get3A_533, %mul3A_535 : vector<16xf32>
          %iota3A_537 = tpu.iota {dimensions = array<i32: 0>} : vector<16xi32>
          %add3A_538 = arith.constant 0 : i32
          %add3A_539 = vector.broadcast %add3A_538 : i32 to vector<16xi32>
          %add3A_540 = arith.addi %iota3A_537, %add3A_539 : vector<16xi32>
          %broadcast_in_dim3A_541 = vector.broadcast %scan3A_528 : i32 to vector<16xi32>
          %scatter3A_542 = arith.constant 0 : i32
          %scatter3A_543 = arith.constant 0 : i32
          %scatter3A_544 = tpu.memref_slice %arg7[%scan3A_209, %scatter3A_542, %scatter3A_543] : memref<2x64x257xf32, #tpu.memory_space<vmem>> -> memref<1x64x257xf32, #tpu.memory_space<vmem>>
          %scatter3A_545 = tpu.memref_squeeze %scatter3A_544 : memref<1x64x257xf32, #tpu.memory_space<vmem>> -> memref<64x257xf32, #tpu.memory_space<vmem>>
          tpu.vector_store_idx %scatter3A_545[%add3A_540, %broadcast_in_dim3A_541], %mul3A_536 : memref<64x257xf32, #tpu.memory_space<vmem>>[vector<16xi32>, vector<16xi32>], vector<16xf32>,
          %get3A_546 = arith.constant 1 : i32
          %get3A_547 = arith.index_cast %get3A_546 : i32 to index
          %get3A_548 = arith.index_cast %scan3A_528 : i32 to index
          %get3A_549 = arith.constant 16 : index
          %get3A_550 = tpu.vector_load %arg6[%get3A_547, %get3A_548, %get3A_549] {strides = array<i32>} : memref<2x256x64xf32, #tpu.memory_space<vmem>>, vector<16xf32>,
          %mul3A_551 = arith.constant 8.000000e+00 : f32
          %mul3A_552 = vector.broadcast %mul3A_551 : f32 to vector<16xf32>
          %mul3A_553 = arith.mulf %get3A_550, %mul3A_552 : vector<16xf32>
          %iota3A_554 = tpu.iota {dimensions = array<i32: 0>} : vector<16xi32>
          %add3A_555 = arith.constant 16 : i32
          %add3A_556 = vector.broadcast %add3A_555 : i32 to vector<16xi32>
          %add3A_557 = arith.addi %iota3A_554, %add3A_556 : vector<16xi32>
          %broadcast_in_dim3A_558 = vector.broadcast %scan3A_528 : i32 to vector<16xi32>
          %scatter3A_559 = arith.constant 0 : i32
          %scatter3A_560 = arith.constant 0 : i32
          %scatter3A_561 = tpu.memref_slice %arg7[%scan3A_209, %scatter3A_559, %scatter3A_560] : memref<2x64x257xf32, #tpu.memory_space<vmem>> -> memref<1x64x257xf32, #tpu.memory_space<vmem>>
          %scatter3A_562 = tpu.memref_squeeze %scatter3A_561 : memref<1x64x257xf32, #tpu.memory_space<vmem>> -> memref<64x257xf32, #tpu.memory_space<vmem>>
          tpu.vector_store_idx %scatter3A_562[%add3A_557, %broadcast_in_dim3A_558], %mul3A_553 : memref<64x257xf32, #tpu.memory_space<vmem>>[vector<16xi32>, vector<16xi32>], vector<16xf32>,
          %get3A_563 = arith.constant 1 : i32
          %get3A_564 = arith.index_cast %get3A_563 : i32 to index
          %get3A_565 = arith.index_cast %scan3A_528 : i32 to index
          %get3A_566 = arith.constant 32 : index
          %get3A_567 = tpu.vector_load %arg6[%get3A_564, %get3A_565, %get3A_566] {strides = array<i32>} : memref<2x256x64xf32, #tpu.memory_space<vmem>>, vector<16xf32>,
          %mul3A_568 = arith.constant 8.000000e+00 : f32
          %mul3A_569 = vector.broadcast %mul3A_568 : f32 to vector<16xf32>
          %mul3A_570 = arith.mulf %get3A_567, %mul3A_569 : vector<16xf32>
          %iota3A_571 = tpu.iota {dimensions = array<i32: 0>} : vector<16xi32>
          %add3A_572 = arith.constant 32 : i32
          %add3A_573 = vector.broadcast %add3A_572 : i32 to vector<16xi32>
          %add3A_574 = arith.addi %iota3A_571, %add3A_573 : vector<16xi32>
          %broadcast_in_dim3A_575 = vector.broadcast %scan3A_528 : i32 to vector<16xi32>
          %scatter3A_576 = arith.constant 0 : i32
          %scatter3A_577 = arith.constant 0 : i32
          %scatter3A_578 = tpu.memref_slice %arg7[%scan3A_209, %scatter3A_576, %scatter3A_577] : memref<2x64x257xf32, #tpu.memory_space<vmem>> -> memref<1x64x257xf32, #tpu.memory_space<vmem>>
          %scatter3A_579 = tpu.memref_squeeze %scatter3A_578 : memref<1x64x257xf32, #tpu.memory_space<vmem>> -> memref<64x257xf32, #tpu.memory_space<vmem>>
          tpu.vector_store_idx %scatter3A_579[%add3A_574, %broadcast_in_dim3A_575], %mul3A_570 : memref<64x257xf32, #tpu.memory_space<vmem>>[vector<16xi32>, vector<16xi32>], vector<16xf32>,
          %get3A_580 = arith.constant 1 : i32
          %get3A_581 = arith.index_cast %get3A_580 : i32 to index
          %get3A_582 = arith.index_cast %scan3A_528 : i32 to index
          %get3A_583 = arith.constant 48 : index
          %get3A_584 = tpu.vector_load %arg6[%get3A_581, %get3A_582, %get3A_583] {strides = array<i32>} : memref<2x256x64xf32, #tpu.memory_space<vmem>>, vector<16xf32>,
          %mul3A_585 = arith.constant 8.000000e+00 : f32
          %mul3A_586 = vector.broadcast %mul3A_585 : f32 to vector<16xf32>
          %mul3A_587 = arith.mulf %get3A_584, %mul3A_586 : vector<16xf32>
          %iota3A_588 = tpu.iota {dimensions = array<i32: 0>} : vector<16xi32>
          %add3A_589 = arith.constant 48 : i32
          %add3A_590 = vector.broadcast %add3A_589 : i32 to vector<16xi32>
          %add3A_591 = arith.addi %iota3A_588, %add3A_590 : vector<16xi32>
          %broadcast_in_dim3A_592 = vector.broadcast %scan3A_528 : i32 to vector<16xi32>
          %scatter3A_593 = arith.constant 0 : i32
          %scatter3A_594 = arith.constant 0 : i32
          %scatter3A_595 = tpu.memref_slice %arg7[%scan3A_209, %scatter3A_593, %scatter3A_594] : memref<2x64x257xf32, #tpu.memory_space<vmem>> -> memref<1x64x257xf32, #tpu.memory_space<vmem>>
          %scatter3A_596 = tpu.memref_squeeze %scatter3A_595 : memref<1x64x257xf32, #tpu.memory_space<vmem>> -> memref<64x257xf32, #tpu.memory_space<vmem>>
          tpu.vector_store_idx %scatter3A_596[%add3A_591, %broadcast_in_dim3A_592], %mul3A_587 : memref<64x257xf32, #tpu.memory_space<vmem>>[vector<16xi32>, vector<16xi32>], vector<16xf32>,
          %scan3A_597 = arith.constant 5 : i32
          %scan3A_598 = arith.addi %scan3A_252, %scan3A_597 : i32
          %get3A_599 = arith.constant 1 : i32
          %get3A_600 = arith.index_cast %get3A_599 : i32 to index
          %get3A_601 = arith.index_cast %scan3A_598 : i32 to index
          %get3A_602 = arith.constant 0 : index
          %get3A_603 = tpu.vector_load %arg6[%get3A_600, %get3A_601, %get3A_602] {strides = array<i32>} : memref<2x256x64xf32, #tpu.memory_space<vmem>>, vector<16xf32>,
          %mul3A_604 = arith.constant 8.000000e+00 : f32
          %mul3A_605 = vector.broadcast %mul3A_604 : f32 to vector<16xf32>
          %mul3A_606 = arith.mulf %get3A_603, %mul3A_605 : vector<16xf32>
          %iota3A_607 = tpu.iota {dimensions = array<i32: 0>} : vector<16xi32>
          %add3A_608 = arith.constant 0 : i32
          %add3A_609 = vector.broadcast %add3A_608 : i32 to vector<16xi32>
          %add3A_610 = arith.addi %iota3A_607, %add3A_609 : vector<16xi32>
          %broadcast_in_dim3A_611 = vector.broadcast %scan3A_598 : i32 to vector<16xi32>
          %scatter3A_612 = arith.constant 0 : i32
          %scatter3A_613 = arith.constant 0 : i32
          %scatter3A_614 = tpu.memref_slice %arg7[%scan3A_209, %scatter3A_612, %scatter3A_613] : memref<2x64x257xf32, #tpu.memory_space<vmem>> -> memref<1x64x257xf32, #tpu.memory_space<vmem>>
          %scatter3A_615 = tpu.memref_squeeze %scatter3A_614 : memref<1x64x257xf32, #tpu.memory_space<vmem>> -> memref<64x257xf32, #tpu.memory_space<vmem>>
          tpu.vector_store_idx %scatter3A_615[%add3A_610, %broadcast_in_dim3A_611], %mul3A_606 : memref<64x257xf32, #tpu.memory_space<vmem>>[vector<16xi32>, vector<16xi32>], vector<16xf32>,
          %get3A_616 = arith.constant 1 : i32
          %get3A_617 = arith.index_cast %get3A_616 : i32 to index
          %get3A_618 = arith.index_cast %scan3A_598 : i32 to index
          %get3A_619 = arith.constant 16 : index
          %get3A_620 = tpu.vector_load %arg6[%get3A_617, %get3A_618, %get3A_619] {strides = array<i32>} : memref<2x256x64xf32, #tpu.memory_space<vmem>>, vector<16xf32>,
          %mul3A_621 = arith.constant 8.000000e+00 : f32
          %mul3A_622 = vector.broadcast %mul3A_621 : f32 to vector<16xf32>
          %mul3A_623 = arith.mulf %get3A_620, %mul3A_622 : vector<16xf32>
          %iota3A_624 = tpu.iota {dimensions = array<i32: 0>} : vector<16xi32>
          %add3A_625 = arith.constant 16 : i32
          %add3A_626 = vector.broadcast %add3A_625 : i32 to vector<16xi32>
          %add3A_627 = arith.addi %iota3A_624, %add3A_626 : vector<16xi32>
          %broadcast_in_dim3A_628 = vector.broadcast %scan3A_598 : i32 to vector<16xi32>
          %scatter3A_629 = arith.constant 0 : i32
          %scatter3A_630 = arith.constant 0 : i32
          %scatter3A_631 = tpu.memref_slice %arg7[%scan3A_209, %scatter3A_629, %scatter3A_630] : memref<2x64x257xf32, #tpu.memory_space<vmem>> -> memref<1x64x257xf32, #tpu.memory_space<vmem>>
          %scatter3A_632 = tpu.memref_squeeze %scatter3A_631 : memref<1x64x257xf32, #tpu.memory_space<vmem>> -> memref<64x257xf32, #tpu.memory_space<vmem>>
          tpu.vector_store_idx %scatter3A_632[%add3A_627, %broadcast_in_dim3A_628], %mul3A_623 : memref<64x257xf32, #tpu.memory_space<vmem>>[vector<16xi32>, vector<16xi32>], vector<16xf32>,
          %get3A_633 = arith.constant 1 : i32
          %get3A_634 = arith.index_cast %get3A_633 : i32 to index
          %get3A_635 = arith.index_cast %scan3A_598 : i32 to index
          %get3A_636 = arith.constant 32 : index
          %get3A_637 = tpu.vector_load %arg6[%get3A_634, %get3A_635, %get3A_636] {strides = array<i32>} : memref<2x256x64xf32, #tpu.memory_space<vmem>>, vector<16xf32>,
          %mul3A_638 = arith.constant 8.000000e+00 : f32
          %mul3A_639 = vector.broadcast %mul3A_638 : f32 to vector<16xf32>
          %mul3A_640 = arith.mulf %get3A_637, %mul3A_639 : vector<16xf32>
          %iota3A_641 = tpu.iota {dimensions = array<i32: 0>} : vector<16xi32>
          %add3A_642 = arith.constant 32 : i32
          %add3A_643 = vector.broadcast %add3A_642 : i32 to vector<16xi32>
          %add3A_644 = arith.addi %iota3A_641, %add3A_643 : vector<16xi32>
          %broadcast_in_dim3A_645 = vector.broadcast %scan3A_598 : i32 to vector<16xi32>
          %scatter3A_646 = arith.constant 0 : i32
          %scatter3A_647 = arith.constant 0 : i32
          %scatter3A_648 = tpu.memref_slice %arg7[%scan3A_209, %scatter3A_646, %scatter3A_647] : memref<2x64x257xf32, #tpu.memory_space<vmem>> -> memref<1x64x257xf32, #tpu.memory_space<vmem>>
          %scatter3A_649 = tpu.memref_squeeze %scatter3A_648 : memref<1x64x257xf32, #tpu.memory_space<vmem>> -> memref<64x257xf32, #tpu.memory_space<vmem>>
          tpu.vector_store_idx %scatter3A_649[%add3A_644, %broadcast_in_dim3A_645], %mul3A_640 : memref<64x257xf32, #tpu.memory_space<vmem>>[vector<16xi32>, vector<16xi32>], vector<16xf32>,
          %get3A_650 = arith.constant 1 : i32
          %get3A_651 = arith.index_cast %get3A_650 : i32 to index
          %get3A_652 = arith.index_cast %scan3A_598 : i32 to index
          %get3A_653 = arith.constant 48 : index
          %get3A_654 = tpu.vector_load %arg6[%get3A_651, %get3A_652, %get3A_653] {strides = array<i32>} : memref<2x256x64xf32, #tpu.memory_space<vmem>>, vector<16xf32>,
          %mul3A_655 = arith.constant 8.000000e+00 : f32
          %mul3A_656 = vector.broadcast %mul3A_655 : f32 to vector<16xf32>
          %mul3A_657 = arith.mulf %get3A_654, %mul3A_656 : vector<16xf32>
          %iota3A_658 = tpu.iota {dimensions = array<i32: 0>} : vector<16xi32>
          %add3A_659 = arith.constant 48 : i32
          %add3A_660 = vector.broadcast %add3A_659 : i32 to vector<16xi32>
          %add3A_661 = arith.addi %iota3A_658, %add3A_660 : vector<16xi32>
          %broadcast_in_dim3A_662 = vector.broadcast %scan3A_598 : i32 to vector<16xi32>
          %scatter3A_663 = arith.constant 0 : i32
          %scatter3A_664 = arith.constant 0 : i32
          %scatter3A_665 = tpu.memref_slice %arg7[%scan3A_209, %scatter3A_663, %scatter3A_664] : memref<2x64x257xf32, #tpu.memory_space<vmem>> -> memref<1x64x257xf32, #tpu.memory_space<vmem>>
          %scatter3A_666 = tpu.memref_squeeze %scatter3A_665 : memref<1x64x257xf32, #tpu.memory_space<vmem>> -> memref<64x257xf32, #tpu.memory_space<vmem>>
          tpu.vector_store_idx %scatter3A_666[%add3A_661, %broadcast_in_dim3A_662], %mul3A_657 : memref<64x257xf32, #tpu.memory_space<vmem>>[vector<16xi32>, vector<16xi32>], vector<16xf32>,
          %scan3A_667 = arith.constant 6 : i32
          %scan3A_668 = arith.addi %scan3A_252, %scan3A_667 : i32
          %get3A_669 = arith.constant 1 : i32
          %get3A_670 = arith.index_cast %get3A_669 : i32 to index
          %get3A_671 = arith.index_cast %scan3A_668 : i32 to index
          %get3A_672 = arith.constant 0 : index
          %get3A_673 = tpu.vector_load %arg6[%get3A_670, %get3A_671, %get3A_672] {strides = array<i32>} : memref<2x256x64xf32, #tpu.memory_space<vmem>>, vector<16xf32>,
          %mul3A_674 = arith.constant 8.000000e+00 : f32
          %mul3A_675 = vector.broadcast %mul3A_674 : f32 to vector<16xf32>
          %mul3A_676 = arith.mulf %get3A_673, %mul3A_675 : vector<16xf32>
          %iota3A_677 = tpu.iota {dimensions = array<i32: 0>} : vector<16xi32>
          %add3A_678 = arith.constant 0 : i32
          %add3A_679 = vector.broadcast %add3A_678 : i32 to vector<16xi32>
          %add3A_680 = arith.addi %iota3A_677, %add3A_679 : vector<16xi32>
          %broadcast_in_dim3A_681 = vector.broadcast %scan3A_668 : i32 to vector<16xi32>
          %scatter3A_682 = arith.constant 0 : i32
          %scatter3A_683 = arith.constant 0 : i32
          %scatter3A_684 = tpu.memref_slice %arg7[%scan3A_209, %scatter3A_682, %scatter3A_683] : memref<2x64x257xf32, #tpu.memory_space<vmem>> -> memref<1x64x257xf32, #tpu.memory_space<vmem>>
          %scatter3A_685 = tpu.memref_squeeze %scatter3A_684 : memref<1x64x257xf32, #tpu.memory_space<vmem>> -> memref<64x257xf32, #tpu.memory_space<vmem>>
          tpu.vector_store_idx %scatter3A_685[%add3A_680, %broadcast_in_dim3A_681], %mul3A_676 : memref<64x257xf32, #tpu.memory_space<vmem>>[vector<16xi32>, vector<16xi32>], vector<16xf32>,
          %get3A_686 = arith.constant 1 : i32
          %get3A_687 = arith.index_cast %get3A_686 : i32 to index
          %get3A_688 = arith.index_cast %scan3A_668 : i32 to index
          %get3A_689 = arith.constant 16 : index
          %get3A_690 = tpu.vector_load %arg6[%get3A_687, %get3A_688, %get3A_689] {strides = array<i32>} : memref<2x256x64xf32, #tpu.memory_space<vmem>>, vector<16xf32>,
          %mul3A_691 = arith.constant 8.000000e+00 : f32
          %mul3A_692 = vector.broadcast %mul3A_691 : f32 to vector<16xf32>
          %mul3A_693 = arith.mulf %get3A_690, %mul3A_692 : vector<16xf32>
          %iota3A_694 = tpu.iota {dimensions = array<i32: 0>} : vector<16xi32>
          %add3A_695 = arith.constant 16 : i32
          %add3A_696 = vector.broadcast %add3A_695 : i32 to vector<16xi32>
          %add3A_697 = arith.addi %iota3A_694, %add3A_696 : vector<16xi32>
          %broadcast_in_dim3A_698 = vector.broadcast %scan3A_668 : i32 to vector<16xi32>
          %scatter3A_699 = arith.constant 0 : i32
          %scatter3A_700 = arith.constant 0 : i32
          %scatter3A_701 = tpu.memref_slice %arg7[%scan3A_209, %scatter3A_699, %scatter3A_700] : memref<2x64x257xf32, #tpu.memory_space<vmem>> -> memref<1x64x257xf32, #tpu.memory_space<vmem>>
          %scatter3A_702 = tpu.memref_squeeze %scatter3A_701 : memref<1x64x257xf32, #tpu.memory_space<vmem>> -> memref<64x257xf32, #tpu.memory_space<vmem>>
          tpu.vector_store_idx %scatter3A_702[%add3A_697, %broadcast_in_dim3A_698], %mul3A_693 : memref<64x257xf32, #tpu.memory_space<vmem>>[vector<16xi32>, vector<16xi32>], vector<16xf32>,
          %get3A_703 = arith.constant 1 : i32
          %get3A_704 = arith.index_cast %get3A_703 : i32 to index
          %get3A_705 = arith.index_cast %scan3A_668 : i32 to index
          %get3A_706 = arith.constant 32 : index
          %get3A_707 = tpu.vector_load %arg6[%get3A_704, %get3A_705, %get3A_706] {strides = array<i32>} : memref<2x256x64xf32, #tpu.memory_space<vmem>>, vector<16xf32>,
          %mul3A_708 = arith.constant 8.000000e+00 : f32
          %mul3A_709 = vector.broadcast %mul3A_708 : f32 to vector<16xf32>
          %mul3A_710 = arith.mulf %get3A_707, %mul3A_709 : vector<16xf32>
          %iota3A_711 = tpu.iota {dimensions = array<i32: 0>} : vector<16xi32>
          %add3A_712 = arith.constant 32 : i32
          %add3A_713 = vector.broadcast %add3A_712 : i32 to vector<16xi32>
          %add3A_714 = arith.addi %iota3A_711, %add3A_713 : vector<16xi32>
          %broadcast_in_dim3A_715 = vector.broadcast %scan3A_668 : i32 to vector<16xi32>
          %scatter3A_716 = arith.constant 0 : i32
          %scatter3A_717 = arith.constant 0 : i32
          %scatter3A_718 = tpu.memref_slice %arg7[%scan3A_209, %scatter3A_716, %scatter3A_717] : memref<2x64x257xf32, #tpu.memory_space<vmem>> -> memref<1x64x257xf32, #tpu.memory_space<vmem>>
          %scatter3A_719 = tpu.memref_squeeze %scatter3A_718 : memref<1x64x257xf32, #tpu.memory_space<vmem>> -> memref<64x257xf32, #tpu.memory_space<vmem>>
          tpu.vector_store_idx %scatter3A_719[%add3A_714, %broadcast_in_dim3A_715], %mul3A_710 : memref<64x257xf32, #tpu.memory_space<vmem>>[vector<16xi32>, vector<16xi32>], vector<16xf32>,
          %get3A_720 = arith.constant 1 : i32
          %get3A_721 = arith.index_cast %get3A_720 : i32 to index
          %get3A_722 = arith.index_cast %scan3A_668 : i32 to index
          %get3A_723 = arith.constant 48 : index
          %get3A_724 = tpu.vector_load %arg6[%get3A_721, %get3A_722, %get3A_723] {strides = array<i32>} : memref<2x256x64xf32, #tpu.memory_space<vmem>>, vector<16xf32>,
          %mul3A_725 = arith.constant 8.000000e+00 : f32
          %mul3A_726 = vector.broadcast %mul3A_725 : f32 to vector<16xf32>
          %mul3A_727 = arith.mulf %get3A_724, %mul3A_726 : vector<16xf32>
          %iota3A_728 = tpu.iota {dimensions = array<i32: 0>} : vector<16xi32>
          %add3A_729 = arith.constant 48 : i32
          %add3A_730 = vector.broadcast %add3A_729 : i32 to vector<16xi32>
          %add3A_731 = arith.addi %iota3A_728, %add3A_730 : vector<16xi32>
          %broadcast_in_dim3A_732 = vector.broadcast %scan3A_668 : i32 to vector<16xi32>
          %scatter3A_733 = arith.constant 0 : i32
          %scatter3A_734 = arith.constant 0 : i32
          %scatter3A_735 = tpu.memref_slice %arg7[%scan3A_209, %scatter3A_733, %scatter3A_734] : memref<2x64x257xf32, #tpu.memory_space<vmem>> -> memref<1x64x257xf32, #tpu.memory_space<vmem>>
          %scatter3A_736 = tpu.memref_squeeze %scatter3A_735 : memref<1x64x257xf32, #tpu.memory_space<vmem>> -> memref<64x257xf32, #tpu.memory_space<vmem>>
          tpu.vector_store_idx %scatter3A_736[%add3A_731, %broadcast_in_dim3A_732], %mul3A_727 : memref<64x257xf32, #tpu.memory_space<vmem>>[vector<16xi32>, vector<16xi32>], vector<16xf32>,
          %scan3A_737 = arith.constant 7 : i32
          %scan3A_738 = arith.addi %scan3A_252, %scan3A_737 : i32
          %get3A_739 = arith.constant 1 : i32
          %get3A_740 = arith.index_cast %get3A_739 : i32 to index
          %get3A_741 = arith.index_cast %scan3A_738 : i32 to index
          %get3A_742 = arith.constant 0 : index
          %get3A_743 = tpu.vector_load %arg6[%get3A_740, %get3A_741, %get3A_742] {strides = array<i32>} : memref<2x256x64xf32, #tpu.memory_space<vmem>>, vector<16xf32>,
          %mul3A_744 = arith.constant 8.000000e+00 : f32
          %mul3A_745 = vector.broadcast %mul3A_744 : f32 to vector<16xf32>
          %mul3A_746 = arith.mulf %get3A_743, %mul3A_745 : vector<16xf32>
          %iota3A_747 = tpu.iota {dimensions = array<i32: 0>} : vector<16xi32>
          %add3A_748 = arith.constant 0 : i32
          %add3A_749 = vector.broadcast %add3A_748 : i32 to vector<16xi32>
          %add3A_750 = arith.addi %iota3A_747, %add3A_749 : vector<16xi32>
          %broadcast_in_dim3A_751 = vector.broadcast %scan3A_738 : i32 to vector<16xi32>
          %scatter3A_752 = arith.constant 0 : i32
          %scatter3A_753 = arith.constant 0 : i32
          %scatter3A_754 = tpu.memref_slice %arg7[%scan3A_209, %scatter3A_752, %scatter3A_753] : memref<2x64x257xf32, #tpu.memory_space<vmem>> -> memref<1x64x257xf32, #tpu.memory_space<vmem>>
          %scatter3A_755 = tpu.memref_squeeze %scatter3A_754 : memref<1x64x257xf32, #tpu.memory_space<vmem>> -> memref<64x257xf32, #tpu.memory_space<vmem>>
          tpu.vector_store_idx %scatter3A_755[%add3A_750, %broadcast_in_dim3A_751], %mul3A_746 : memref<64x257xf32, #tpu.memory_space<vmem>>[vector<16xi32>, vector<16xi32>], vector<16xf32>,
          %get3A_756 = arith.constant 1 : i32
          %get3A_757 = arith.index_cast %get3A_756 : i32 to index
          %get3A_758 = arith.index_cast %scan3A_738 : i32 to index
          %get3A_759 = arith.constant 16 : index
          %get3A_760 = tpu.vector_load %arg6[%get3A_757, %get3A_758, %get3A_759] {strides = array<i32>} : memref<2x256x64xf32, #tpu.memory_space<vmem>>, vector<16xf32>,
          %mul3A_761 = arith.constant 8.000000e+00 : f32
          %mul3A_762 = vector.broadcast %mul3A_761 : f32 to vector<16xf32>
          %mul3A_763 = arith.mulf %get3A_760, %mul3A_762 : vector<16xf32>
          %iota3A_764 = tpu.iota {dimensions = array<i32: 0>} : vector<16xi32>
          %add3A_765 = arith.constant 16 : i32
          %add3A_766 = vector.broadcast %add3A_765 : i32 to vector<16xi32>
          %add3A_767 = arith.addi %iota3A_764, %add3A_766 : vector<16xi32>
          %broadcast_in_dim3A_768 = vector.broadcast %scan3A_738 : i32 to vector<16xi32>
          %scatter3A_769 = arith.constant 0 : i32
          %scatter3A_770 = arith.constant 0 : i32
          %scatter3A_771 = tpu.memref_slice %arg7[%scan3A_209, %scatter3A_769, %scatter3A_770] : memref<2x64x257xf32, #tpu.memory_space<vmem>> -> memref<1x64x257xf32, #tpu.memory_space<vmem>>
          %scatter3A_772 = tpu.memref_squeeze %scatter3A_771 : memref<1x64x257xf32, #tpu.memory_space<vmem>> -> memref<64x257xf32, #tpu.memory_space<vmem>>
          tpu.vector_store_idx %scatter3A_772[%add3A_767, %broadcast_in_dim3A_768], %mul3A_763 : memref<64x257xf32, #tpu.memory_space<vmem>>[vector<16xi32>, vector<16xi32>], vector<16xf32>,
          %get3A_773 = arith.constant 1 : i32
          %get3A_774 = arith.index_cast %get3A_773 : i32 to index
          %get3A_775 = arith.index_cast %scan3A_738 : i32 to index
          %get3A_776 = arith.constant 32 : index
          %get3A_777 = tpu.vector_load %arg6[%get3A_774, %get3A_775, %get3A_776] {strides = array<i32>} : memref<2x256x64xf32, #tpu.memory_space<vmem>>, vector<16xf32>,
          %mul3A_778 = arith.constant 8.000000e+00 : f32
          %mul3A_779 = vector.broadcast %mul3A_778 : f32 to vector<16xf32>
          %mul3A_780 = arith.mulf %get3A_777, %mul3A_779 : vector<16xf32>
          %iota3A_781 = tpu.iota {dimensions = array<i32: 0>} : vector<16xi32>
          %add3A_782 = arith.constant 32 : i32
          %add3A_783 = vector.broadcast %add3A_782 : i32 to vector<16xi32>
          %add3A_784 = arith.addi %iota3A_781, %add3A_783 : vector<16xi32>
          %broadcast_in_dim3A_785 = vector.broadcast %scan3A_738 : i32 to vector<16xi32>
          %scatter3A_786 = arith.constant 0 : i32
          %scatter3A_787 = arith.constant 0 : i32
          %scatter3A_788 = tpu.memref_slice %arg7[%scan3A_209, %scatter3A_786, %scatter3A_787] : memref<2x64x257xf32, #tpu.memory_space<vmem>> -> memref<1x64x257xf32, #tpu.memory_space<vmem>>
          %scatter3A_789 = tpu.memref_squeeze %scatter3A_788 : memref<1x64x257xf32, #tpu.memory_space<vmem>> -> memref<64x257xf32, #tpu.memory_space<vmem>>
          tpu.vector_store_idx %scatter3A_789[%add3A_784, %broadcast_in_dim3A_785], %mul3A_780 : memref<64x257xf32, #tpu.memory_space<vmem>>[vector<16xi32>, vector<16xi32>], vector<16xf32>,
          %get3A_790 = arith.constant 1 : i32
          %get3A_791 = arith.index_cast %get3A_790 : i32 to index
          %get3A_792 = arith.index_cast %scan3A_738 : i32 to index
          %get3A_793 = arith.constant 48 : index
          %get3A_794 = tpu.vector_load %arg6[%get3A_791, %get3A_792, %get3A_793] {strides = array<i32>} : memref<2x256x64xf32, #tpu.memory_space<vmem>>, vector<16xf32>,
          %mul3A_795 = arith.constant 8.000000e+00 : f32
          %mul3A_796 = vector.broadcast %mul3A_795 : f32 to vector<16xf32>
          %mul3A_797 = arith.mulf %get3A_794, %mul3A_796 : vector<16xf32>
          %iota3A_798 = tpu.iota {dimensions = array<i32: 0>} : vector<16xi32>
          %add3A_799 = arith.constant 48 : i32
          %add3A_800 = vector.broadcast %add3A_799 : i32 to vector<16xi32>
          %add3A_801 = arith.addi %iota3A_798, %add3A_800 : vector<16xi32>
          %broadcast_in_dim3A_802 = vector.broadcast %scan3A_738 : i32 to vector<16xi32>
          %scatter3A_803 = arith.constant 0 : i32
          %scatter3A_804 = arith.constant 0 : i32
          %scatter3A_805 = tpu.memref_slice %arg7[%scan3A_209, %scatter3A_803, %scatter3A_804] : memref<2x64x257xf32, #tpu.memory_space<vmem>> -> memref<1x64x257xf32, #tpu.memory_space<vmem>>
          %scatter3A_806 = tpu.memref_squeeze %scatter3A_805 : memref<1x64x257xf32, #tpu.memory_space<vmem>> -> memref<64x257xf32, #tpu.memory_space<vmem>>
          tpu.vector_store_idx %scatter3A_806[%add3A_801, %broadcast_in_dim3A_802], %mul3A_797 : memref<64x257xf32, #tpu.memory_space<vmem>>[vector<16xi32>, vector<16xi32>], vector<16xf32>,
          %scan3A_807 = arith.constant 8 : i32
          %scan3A_808 = arith.addi %scan3A_252, %scan3A_807 : i32
          %get3A_809 = arith.constant 1 : i32
          %get3A_810 = arith.index_cast %get3A_809 : i32 to index
          %get3A_811 = arith.index_cast %scan3A_808 : i32 to index
          %get3A_812 = arith.constant 0 : index
          %get3A_813 = tpu.vector_load %arg6[%get3A_810, %get3A_811, %get3A_812] {strides = array<i32>} : memref<2x256x64xf32, #tpu.memory_space<vmem>>, vector<16xf32>,
          %mul3A_814 = arith.constant 8.000000e+00 : f32
          %mul3A_815 = vector.broadcast %mul3A_814 : f32 to vector<16xf32>
          %mul3A_816 = arith.mulf %get3A_813, %mul3A_815 : vector<16xf32>
          %iota3A_817 = tpu.iota {dimensions = array<i32: 0>} : vector<16xi32>
          %add3A_818 = arith.constant 0 : i32
          %add3A_819 = vector.broadcast %add3A_818 : i32 to vector<16xi32>
          %add3A_820 = arith.addi %iota3A_817, %add3A_819 : vector<16xi32>
          %broadcast_in_dim3A_821 = vector.broadcast %scan3A_808 : i32 to vector<16xi32>
          %scatter3A_822 = arith.constant 0 : i32
          %scatter3A_823 = arith.constant 0 : i32
          %scatter3A_824 = tpu.memref_slice %arg7[%scan3A_209, %scatter3A_822, %scatter3A_823] : memref<2x64x257xf32, #tpu.memory_space<vmem>> -> memref<1x64x257xf32, #tpu.memory_space<vmem>>
          %scatter3A_825 = tpu.memref_squeeze %scatter3A_824 : memref<1x64x257xf32, #tpu.memory_space<vmem>> -> memref<64x257xf32, #tpu.memory_space<vmem>>
          tpu.vector_store_idx %scatter3A_825[%add3A_820, %broadcast_in_dim3A_821], %mul3A_816 : memref<64x257xf32, #tpu.memory_space<vmem>>[vector<16xi32>, vector<16xi32>], vector<16xf32>,
          %get3A_826 = arith.constant 1 : i32
          %get3A_827 = arith.index_cast %get3A_826 : i32 to index
          %get3A_828 = arith.index_cast %scan3A_808 : i32 to index
          %get3A_829 = arith.constant 16 : index
          %get3A_830 = tpu.vector_load %arg6[%get3A_827, %get3A_828, %get3A_829] {strides = array<i32>} : memref<2x256x64xf32, #tpu.memory_space<vmem>>, vector<16xf32>,
          %mul3A_831 = arith.constant 8.000000e+00 : f32
          %mul3A_832 = vector.broadcast %mul3A_831 : f32 to vector<16xf32>
          %mul3A_833 = arith.mulf %get3A_830, %mul3A_832 : vector<16xf32>
          %iota3A_834 = tpu.iota {dimensions = array<i32: 0>} : vector<16xi32>
          %add3A_835 = arith.constant 16 : i32
          %add3A_836 = vector.broadcast %add3A_835 : i32 to vector<16xi32>
          %add3A_837 = arith.addi %iota3A_834, %add3A_836 : vector<16xi32>
          %broadcast_in_dim3A_838 = vector.broadcast %scan3A_808 : i32 to vector<16xi32>
          %scatter3A_839 = arith.constant 0 : i32
          %scatter3A_840 = arith.constant 0 : i32
          %scatter3A_841 = tpu.memref_slice %arg7[%scan3A_209, %scatter3A_839, %scatter3A_840] : memref<2x64x257xf32, #tpu.memory_space<vmem>> -> memref<1x64x257xf32, #tpu.memory_space<vmem>>
          %scatter3A_842 = tpu.memref_squeeze %scatter3A_841 : memref<1x64x257xf32, #tpu.memory_space<vmem>> -> memref<64x257xf32, #tpu.memory_space<vmem>>
          tpu.vector_store_idx %scatter3A_842[%add3A_837, %broadcast_in_dim3A_838], %mul3A_833 : memref<64x257xf32, #tpu.memory_space<vmem>>[vector<16xi32>, vector<16xi32>], vector<16xf32>,
          %get3A_843 = arith.constant 1 : i32
          %get3A_844 = arith.index_cast %get3A_843 : i32 to index
          %get3A_845 = arith.index_cast %scan3A_808 : i32 to index
          %get3A_846 = arith.constant 32 : index
          %get3A_847 = tpu.vector_load %arg6[%get3A_844, %get3A_845, %get3A_846] {strides = array<i32>} : memref<2x256x64xf32, #tpu.memory_space<vmem>>, vector<16xf32>,
          %mul3A_848 = arith.constant 8.000000e+00 : f32
          %mul3A_849 = vector.broadcast %mul3A_848 : f32 to vector<16xf32>
          %mul3A_850 = arith.mulf %get3A_847, %mul3A_849 : vector<16xf32>
          %iota3A_851 = tpu.iota {dimensions = array<i32: 0>} : vector<16xi32>
          %add3A_852 = arith.constant 32 : i32
          %add3A_853 = vector.broadcast %add3A_852 : i32 to vector<16xi32>
          %add3A_854 = arith.addi %iota3A_851, %add3A_853 : vector<16xi32>
          %broadcast_in_dim3A_855 = vector.broadcast %scan3A_808 : i32 to vector<16xi32>
          %scatter3A_856 = arith.constant 0 : i32
          %scatter3A_857 = arith.constant 0 : i32
          %scatter3A_858 = tpu.memref_slice %arg7[%scan3A_209, %scatter3A_856, %scatter3A_857] : memref<2x64x257xf32, #tpu.memory_space<vmem>> -> memref<1x64x257xf32, #tpu.memory_space<vmem>>
          %scatter3A_859 = tpu.memref_squeeze %scatter3A_858 : memref<1x64x257xf32, #tpu.memory_space<vmem>> -> memref<64x257xf32, #tpu.memory_space<vmem>>
          tpu.vector_store_idx %scatter3A_859[%add3A_854, %broadcast_in_dim3A_855], %mul3A_850 : memref<64x257xf32, #tpu.memory_space<vmem>>[vector<16xi32>, vector<16xi32>], vector<16xf32>,
          %get3A_860 = arith.constant 1 : i32
          %get3A_861 = arith.index_cast %get3A_860 : i32 to index
          %get3A_862 = arith.index_cast %scan3A_808 : i32 to index
          %get3A_863 = arith.constant 48 : index
          %get3A_864 = tpu.vector_load %arg6[%get3A_861, %get3A_862, %get3A_863] {strides = array<i32>} : memref<2x256x64xf32, #tpu.memory_space<vmem>>, vector<16xf32>,
          %mul3A_865 = arith.constant 8.000000e+00 : f32
          %mul3A_866 = vector.broadcast %mul3A_865 : f32 to vector<16xf32>
          %mul3A_867 = arith.mulf %get3A_864, %mul3A_866 : vector<16xf32>
          %iota3A_868 = tpu.iota {dimensions = array<i32: 0>} : vector<16xi32>
          %add3A_869 = arith.constant 48 : i32
          %add3A_870 = vector.broadcast %add3A_869 : i32 to vector<16xi32>
          %add3A_871 = arith.addi %iota3A_868, %add3A_870 : vector<16xi32>
          %broadcast_in_dim3A_872 = vector.broadcast %scan3A_808 : i32 to vector<16xi32>
          %scatter3A_873 = arith.constant 0 : i32
          %scatter3A_874 = arith.constant 0 : i32
          %scatter3A_875 = tpu.memref_slice %arg7[%scan3A_209, %scatter3A_873, %scatter3A_874] : memref<2x64x257xf32, #tpu.memory_space<vmem>> -> memref<1x64x257xf32, #tpu.memory_space<vmem>>
          %scatter3A_876 = tpu.memref_squeeze %scatter3A_875 : memref<1x64x257xf32, #tpu.memory_space<vmem>> -> memref<64x257xf32, #tpu.memory_space<vmem>>
          tpu.vector_store_idx %scatter3A_876[%add3A_871, %broadcast_in_dim3A_872], %mul3A_867 : memref<64x257xf32, #tpu.memory_space<vmem>>[vector<16xi32>, vector<16xi32>], vector<16xf32>,
          %scan3A_877 = arith.constant 9 : i32
          %scan3A_878 = arith.addi %scan3A_252, %scan3A_877 : i32
          %get3A_879 = arith.constant 1 : i32
          %get3A_880 = arith.index_cast %get3A_879 : i32 to index
          %get3A_881 = arith.index_cast %scan3A_878 : i32 to index
          %get3A_882 = arith.constant 0 : index
          %get3A_883 = tpu.vector_load %arg6[%get3A_880, %get3A_881, %get3A_882] {strides = array<i32>} : memref<2x256x64xf32, #tpu.memory_space<vmem>>, vector<16xf32>,
          %mul3A_884 = arith.constant 8.000000e+00 : f32
          %mul3A_885 = vector.broadcast %mul3A_884 : f32 to vector<16xf32>
          %mul3A_886 = arith.mulf %get3A_883, %mul3A_885 : vector<16xf32>
          %iota3A_887 = tpu.iota {dimensions = array<i32: 0>} : vector<16xi32>
          %add3A_888 = arith.constant 0 : i32
          %add3A_889 = vector.broadcast %add3A_888 : i32 to vector<16xi32>
          %add3A_890 = arith.addi %iota3A_887, %add3A_889 : vector<16xi32>
          %broadcast_in_dim3A_891 = vector.broadcast %scan3A_878 : i32 to vector<16xi32>
          %scatter3A_892 = arith.constant 0 : i32
          %scatter3A_893 = arith.constant 0 : i32
          %scatter3A_894 = tpu.memref_slice %arg7[%scan3A_209, %scatter3A_892, %scatter3A_893] : memref<2x64x257xf32, #tpu.memory_space<vmem>> -> memref<1x64x257xf32, #tpu.memory_space<vmem>>
          %scatter3A_895 = tpu.memref_squeeze %scatter3A_894 : memref<1x64x257xf32, #tpu.memory_space<vmem>> -> memref<64x257xf32, #tpu.memory_space<vmem>>
          tpu.vector_store_idx %scatter3A_895[%add3A_890, %broadcast_in_dim3A_891], %mul3A_886 : memref<64x257xf32, #tpu.memory_space<vmem>>[vector<16xi32>, vector<16xi32>], vector<16xf32>,
          %get3A_896 = arith.constant 1 : i32
          %get3A_897 = arith.index_cast %get3A_896 : i32 to index
          %get3A_898 = arith.index_cast %scan3A_878 : i32 to index
          %get3A_899 = arith.constant 16 : index
          %get3A_900 = tpu.vector_load %arg6[%get3A_897, %get3A_898, %get3A_899] {strides = array<i32>} : memref<2x256x64xf32, #tpu.memory_space<vmem>>, vector<16xf32>,
          %mul3A_901 = arith.constant 8.000000e+00 : f32
          %mul3A_902 = vector.broadcast %mul3A_901 : f32 to vector<16xf32>
          %mul3A_903 = arith.mulf %get3A_900, %mul3A_902 : vector<16xf32>
          %iota3A_904 = tpu.iota {dimensions = array<i32: 0>} : vector<16xi32>
          %add3A_905 = arith.constant 16 : i32
          %add3A_906 = vector.broadcast %add3A_905 : i32 to vector<16xi32>
          %add3A_907 = arith.addi %iota3A_904, %add3A_906 : vector<16xi32>
          %broadcast_in_dim3A_908 = vector.broadcast %scan3A_878 : i32 to vector<16xi32>
          %scatter3A_909 = arith.constant 0 : i32
          %scatter3A_910 = arith.constant 0 : i32
          %scatter3A_911 = tpu.memref_slice %arg7[%scan3A_209, %scatter3A_909, %scatter3A_910] : memref<2x64x257xf32, #tpu.memory_space<vmem>> -> memref<1x64x257xf32, #tpu.memory_space<vmem>>
          %scatter3A_912 = tpu.memref_squeeze %scatter3A_911 : memref<1x64x257xf32, #tpu.memory_space<vmem>> -> memref<64x257xf32, #tpu.memory_space<vmem>>
          tpu.vector_store_idx %scatter3A_912[%add3A_907, %broadcast_in_dim3A_908], %mul3A_903 : memref<64x257xf32, #tpu.memory_space<vmem>>[vector<16xi32>, vector<16xi32>], vector<16xf32>,
          %get3A_913 = arith.constant 1 : i32
          %get3A_914 = arith.index_cast %get3A_913 : i32 to index
          %get3A_915 = arith.index_cast %scan3A_878 : i32 to index
          %get3A_916 = arith.constant 32 : index
          %get3A_917 = tpu.vector_load %arg6[%get3A_914, %get3A_915, %get3A_916] {strides = array<i32>} : memref<2x256x64xf32, #tpu.memory_space<vmem>>, vector<16xf32>,
          %mul3A_918 = arith.constant 8.000000e+00 : f32
          %mul3A_919 = vector.broadcast %mul3A_918 : f32 to vector<16xf32>
          %mul3A_920 = arith.mulf %get3A_917, %mul3A_919 : vector<16xf32>
          %iota3A_921 = tpu.iota {dimensions = array<i32: 0>} : vector<16xi32>
          %add3A_922 = arith.constant 32 : i32
          %add3A_923 = vector.broadcast %add3A_922 : i32 to vector<16xi32>
          %add3A_924 = arith.addi %iota3A_921, %add3A_923 : vector<16xi32>
          %broadcast_in_dim3A_925 = vector.broadcast %scan3A_878 : i32 to vector<16xi32>
          %scatter3A_926 = arith.constant 0 : i32
          %scatter3A_927 = arith.constant 0 : i32
          %scatter3A_928 = tpu.memref_slice %arg7[%scan3A_209, %scatter3A_926, %scatter3A_927] : memref<2x64x257xf32, #tpu.memory_space<vmem>> -> memref<1x64x257xf32, #tpu.memory_space<vmem>>
          %scatter3A_929 = tpu.memref_squeeze %scatter3A_928 : memref<1x64x257xf32, #tpu.memory_space<vmem>> -> memref<64x257xf32, #tpu.memory_space<vmem>>
          tpu.vector_store_idx %scatter3A_929[%add3A_924, %broadcast_in_dim3A_925], %mul3A_920 : memref<64x257xf32, #tpu.memory_space<vmem>>[vector<16xi32>, vector<16xi32>], vector<16xf32>,
          %get3A_930 = arith.constant 1 : i32
          %get3A_931 = arith.index_cast %get3A_930 : i32 to index
          %get3A_932 = arith.index_cast %scan3A_878 : i32 to index
          %get3A_933 = arith.constant 48 : index
          %get3A_934 = tpu.vector_load %arg6[%get3A_931, %get3A_932, %get3A_933] {strides = array<i32>} : memref<2x256x64xf32, #tpu.memory_space<vmem>>, vector<16xf32>,
          %mul3A_935 = arith.constant 8.000000e+00 : f32
          %mul3A_936 = vector.broadcast %mul3A_935 : f32 to vector<16xf32>
          %mul3A_937 = arith.mulf %get3A_934, %mul3A_936 : vector<16xf32>
          %iota3A_938 = tpu.iota {dimensions = array<i32: 0>} : vector<16xi32>
          %add3A_939 = arith.constant 48 : i32
          %add3A_940 = vector.broadcast %add3A_939 : i32 to vector<16xi32>
          %add3A_941 = arith.addi %iota3A_938, %add3A_940 : vector<16xi32>
          %broadcast_in_dim3A_942 = vector.broadcast %scan3A_878 : i32 to vector<16xi32>
          %scatter3A_943 = arith.constant 0 : i32
          %scatter3A_944 = arith.constant 0 : i32
          %scatter3A_945 = tpu.memref_slice %arg7[%scan3A_209, %scatter3A_943, %scatter3A_944] : memref<2x64x257xf32, #tpu.memory_space<vmem>> -> memref<1x64x257xf32, #tpu.memory_space<vmem>>
          %scatter3A_946 = tpu.memref_squeeze %scatter3A_945 : memref<1x64x257xf32, #tpu.memory_space<vmem>> -> memref<64x257xf32, #tpu.memory_space<vmem>>
          tpu.vector_store_idx %scatter3A_946[%add3A_941, %broadcast_in_dim3A_942], %mul3A_937 : memref<64x257xf32, #tpu.memory_space<vmem>>[vector<16xi32>, vector<16xi32>], vector<16xf32>,
          %scan3A_947 = arith.constant 10 : i32
          %scan3A_948 = arith.addi %scan3A_252, %scan3A_947 : i32
          %get3A_949 = arith.constant 1 : i32
          %get3A_950 = arith.index_cast %get3A_949 : i32 to index
          %get3A_951 = arith.index_cast %scan3A_948 : i32 to index
          %get3A_952 = arith.constant 0 : index
          %get3A_953 = tpu.vector_load %arg6[%get3A_950, %get3A_951, %get3A_952] {strides = array<i32>} : memref<2x256x64xf32, #tpu.memory_space<vmem>>, vector<16xf32>,
          %mul3A_954 = arith.constant 8.000000e+00 : f32
          %mul3A_955 = vector.broadcast %mul3A_954 : f32 to vector<16xf32>
          %mul3A_956 = arith.mulf %get3A_953, %mul3A_955 : vector<16xf32>
          %iota3A_957 = tpu.iota {dimensions = array<i32: 0>} : vector<16xi32>
          %add3A_958 = arith.constant 0 : i32
          %add3A_959 = vector.broadcast %add3A_958 : i32 to vector<16xi32>
          %add3A_960 = arith.addi %iota3A_957, %add3A_959 : vector<16xi32>
          %broadcast_in_dim3A_961 = vector.broadcast %scan3A_948 : i32 to vector<16xi32>
          %scatter3A_962 = arith.constant 0 : i32
          %scatter3A_963 = arith.constant 0 : i32
          %scatter3A_964 = tpu.memref_slice %arg7[%scan3A_209, %scatter3A_962, %scatter3A_963] : memref<2x64x257xf32, #tpu.memory_space<vmem>> -> memref<1x64x257xf32, #tpu.memory_space<vmem>>
          %scatter3A_965 = tpu.memref_squeeze %scatter3A_964 : memref<1x64x257xf32, #tpu.memory_space<vmem>> -> memref<64x257xf32, #tpu.memory_space<vmem>>
          tpu.vector_store_idx %scatter3A_965[%add3A_960, %broadcast_in_dim3A_961], %mul3A_956 : memref<64x257xf32, #tpu.memory_space<vmem>>[vector<16xi32>, vector<16xi32>], vector<16xf32>,
          %get3A_966 = arith.constant 1 : i32
          %get3A_967 = arith.index_cast %get3A_966 : i32 to index
          %get3A_968 = arith.index_cast %scan3A_948 : i32 to index
          %get3A_969 = arith.constant 16 : index
          %get3A_970 = tpu.vector_load %arg6[%get3A_967, %get3A_968, %get3A_969] {strides = array<i32>} : memref<2x256x64xf32, #tpu.memory_space<vmem>>, vector<16xf32>,
          %mul3A_971 = arith.constant 8.000000e+00 : f32
          %mul3A_972 = vector.broadcast %mul3A_971 : f32 to vector<16xf32>
          %mul3A_973 = arith.mulf %get3A_970, %mul3A_972 : vector<16xf32>
          %iota3A_974 = tpu.iota {dimensions = array<i32: 0>} : vector<16xi32>
          %add3A_975 = arith.constant 16 : i32
          %add3A_976 = vector.broadcast %add3A_975 : i32 to vector<16xi32>
          %add3A_977 = arith.addi %iota3A_974, %add3A_976 : vector<16xi32>
          %broadcast_in_dim3A_978 = vector.broadcast %scan3A_948 : i32 to vector<16xi32>
          %scatter3A_979 = arith.constant 0 : i32
          %scatter3A_980 = arith.constant 0 : i32
          %scatter3A_981 = tpu.memref_slice %arg7[%scan3A_209, %scatter3A_979, %scatter3A_980] : memref<2x64x257xf32, #tpu.memory_space<vmem>> -> memref<1x64x257xf32, #tpu.memory_space<vmem>>
          %scatter3A_982 = tpu.memref_squeeze %scatter3A_981 : memref<1x64x257xf32, #tpu.memory_space<vmem>> -> memref<64x257xf32, #tpu.memory_space<vmem>>
          tpu.vector_store_idx %scatter3A_982[%add3A_977, %broadcast_in_dim3A_978], %mul3A_973 : memref<64x257xf32, #tpu.memory_space<vmem>>[vector<16xi32>, vector<16xi32>], vector<16xf32>,
          %get3A_983 = arith.constant 1 : i32
          %get3A_984 = arith.index_cast %get3A_983 : i32 to index
          %get3A_985 = arith.index_cast %scan3A_948 : i32 to index
          %get3A_986 = arith.constant 32 : index
          %get3A_987 = tpu.vector_load %arg6[%get3A_984, %get3A_985, %get3A_986] {strides = array<i32>} : memref<2x256x64xf32, #tpu.memory_space<vmem>>, vector<16xf32>,
          %mul3A_988 = arith.constant 8.000000e+00 : f32
          %mul3A_989 = vector.broadcast %mul3A_988 : f32 to vector<16xf32>
          %mul3A_990 = arith.mulf %get3A_987, %mul3A_989 : vector<16xf32>
          %iota3A_991 = tpu.iota {dimensions = array<i32: 0>} : vector<16xi32>
          %add3A_992 = arith.constant 32 : i32
          %add3A_993 = vector.broadcast %add3A_992 : i32 to vector<16xi32>
          %add3A_994 = arith.addi %iota3A_991, %add3A_993 : vector<16xi32>
          %broadcast_in_dim3A_995 = vector.broadcast %scan3A_948 : i32 to vector<16xi32>
          %scatter3A_996 = arith.constant 0 : i32
          %scatter3A_997 = arith.constant 0 : i32
          %scatter3A_998 = tpu.memref_slice %arg7[%scan3A_209, %scatter3A_996, %scatter3A_997] : memref<2x64x257xf32, #tpu.memory_space<vmem>> -> memref<1x64x257xf32, #tpu.memory_space<vmem>>
          %scatter3A_999 = tpu.memref_squeeze %scatter3A_998 : memref<1x64x257xf32, #tpu.memory_space<vmem>> -> memref<64x257xf32, #tpu.memory_space<vmem>>
          tpu.vector_store_idx %scatter3A_999[%add3A_994, %broadcast_in_dim3A_995], %mul3A_990 : memref<64x257xf32, #tpu.memory_space<vmem>>[vector<16xi32>, vector<16xi32>], vector<16xf32>,
          %get3A_1000 = arith.constant 1 : i32
          %get3A_1001 = arith.index_cast %get3A_1000 : i32 to index
          %get3A_1002 = arith.index_cast %scan3A_948 : i32 to index
          %get3A_1003 = arith.constant 48 : index
          %get3A_1004 = tpu.vector_load %arg6[%get3A_1001, %get3A_1002, %get3A_1003] {strides = array<i32>} : memref<2x256x64xf32, #tpu.memory_space<vmem>>, vector<16xf32>,
          %mul3A_1005 = arith.constant 8.000000e+00 : f32
          %mul3A_1006 = vector.broadcast %mul3A_1005 : f32 to vector<16xf32>
          %mul3A_1007 = arith.mulf %get3A_1004, %mul3A_1006 : vector<16xf32>
          %iota3A_1008 = tpu.iota {dimensions = array<i32: 0>} : vector<16xi32>
          %add3A_1009 = arith.constant 48 : i32
          %add3A_1010 = vector.broadcast %add3A_1009 : i32 to vector<16xi32>
          %add3A_1011 = arith.addi %iota3A_1008, %add3A_1010 : vector<16xi32>
          %broadcast_in_dim3A_1012 = vector.broadcast %scan3A_948 : i32 to vector<16xi32>
          %scatter3A_1013 = arith.constant 0 : i32
          %scatter3A_1014 = arith.constant 0 : i32
          %scatter3A_1015 = tpu.memref_slice %arg7[%scan3A_209, %scatter3A_1013, %scatter3A_1014] : memref<2x64x257xf32, #tpu.memory_space<vmem>> -> memref<1x64x257xf32, #tpu.memory_space<vmem>>
          %scatter3A_1016 = tpu.memref_squeeze %scatter3A_1015 : memref<1x64x257xf32, #tpu.memory_space<vmem>> -> memref<64x257xf32, #tpu.memory_space<vmem>>
          tpu.vector_store_idx %scatter3A_1016[%add3A_1011, %broadcast_in_dim3A_1012], %mul3A_1007 : memref<64x257xf32, #tpu.memory_space<vmem>>[vector<16xi32>, vector<16xi32>], vector<16xf32>,
          %scan3A_1017 = arith.constant 11 : i32
          %scan3A_1018 = arith.addi %scan3A_252, %scan3A_1017 : i32
          %get3A_1019 = arith.constant 1 : i32
          %get3A_1020 = arith.index_cast %get3A_1019 : i32 to index
          %get3A_1021 = arith.index_cast %scan3A_1018 : i32 to index
          %get3A_1022 = arith.constant 0 : index
          %get3A_1023 = tpu.vector_load %arg6[%get3A_1020, %get3A_1021, %get3A_1022] {strides = array<i32>} : memref<2x256x64xf32, #tpu.memory_space<vmem>>, vector<16xf32>,
          %mul3A_1024 = arith.constant 8.000000e+00 : f32
          %mul3A_1025 = vector.broadcast %mul3A_1024 : f32 to vector<16xf32>
          %mul3A_1026 = arith.mulf %get3A_1023, %mul3A_1025 : vector<16xf32>
          %iota3A_1027 = tpu.iota {dimensions = array<i32: 0>} : vector<16xi32>
          %add3A_1028 = arith.constant 0 : i32
          %add3A_1029 = vector.broadcast %add3A_1028 : i32 to vector<16xi32>
          %add3A_1030 = arith.addi %iota3A_1027, %add3A_1029 : vector<16xi32>
          %broadcast_in_dim3A_1031 = vector.broadcast %scan3A_1018 : i32 to vector<16xi32>
          %scatter3A_1032 = arith.constant 0 : i32
          %scatter3A_1033 = arith.constant 0 : i32
          %scatter3A_1034 = tpu.memref_slice %arg7[%scan3A_209, %scatter3A_1032, %scatter3A_1033] : memref<2x64x257xf32, #tpu.memory_space<vmem>> -> memref<1x64x257xf32, #tpu.memory_space<vmem>>
          %scatter3A_1035 = tpu.memref_squeeze %scatter3A_1034 : memref<1x64x257xf32, #tpu.memory_space<vmem>> -> memref<64x257xf32, #tpu.memory_space<vmem>>
          tpu.vector_store_idx %scatter3A_1035[%add3A_1030, %broadcast_in_dim3A_1031], %mul3A_1026 : memref<64x257xf32, #tpu.memory_space<vmem>>[vector<16xi32>, vector<16xi32>], vector<16xf32>,
          %get3A_1036 = arith.constant 1 : i32
          %get3A_1037 = arith.index_cast %get3A_1036 : i32 to index
          %get3A_1038 = arith.index_cast %scan3A_1018 : i32 to index
          %get3A_1039 = arith.constant 16 : index
          %get3A_1040 = tpu.vector_load %arg6[%get3A_1037, %get3A_1038, %get3A_1039] {strides = array<i32>} : memref<2x256x64xf32, #tpu.memory_space<vmem>>, vector<16xf32>,
          %mul3A_1041 = arith.constant 8.000000e+00 : f32
          %mul3A_1042 = vector.broadcast %mul3A_1041 : f32 to vector<16xf32>
          %mul3A_1043 = arith.mulf %get3A_1040, %mul3A_1042 : vector<16xf32>
          %iota3A_1044 = tpu.iota {dimensions = array<i32: 0>} : vector<16xi32>
          %add3A_1045 = arith.constant 16 : i32
          %add3A_1046 = vector.broadcast %add3A_1045 : i32 to vector<16xi32>
          %add3A_1047 = arith.addi %iota3A_1044, %add3A_1046 : vector<16xi32>
          %broadcast_in_dim3A_1048 = vector.broadcast %scan3A_1018 : i32 to vector<16xi32>
          %scatter3A_1049 = arith.constant 0 : i32
          %scatter3A_1050 = arith.constant 0 : i32
          %scatter3A_1051 = tpu.memref_slice %arg7[%scan3A_209, %scatter3A_1049, %scatter3A_1050] : memref<2x64x257xf32, #tpu.memory_space<vmem>> -> memref<1x64x257xf32, #tpu.memory_space<vmem>>
          %scatter3A_1052 = tpu.memref_squeeze %scatter3A_1051 : memref<1x64x257xf32, #tpu.memory_space<vmem>> -> memref<64x257xf32, #tpu.memory_space<vmem>>
          tpu.vector_store_idx %scatter3A_1052[%add3A_1047, %broadcast_in_dim3A_1048], %mul3A_1043 : memref<64x257xf32, #tpu.memory_space<vmem>>[vector<16xi32>, vector<16xi32>], vector<16xf32>,
          %get3A_1053 = arith.constant 1 : i32
          %get3A_1054 = arith.index_cast %get3A_1053 : i32 to index
          %get3A_1055 = arith.index_cast %scan3A_1018 : i32 to index
          %get3A_1056 = arith.constant 32 : index
          %get3A_1057 = tpu.vector_load %arg6[%get3A_1054, %get3A_1055, %get3A_1056] {strides = array<i32>} : memref<2x256x64xf32, #tpu.memory_space<vmem>>, vector<16xf32>,
          %mul3A_1058 = arith.constant 8.000000e+00 : f32
          %mul3A_1059 = vector.broadcast %mul3A_1058 : f32 to vector<16xf32>
          %mul3A_1060 = arith.mulf %get3A_1057, %mul3A_1059 : vector<16xf32>
          %iota3A_1061 = tpu.iota {dimensions = array<i32: 0>} : vector<16xi32>
          %add3A_1062 = arith.constant 32 : i32
          %add3A_1063 = vector.broadcast %add3A_1062 : i32 to vector<16xi32>
          %add3A_1064 = arith.addi %iota3A_1061, %add3A_1063 : vector<16xi32>
          %broadcast_in_dim3A_1065 = vector.broadcast %scan3A_1018 : i32 to vector<16xi32>
          %scatter3A_1066 = arith.constant 0 : i32
          %scatter3A_1067 = arith.constant 0 : i32
          %scatter3A_1068 = tpu.memref_slice %arg7[%scan3A_209, %scatter3A_1066, %scatter3A_1067] : memref<2x64x257xf32, #tpu.memory_space<vmem>> -> memref<1x64x257xf32, #tpu.memory_space<vmem>>
          %scatter3A_1069 = tpu.memref_squeeze %scatter3A_1068 : memref<1x64x257xf32, #tpu.memory_space<vmem>> -> memref<64x257xf32, #tpu.memory_space<vmem>>
          tpu.vector_store_idx %scatter3A_1069[%add3A_1064, %broadcast_in_dim3A_1065], %mul3A_1060 : memref<64x257xf32, #tpu.memory_space<vmem>>[vector<16xi32>, vector<16xi32>], vector<16xf32>,
          %get3A_1070 = arith.constant 1 : i32
          %get3A_1071 = arith.index_cast %get3A_1070 : i32 to index
          %get3A_1072 = arith.index_cast %scan3A_1018 : i32 to index
          %get3A_1073 = arith.constant 48 : index
          %get3A_1074 = tpu.vector_load %arg6[%get3A_1071, %get3A_1072, %get3A_1073] {strides = array<i32>} : memref<2x256x64xf32, #tpu.memory_space<vmem>>, vector<16xf32>,
          %mul3A_1075 = arith.constant 8.000000e+00 : f32
          %mul3A_1076 = vector.broadcast %mul3A_1075 : f32 to vector<16xf32>
          %mul3A_1077 = arith.mulf %get3A_1074, %mul3A_1076 : vector<16xf32>
          %iota3A_1078 = tpu.iota {dimensions = array<i32: 0>} : vector<16xi32>
          %add3A_1079 = arith.constant 48 : i32
          %add3A_1080 = vector.broadcast %add3A_1079 : i32 to vector<16xi32>
          %add3A_1081 = arith.addi %iota3A_1078, %add3A_1080 : vector<16xi32>
          %broadcast_in_dim3A_1082 = vector.broadcast %scan3A_1018 : i32 to vector<16xi32>
          %scatter3A_1083 = arith.constant 0 : i32
          %scatter3A_1084 = arith.constant 0 : i32
          %scatter3A_1085 = tpu.memref_slice %arg7[%scan3A_209, %scatter3A_1083, %scatter3A_1084] : memref<2x64x257xf32, #tpu.memory_space<vmem>> -> memref<1x64x257xf32, #tpu.memory_space<vmem>>
          %scatter3A_1086 = tpu.memref_squeeze %scatter3A_1085 : memref<1x64x257xf32, #tpu.memory_space<vmem>> -> memref<64x257xf32, #tpu.memory_space<vmem>>
          tpu.vector_store_idx %scatter3A_1086[%add3A_1081, %broadcast_in_dim3A_1082], %mul3A_1077 : memref<64x257xf32, #tpu.memory_space<vmem>>[vector<16xi32>, vector<16xi32>], vector<16xf32>,
          %scan3A_1087 = arith.constant 12 : i32
          %scan3A_1088 = arith.addi %scan3A_252, %scan3A_1087 : i32
          %get3A_1089 = arith.constant 1 : i32
          %get3A_1090 = arith.index_cast %get3A_1089 : i32 to index
          %get3A_1091 = arith.index_cast %scan3A_1088 : i32 to index
          %get3A_1092 = arith.constant 0 : index
          %get3A_1093 = tpu.vector_load %arg6[%get3A_1090, %get3A_1091, %get3A_1092] {strides = array<i32>} : memref<2x256x64xf32, #tpu.memory_space<vmem>>, vector<16xf32>,
          %mul3A_1094 = arith.constant 8.000000e+00 : f32
          %mul3A_1095 = vector.broadcast %mul3A_1094 : f32 to vector<16xf32>
          %mul3A_1096 = arith.mulf %get3A_1093, %mul3A_1095 : vector<16xf32>
          %iota3A_1097 = tpu.iota {dimensions = array<i32: 0>} : vector<16xi32>
          %add3A_1098 = arith.constant 0 : i32
          %add3A_1099 = vector.broadcast %add3A_1098 : i32 to vector<16xi32>
          %add3A_1100 = arith.addi %iota3A_1097, %add3A_1099 : vector<16xi32>
          %broadcast_in_dim3A_1101 = vector.broadcast %scan3A_1088 : i32 to vector<16xi32>
          %scatter3A_1102 = arith.constant 0 : i32
          %scatter3A_1103 = arith.constant 0 : i32
          %scatter3A_1104 = tpu.memref_slice %arg7[%scan3A_209, %scatter3A_1102, %scatter3A_1103] : memref<2x64x257xf32, #tpu.memory_space<vmem>> -> memref<1x64x257xf32, #tpu.memory_space<vmem>>
          %scatter3A_1105 = tpu.memref_squeeze %scatter3A_1104 : memref<1x64x257xf32, #tpu.memory_space<vmem>> -> memref<64x257xf32, #tpu.memory_space<vmem>>
          tpu.vector_store_idx %scatter3A_1105[%add3A_1100, %broadcast_in_dim3A_1101], %mul3A_1096 : memref<64x257xf32, #tpu.memory_space<vmem>>[vector<16xi32>, vector<16xi32>], vector<16xf32>,
          %get3A_1106 = arith.constant 1 : i32
          %get3A_1107 = arith.index_cast %get3A_1106 : i32 to index
          %get3A_1108 = arith.index_cast %scan3A_1088 : i32 to index
          %get3A_1109 = arith.constant 16 : index
          %get3A_1110 = tpu.vector_load %arg6[%get3A_1107, %get3A_1108, %get3A_1109] {strides = array<i32>} : memref<2x256x64xf32, #tpu.memory_space<vmem>>, vector<16xf32>,
          %mul3A_1111 = arith.constant 8.000000e+00 : f32
          %mul3A_1112 = vector.broadcast %mul3A_1111 : f32 to vector<16xf32>
          %mul3A_1113 = arith.mulf %get3A_1110, %mul3A_1112 : vector<16xf32>
          %iota3A_1114 = tpu.iota {dimensions = array<i32: 0>} : vector<16xi32>
          %add3A_1115 = arith.constant 16 : i32
          %add3A_1116 = vector.broadcast %add3A_1115 : i32 to vector<16xi32>
          %add3A_1117 = arith.addi %iota3A_1114, %add3A_1116 : vector<16xi32>
          %broadcast_in_dim3A_1118 = vector.broadcast %scan3A_1088 : i32 to vector<16xi32>
          %scatter3A_1119 = arith.constant 0 : i32
          %scatter3A_1120 = arith.constant 0 : i32
          %scatter3A_1121 = tpu.memref_slice %arg7[%scan3A_209, %scatter3A_1119, %scatter3A_1120] : memref<2x64x257xf32, #tpu.memory_space<vmem>> -> memref<1x64x257xf32, #tpu.memory_space<vmem>>
          %scatter3A_1122 = tpu.memref_squeeze %scatter3A_1121 : memref<1x64x257xf32, #tpu.memory_space<vmem>> -> memref<64x257xf32, #tpu.memory_space<vmem>>
          tpu.vector_store_idx %scatter3A_1122[%add3A_1117, %broadcast_in_dim3A_1118], %mul3A_1113 : memref<64x257xf32, #tpu.memory_space<vmem>>[vector<16xi32>, vector<16xi32>], vector<16xf32>,
          %get3A_1123 = arith.constant 1 : i32
          %get3A_1124 = arith.index_cast %get3A_1123 : i32 to index
          %get3A_1125 = arith.index_cast %scan3A_1088 : i32 to index
          %get3A_1126 = arith.constant 32 : index
          %get3A_1127 = tpu.vector_load %arg6[%get3A_1124, %get3A_1125, %get3A_1126] {strides = array<i32>} : memref<2x256x64xf32, #tpu.memory_space<vmem>>, vector<16xf32>,
          %mul3A_1128 = arith.constant 8.000000e+00 : f32
          %mul3A_1129 = vector.broadcast %mul3A_1128 : f32 to vector<16xf32>
          %mul3A_1130 = arith.mulf %get3A_1127, %mul3A_1129 : vector<16xf32>
          %iota3A_1131 = tpu.iota {dimensions = array<i32: 0>} : vector<16xi32>
          %add3A_1132 = arith.constant 32 : i32
          %add3A_1133 = vector.broadcast %add3A_1132 : i32 to vector<16xi32>
          %add3A_1134 = arith.addi %iota3A_1131, %add3A_1133 : vector<16xi32>
          %broadcast_in_dim3A_1135 = vector.broadcast %scan3A_1088 : i32 to vector<16xi32>
          %scatter3A_1136 = arith.constant 0 : i32
          %scatter3A_1137 = arith.constant 0 : i32
          %scatter3A_1138 = tpu.memref_slice %arg7[%scan3A_209, %scatter3A_1136, %scatter3A_1137] : memref<2x64x257xf32, #tpu.memory_space<vmem>> -> memref<1x64x257xf32, #tpu.memory_space<vmem>>
          %scatter3A_1139 = tpu.memref_squeeze %scatter3A_1138 : memref<1x64x257xf32, #tpu.memory_space<vmem>> -> memref<64x257xf32, #tpu.memory_space<vmem>>
          tpu.vector_store_idx %scatter3A_1139[%add3A_1134, %broadcast_in_dim3A_1135], %mul3A_1130 : memref<64x257xf32, #tpu.memory_space<vmem>>[vector<16xi32>, vector<16xi32>], vector<16xf32>,
          %get3A_1140 = arith.constant 1 : i32
          %get3A_1141 = arith.index_cast %get3A_1140 : i32 to index
          %get3A_1142 = arith.index_cast %scan3A_1088 : i32 to index
          %get3A_1143 = arith.constant 48 : index
          %get3A_1144 = tpu.vector_load %arg6[%get3A_1141, %get3A_1142, %get3A_1143] {strides = array<i32>} : memref<2x256x64xf32, #tpu.memory_space<vmem>>, vector<16xf32>,
          %mul3A_1145 = arith.constant 8.000000e+00 : f32
          %mul3A_1146 = vector.broadcast %mul3A_1145 : f32 to vector<16xf32>
          %mul3A_1147 = arith.mulf %get3A_1144, %mul3A_1146 : vector<16xf32>
          %iota3A_1148 = tpu.iota {dimensions = array<i32: 0>} : vector<16xi32>
          %add3A_1149 = arith.constant 48 : i32
          %add3A_1150 = vector.broadcast %add3A_1149 : i32 to vector<16xi32>
          %add3A_1151 = arith.addi %iota3A_1148, %add3A_1150 : vector<16xi32>
          %broadcast_in_dim3A_1152 = vector.broadcast %scan3A_1088 : i32 to vector<16xi32>
          %scatter3A_1153 = arith.constant 0 : i32
          %scatter3A_1154 = arith.constant 0 : i32
          %scatter3A_1155 = tpu.memref_slice %arg7[%scan3A_209, %scatter3A_1153, %scatter3A_1154] : memref<2x64x257xf32, #tpu.memory_space<vmem>> -> memref<1x64x257xf32, #tpu.memory_space<vmem>>
          %scatter3A_1156 = tpu.memref_squeeze %scatter3A_1155 : memref<1x64x257xf32, #tpu.memory_space<vmem>> -> memref<64x257xf32, #tpu.memory_space<vmem>>
          tpu.vector_store_idx %scatter3A_1156[%add3A_1151, %broadcast_in_dim3A_1152], %mul3A_1147 : memref<64x257xf32, #tpu.memory_space<vmem>>[vector<16xi32>, vector<16xi32>], vector<16xf32>,
          %scan3A_1157 = arith.constant 13 : i32
          %scan3A_1158 = arith.addi %scan3A_252, %scan3A_1157 : i32
          %get3A_1159 = arith.constant 1 : i32
          %get3A_1160 = arith.index_cast %get3A_1159 : i32 to index
          %get3A_1161 = arith.index_cast %scan3A_1158 : i32 to index
          %get3A_1162 = arith.constant 0 : index
          %get3A_1163 = tpu.vector_load %arg6[%get3A_1160, %get3A_1161, %get3A_1162] {strides = array<i32>} : memref<2x256x64xf32, #tpu.memory_space<vmem>>, vector<16xf32>,
          %mul3A_1164 = arith.constant 8.000000e+00 : f32
          %mul3A_1165 = vector.broadcast %mul3A_1164 : f32 to vector<16xf32>
          %mul3A_1166 = arith.mulf %get3A_1163, %mul3A_1165 : vector<16xf32>
          %iota3A_1167 = tpu.iota {dimensions = array<i32: 0>} : vector<16xi32>
          %add3A_1168 = arith.constant 0 : i32
          %add3A_1169 = vector.broadcast %add3A_1168 : i32 to vector<16xi32>
          %add3A_1170 = arith.addi %iota3A_1167, %add3A_1169 : vector<16xi32>
          %broadcast_in_dim3A_1171 = vector.broadcast %scan3A_1158 : i32 to vector<16xi32>
          %scatter3A_1172 = arith.constant 0 : i32
          %scatter3A_1173 = arith.constant 0 : i32
          %scatter3A_1174 = tpu.memref_slice %arg7[%scan3A_209, %scatter3A_1172, %scatter3A_1173] : memref<2x64x257xf32, #tpu.memory_space<vmem>> -> memref<1x64x257xf32, #tpu.memory_space<vmem>>
          %scatter3A_1175 = tpu.memref_squeeze %scatter3A_1174 : memref<1x64x257xf32, #tpu.memory_space<vmem>> -> memref<64x257xf32, #tpu.memory_space<vmem>>
          tpu.vector_store_idx %scatter3A_1175[%add3A_1170, %broadcast_in_dim3A_1171], %mul3A_1166 : memref<64x257xf32, #tpu.memory_space<vmem>>[vector<16xi32>, vector<16xi32>], vector<16xf32>,
          %get3A_1176 = arith.constant 1 : i32
          %get3A_1177 = arith.index_cast %get3A_1176 : i32 to index
          %get3A_1178 = arith.index_cast %scan3A_1158 : i32 to index
          %get3A_1179 = arith.constant 16 : index
          %get3A_1180 = tpu.vector_load %arg6[%get3A_1177, %get3A_1178, %get3A_1179] {strides = array<i32>} : memref<2x256x64xf32, #tpu.memory_space<vmem>>, vector<16xf32>,
          %mul3A_1181 = arith.constant 8.000000e+00 : f32
          %mul3A_1182 = vector.broadcast %mul3A_1181 : f32 to vector<16xf32>
          %mul3A_1183 = arith.mulf %get3A_1180, %mul3A_1182 : vector<16xf32>
          %iota3A_1184 = tpu.iota {dimensions = array<i32: 0>} : vector<16xi32>
          %add3A_1185 = arith.constant 16 : i32
          %add3A_1186 = vector.broadcast %add3A_1185 : i32 to vector<16xi32>
          %add3A_1187 = arith.addi %iota3A_1184, %add3A_1186 : vector<16xi32>
          %broadcast_in_dim3A_1188 = vector.broadcast %scan3A_1158 : i32 to vector<16xi32>
          %scatter3A_1189 = arith.constant 0 : i32
          %scatter3A_1190 = arith.constant 0 : i32
          %scatter3A_1191 = tpu.memref_slice %arg7[%scan3A_209, %scatter3A_1189, %scatter3A_1190] : memref<2x64x257xf32, #tpu.memory_space<vmem>> -> memref<1x64x257xf32, #tpu.memory_space<vmem>>
          %scatter3A_1192 = tpu.memref_squeeze %scatter3A_1191 : memref<1x64x257xf32, #tpu.memory_space<vmem>> -> memref<64x257xf32, #tpu.memory_space<vmem>>
          tpu.vector_store_idx %scatter3A_1192[%add3A_1187, %broadcast_in_dim3A_1188], %mul3A_1183 : memref<64x257xf32, #tpu.memory_space<vmem>>[vector<16xi32>, vector<16xi32>], vector<16xf32>,
          %get3A_1193 = arith.constant 1 : i32
          %get3A_1194 = arith.index_cast %get3A_1193 : i32 to index
          %get3A_1195 = arith.index_cast %scan3A_1158 : i32 to index
          %get3A_1196 = arith.constant 32 : index
          %get3A_1197 = tpu.vector_load %arg6[%get3A_1194, %get3A_1195, %get3A_1196] {strides = array<i32>} : memref<2x256x64xf32, #tpu.memory_space<vmem>>, vector<16xf32>,
          %mul3A_1198 = arith.constant 8.000000e+00 : f32
          %mul3A_1199 = vector.broadcast %mul3A_1198 : f32 to vector<16xf32>
          %mul3A_1200 = arith.mulf %get3A_1197, %mul3A_1199 : vector<16xf32>
          %iota3A_1201 = tpu.iota {dimensions = array<i32: 0>} : vector<16xi32>
          %add3A_1202 = arith.constant 32 : i32
          %add3A_1203 = vector.broadcast %add3A_1202 : i32 to vector<16xi32>
          %add3A_1204 = arith.addi %iota3A_1201, %add3A_1203 : vector<16xi32>
          %broadcast_in_dim3A_1205 = vector.broadcast %scan3A_1158 : i32 to vector<16xi32>
          %scatter3A_1206 = arith.constant 0 : i32
          %scatter3A_1207 = arith.constant 0 : i32
          %scatter3A_1208 = tpu.memref_slice %arg7[%scan3A_209, %scatter3A_1206, %scatter3A_1207] : memref<2x64x257xf32, #tpu.memory_space<vmem>> -> memref<1x64x257xf32, #tpu.memory_space<vmem>>
          %scatter3A_1209 = tpu.memref_squeeze %scatter3A_1208 : memref<1x64x257xf32, #tpu.memory_space<vmem>> -> memref<64x257xf32, #tpu.memory_space<vmem>>
          tpu.vector_store_idx %scatter3A_1209[%add3A_1204, %broadcast_in_dim3A_1205], %mul3A_1200 : memref<64x257xf32, #tpu.memory_space<vmem>>[vector<16xi32>, vector<16xi32>], vector<16xf32>,
          %get3A_1210 = arith.constant 1 : i32
          %get3A_1211 = arith.index_cast %get3A_1210 : i32 to index
          %get3A_1212 = arith.index_cast %scan3A_1158 : i32 to index
          %get3A_1213 = arith.constant 48 : index
          %get3A_1214 = tpu.vector_load %arg6[%get3A_1211, %get3A_1212, %get3A_1213] {strides = array<i32>} : memref<2x256x64xf32, #tpu.memory_space<vmem>>, vector<16xf32>,
          %mul3A_1215 = arith.constant 8.000000e+00 : f32
          %mul3A_1216 = vector.broadcast %mul3A_1215 : f32 to vector<16xf32>
          %mul3A_1217 = arith.mulf %get3A_1214, %mul3A_1216 : vector<16xf32>
          %iota3A_1218 = tpu.iota {dimensions = array<i32: 0>} : vector<16xi32>
          %add3A_1219 = arith.constant 48 : i32
          %add3A_1220 = vector.broadcast %add3A_1219 : i32 to vector<16xi32>
          %add3A_1221 = arith.addi %iota3A_1218, %add3A_1220 : vector<16xi32>
          %broadcast_in_dim3A_1222 = vector.broadcast %scan3A_1158 : i32 to vector<16xi32>
          %scatter3A_1223 = arith.constant 0 : i32
          %scatter3A_1224 = arith.constant 0 : i32
          %scatter3A_1225 = tpu.memref_slice %arg7[%scan3A_209, %scatter3A_1223, %scatter3A_1224] : memref<2x64x257xf32, #tpu.memory_space<vmem>> -> memref<1x64x257xf32, #tpu.memory_space<vmem>>
          %scatter3A_1226 = tpu.memref_squeeze %scatter3A_1225 : memref<1x64x257xf32, #tpu.memory_space<vmem>> -> memref<64x257xf32, #tpu.memory_space<vmem>>
          tpu.vector_store_idx %scatter3A_1226[%add3A_1221, %broadcast_in_dim3A_1222], %mul3A_1217 : memref<64x257xf32, #tpu.memory_space<vmem>>[vector<16xi32>, vector<16xi32>], vector<16xf32>,
          %scan3A_1227 = arith.constant 14 : i32
          %scan3A_1228 = arith.addi %scan3A_252, %scan3A_1227 : i32
          %get3A_1229 = arith.constant 1 : i32
          %get3A_1230 = arith.index_cast %get3A_1229 : i32 to index
          %get3A_1231 = arith.index_cast %scan3A_1228 : i32 to index
          %get3A_1232 = arith.constant 0 : index
          %get3A_1233 = tpu.vector_load %arg6[%get3A_1230, %get3A_1231, %get3A_1232] {strides = array<i32>} : memref<2x256x64xf32, #tpu.memory_space<vmem>>, vector<16xf32>,
          %mul3A_1234 = arith.constant 8.000000e+00 : f32
          %mul3A_1235 = vector.broadcast %mul3A_1234 : f32 to vector<16xf32>
          %mul3A_1236 = arith.mulf %get3A_1233, %mul3A_1235 : vector<16xf32>
          %iota3A_1237 = tpu.iota {dimensions = array<i32: 0>} : vector<16xi32>
          %add3A_1238 = arith.constant 0 : i32
          %add3A_1239 = vector.broadcast %add3A_1238 : i32 to vector<16xi32>
          %add3A_1240 = arith.addi %iota3A_1237, %add3A_1239 : vector<16xi32>
          %broadcast_in_dim3A_1241 = vector.broadcast %scan3A_1228 : i32 to vector<16xi32>
          %scatter3A_1242 = arith.constant 0 : i32
          %scatter3A_1243 = arith.constant 0 : i32
          %scatter3A_1244 = tpu.memref_slice %arg7[%scan3A_209, %scatter3A_1242, %scatter3A_1243] : memref<2x64x257xf32, #tpu.memory_space<vmem>> -> memref<1x64x257xf32, #tpu.memory_space<vmem>>
          %scatter3A_1245 = tpu.memref_squeeze %scatter3A_1244 : memref<1x64x257xf32, #tpu.memory_space<vmem>> -> memref<64x257xf32, #tpu.memory_space<vmem>>
          tpu.vector_store_idx %scatter3A_1245[%add3A_1240, %broadcast_in_dim3A_1241], %mul3A_1236 : memref<64x257xf32, #tpu.memory_space<vmem>>[vector<16xi32>, vector<16xi32>], vector<16xf32>,
          %get3A_1246 = arith.constant 1 : i32
          %get3A_1247 = arith.index_cast %get3A_1246 : i32 to index
          %get3A_1248 = arith.index_cast %scan3A_1228 : i32 to index
          %get3A_1249 = arith.constant 16 : index
          %get3A_1250 = tpu.vector_load %arg6[%get3A_1247, %get3A_1248, %get3A_1249] {strides = array<i32>} : memref<2x256x64xf32, #tpu.memory_space<vmem>>, vector<16xf32>,
          %mul3A_1251 = arith.constant 8.000000e+00 : f32
          %mul3A_1252 = vector.broadcast %mul3A_1251 : f32 to vector<16xf32>
          %mul3A_1253 = arith.mulf %get3A_1250, %mul3A_1252 : vector<16xf32>
          %iota3A_1254 = tpu.iota {dimensions = array<i32: 0>} : vector<16xi32>
          %add3A_1255 = arith.constant 16 : i32
          %add3A_1256 = vector.broadcast %add3A_1255 : i32 to vector<16xi32>
          %add3A_1257 = arith.addi %iota3A_1254, %add3A_1256 : vector<16xi32>
          %broadcast_in_dim3A_1258 = vector.broadcast %scan3A_1228 : i32 to vector<16xi32>
          %scatter3A_1259 = arith.constant 0 : i32
          %scatter3A_1260 = arith.constant 0 : i32
          %scatter3A_1261 = tpu.memref_slice %arg7[%scan3A_209, %scatter3A_1259, %scatter3A_1260] : memref<2x64x257xf32, #tpu.memory_space<vmem>> -> memref<1x64x257xf32, #tpu.memory_space<vmem>>
          %scatter3A_1262 = tpu.memref_squeeze %scatter3A_1261 : memref<1x64x257xf32, #tpu.memory_space<vmem>> -> memref<64x257xf32, #tpu.memory_space<vmem>>
          tpu.vector_store_idx %scatter3A_1262[%add3A_1257, %broadcast_in_dim3A_1258], %mul3A_1253 : memref<64x257xf32, #tpu.memory_space<vmem>>[vector<16xi32>, vector<16xi32>], vector<16xf32>,
          %get3A_1263 = arith.constant 1 : i32
          %get3A_1264 = arith.index_cast %get3A_1263 : i32 to index
          %get3A_1265 = arith.index_cast %scan3A_1228 : i32 to index
          %get3A_1266 = arith.constant 32 : index
          %get3A_1267 = tpu.vector_load %arg6[%get3A_1264, %get3A_1265, %get3A_1266] {strides = array<i32>} : memref<2x256x64xf32, #tpu.memory_space<vmem>>, vector<16xf32>,
          %mul3A_1268 = arith.constant 8.000000e+00 : f32
          %mul3A_1269 = vector.broadcast %mul3A_1268 : f32 to vector<16xf32>
          %mul3A_1270 = arith.mulf %get3A_1267, %mul3A_1269 : vector<16xf32>
          %iota3A_1271 = tpu.iota {dimensions = array<i32: 0>} : vector<16xi32>
          %add3A_1272 = arith.constant 32 : i32
          %add3A_1273 = vector.broadcast %add3A_1272 : i32 to vector<16xi32>
          %add3A_1274 = arith.addi %iota3A_1271, %add3A_1273 : vector<16xi32>
          %broadcast_in_dim3A_1275 = vector.broadcast %scan3A_1228 : i32 to vector<16xi32>
          %scatter3A_1276 = arith.constant 0 : i32
          %scatter3A_1277 = arith.constant 0 : i32
          %scatter3A_1278 = tpu.memref_slice %arg7[%scan3A_209, %scatter3A_1276, %scatter3A_1277] : memref<2x64x257xf32, #tpu.memory_space<vmem>> -> memref<1x64x257xf32, #tpu.memory_space<vmem>>
          %scatter3A_1279 = tpu.memref_squeeze %scatter3A_1278 : memref<1x64x257xf32, #tpu.memory_space<vmem>> -> memref<64x257xf32, #tpu.memory_space<vmem>>
          tpu.vector_store_idx %scatter3A_1279[%add3A_1274, %broadcast_in_dim3A_1275], %mul3A_1270 : memref<64x257xf32, #tpu.memory_space<vmem>>[vector<16xi32>, vector<16xi32>], vector<16xf32>,
          %get3A_1280 = arith.constant 1 : i32
          %get3A_1281 = arith.index_cast %get3A_1280 : i32 to index
          %get3A_1282 = arith.index_cast %scan3A_1228 : i32 to index
          %get3A_1283 = arith.constant 48 : index
          %get3A_1284 = tpu.vector_load %arg6[%get3A_1281, %get3A_1282, %get3A_1283] {strides = array<i32>} : memref<2x256x64xf32, #tpu.memory_space<vmem>>, vector<16xf32>,
          %mul3A_1285 = arith.constant 8.000000e+00 : f32
          %mul3A_1286 = vector.broadcast %mul3A_1285 : f32 to vector<16xf32>
          %mul3A_1287 = arith.mulf %get3A_1284, %mul3A_1286 : vector<16xf32>
          %iota3A_1288 = tpu.iota {dimensions = array<i32: 0>} : vector<16xi32>
          %add3A_1289 = arith.constant 48 : i32
          %add3A_1290 = vector.broadcast %add3A_1289 : i32 to vector<16xi32>
          %add3A_1291 = arith.addi %iota3A_1288, %add3A_1290 : vector<16xi32>
          %broadcast_in_dim3A_1292 = vector.broadcast %scan3A_1228 : i32 to vector<16xi32>
          %scatter3A_1293 = arith.constant 0 : i32
          %scatter3A_1294 = arith.constant 0 : i32
          %scatter3A_1295 = tpu.memref_slice %arg7[%scan3A_209, %scatter3A_1293, %scatter3A_1294] : memref<2x64x257xf32, #tpu.memory_space<vmem>> -> memref<1x64x257xf32, #tpu.memory_space<vmem>>
          %scatter3A_1296 = tpu.memref_squeeze %scatter3A_1295 : memref<1x64x257xf32, #tpu.memory_space<vmem>> -> memref<64x257xf32, #tpu.memory_space<vmem>>
          tpu.vector_store_idx %scatter3A_1296[%add3A_1291, %broadcast_in_dim3A_1292], %mul3A_1287 : memref<64x257xf32, #tpu.memory_space<vmem>>[vector<16xi32>, vector<16xi32>], vector<16xf32>,
          %scan3A_1297 = arith.constant 15 : i32
          %scan3A_1298 = arith.addi %scan3A_252, %scan3A_1297 : i32
          %get3A_1299 = arith.constant 1 : i32
          %get3A_1300 = arith.index_cast %get3A_1299 : i32 to index
          %get3A_1301 = arith.index_cast %scan3A_1298 : i32 to index
          %get3A_1302 = arith.constant 0 : index
          %get3A_1303 = tpu.vector_load %arg6[%get3A_1300, %get3A_1301, %get3A_1302] {strides = array<i32>} : memref<2x256x64xf32, #tpu.memory_space<vmem>>, vector<16xf32>,
          %mul3A_1304 = arith.constant 8.000000e+00 : f32
          %mul3A_1305 = vector.broadcast %mul3A_1304 : f32 to vector<16xf32>
          %mul3A_1306 = arith.mulf %get3A_1303, %mul3A_1305 : vector<16xf32>
          %iota3A_1307 = tpu.iota {dimensions = array<i32: 0>} : vector<16xi32>
          %add3A_1308 = arith.constant 0 : i32
          %add3A_1309 = vector.broadcast %add3A_1308 : i32 to vector<16xi32>
          %add3A_1310 = arith.addi %iota3A_1307, %add3A_1309 : vector<16xi32>
          %broadcast_in_dim3A_1311 = vector.broadcast %scan3A_1298 : i32 to vector<16xi32>
          %scatter3A_1312 = arith.constant 0 : i32
          %scatter3A_1313 = arith.constant 0 : i32
          %scatter3A_1314 = tpu.memref_slice %arg7[%scan3A_209, %scatter3A_1312, %scatter3A_1313] : memref<2x64x257xf32, #tpu.memory_space<vmem>> -> memref<1x64x257xf32, #tpu.memory_space<vmem>>
          %scatter3A_1315 = tpu.memref_squeeze %scatter3A_1314 : memref<1x64x257xf32, #tpu.memory_space<vmem>> -> memref<64x257xf32, #tpu.memory_space<vmem>>
          tpu.vector_store_idx %scatter3A_1315[%add3A_1310, %broadcast_in_dim3A_1311], %mul3A_1306 : memref<64x257xf32, #tpu.memory_space<vmem>>[vector<16xi32>, vector<16xi32>], vector<16xf32>,
          %get3A_1316 = arith.constant 1 : i32
          %get3A_1317 = arith.index_cast %get3A_1316 : i32 to index
          %get3A_1318 = arith.index_cast %scan3A_1298 : i32 to index
          %get3A_1319 = arith.constant 16 : index
          %get3A_1320 = tpu.vector_load %arg6[%get3A_1317, %get3A_1318, %get3A_1319] {strides = array<i32>} : memref<2x256x64xf32, #tpu.memory_space<vmem>>, vector<16xf32>,
          %mul3A_1321 = arith.constant 8.000000e+00 : f32
          %mul3A_1322 = vector.broadcast %mul3A_1321 : f32 to vector<16xf32>
          %mul3A_1323 = arith.mulf %get3A_1320, %mul3A_1322 : vector<16xf32>
          %iota3A_1324 = tpu.iota {dimensions = array<i32: 0>} : vector<16xi32>
          %add3A_1325 = arith.constant 16 : i32
          %add3A_1326 = vector.broadcast %add3A_1325 : i32 to vector<16xi32>
          %add3A_1327 = arith.addi %iota3A_1324, %add3A_1326 : vector<16xi32>
          %broadcast_in_dim3A_1328 = vector.broadcast %scan3A_1298 : i32 to vector<16xi32>
          %scatter3A_1329 = arith.constant 0 : i32
          %scatter3A_1330 = arith.constant 0 : i32
          %scatter3A_1331 = tpu.memref_slice %arg7[%scan3A_209, %scatter3A_1329, %scatter3A_1330] : memref<2x64x257xf32, #tpu.memory_space<vmem>> -> memref<1x64x257xf32, #tpu.memory_space<vmem>>
          %scatter3A_1332 = tpu.memref_squeeze %scatter3A_1331 : memref<1x64x257xf32, #tpu.memory_space<vmem>> -> memref<64x257xf32, #tpu.memory_space<vmem>>
          tpu.vector_store_idx %scatter3A_1332[%add3A_1327, %broadcast_in_dim3A_1328], %mul3A_1323 : memref<64x257xf32, #tpu.memory_space<vmem>>[vector<16xi32>, vector<16xi32>], vector<16xf32>,
          %get3A_1333 = arith.constant 1 : i32
          %get3A_1334 = arith.index_cast %get3A_1333 : i32 to index
          %get3A_1335 = arith.index_cast %scan3A_1298 : i32 to index
          %get3A_1336 = arith.constant 32 : index
          %get3A_1337 = tpu.vector_load %arg6[%get3A_1334, %get3A_1335, %get3A_1336] {strides = array<i32>} : memref<2x256x64xf32, #tpu.memory_space<vmem>>, vector<16xf32>,
          %mul3A_1338 = arith.constant 8.000000e+00 : f32
          %mul3A_1339 = vector.broadcast %mul3A_1338 : f32 to vector<16xf32>
          %mul3A_1340 = arith.mulf %get3A_1337, %mul3A_1339 : vector<16xf32>
          %iota3A_1341 = tpu.iota {dimensions = array<i32: 0>} : vector<16xi32>
          %add3A_1342 = arith.constant 32 : i32
          %add3A_1343 = vector.broadcast %add3A_1342 : i32 to vector<16xi32>
          %add3A_1344 = arith.addi %iota3A_1341, %add3A_1343 : vector<16xi32>
          %broadcast_in_dim3A_1345 = vector.broadcast %scan3A_1298 : i32 to vector<16xi32>
          %scatter3A_1346 = arith.constant 0 : i32
          %scatter3A_1347 = arith.constant 0 : i32
          %scatter3A_1348 = tpu.memref_slice %arg7[%scan3A_209, %scatter3A_1346, %scatter3A_1347] : memref<2x64x257xf32, #tpu.memory_space<vmem>> -> memref<1x64x257xf32, #tpu.memory_space<vmem>>
          %scatter3A_1349 = tpu.memref_squeeze %scatter3A_1348 : memref<1x64x257xf32, #tpu.memory_space<vmem>> -> memref<64x257xf32, #tpu.memory_space<vmem>>
          tpu.vector_store_idx %scatter3A_1349[%add3A_1344, %broadcast_in_dim3A_1345], %mul3A_1340 : memref<64x257xf32, #tpu.memory_space<vmem>>[vector<16xi32>, vector<16xi32>], vector<16xf32>,
          %get3A_1350 = arith.constant 1 : i32
          %get3A_1351 = arith.index_cast %get3A_1350 : i32 to index
          %get3A_1352 = arith.index_cast %scan3A_1298 : i32 to index
          %get3A_1353 = arith.constant 48 : index
          %get3A_1354 = tpu.vector_load %arg6[%get3A_1351, %get3A_1352, %get3A_1353] {strides = array<i32>} : memref<2x256x64xf32, #tpu.memory_space<vmem>>, vector<16xf32>,
          %mul3A_1355 = arith.constant 8.000000e+00 : f32
          %mul3A_1356 = vector.broadcast %mul3A_1355 : f32 to vector<16xf32>
          %mul3A_1357 = arith.mulf %get3A_1354, %mul3A_1356 : vector<16xf32>
          %iota3A_1358 = tpu.iota {dimensions = array<i32: 0>} : vector<16xi32>
          %add3A_1359 = arith.constant 48 : i32
          %add3A_1360 = vector.broadcast %add3A_1359 : i32 to vector<16xi32>
          %add3A_1361 = arith.addi %iota3A_1358, %add3A_1360 : vector<16xi32>
          %broadcast_in_dim3A_1362 = vector.broadcast %scan3A_1298 : i32 to vector<16xi32>
          %scatter3A_1363 = arith.constant 0 : i32
          %scatter3A_1364 = arith.constant 0 : i32
          %scatter3A_1365 = tpu.memref_slice %arg7[%scan3A_209, %scatter3A_1363, %scatter3A_1364] : memref<2x64x257xf32, #tpu.memory_space<vmem>> -> memref<1x64x257xf32, #tpu.memory_space<vmem>>
          %scatter3A_1366 = tpu.memref_squeeze %scatter3A_1365 : memref<1x64x257xf32, #tpu.memory_space<vmem>> -> memref<64x257xf32, #tpu.memory_space<vmem>>
          tpu.vector_store_idx %scatter3A_1366[%add3A_1361, %broadcast_in_dim3A_1362], %mul3A_1357 : memref<64x257xf32, #tpu.memory_space<vmem>>[vector<16xi32>, vector<16xi32>], vector<16xf32>,
        }
        %scan3A_214 = arith.constant 256 : i32
        %dma_start3A_215 = arith.constant 1 : i32
        %dma_start3A_216 = arith.constant 0 : i32
        %dma_start3A_217 = arith.constant 0 : i32
        %dma_start3A_218 = tpu.memref_slice %arg7[%dma_start3A_215, %dma_start3A_216, %dma_start3A_217] : memref<2x64x257xf32, #tpu.memory_space<vmem>> -> memref<1x64x256xf32, #tpu.memory_space<vmem>>
        %dma_start3A_219 = tpu.memref_squeeze %dma_start3A_218 : memref<1x64x256xf32, #tpu.memory_space<vmem>> -> memref<64x256xf32, #tpu.memory_space<vmem>>
        %dma_start3A_220 = arith.constant 0 : i32
        %dma_start3A_221 = tpu.memref_slice %arg4[%scan3A_88, %dma_start3A_220, %add3A_201] : memref<50x64x16384xf32, #tpu.memory_space<hbm>> -> memref<1x64x256xf32, #tpu.memory_space<hbm>>
        %dma_start3A_222 = tpu.memref_squeeze %dma_start3A_221 : memref<1x64x256xf32, #tpu.memory_space<hbm>> -> memref<64x256xf32, #tpu.memory_space<hbm>>
        %dma_start3A_223 = arith.constant 0 : i32
        %dma_start3A_224 = tpu.memref_slice %arg4[%scan3A_88, %dma_start3A_223, %add3A_201] : memref<50x64x16384xf32, #tpu.memory_space<hbm>> -> memref<1x64x256xf32, #tpu.memory_space<hbm>>
        %dma_start3A_225 = tpu.memref_squeeze %dma_start3A_224 : memref<1x64x256xf32, #tpu.memory_space<hbm>> -> memref<64x256xf32, #tpu.memory_space<hbm>>
        %dma_start3A_226 = arith.constant 0 : i32
        %dma_start3A_227 = arith.constant 0 : i32
        %dma_start3A_228 = tpu.memref_slice %arg7[%dma_start3A_215, %dma_start3A_226, %dma_start3A_227] : memref<2x64x257xf32, #tpu.memory_space<vmem>> -> memref<1x64x256xf32, #tpu.memory_space<vmem>>
        %dma_start3A_229 = tpu.memref_squeeze %dma_start3A_228 : memref<1x64x256xf32, #tpu.memory_space<vmem>> -> memref<64x256xf32, #tpu.memory_space<vmem>>
        tpu.enqueue_dma source(%dma_start3A_229 : memref<64x256xf32, #tpu.memory_space<vmem>>) target(%dma_start3A_225 : memref<64x256xf32, #tpu.memory_space<hbm>>) target_semaphore(%arg11 : memref<!tpu.dma_semaphore, #tpu.memory_space<semaphore_mem>>)
        %dma_wait3A_230 = arith.constant 0 : i32
        %dma_wait3A_231 = arith.constant 0 : i32
        %dma_wait3A_232 = arith.constant 0 : i32
        %dma_wait3A_233 = tpu.memref_slice %arg6[%dma_wait3A_230, %dma_wait3A_231, %dma_wait3A_232] : memref<2x256x64xf32, #tpu.memory_space<vmem>> -> memref<1x128x64xf32, #tpu.memory_space<vmem>>
        %dma_wait3A_234 = tpu.memref_squeeze %dma_wait3A_233 : memref<1x128x64xf32, #tpu.memory_space<vmem>> -> memref<128x64xf32, #tpu.memory_space<vmem>>
        %dma_wait3A_235 = arith.constant 0 : i32
        %dma_wait3A_236 = tpu.memref_slice %arg5[%add3A_175, %dma_wait3A_235] : memref<50x512xi32, #tpu.memory_space<vmem>> -> memref<1x128xi32, #tpu.memory_space<vmem>>
        %dma_wait3A_237 = tpu.memref_squeeze %dma_wait3A_236 : memref<1x128xi32, #tpu.memory_space<vmem>> -> memref<128xi32, #tpu.memory_space<vmem>>
        %dma_wait3A_238 = arith.constant 0 : i32
        %dma_wait3A_239 = arith.constant 0 : i32
        %dma_wait3A_240 = tpu.memref_slice %arg3[%dma_wait3A_238, %dma_wait3A_239] : memref<1000000x64xf32, #tpu.memory_space<hbm>> -> memref<1000000x64xf32, #tpu.memory_space<hbm>>
        tpu.wait_indirect_dma semaphore(%arg8 : memref<!tpu.dma_semaphore, #tpu.memory_space<semaphore_mem>>) src(%dma_wait3A_240 : memref<1000000x64xf32, #tpu.memory_space<hbm>>) dst(%dma_wait3A_234 : memref<128x64xf32, #tpu.memory_space<vmem>>)
        %dma_wait3A_241 = arith.constant 0 : i32
        %dma_wait3A_242 = arith.constant 128 : i32
        %dma_wait3A_243 = arith.constant 0 : i32
        %dma_wait3A_244 = tpu.memref_slice %arg6[%dma_wait3A_241, %dma_wait3A_242, %dma_wait3A_243] : memref<2x256x64xf32, #tpu.memory_space<vmem>> -> memref<1x128x64xf32, #tpu.memory_space<vmem>>
        %dma_wait3A_245 = tpu.memref_squeeze %dma_wait3A_244 : memref<1x128x64xf32, #tpu.memory_space<vmem>> -> memref<128x64xf32, #tpu.memory_space<vmem>>
        %dma_wait3A_246 = arith.constant 128 : i32
        %dma_wait3A_247 = tpu.memref_slice %arg5[%add3A_175, %dma_wait3A_246] : memref<50x512xi32, #tpu.memory_space<vmem>> -> memref<1x128xi32, #tpu.memory_space<vmem>>
        %dma_wait3A_248 = tpu.memref_squeeze %dma_wait3A_247 : memref<1x128xi32, #tpu.memory_space<vmem>> -> memref<128xi32, #tpu.memory_space<vmem>>
        %dma_wait3A_249 = arith.constant 0 : i32
        %dma_wait3A_250 = arith.constant 0 : i32
        %dma_wait3A_251 = tpu.memref_slice %arg3[%dma_wait3A_249, %dma_wait3A_250] : memref<1000000x64xf32, #tpu.memory_space<hbm>> -> memref<1000000x64xf32, #tpu.memory_space<hbm>>
        tpu.wait_indirect_dma semaphore(%arg8 : memref<!tpu.dma_semaphore, #tpu.memory_space<semaphore_mem>>) src(%dma_wait3A_251 : memref<1000000x64xf32, #tpu.memory_space<hbm>>) dst(%dma_wait3A_245 : memref<128x64xf32, #tpu.memory_space<vmem>>)
      } else {
      }
      %add3A_167 = arith.constant 1 : i32
      %add3A_168 = arith.addi %scan3A_88, %add3A_167 : i32
      %eq3A_169 = arith.constant 50 : i32
      %eq3A_170 = arith.cmpi eq, %add3A_168, %eq3A_169 : i32
      %convert_element_type3A_171 = arith.extui %eq3A_170 : i1 to i32
      %cond3A_172 = arith.constant 0 : i32
      %cond3A_173 = arith.cmpi ne, %convert_element_type3A_171, %cond3A_172 : i32
      scf.if %cond3A_173 {
        %eq3A_174 = arith.constant 0 : i32
        %eq3A_175 = arith.cmpi eq, %scan3A_88, %eq3A_174 : i32
        %add3A_176 = arith.constant 256 : i32
        %add3A_177 = arith.addi %mul3A_2, %add3A_176 : i32
        %not3A_178 = arith.constant true
        %not3A_179 = arith.xori %eq3A_175, %not3A_178 : i1
        %convert_element_type3A_180 = arith.extui %not3A_179 : i1 to i32
        %cond3A_181 = arith.constant 1 : i32
        %cond3A_182 = arith.constant 0 : i32
        %cond3A_183 = arith.cmpi ne, %convert_element_type3A_180, %cond3A_182 : i32
        scf.if %cond3A_183 {
          %dma_wait3A_206 = arith.constant 0 : i32
          %dma_wait3A_207 = arith.constant 0 : i32
          %dma_wait3A_208 = tpu.memref_slice %arg7[%cond3A_181, %dma_wait3A_206, %dma_wait3A_207] : memref<2x64x257xf32, #tpu.memory_space<vmem>> -> memref<1x64x256xf32, #tpu.memory_space<vmem>>
          %dma_wait3A_209 = tpu.memref_squeeze %dma_wait3A_208 : memref<1x64x256xf32, #tpu.memory_space<vmem>> -> memref<64x256xf32, #tpu.memory_space<vmem>>
          %dma_wait3A_210 = arith.constant 0 : i32
          %dma_wait3A_211 = tpu.memref_slice %arg4[%scan3A_88, %dma_wait3A_210, %add3A_177] : memref<50x64x16384xf32, #tpu.memory_space<hbm>> -> memref<1x64x256xf32, #tpu.memory_space<hbm>>
          %dma_wait3A_212 = tpu.memref_squeeze %dma_wait3A_211 : memref<1x64x256xf32, #tpu.memory_space<hbm>> -> memref<64x256xf32, #tpu.memory_space<hbm>>
          %dma_wait3A_213 = arith.constant 0 : i32
          %dma_wait3A_214 = tpu.memref_slice %arg4[%scan3A_88, %dma_wait3A_213, %add3A_177] : memref<50x64x16384xf32, #tpu.memory_space<hbm>> -> memref<1x64x256xf32, #tpu.memory_space<hbm>>
          %dma_wait3A_215 = tpu.memref_squeeze %dma_wait3A_214 : memref<1x64x256xf32, #tpu.memory_space<hbm>> -> memref<64x256xf32, #tpu.memory_space<hbm>>
          %dma_wait3A_216 = arith.constant 0 : i32
          %dma_wait3A_217 = arith.constant 0 : i32
          %dma_wait3A_218 = tpu.memref_slice %arg7[%cond3A_181, %dma_wait3A_216, %dma_wait3A_217] : memref<2x64x257xf32, #tpu.memory_space<vmem>> -> memref<1x64x256xf32, #tpu.memory_space<vmem>>
          %dma_wait3A_219 = tpu.memref_squeeze %dma_wait3A_218 : memref<1x64x256xf32, #tpu.memory_space<vmem>> -> memref<64x256xf32, #tpu.memory_space<vmem>>
          tpu.wait_dma2 semaphore(%arg11 : memref<!tpu.dma_semaphore, #tpu.memory_space<semaphore_mem>>) src(%dma_wait3A_219 : memref<64x256xf32, #tpu.memory_space<vmem>>) dst(%dma_wait3A_215 : memref<64x256xf32, #tpu.memory_space<hbm>>)
        } else {
        }
        %scan3A_184 = arith.constant 0 : i32
        %scan3A_185 = arith.constant 1 : i32
        %scan3A_186 = arith.constant 0 : i32
        %scan3A_187 = arith.constant 256 : i32
        %scan3A_188 = arith.addi %scan3A_186, %scan3A_187 : i32
        %scan3A_189 = arith.constant 16 : i32
        scf.for %scan3A_206 = %scan3A_186 to %scan3A_188 step %scan3A_189  : i32 {
          %get3A = arith.constant 1 : i32
          %get3A_207 = arith.index_cast %get3A : i32 to index
          %get3A_208 = arith.index_cast %scan3A_206 : i32 to index
          %get3A_209 = arith.constant 0 : index
          %get3A_210 = tpu.vector_load %arg6[%get3A_207, %get3A_208, %get3A_209] {strides = array<i32>} : memref<2x256x64xf32, #tpu.memory_space<vmem>>, vector<16xf32>,
          %mul3A_211 = arith.constant 8.000000e+00 : f32
          %mul3A_212 = vector.broadcast %mul3A_211 : f32 to vector<16xf32>
          %mul3A_213 = arith.mulf %get3A_210, %mul3A_212 : vector<16xf32>
          %iota3A = tpu.iota {dimensions = array<i32: 0>} : vector<16xi32>
          %add3A_214 = arith.constant 0 : i32
          %add3A_215 = vector.broadcast %add3A_214 : i32 to vector<16xi32>
          %add3A_216 = arith.addi %iota3A, %add3A_215 : vector<16xi32>
          %broadcast_in_dim3A = vector.broadcast %scan3A_206 : i32 to vector<16xi32>
          %scatter3A = arith.constant 0 : i32
          %scatter3A_217 = arith.constant 0 : i32
          %scatter3A_218 = tpu.memref_slice %arg7[%scan3A_185, %scatter3A, %scatter3A_217] : memref<2x64x257xf32, #tpu.memory_space<vmem>> -> memref<1x64x257xf32, #tpu.memory_space<vmem>>
          %scatter3A_219 = tpu.memref_squeeze %scatter3A_218 : memref<1x64x257xf32, #tpu.memory_space<vmem>> -> memref<64x257xf32, #tpu.memory_space<vmem>>
          tpu.vector_store_idx %scatter3A_219[%add3A_216, %broadcast_in_dim3A], %mul3A_213 : memref<64x257xf32, #tpu.memory_space<vmem>>[vector<16xi32>, vector<16xi32>], vector<16xf32>,
          %get3A_220 = arith.constant 1 : i32
          %get3A_221 = arith.index_cast %get3A_220 : i32 to index
          %get3A_222 = arith.index_cast %scan3A_206 : i32 to index
          %get3A_223 = arith.constant 16 : index
          %get3A_224 = tpu.vector_load %arg6[%get3A_221, %get3A_222, %get3A_223] {strides = array<i32>} : memref<2x256x64xf32, #tpu.memory_space<vmem>>, vector<16xf32>,
          %mul3A_225 = arith.constant 8.000000e+00 : f32
          %mul3A_226 = vector.broadcast %mul3A_225 : f32 to vector<16xf32>
          %mul3A_227 = arith.mulf %get3A_224, %mul3A_226 : vector<16xf32>
          %iota3A_228 = tpu.iota {dimensions = array<i32: 0>} : vector<16xi32>
          %add3A_229 = arith.constant 16 : i32
          %add3A_230 = vector.broadcast %add3A_229 : i32 to vector<16xi32>
          %add3A_231 = arith.addi %iota3A_228, %add3A_230 : vector<16xi32>
          %broadcast_in_dim3A_232 = vector.broadcast %scan3A_206 : i32 to vector<16xi32>
          %scatter3A_233 = arith.constant 0 : i32
          %scatter3A_234 = arith.constant 0 : i32
          %scatter3A_235 = tpu.memref_slice %arg7[%scan3A_185, %scatter3A_233, %scatter3A_234] : memref<2x64x257xf32, #tpu.memory_space<vmem>> -> memref<1x64x257xf32, #tpu.memory_space<vmem>>
          %scatter3A_236 = tpu.memref_squeeze %scatter3A_235 : memref<1x64x257xf32, #tpu.memory_space<vmem>> -> memref<64x257xf32, #tpu.memory_space<vmem>>
          tpu.vector_store_idx %scatter3A_236[%add3A_231, %broadcast_in_dim3A_232], %mul3A_227 : memref<64x257xf32, #tpu.memory_space<vmem>>[vector<16xi32>, vector<16xi32>], vector<16xf32>,
          %get3A_237 = arith.constant 1 : i32
          %get3A_238 = arith.index_cast %get3A_237 : i32 to index
          %get3A_239 = arith.index_cast %scan3A_206 : i32 to index
          %get3A_240 = arith.constant 32 : index
          %get3A_241 = tpu.vector_load %arg6[%get3A_238, %get3A_239, %get3A_240] {strides = array<i32>} : memref<2x256x64xf32, #tpu.memory_space<vmem>>, vector<16xf32>,
          %mul3A_242 = arith.constant 8.000000e+00 : f32
          %mul3A_243 = vector.broadcast %mul3A_242 : f32 to vector<16xf32>
          %mul3A_244 = arith.mulf %get3A_241, %mul3A_243 : vector<16xf32>
          %iota3A_245 = tpu.iota {dimensions = array<i32: 0>} : vector<16xi32>
          %add3A_246 = arith.constant 32 : i32
          %add3A_247 = vector.broadcast %add3A_246 : i32 to vector<16xi32>
          %add3A_248 = arith.addi %iota3A_245, %add3A_247 : vector<16xi32>
          %broadcast_in_dim3A_249 = vector.broadcast %scan3A_206 : i32 to vector<16xi32>
          %scatter3A_250 = arith.constant 0 : i32
          %scatter3A_251 = arith.constant 0 : i32
          %scatter3A_252 = tpu.memref_slice %arg7[%scan3A_185, %scatter3A_250, %scatter3A_251] : memref<2x64x257xf32, #tpu.memory_space<vmem>> -> memref<1x64x257xf32, #tpu.memory_space<vmem>>
          %scatter3A_253 = tpu.memref_squeeze %scatter3A_252 : memref<1x64x257xf32, #tpu.memory_space<vmem>> -> memref<64x257xf32, #tpu.memory_space<vmem>>
          tpu.vector_store_idx %scatter3A_253[%add3A_248, %broadcast_in_dim3A_249], %mul3A_244 : memref<64x257xf32, #tpu.memory_space<vmem>>[vector<16xi32>, vector<16xi32>], vector<16xf32>,
          %get3A_254 = arith.constant 1 : i32
          %get3A_255 = arith.index_cast %get3A_254 : i32 to index
          %get3A_256 = arith.index_cast %scan3A_206 : i32 to index
          %get3A_257 = arith.constant 48 : index
          %get3A_258 = tpu.vector_load %arg6[%get3A_255, %get3A_256, %get3A_257] {strides = array<i32>} : memref<2x256x64xf32, #tpu.memory_space<vmem>>, vector<16xf32>,
          %mul3A_259 = arith.constant 8.000000e+00 : f32
          %mul3A_260 = vector.broadcast %mul3A_259 : f32 to vector<16xf32>
          %mul3A_261 = arith.mulf %get3A_258, %mul3A_260 : vector<16xf32>
          %iota3A_262 = tpu.iota {dimensions = array<i32: 0>} : vector<16xi32>
          %add3A_263 = arith.constant 48 : i32
          %add3A_264 = vector.broadcast %add3A_263 : i32 to vector<16xi32>
          %add3A_265 = arith.addi %iota3A_262, %add3A_264 : vector<16xi32>
          %broadcast_in_dim3A_266 = vector.broadcast %scan3A_206 : i32 to vector<16xi32>
          %scatter3A_267 = arith.constant 0 : i32
          %scatter3A_268 = arith.constant 0 : i32
          %scatter3A_269 = tpu.memref_slice %arg7[%scan3A_185, %scatter3A_267, %scatter3A_268] : memref<2x64x257xf32, #tpu.memory_space<vmem>> -> memref<1x64x257xf32, #tpu.memory_space<vmem>>
          %scatter3A_270 = tpu.memref_squeeze %scatter3A_269 : memref<1x64x257xf32, #tpu.memory_space<vmem>> -> memref<64x257xf32, #tpu.memory_space<vmem>>
          tpu.vector_store_idx %scatter3A_270[%add3A_265, %broadcast_in_dim3A_266], %mul3A_261 : memref<64x257xf32, #tpu.memory_space<vmem>>[vector<16xi32>, vector<16xi32>], vector<16xf32>,
          %scan3A_271 = arith.constant 1 : i32
          %scan3A_272 = arith.addi %scan3A_206, %scan3A_271 : i32
          %get3A_273 = arith.constant 1 : i32
          %get3A_274 = arith.index_cast %get3A_273 : i32 to index
          %get3A_275 = arith.index_cast %scan3A_272 : i32 to index
          %get3A_276 = arith.constant 0 : index
          %get3A_277 = tpu.vector_load %arg6[%get3A_274, %get3A_275, %get3A_276] {strides = array<i32>} : memref<2x256x64xf32, #tpu.memory_space<vmem>>, vector<16xf32>,
          %mul3A_278 = arith.constant 8.000000e+00 : f32
          %mul3A_279 = vector.broadcast %mul3A_278 : f32 to vector<16xf32>
          %mul3A_280 = arith.mulf %get3A_277, %mul3A_279 : vector<16xf32>
          %iota3A_281 = tpu.iota {dimensions = array<i32: 0>} : vector<16xi32>
          %add3A_282 = arith.constant 0 : i32
          %add3A_283 = vector.broadcast %add3A_282 : i32 to vector<16xi32>
          %add3A_284 = arith.addi %iota3A_281, %add3A_283 : vector<16xi32>
          %broadcast_in_dim3A_285 = vector.broadcast %scan3A_272 : i32 to vector<16xi32>
          %scatter3A_286 = arith.constant 0 : i32
          %scatter3A_287 = arith.constant 0 : i32
          %scatter3A_288 = tpu.memref_slice %arg7[%scan3A_185, %scatter3A_286, %scatter3A_287] : memref<2x64x257xf32, #tpu.memory_space<vmem>> -> memref<1x64x257xf32, #tpu.memory_space<vmem>>
          %scatter3A_289 = tpu.memref_squeeze %scatter3A_288 : memref<1x64x257xf32, #tpu.memory_space<vmem>> -> memref<64x257xf32, #tpu.memory_space<vmem>>
          tpu.vector_store_idx %scatter3A_289[%add3A_284, %broadcast_in_dim3A_285], %mul3A_280 : memref<64x257xf32, #tpu.memory_space<vmem>>[vector<16xi32>, vector<16xi32>], vector<16xf32>,
          %get3A_290 = arith.constant 1 : i32
          %get3A_291 = arith.index_cast %get3A_290 : i32 to index
          %get3A_292 = arith.index_cast %scan3A_272 : i32 to index
          %get3A_293 = arith.constant 16 : index
          %get3A_294 = tpu.vector_load %arg6[%get3A_291, %get3A_292, %get3A_293] {strides = array<i32>} : memref<2x256x64xf32, #tpu.memory_space<vmem>>, vector<16xf32>,
          %mul3A_295 = arith.constant 8.000000e+00 : f32
          %mul3A_296 = vector.broadcast %mul3A_295 : f32 to vector<16xf32>
          %mul3A_297 = arith.mulf %get3A_294, %mul3A_296 : vector<16xf32>
          %iota3A_298 = tpu.iota {dimensions = array<i32: 0>} : vector<16xi32>
          %add3A_299 = arith.constant 16 : i32
          %add3A_300 = vector.broadcast %add3A_299 : i32 to vector<16xi32>
          %add3A_301 = arith.addi %iota3A_298, %add3A_300 : vector<16xi32>
          %broadcast_in_dim3A_302 = vector.broadcast %scan3A_272 : i32 to vector<16xi32>
          %scatter3A_303 = arith.constant 0 : i32
          %scatter3A_304 = arith.constant 0 : i32
          %scatter3A_305 = tpu.memref_slice %arg7[%scan3A_185, %scatter3A_303, %scatter3A_304] : memref<2x64x257xf32, #tpu.memory_space<vmem>> -> memref<1x64x257xf32, #tpu.memory_space<vmem>>
          %scatter3A_306 = tpu.memref_squeeze %scatter3A_305 : memref<1x64x257xf32, #tpu.memory_space<vmem>> -> memref<64x257xf32, #tpu.memory_space<vmem>>
          tpu.vector_store_idx %scatter3A_306[%add3A_301, %broadcast_in_dim3A_302], %mul3A_297 : memref<64x257xf32, #tpu.memory_space<vmem>>[vector<16xi32>, vector<16xi32>], vector<16xf32>,
          %get3A_307 = arith.constant 1 : i32
          %get3A_308 = arith.index_cast %get3A_307 : i32 to index
          %get3A_309 = arith.index_cast %scan3A_272 : i32 to index
          %get3A_310 = arith.constant 32 : index
          %get3A_311 = tpu.vector_load %arg6[%get3A_308, %get3A_309, %get3A_310] {strides = array<i32>} : memref<2x256x64xf32, #tpu.memory_space<vmem>>, vector<16xf32>,
          %mul3A_312 = arith.constant 8.000000e+00 : f32
          %mul3A_313 = vector.broadcast %mul3A_312 : f32 to vector<16xf32>
          %mul3A_314 = arith.mulf %get3A_311, %mul3A_313 : vector<16xf32>
          %iota3A_315 = tpu.iota {dimensions = array<i32: 0>} : vector<16xi32>
          %add3A_316 = arith.constant 32 : i32
          %add3A_317 = vector.broadcast %add3A_316 : i32 to vector<16xi32>
          %add3A_318 = arith.addi %iota3A_315, %add3A_317 : vector<16xi32>
          %broadcast_in_dim3A_319 = vector.broadcast %scan3A_272 : i32 to vector<16xi32>
          %scatter3A_320 = arith.constant 0 : i32
          %scatter3A_321 = arith.constant 0 : i32
          %scatter3A_322 = tpu.memref_slice %arg7[%scan3A_185, %scatter3A_320, %scatter3A_321] : memref<2x64x257xf32, #tpu.memory_space<vmem>> -> memref<1x64x257xf32, #tpu.memory_space<vmem>>
          %scatter3A_323 = tpu.memref_squeeze %scatter3A_322 : memref<1x64x257xf32, #tpu.memory_space<vmem>> -> memref<64x257xf32, #tpu.memory_space<vmem>>
          tpu.vector_store_idx %scatter3A_323[%add3A_318, %broadcast_in_dim3A_319], %mul3A_314 : memref<64x257xf32, #tpu.memory_space<vmem>>[vector<16xi32>, vector<16xi32>], vector<16xf32>,
          %get3A_324 = arith.constant 1 : i32
          %get3A_325 = arith.index_cast %get3A_324 : i32 to index
          %get3A_326 = arith.index_cast %scan3A_272 : i32 to index
          %get3A_327 = arith.constant 48 : index
          %get3A_328 = tpu.vector_load %arg6[%get3A_325, %get3A_326, %get3A_327] {strides = array<i32>} : memref<2x256x64xf32, #tpu.memory_space<vmem>>, vector<16xf32>,
          %mul3A_329 = arith.constant 8.000000e+00 : f32
          %mul3A_330 = vector.broadcast %mul3A_329 : f32 to vector<16xf32>
          %mul3A_331 = arith.mulf %get3A_328, %mul3A_330 : vector<16xf32>
          %iota3A_332 = tpu.iota {dimensions = array<i32: 0>} : vector<16xi32>
          %add3A_333 = arith.constant 48 : i32
          %add3A_334 = vector.broadcast %add3A_333 : i32 to vector<16xi32>
          %add3A_335 = arith.addi %iota3A_332, %add3A_334 : vector<16xi32>
          %broadcast_in_dim3A_336 = vector.broadcast %scan3A_272 : i32 to vector<16xi32>
          %scatter3A_337 = arith.constant 0 : i32
          %scatter3A_338 = arith.constant 0 : i32
          %scatter3A_339 = tpu.memref_slice %arg7[%scan3A_185, %scatter3A_337, %scatter3A_338] : memref<2x64x257xf32, #tpu.memory_space<vmem>> -> memref<1x64x257xf32, #tpu.memory_space<vmem>>
          %scatter3A_340 = tpu.memref_squeeze %scatter3A_339 : memref<1x64x257xf32, #tpu.memory_space<vmem>> -> memref<64x257xf32, #tpu.memory_space<vmem>>
          tpu.vector_store_idx %scatter3A_340[%add3A_335, %broadcast_in_dim3A_336], %mul3A_331 : memref<64x257xf32, #tpu.memory_space<vmem>>[vector<16xi32>, vector<16xi32>], vector<16xf32>,
          %scan3A_341 = arith.constant 2 : i32
          %scan3A_342 = arith.addi %scan3A_206, %scan3A_341 : i32
          %get3A_343 = arith.constant 1 : i32
          %get3A_344 = arith.index_cast %get3A_343 : i32 to index
          %get3A_345 = arith.index_cast %scan3A_342 : i32 to index
          %get3A_346 = arith.constant 0 : index
          %get3A_347 = tpu.vector_load %arg6[%get3A_344, %get3A_345, %get3A_346] {strides = array<i32>} : memref<2x256x64xf32, #tpu.memory_space<vmem>>, vector<16xf32>,
          %mul3A_348 = arith.constant 8.000000e+00 : f32
          %mul3A_349 = vector.broadcast %mul3A_348 : f32 to vector<16xf32>
          %mul3A_350 = arith.mulf %get3A_347, %mul3A_349 : vector<16xf32>
          %iota3A_351 = tpu.iota {dimensions = array<i32: 0>} : vector<16xi32>
          %add3A_352 = arith.constant 0 : i32
          %add3A_353 = vector.broadcast %add3A_352 : i32 to vector<16xi32>
          %add3A_354 = arith.addi %iota3A_351, %add3A_353 : vector<16xi32>
          %broadcast_in_dim3A_355 = vector.broadcast %scan3A_342 : i32 to vector<16xi32>
          %scatter3A_356 = arith.constant 0 : i32
          %scatter3A_357 = arith.constant 0 : i32
          %scatter3A_358 = tpu.memref_slice %arg7[%scan3A_185, %scatter3A_356, %scatter3A_357] : memref<2x64x257xf32, #tpu.memory_space<vmem>> -> memref<1x64x257xf32, #tpu.memory_space<vmem>>
          %scatter3A_359 = tpu.memref_squeeze %scatter3A_358 : memref<1x64x257xf32, #tpu.memory_space<vmem>> -> memref<64x257xf32, #tpu.memory_space<vmem>>
          tpu.vector_store_idx %scatter3A_359[%add3A_354, %broadcast_in_dim3A_355], %mul3A_350 : memref<64x257xf32, #tpu.memory_space<vmem>>[vector<16xi32>, vector<16xi32>], vector<16xf32>,
          %get3A_360 = arith.constant 1 : i32
          %get3A_361 = arith.index_cast %get3A_360 : i32 to index
          %get3A_362 = arith.index_cast %scan3A_342 : i32 to index
          %get3A_363 = arith.constant 16 : index
          %get3A_364 = tpu.vector_load %arg6[%get3A_361, %get3A_362, %get3A_363] {strides = array<i32>} : memref<2x256x64xf32, #tpu.memory_space<vmem>>, vector<16xf32>,
          %mul3A_365 = arith.constant 8.000000e+00 : f32
          %mul3A_366 = vector.broadcast %mul3A_365 : f32 to vector<16xf32>
          %mul3A_367 = arith.mulf %get3A_364, %mul3A_366 : vector<16xf32>
          %iota3A_368 = tpu.iota {dimensions = array<i32: 0>} : vector<16xi32>
          %add3A_369 = arith.constant 16 : i32
          %add3A_370 = vector.broadcast %add3A_369 : i32 to vector<16xi32>
          %add3A_371 = arith.addi %iota3A_368, %add3A_370 : vector<16xi32>
          %broadcast_in_dim3A_372 = vector.broadcast %scan3A_342 : i32 to vector<16xi32>
          %scatter3A_373 = arith.constant 0 : i32
          %scatter3A_374 = arith.constant 0 : i32
          %scatter3A_375 = tpu.memref_slice %arg7[%scan3A_185, %scatter3A_373, %scatter3A_374] : memref<2x64x257xf32, #tpu.memory_space<vmem>> -> memref<1x64x257xf32, #tpu.memory_space<vmem>>
          %scatter3A_376 = tpu.memref_squeeze %scatter3A_375 : memref<1x64x257xf32, #tpu.memory_space<vmem>> -> memref<64x257xf32, #tpu.memory_space<vmem>>
          tpu.vector_store_idx %scatter3A_376[%add3A_371, %broadcast_in_dim3A_372], %mul3A_367 : memref<64x257xf32, #tpu.memory_space<vmem>>[vector<16xi32>, vector<16xi32>], vector<16xf32>,
          %get3A_377 = arith.constant 1 : i32
          %get3A_378 = arith.index_cast %get3A_377 : i32 to index
          %get3A_379 = arith.index_cast %scan3A_342 : i32 to index
          %get3A_380 = arith.constant 32 : index
          %get3A_381 = tpu.vector_load %arg6[%get3A_378, %get3A_379, %get3A_380] {strides = array<i32>} : memref<2x256x64xf32, #tpu.memory_space<vmem>>, vector<16xf32>,
          %mul3A_382 = arith.constant 8.000000e+00 : f32
          %mul3A_383 = vector.broadcast %mul3A_382 : f32 to vector<16xf32>
          %mul3A_384 = arith.mulf %get3A_381, %mul3A_383 : vector<16xf32>
          %iota3A_385 = tpu.iota {dimensions = array<i32: 0>} : vector<16xi32>
          %add3A_386 = arith.constant 32 : i32
          %add3A_387 = vector.broadcast %add3A_386 : i32 to vector<16xi32>
          %add3A_388 = arith.addi %iota3A_385, %add3A_387 : vector<16xi32>
          %broadcast_in_dim3A_389 = vector.broadcast %scan3A_342 : i32 to vector<16xi32>
          %scatter3A_390 = arith.constant 0 : i32
          %scatter3A_391 = arith.constant 0 : i32
          %scatter3A_392 = tpu.memref_slice %arg7[%scan3A_185, %scatter3A_390, %scatter3A_391] : memref<2x64x257xf32, #tpu.memory_space<vmem>> -> memref<1x64x257xf32, #tpu.memory_space<vmem>>
          %scatter3A_393 = tpu.memref_squeeze %scatter3A_392 : memref<1x64x257xf32, #tpu.memory_space<vmem>> -> memref<64x257xf32, #tpu.memory_space<vmem>>
          tpu.vector_store_idx %scatter3A_393[%add3A_388, %broadcast_in_dim3A_389], %mul3A_384 : memref<64x257xf32, #tpu.memory_space<vmem>>[vector<16xi32>, vector<16xi32>], vector<16xf32>,
          %get3A_394 = arith.constant 1 : i32
          %get3A_395 = arith.index_cast %get3A_394 : i32 to index
          %get3A_396 = arith.index_cast %scan3A_342 : i32 to index
          %get3A_397 = arith.constant 48 : index
          %get3A_398 = tpu.vector_load %arg6[%get3A_395, %get3A_396, %get3A_397] {strides = array<i32>} : memref<2x256x64xf32, #tpu.memory_space<vmem>>, vector<16xf32>,
          %mul3A_399 = arith.constant 8.000000e+00 : f32
          %mul3A_400 = vector.broadcast %mul3A_399 : f32 to vector<16xf32>
          %mul3A_401 = arith.mulf %get3A_398, %mul3A_400 : vector<16xf32>
          %iota3A_402 = tpu.iota {dimensions = array<i32: 0>} : vector<16xi32>
          %add3A_403 = arith.constant 48 : i32
          %add3A_404 = vector.broadcast %add3A_403 : i32 to vector<16xi32>
          %add3A_405 = arith.addi %iota3A_402, %add3A_404 : vector<16xi32>
          %broadcast_in_dim3A_406 = vector.broadcast %scan3A_342 : i32 to vector<16xi32>
          %scatter3A_407 = arith.constant 0 : i32
          %scatter3A_408 = arith.constant 0 : i32
          %scatter3A_409 = tpu.memref_slice %arg7[%scan3A_185, %scatter3A_407, %scatter3A_408] : memref<2x64x257xf32, #tpu.memory_space<vmem>> -> memref<1x64x257xf32, #tpu.memory_space<vmem>>
          %scatter3A_410 = tpu.memref_squeeze %scatter3A_409 : memref<1x64x257xf32, #tpu.memory_space<vmem>> -> memref<64x257xf32, #tpu.memory_space<vmem>>
          tpu.vector_store_idx %scatter3A_410[%add3A_405, %broadcast_in_dim3A_406], %mul3A_401 : memref<64x257xf32, #tpu.memory_space<vmem>>[vector<16xi32>, vector<16xi32>], vector<16xf32>,
          %scan3A_411 = arith.constant 3 : i32
          %scan3A_412 = arith.addi %scan3A_206, %scan3A_411 : i32
          %get3A_413 = arith.constant 1 : i32
          %get3A_414 = arith.index_cast %get3A_413 : i32 to index
          %get3A_415 = arith.index_cast %scan3A_412 : i32 to index
          %get3A_416 = arith.constant 0 : index
          %get3A_417 = tpu.vector_load %arg6[%get3A_414, %get3A_415, %get3A_416] {strides = array<i32>} : memref<2x256x64xf32, #tpu.memory_space<vmem>>, vector<16xf32>,
          %mul3A_418 = arith.constant 8.000000e+00 : f32
          %mul3A_419 = vector.broadcast %mul3A_418 : f32 to vector<16xf32>
          %mul3A_420 = arith.mulf %get3A_417, %mul3A_419 : vector<16xf32>
          %iota3A_421 = tpu.iota {dimensions = array<i32: 0>} : vector<16xi32>
          %add3A_422 = arith.constant 0 : i32
          %add3A_423 = vector.broadcast %add3A_422 : i32 to vector<16xi32>
          %add3A_424 = arith.addi %iota3A_421, %add3A_423 : vector<16xi32>
          %broadcast_in_dim3A_425 = vector.broadcast %scan3A_412 : i32 to vector<16xi32>
          %scatter3A_426 = arith.constant 0 : i32
          %scatter3A_427 = arith.constant 0 : i32
          %scatter3A_428 = tpu.memref_slice %arg7[%scan3A_185, %scatter3A_426, %scatter3A_427] : memref<2x64x257xf32, #tpu.memory_space<vmem>> -> memref<1x64x257xf32, #tpu.memory_space<vmem>>
          %scatter3A_429 = tpu.memref_squeeze %scatter3A_428 : memref<1x64x257xf32, #tpu.memory_space<vmem>> -> memref<64x257xf32, #tpu.memory_space<vmem>>
          tpu.vector_store_idx %scatter3A_429[%add3A_424, %broadcast_in_dim3A_425], %mul3A_420 : memref<64x257xf32, #tpu.memory_space<vmem>>[vector<16xi32>, vector<16xi32>], vector<16xf32>,
          %get3A_430 = arith.constant 1 : i32
          %get3A_431 = arith.index_cast %get3A_430 : i32 to index
          %get3A_432 = arith.index_cast %scan3A_412 : i32 to index
          %get3A_433 = arith.constant 16 : index
          %get3A_434 = tpu.vector_load %arg6[%get3A_431, %get3A_432, %get3A_433] {strides = array<i32>} : memref<2x256x64xf32, #tpu.memory_space<vmem>>, vector<16xf32>,
          %mul3A_435 = arith.constant 8.000000e+00 : f32
          %mul3A_436 = vector.broadcast %mul3A_435 : f32 to vector<16xf32>
          %mul3A_437 = arith.mulf %get3A_434, %mul3A_436 : vector<16xf32>
          %iota3A_438 = tpu.iota {dimensions = array<i32: 0>} : vector<16xi32>
          %add3A_439 = arith.constant 16 : i32
          %add3A_440 = vector.broadcast %add3A_439 : i32 to vector<16xi32>
          %add3A_441 = arith.addi %iota3A_438, %add3A_440 : vector<16xi32>
          %broadcast_in_dim3A_442 = vector.broadcast %scan3A_412 : i32 to vector<16xi32>
          %scatter3A_443 = arith.constant 0 : i32
          %scatter3A_444 = arith.constant 0 : i32
          %scatter3A_445 = tpu.memref_slice %arg7[%scan3A_185, %scatter3A_443, %scatter3A_444] : memref<2x64x257xf32, #tpu.memory_space<vmem>> -> memref<1x64x257xf32, #tpu.memory_space<vmem>>
          %scatter3A_446 = tpu.memref_squeeze %scatter3A_445 : memref<1x64x257xf32, #tpu.memory_space<vmem>> -> memref<64x257xf32, #tpu.memory_space<vmem>>
          tpu.vector_store_idx %scatter3A_446[%add3A_441, %broadcast_in_dim3A_442], %mul3A_437 : memref<64x257xf32, #tpu.memory_space<vmem>>[vector<16xi32>, vector<16xi32>], vector<16xf32>,
          %get3A_447 = arith.constant 1 : i32
          %get3A_448 = arith.index_cast %get3A_447 : i32 to index
          %get3A_449 = arith.index_cast %scan3A_412 : i32 to index
          %get3A_450 = arith.constant 32 : index
          %get3A_451 = tpu.vector_load %arg6[%get3A_448, %get3A_449, %get3A_450] {strides = array<i32>} : memref<2x256x64xf32, #tpu.memory_space<vmem>>, vector<16xf32>,
          %mul3A_452 = arith.constant 8.000000e+00 : f32
          %mul3A_453 = vector.broadcast %mul3A_452 : f32 to vector<16xf32>
          %mul3A_454 = arith.mulf %get3A_451, %mul3A_453 : vector<16xf32>
          %iota3A_455 = tpu.iota {dimensions = array<i32: 0>} : vector<16xi32>
          %add3A_456 = arith.constant 32 : i32
          %add3A_457 = vector.broadcast %add3A_456 : i32 to vector<16xi32>
          %add3A_458 = arith.addi %iota3A_455, %add3A_457 : vector<16xi32>
          %broadcast_in_dim3A_459 = vector.broadcast %scan3A_412 : i32 to vector<16xi32>
          %scatter3A_460 = arith.constant 0 : i32
          %scatter3A_461 = arith.constant 0 : i32
          %scatter3A_462 = tpu.memref_slice %arg7[%scan3A_185, %scatter3A_460, %scatter3A_461] : memref<2x64x257xf32, #tpu.memory_space<vmem>> -> memref<1x64x257xf32, #tpu.memory_space<vmem>>
          %scatter3A_463 = tpu.memref_squeeze %scatter3A_462 : memref<1x64x257xf32, #tpu.memory_space<vmem>> -> memref<64x257xf32, #tpu.memory_space<vmem>>
          tpu.vector_store_idx %scatter3A_463[%add3A_458, %broadcast_in_dim3A_459], %mul3A_454 : memref<64x257xf32, #tpu.memory_space<vmem>>[vector<16xi32>, vector<16xi32>], vector<16xf32>,
          %get3A_464 = arith.constant 1 : i32
          %get3A_465 = arith.index_cast %get3A_464 : i32 to index
          %get3A_466 = arith.index_cast %scan3A_412 : i32 to index
          %get3A_467 = arith.constant 48 : index
          %get3A_468 = tpu.vector_load %arg6[%get3A_465, %get3A_466, %get3A_467] {strides = array<i32>} : memref<2x256x64xf32, #tpu.memory_space<vmem>>, vector<16xf32>,
          %mul3A_469 = arith.constant 8.000000e+00 : f32
          %mul3A_470 = vector.broadcast %mul3A_469 : f32 to vector<16xf32>
          %mul3A_471 = arith.mulf %get3A_468, %mul3A_470 : vector<16xf32>
          %iota3A_472 = tpu.iota {dimensions = array<i32: 0>} : vector<16xi32>
          %add3A_473 = arith.constant 48 : i32
          %add3A_474 = vector.broadcast %add3A_473 : i32 to vector<16xi32>
          %add3A_475 = arith.addi %iota3A_472, %add3A_474 : vector<16xi32>
          %broadcast_in_dim3A_476 = vector.broadcast %scan3A_412 : i32 to vector<16xi32>
          %scatter3A_477 = arith.constant 0 : i32
          %scatter3A_478 = arith.constant 0 : i32
          %scatter3A_479 = tpu.memref_slice %arg7[%scan3A_185, %scatter3A_477, %scatter3A_478] : memref<2x64x257xf32, #tpu.memory_space<vmem>> -> memref<1x64x257xf32, #tpu.memory_space<vmem>>
          %scatter3A_480 = tpu.memref_squeeze %scatter3A_479 : memref<1x64x257xf32, #tpu.memory_space<vmem>> -> memref<64x257xf32, #tpu.memory_space<vmem>>
          tpu.vector_store_idx %scatter3A_480[%add3A_475, %broadcast_in_dim3A_476], %mul3A_471 : memref<64x257xf32, #tpu.memory_space<vmem>>[vector<16xi32>, vector<16xi32>], vector<16xf32>,
          %scan3A_481 = arith.constant 4 : i32
          %scan3A_482 = arith.addi %scan3A_206, %scan3A_481 : i32
          %get3A_483 = arith.constant 1 : i32
          %get3A_484 = arith.index_cast %get3A_483 : i32 to index
          %get3A_485 = arith.index_cast %scan3A_482 : i32 to index
          %get3A_486 = arith.constant 0 : index
          %get3A_487 = tpu.vector_load %arg6[%get3A_484, %get3A_485, %get3A_486] {strides = array<i32>} : memref<2x256x64xf32, #tpu.memory_space<vmem>>, vector<16xf32>,
          %mul3A_488 = arith.constant 8.000000e+00 : f32
          %mul3A_489 = vector.broadcast %mul3A_488 : f32 to vector<16xf32>
          %mul3A_490 = arith.mulf %get3A_487, %mul3A_489 : vector<16xf32>
          %iota3A_491 = tpu.iota {dimensions = array<i32: 0>} : vector<16xi32>
          %add3A_492 = arith.constant 0 : i32
          %add3A_493 = vector.broadcast %add3A_492 : i32 to vector<16xi32>
          %add3A_494 = arith.addi %iota3A_491, %add3A_493 : vector<16xi32>
          %broadcast_in_dim3A_495 = vector.broadcast %scan3A_482 : i32 to vector<16xi32>
          %scatter3A_496 = arith.constant 0 : i32
          %scatter3A_497 = arith.constant 0 : i32
          %scatter3A_498 = tpu.memref_slice %arg7[%scan3A_185, %scatter3A_496, %scatter3A_497] : memref<2x64x257xf32, #tpu.memory_space<vmem>> -> memref<1x64x257xf32, #tpu.memory_space<vmem>>
          %scatter3A_499 = tpu.memref_squeeze %scatter3A_498 : memref<1x64x257xf32, #tpu.memory_space<vmem>> -> memref<64x257xf32, #tpu.memory_space<vmem>>
          tpu.vector_store_idx %scatter3A_499[%add3A_494, %broadcast_in_dim3A_495], %mul3A_490 : memref<64x257xf32, #tpu.memory_space<vmem>>[vector<16xi32>, vector<16xi32>], vector<16xf32>,
          %get3A_500 = arith.constant 1 : i32
          %get3A_501 = arith.index_cast %get3A_500 : i32 to index
          %get3A_502 = arith.index_cast %scan3A_482 : i32 to index
          %get3A_503 = arith.constant 16 : index
          %get3A_504 = tpu.vector_load %arg6[%get3A_501, %get3A_502, %get3A_503] {strides = array<i32>} : memref<2x256x64xf32, #tpu.memory_space<vmem>>, vector<16xf32>,
          %mul3A_505 = arith.constant 8.000000e+00 : f32
          %mul3A_506 = vector.broadcast %mul3A_505 : f32 to vector<16xf32>
          %mul3A_507 = arith.mulf %get3A_504, %mul3A_506 : vector<16xf32>
          %iota3A_508 = tpu.iota {dimensions = array<i32: 0>} : vector<16xi32>
          %add3A_509 = arith.constant 16 : i32
          %add3A_510 = vector.broadcast %add3A_509 : i32 to vector<16xi32>
          %add3A_511 = arith.addi %iota3A_508, %add3A_510 : vector<16xi32>
          %broadcast_in_dim3A_512 = vector.broadcast %scan3A_482 : i32 to vector<16xi32>
          %scatter3A_513 = arith.constant 0 : i32
          %scatter3A_514 = arith.constant 0 : i32
          %scatter3A_515 = tpu.memref_slice %arg7[%scan3A_185, %scatter3A_513, %scatter3A_514] : memref<2x64x257xf32, #tpu.memory_space<vmem>> -> memref<1x64x257xf32, #tpu.memory_space<vmem>>
          %scatter3A_516 = tpu.memref_squeeze %scatter3A_515 : memref<1x64x257xf32, #tpu.memory_space<vmem>> -> memref<64x257xf32, #tpu.memory_space<vmem>>
          tpu.vector_store_idx %scatter3A_516[%add3A_511, %broadcast_in_dim3A_512], %mul3A_507 : memref<64x257xf32, #tpu.memory_space<vmem>>[vector<16xi32>, vector<16xi32>], vector<16xf32>,
          %get3A_517 = arith.constant 1 : i32
          %get3A_518 = arith.index_cast %get3A_517 : i32 to index
          %get3A_519 = arith.index_cast %scan3A_482 : i32 to index
          %get3A_520 = arith.constant 32 : index
          %get3A_521 = tpu.vector_load %arg6[%get3A_518, %get3A_519, %get3A_520] {strides = array<i32>} : memref<2x256x64xf32, #tpu.memory_space<vmem>>, vector<16xf32>,
          %mul3A_522 = arith.constant 8.000000e+00 : f32
          %mul3A_523 = vector.broadcast %mul3A_522 : f32 to vector<16xf32>
          %mul3A_524 = arith.mulf %get3A_521, %mul3A_523 : vector<16xf32>
          %iota3A_525 = tpu.iota {dimensions = array<i32: 0>} : vector<16xi32>
          %add3A_526 = arith.constant 32 : i32
          %add3A_527 = vector.broadcast %add3A_526 : i32 to vector<16xi32>
          %add3A_528 = arith.addi %iota3A_525, %add3A_527 : vector<16xi32>
          %broadcast_in_dim3A_529 = vector.broadcast %scan3A_482 : i32 to vector<16xi32>
          %scatter3A_530 = arith.constant 0 : i32
          %scatter3A_531 = arith.constant 0 : i32
          %scatter3A_532 = tpu.memref_slice %arg7[%scan3A_185, %scatter3A_530, %scatter3A_531] : memref<2x64x257xf32, #tpu.memory_space<vmem>> -> memref<1x64x257xf32, #tpu.memory_space<vmem>>
          %scatter3A_533 = tpu.memref_squeeze %scatter3A_532 : memref<1x64x257xf32, #tpu.memory_space<vmem>> -> memref<64x257xf32, #tpu.memory_space<vmem>>
          tpu.vector_store_idx %scatter3A_533[%add3A_528, %broadcast_in_dim3A_529], %mul3A_524 : memref<64x257xf32, #tpu.memory_space<vmem>>[vector<16xi32>, vector<16xi32>], vector<16xf32>,
          %get3A_534 = arith.constant 1 : i32
          %get3A_535 = arith.index_cast %get3A_534 : i32 to index
          %get3A_536 = arith.index_cast %scan3A_482 : i32 to index
          %get3A_537 = arith.constant 48 : index
          %get3A_538 = tpu.vector_load %arg6[%get3A_535, %get3A_536, %get3A_537] {strides = array<i32>} : memref<2x256x64xf32, #tpu.memory_space<vmem>>, vector<16xf32>,
          %mul3A_539 = arith.constant 8.000000e+00 : f32
          %mul3A_540 = vector.broadcast %mul3A_539 : f32 to vector<16xf32>
          %mul3A_541 = arith.mulf %get3A_538, %mul3A_540 : vector<16xf32>
          %iota3A_542 = tpu.iota {dimensions = array<i32: 0>} : vector<16xi32>
          %add3A_543 = arith.constant 48 : i32
          %add3A_544 = vector.broadcast %add3A_543 : i32 to vector<16xi32>
          %add3A_545 = arith.addi %iota3A_542, %add3A_544 : vector<16xi32>
          %broadcast_in_dim3A_546 = vector.broadcast %scan3A_482 : i32 to vector<16xi32>
          %scatter3A_547 = arith.constant 0 : i32
          %scatter3A_548 = arith.constant 0 : i32
          %scatter3A_549 = tpu.memref_slice %arg7[%scan3A_185, %scatter3A_547, %scatter3A_548] : memref<2x64x257xf32, #tpu.memory_space<vmem>> -> memref<1x64x257xf32, #tpu.memory_space<vmem>>
          %scatter3A_550 = tpu.memref_squeeze %scatter3A_549 : memref<1x64x257xf32, #tpu.memory_space<vmem>> -> memref<64x257xf32, #tpu.memory_space<vmem>>
          tpu.vector_store_idx %scatter3A_550[%add3A_545, %broadcast_in_dim3A_546], %mul3A_541 : memref<64x257xf32, #tpu.memory_space<vmem>>[vector<16xi32>, vector<16xi32>], vector<16xf32>,
          %scan3A_551 = arith.constant 5 : i32
          %scan3A_552 = arith.addi %scan3A_206, %scan3A_551 : i32
          %get3A_553 = arith.constant 1 : i32
          %get3A_554 = arith.index_cast %get3A_553 : i32 to index
          %get3A_555 = arith.index_cast %scan3A_552 : i32 to index
          %get3A_556 = arith.constant 0 : index
          %get3A_557 = tpu.vector_load %arg6[%get3A_554, %get3A_555, %get3A_556] {strides = array<i32>} : memref<2x256x64xf32, #tpu.memory_space<vmem>>, vector<16xf32>,
          %mul3A_558 = arith.constant 8.000000e+00 : f32
          %mul3A_559 = vector.broadcast %mul3A_558 : f32 to vector<16xf32>
          %mul3A_560 = arith.mulf %get3A_557, %mul3A_559 : vector<16xf32>
          %iota3A_561 = tpu.iota {dimensions = array<i32: 0>} : vector<16xi32>
          %add3A_562 = arith.constant 0 : i32
          %add3A_563 = vector.broadcast %add3A_562 : i32 to vector<16xi32>
          %add3A_564 = arith.addi %iota3A_561, %add3A_563 : vector<16xi32>
          %broadcast_in_dim3A_565 = vector.broadcast %scan3A_552 : i32 to vector<16xi32>
          %scatter3A_566 = arith.constant 0 : i32
          %scatter3A_567 = arith.constant 0 : i32
          %scatter3A_568 = tpu.memref_slice %arg7[%scan3A_185, %scatter3A_566, %scatter3A_567] : memref<2x64x257xf32, #tpu.memory_space<vmem>> -> memref<1x64x257xf32, #tpu.memory_space<vmem>>
          %scatter3A_569 = tpu.memref_squeeze %scatter3A_568 : memref<1x64x257xf32, #tpu.memory_space<vmem>> -> memref<64x257xf32, #tpu.memory_space<vmem>>
          tpu.vector_store_idx %scatter3A_569[%add3A_564, %broadcast_in_dim3A_565], %mul3A_560 : memref<64x257xf32, #tpu.memory_space<vmem>>[vector<16xi32>, vector<16xi32>], vector<16xf32>,
          %get3A_570 = arith.constant 1 : i32
          %get3A_571 = arith.index_cast %get3A_570 : i32 to index
          %get3A_572 = arith.index_cast %scan3A_552 : i32 to index
          %get3A_573 = arith.constant 16 : index
          %get3A_574 = tpu.vector_load %arg6[%get3A_571, %get3A_572, %get3A_573] {strides = array<i32>} : memref<2x256x64xf32, #tpu.memory_space<vmem>>, vector<16xf32>,
          %mul3A_575 = arith.constant 8.000000e+00 : f32
          %mul3A_576 = vector.broadcast %mul3A_575 : f32 to vector<16xf32>
          %mul3A_577 = arith.mulf %get3A_574, %mul3A_576 : vector<16xf32>
          %iota3A_578 = tpu.iota {dimensions = array<i32: 0>} : vector<16xi32>
          %add3A_579 = arith.constant 16 : i32
          %add3A_580 = vector.broadcast %add3A_579 : i32 to vector<16xi32>
          %add3A_581 = arith.addi %iota3A_578, %add3A_580 : vector<16xi32>
          %broadcast_in_dim3A_582 = vector.broadcast %scan3A_552 : i32 to vector<16xi32>
          %scatter3A_583 = arith.constant 0 : i32
          %scatter3A_584 = arith.constant 0 : i32
          %scatter3A_585 = tpu.memref_slice %arg7[%scan3A_185, %scatter3A_583, %scatter3A_584] : memref<2x64x257xf32, #tpu.memory_space<vmem>> -> memref<1x64x257xf32, #tpu.memory_space<vmem>>
          %scatter3A_586 = tpu.memref_squeeze %scatter3A_585 : memref<1x64x257xf32, #tpu.memory_space<vmem>> -> memref<64x257xf32, #tpu.memory_space<vmem>>
          tpu.vector_store_idx %scatter3A_586[%add3A_581, %broadcast_in_dim3A_582], %mul3A_577 : memref<64x257xf32, #tpu.memory_space<vmem>>[vector<16xi32>, vector<16xi32>], vector<16xf32>,
          %get3A_587 = arith.constant 1 : i32
          %get3A_588 = arith.index_cast %get3A_587 : i32 to index
          %get3A_589 = arith.index_cast %scan3A_552 : i32 to index
          %get3A_590 = arith.constant 32 : index
          %get3A_591 = tpu.vector_load %arg6[%get3A_588, %get3A_589, %get3A_590] {strides = array<i32>} : memref<2x256x64xf32, #tpu.memory_space<vmem>>, vector<16xf32>,
          %mul3A_592 = arith.constant 8.000000e+00 : f32
          %mul3A_593 = vector.broadcast %mul3A_592 : f32 to vector<16xf32>
          %mul3A_594 = arith.mulf %get3A_591, %mul3A_593 : vector<16xf32>
          %iota3A_595 = tpu.iota {dimensions = array<i32: 0>} : vector<16xi32>
          %add3A_596 = arith.constant 32 : i32
          %add3A_597 = vector.broadcast %add3A_596 : i32 to vector<16xi32>
          %add3A_598 = arith.addi %iota3A_595, %add3A_597 : vector<16xi32>
          %broadcast_in_dim3A_599 = vector.broadcast %scan3A_552 : i32 to vector<16xi32>
          %scatter3A_600 = arith.constant 0 : i32
          %scatter3A_601 = arith.constant 0 : i32
          %scatter3A_602 = tpu.memref_slice %arg7[%scan3A_185, %scatter3A_600, %scatter3A_601] : memref<2x64x257xf32, #tpu.memory_space<vmem>> -> memref<1x64x257xf32, #tpu.memory_space<vmem>>
          %scatter3A_603 = tpu.memref_squeeze %scatter3A_602 : memref<1x64x257xf32, #tpu.memory_space<vmem>> -> memref<64x257xf32, #tpu.memory_space<vmem>>
          tpu.vector_store_idx %scatter3A_603[%add3A_598, %broadcast_in_dim3A_599], %mul3A_594 : memref<64x257xf32, #tpu.memory_space<vmem>>[vector<16xi32>, vector<16xi32>], vector<16xf32>,
          %get3A_604 = arith.constant 1 : i32
          %get3A_605 = arith.index_cast %get3A_604 : i32 to index
          %get3A_606 = arith.index_cast %scan3A_552 : i32 to index
          %get3A_607 = arith.constant 48 : index
          %get3A_608 = tpu.vector_load %arg6[%get3A_605, %get3A_606, %get3A_607] {strides = array<i32>} : memref<2x256x64xf32, #tpu.memory_space<vmem>>, vector<16xf32>,
          %mul3A_609 = arith.constant 8.000000e+00 : f32
          %mul3A_610 = vector.broadcast %mul3A_609 : f32 to vector<16xf32>
          %mul3A_611 = arith.mulf %get3A_608, %mul3A_610 : vector<16xf32>
          %iota3A_612 = tpu.iota {dimensions = array<i32: 0>} : vector<16xi32>
          %add3A_613 = arith.constant 48 : i32
          %add3A_614 = vector.broadcast %add3A_613 : i32 to vector<16xi32>
          %add3A_615 = arith.addi %iota3A_612, %add3A_614 : vector<16xi32>
          %broadcast_in_dim3A_616 = vector.broadcast %scan3A_552 : i32 to vector<16xi32>
          %scatter3A_617 = arith.constant 0 : i32
          %scatter3A_618 = arith.constant 0 : i32
          %scatter3A_619 = tpu.memref_slice %arg7[%scan3A_185, %scatter3A_617, %scatter3A_618] : memref<2x64x257xf32, #tpu.memory_space<vmem>> -> memref<1x64x257xf32, #tpu.memory_space<vmem>>
          %scatter3A_620 = tpu.memref_squeeze %scatter3A_619 : memref<1x64x257xf32, #tpu.memory_space<vmem>> -> memref<64x257xf32, #tpu.memory_space<vmem>>
          tpu.vector_store_idx %scatter3A_620[%add3A_615, %broadcast_in_dim3A_616], %mul3A_611 : memref<64x257xf32, #tpu.memory_space<vmem>>[vector<16xi32>, vector<16xi32>], vector<16xf32>,
          %scan3A_621 = arith.constant 6 : i32
          %scan3A_622 = arith.addi %scan3A_206, %scan3A_621 : i32
          %get3A_623 = arith.constant 1 : i32
          %get3A_624 = arith.index_cast %get3A_623 : i32 to index
          %get3A_625 = arith.index_cast %scan3A_622 : i32 to index
          %get3A_626 = arith.constant 0 : index
          %get3A_627 = tpu.vector_load %arg6[%get3A_624, %get3A_625, %get3A_626] {strides = array<i32>} : memref<2x256x64xf32, #tpu.memory_space<vmem>>, vector<16xf32>,
          %mul3A_628 = arith.constant 8.000000e+00 : f32
          %mul3A_629 = vector.broadcast %mul3A_628 : f32 to vector<16xf32>
          %mul3A_630 = arith.mulf %get3A_627, %mul3A_629 : vector<16xf32>
          %iota3A_631 = tpu.iota {dimensions = array<i32: 0>} : vector<16xi32>
          %add3A_632 = arith.constant 0 : i32
          %add3A_633 = vector.broadcast %add3A_632 : i32 to vector<16xi32>
          %add3A_634 = arith.addi %iota3A_631, %add3A_633 : vector<16xi32>
          %broadcast_in_dim3A_635 = vector.broadcast %scan3A_622 : i32 to vector<16xi32>
          %scatter3A_636 = arith.constant 0 : i32
          %scatter3A_637 = arith.constant 0 : i32
          %scatter3A_638 = tpu.memref_slice %arg7[%scan3A_185, %scatter3A_636, %scatter3A_637] : memref<2x64x257xf32, #tpu.memory_space<vmem>> -> memref<1x64x257xf32, #tpu.memory_space<vmem>>
          %scatter3A_639 = tpu.memref_squeeze %scatter3A_638 : memref<1x64x257xf32, #tpu.memory_space<vmem>> -> memref<64x257xf32, #tpu.memory_space<vmem>>
          tpu.vector_store_idx %scatter3A_639[%add3A_634, %broadcast_in_dim3A_635], %mul3A_630 : memref<64x257xf32, #tpu.memory_space<vmem>>[vector<16xi32>, vector<16xi32>], vector<16xf32>,
          %get3A_640 = arith.constant 1 : i32
          %get3A_641 = arith.index_cast %get3A_640 : i32 to index
          %get3A_642 = arith.index_cast %scan3A_622 : i32 to index
          %get3A_643 = arith.constant 16 : index
          %get3A_644 = tpu.vector_load %arg6[%get3A_641, %get3A_642, %get3A_643] {strides = array<i32>} : memref<2x256x64xf32, #tpu.memory_space<vmem>>, vector<16xf32>,
          %mul3A_645 = arith.constant 8.000000e+00 : f32
          %mul3A_646 = vector.broadcast %mul3A_645 : f32 to vector<16xf32>
          %mul3A_647 = arith.mulf %get3A_644, %mul3A_646 : vector<16xf32>
          %iota3A_648 = tpu.iota {dimensions = array<i32: 0>} : vector<16xi32>
          %add3A_649 = arith.constant 16 : i32
          %add3A_650 = vector.broadcast %add3A_649 : i32 to vector<16xi32>
          %add3A_651 = arith.addi %iota3A_648, %add3A_650 : vector<16xi32>
          %broadcast_in_dim3A_652 = vector.broadcast %scan3A_622 : i32 to vector<16xi32>
          %scatter3A_653 = arith.constant 0 : i32
          %scatter3A_654 = arith.constant 0 : i32
          %scatter3A_655 = tpu.memref_slice %arg7[%scan3A_185, %scatter3A_653, %scatter3A_654] : memref<2x64x257xf32, #tpu.memory_space<vmem>> -> memref<1x64x257xf32, #tpu.memory_space<vmem>>
          %scatter3A_656 = tpu.memref_squeeze %scatter3A_655 : memref<1x64x257xf32, #tpu.memory_space<vmem>> -> memref<64x257xf32, #tpu.memory_space<vmem>>
          tpu.vector_store_idx %scatter3A_656[%add3A_651, %broadcast_in_dim3A_652], %mul3A_647 : memref<64x257xf32, #tpu.memory_space<vmem>>[vector<16xi32>, vector<16xi32>], vector<16xf32>,
          %get3A_657 = arith.constant 1 : i32
          %get3A_658 = arith.index_cast %get3A_657 : i32 to index
          %get3A_659 = arith.index_cast %scan3A_622 : i32 to index
          %get3A_660 = arith.constant 32 : index
          %get3A_661 = tpu.vector_load %arg6[%get3A_658, %get3A_659, %get3A_660] {strides = array<i32>} : memref<2x256x64xf32, #tpu.memory_space<vmem>>, vector<16xf32>,
          %mul3A_662 = arith.constant 8.000000e+00 : f32
          %mul3A_663 = vector.broadcast %mul3A_662 : f32 to vector<16xf32>
          %mul3A_664 = arith.mulf %get3A_661, %mul3A_663 : vector<16xf32>
          %iota3A_665 = tpu.iota {dimensions = array<i32: 0>} : vector<16xi32>
          %add3A_666 = arith.constant 32 : i32
          %add3A_667 = vector.broadcast %add3A_666 : i32 to vector<16xi32>
          %add3A_668 = arith.addi %iota3A_665, %add3A_667 : vector<16xi32>
          %broadcast_in_dim3A_669 = vector.broadcast %scan3A_622 : i32 to vector<16xi32>
          %scatter3A_670 = arith.constant 0 : i32
          %scatter3A_671 = arith.constant 0 : i32
          %scatter3A_672 = tpu.memref_slice %arg7[%scan3A_185, %scatter3A_670, %scatter3A_671] : memref<2x64x257xf32, #tpu.memory_space<vmem>> -> memref<1x64x257xf32, #tpu.memory_space<vmem>>
          %scatter3A_673 = tpu.memref_squeeze %scatter3A_672 : memref<1x64x257xf32, #tpu.memory_space<vmem>> -> memref<64x257xf32, #tpu.memory_space<vmem>>
          tpu.vector_store_idx %scatter3A_673[%add3A_668, %broadcast_in_dim3A_669], %mul3A_664 : memref<64x257xf32, #tpu.memory_space<vmem>>[vector<16xi32>, vector<16xi32>], vector<16xf32>,
          %get3A_674 = arith.constant 1 : i32
          %get3A_675 = arith.index_cast %get3A_674 : i32 to index
          %get3A_676 = arith.index_cast %scan3A_622 : i32 to index
          %get3A_677 = arith.constant 48 : index
          %get3A_678 = tpu.vector_load %arg6[%get3A_675, %get3A_676, %get3A_677] {strides = array<i32>} : memref<2x256x64xf32, #tpu.memory_space<vmem>>, vector<16xf32>,
          %mul3A_679 = arith.constant 8.000000e+00 : f32
          %mul3A_680 = vector.broadcast %mul3A_679 : f32 to vector<16xf32>
          %mul3A_681 = arith.mulf %get3A_678, %mul3A_680 : vector<16xf32>
          %iota3A_682 = tpu.iota {dimensions = array<i32: 0>} : vector<16xi32>
          %add3A_683 = arith.constant 48 : i32
          %add3A_684 = vector.broadcast %add3A_683 : i32 to vector<16xi32>
          %add3A_685 = arith.addi %iota3A_682, %add3A_684 : vector<16xi32>
          %broadcast_in_dim3A_686 = vector.broadcast %scan3A_622 : i32 to vector<16xi32>
          %scatter3A_687 = arith.constant 0 : i32
          %scatter3A_688 = arith.constant 0 : i32
          %scatter3A_689 = tpu.memref_slice %arg7[%scan3A_185, %scatter3A_687, %scatter3A_688] : memref<2x64x257xf32, #tpu.memory_space<vmem>> -> memref<1x64x257xf32, #tpu.memory_space<vmem>>
          %scatter3A_690 = tpu.memref_squeeze %scatter3A_689 : memref<1x64x257xf32, #tpu.memory_space<vmem>> -> memref<64x257xf32, #tpu.memory_space<vmem>>
          tpu.vector_store_idx %scatter3A_690[%add3A_685, %broadcast_in_dim3A_686], %mul3A_681 : memref<64x257xf32, #tpu.memory_space<vmem>>[vector<16xi32>, vector<16xi32>], vector<16xf32>,
          %scan3A_691 = arith.constant 7 : i32
          %scan3A_692 = arith.addi %scan3A_206, %scan3A_691 : i32
          %get3A_693 = arith.constant 1 : i32
          %get3A_694 = arith.index_cast %get3A_693 : i32 to index
          %get3A_695 = arith.index_cast %scan3A_692 : i32 to index
          %get3A_696 = arith.constant 0 : index
          %get3A_697 = tpu.vector_load %arg6[%get3A_694, %get3A_695, %get3A_696] {strides = array<i32>} : memref<2x256x64xf32, #tpu.memory_space<vmem>>, vector<16xf32>,
          %mul3A_698 = arith.constant 8.000000e+00 : f32
          %mul3A_699 = vector.broadcast %mul3A_698 : f32 to vector<16xf32>
          %mul3A_700 = arith.mulf %get3A_697, %mul3A_699 : vector<16xf32>
          %iota3A_701 = tpu.iota {dimensions = array<i32: 0>} : vector<16xi32>
          %add3A_702 = arith.constant 0 : i32
          %add3A_703 = vector.broadcast %add3A_702 : i32 to vector<16xi32>
          %add3A_704 = arith.addi %iota3A_701, %add3A_703 : vector<16xi32>
          %broadcast_in_dim3A_705 = vector.broadcast %scan3A_692 : i32 to vector<16xi32>
          %scatter3A_706 = arith.constant 0 : i32
          %scatter3A_707 = arith.constant 0 : i32
          %scatter3A_708 = tpu.memref_slice %arg7[%scan3A_185, %scatter3A_706, %scatter3A_707] : memref<2x64x257xf32, #tpu.memory_space<vmem>> -> memref<1x64x257xf32, #tpu.memory_space<vmem>>
          %scatter3A_709 = tpu.memref_squeeze %scatter3A_708 : memref<1x64x257xf32, #tpu.memory_space<vmem>> -> memref<64x257xf32, #tpu.memory_space<vmem>>
          tpu.vector_store_idx %scatter3A_709[%add3A_704, %broadcast_in_dim3A_705], %mul3A_700 : memref<64x257xf32, #tpu.memory_space<vmem>>[vector<16xi32>, vector<16xi32>], vector<16xf32>,
          %get3A_710 = arith.constant 1 : i32
          %get3A_711 = arith.index_cast %get3A_710 : i32 to index
          %get3A_712 = arith.index_cast %scan3A_692 : i32 to index
          %get3A_713 = arith.constant 16 : index
          %get3A_714 = tpu.vector_load %arg6[%get3A_711, %get3A_712, %get3A_713] {strides = array<i32>} : memref<2x256x64xf32, #tpu.memory_space<vmem>>, vector<16xf32>,
          %mul3A_715 = arith.constant 8.000000e+00 : f32
          %mul3A_716 = vector.broadcast %mul3A_715 : f32 to vector<16xf32>
          %mul3A_717 = arith.mulf %get3A_714, %mul3A_716 : vector<16xf32>
          %iota3A_718 = tpu.iota {dimensions = array<i32: 0>} : vector<16xi32>
          %add3A_719 = arith.constant 16 : i32
          %add3A_720 = vector.broadcast %add3A_719 : i32 to vector<16xi32>
          %add3A_721 = arith.addi %iota3A_718, %add3A_720 : vector<16xi32>
          %broadcast_in_dim3A_722 = vector.broadcast %scan3A_692 : i32 to vector<16xi32>
          %scatter3A_723 = arith.constant 0 : i32
          %scatter3A_724 = arith.constant 0 : i32
          %scatter3A_725 = tpu.memref_slice %arg7[%scan3A_185, %scatter3A_723, %scatter3A_724] : memref<2x64x257xf32, #tpu.memory_space<vmem>> -> memref<1x64x257xf32, #tpu.memory_space<vmem>>
          %scatter3A_726 = tpu.memref_squeeze %scatter3A_725 : memref<1x64x257xf32, #tpu.memory_space<vmem>> -> memref<64x257xf32, #tpu.memory_space<vmem>>
          tpu.vector_store_idx %scatter3A_726[%add3A_721, %broadcast_in_dim3A_722], %mul3A_717 : memref<64x257xf32, #tpu.memory_space<vmem>>[vector<16xi32>, vector<16xi32>], vector<16xf32>,
          %get3A_727 = arith.constant 1 : i32
          %get3A_728 = arith.index_cast %get3A_727 : i32 to index
          %get3A_729 = arith.index_cast %scan3A_692 : i32 to index
          %get3A_730 = arith.constant 32 : index
          %get3A_731 = tpu.vector_load %arg6[%get3A_728, %get3A_729, %get3A_730] {strides = array<i32>} : memref<2x256x64xf32, #tpu.memory_space<vmem>>, vector<16xf32>,
          %mul3A_732 = arith.constant 8.000000e+00 : f32
          %mul3A_733 = vector.broadcast %mul3A_732 : f32 to vector<16xf32>
          %mul3A_734 = arith.mulf %get3A_731, %mul3A_733 : vector<16xf32>
          %iota3A_735 = tpu.iota {dimensions = array<i32: 0>} : vector<16xi32>
          %add3A_736 = arith.constant 32 : i32
          %add3A_737 = vector.broadcast %add3A_736 : i32 to vector<16xi32>
          %add3A_738 = arith.addi %iota3A_735, %add3A_737 : vector<16xi32>
          %broadcast_in_dim3A_739 = vector.broadcast %scan3A_692 : i32 to vector<16xi32>
          %scatter3A_740 = arith.constant 0 : i32
          %scatter3A_741 = arith.constant 0 : i32
          %scatter3A_742 = tpu.memref_slice %arg7[%scan3A_185, %scatter3A_740, %scatter3A_741] : memref<2x64x257xf32, #tpu.memory_space<vmem>> -> memref<1x64x257xf32, #tpu.memory_space<vmem>>
          %scatter3A_743 = tpu.memref_squeeze %scatter3A_742 : memref<1x64x257xf32, #tpu.memory_space<vmem>> -> memref<64x257xf32, #tpu.memory_space<vmem>>
          tpu.vector_store_idx %scatter3A_743[%add3A_738, %broadcast_in_dim3A_739], %mul3A_734 : memref<64x257xf32, #tpu.memory_space<vmem>>[vector<16xi32>, vector<16xi32>], vector<16xf32>,
          %get3A_744 = arith.constant 1 : i32
          %get3A_745 = arith.index_cast %get3A_744 : i32 to index
          %get3A_746 = arith.index_cast %scan3A_692 : i32 to index
          %get3A_747 = arith.constant 48 : index
          %get3A_748 = tpu.vector_load %arg6[%get3A_745, %get3A_746, %get3A_747] {strides = array<i32>} : memref<2x256x64xf32, #tpu.memory_space<vmem>>, vector<16xf32>,
          %mul3A_749 = arith.constant 8.000000e+00 : f32
          %mul3A_750 = vector.broadcast %mul3A_749 : f32 to vector<16xf32>
          %mul3A_751 = arith.mulf %get3A_748, %mul3A_750 : vector<16xf32>
          %iota3A_752 = tpu.iota {dimensions = array<i32: 0>} : vector<16xi32>
          %add3A_753 = arith.constant 48 : i32
          %add3A_754 = vector.broadcast %add3A_753 : i32 to vector<16xi32>
          %add3A_755 = arith.addi %iota3A_752, %add3A_754 : vector<16xi32>
          %broadcast_in_dim3A_756 = vector.broadcast %scan3A_692 : i32 to vector<16xi32>
          %scatter3A_757 = arith.constant 0 : i32
          %scatter3A_758 = arith.constant 0 : i32
          %scatter3A_759 = tpu.memref_slice %arg7[%scan3A_185, %scatter3A_757, %scatter3A_758] : memref<2x64x257xf32, #tpu.memory_space<vmem>> -> memref<1x64x257xf32, #tpu.memory_space<vmem>>
          %scatter3A_760 = tpu.memref_squeeze %scatter3A_759 : memref<1x64x257xf32, #tpu.memory_space<vmem>> -> memref<64x257xf32, #tpu.memory_space<vmem>>
          tpu.vector_store_idx %scatter3A_760[%add3A_755, %broadcast_in_dim3A_756], %mul3A_751 : memref<64x257xf32, #tpu.memory_space<vmem>>[vector<16xi32>, vector<16xi32>], vector<16xf32>,
          %scan3A_761 = arith.constant 8 : i32
          %scan3A_762 = arith.addi %scan3A_206, %scan3A_761 : i32
          %get3A_763 = arith.constant 1 : i32
          %get3A_764 = arith.index_cast %get3A_763 : i32 to index
          %get3A_765 = arith.index_cast %scan3A_762 : i32 to index
          %get3A_766 = arith.constant 0 : index
          %get3A_767 = tpu.vector_load %arg6[%get3A_764, %get3A_765, %get3A_766] {strides = array<i32>} : memref<2x256x64xf32, #tpu.memory_space<vmem>>, vector<16xf32>,
          %mul3A_768 = arith.constant 8.000000e+00 : f32
          %mul3A_769 = vector.broadcast %mul3A_768 : f32 to vector<16xf32>
          %mul3A_770 = arith.mulf %get3A_767, %mul3A_769 : vector<16xf32>
          %iota3A_771 = tpu.iota {dimensions = array<i32: 0>} : vector<16xi32>
          %add3A_772 = arith.constant 0 : i32
          %add3A_773 = vector.broadcast %add3A_772 : i32 to vector<16xi32>
          %add3A_774 = arith.addi %iota3A_771, %add3A_773 : vector<16xi32>
          %broadcast_in_dim3A_775 = vector.broadcast %scan3A_762 : i32 to vector<16xi32>
          %scatter3A_776 = arith.constant 0 : i32
          %scatter3A_777 = arith.constant 0 : i32
          %scatter3A_778 = tpu.memref_slice %arg7[%scan3A_185, %scatter3A_776, %scatter3A_777] : memref<2x64x257xf32, #tpu.memory_space<vmem>> -> memref<1x64x257xf32, #tpu.memory_space<vmem>>
          %scatter3A_779 = tpu.memref_squeeze %scatter3A_778 : memref<1x64x257xf32, #tpu.memory_space<vmem>> -> memref<64x257xf32, #tpu.memory_space<vmem>>
          tpu.vector_store_idx %scatter3A_779[%add3A_774, %broadcast_in_dim3A_775], %mul3A_770 : memref<64x257xf32, #tpu.memory_space<vmem>>[vector<16xi32>, vector<16xi32>], vector<16xf32>,
          %get3A_780 = arith.constant 1 : i32
          %get3A_781 = arith.index_cast %get3A_780 : i32 to index
          %get3A_782 = arith.index_cast %scan3A_762 : i32 to index
          %get3A_783 = arith.constant 16 : index
          %get3A_784 = tpu.vector_load %arg6[%get3A_781, %get3A_782, %get3A_783] {strides = array<i32>} : memref<2x256x64xf32, #tpu.memory_space<vmem>>, vector<16xf32>,
          %mul3A_785 = arith.constant 8.000000e+00 : f32
          %mul3A_786 = vector.broadcast %mul3A_785 : f32 to vector<16xf32>
          %mul3A_787 = arith.mulf %get3A_784, %mul3A_786 : vector<16xf32>
          %iota3A_788 = tpu.iota {dimensions = array<i32: 0>} : vector<16xi32>
          %add3A_789 = arith.constant 16 : i32
          %add3A_790 = vector.broadcast %add3A_789 : i32 to vector<16xi32>
          %add3A_791 = arith.addi %iota3A_788, %add3A_790 : vector<16xi32>
          %broadcast_in_dim3A_792 = vector.broadcast %scan3A_762 : i32 to vector<16xi32>
          %scatter3A_793 = arith.constant 0 : i32
          %scatter3A_794 = arith.constant 0 : i32
          %scatter3A_795 = tpu.memref_slice %arg7[%scan3A_185, %scatter3A_793, %scatter3A_794] : memref<2x64x257xf32, #tpu.memory_space<vmem>> -> memref<1x64x257xf32, #tpu.memory_space<vmem>>
          %scatter3A_796 = tpu.memref_squeeze %scatter3A_795 : memref<1x64x257xf32, #tpu.memory_space<vmem>> -> memref<64x257xf32, #tpu.memory_space<vmem>>
          tpu.vector_store_idx %scatter3A_796[%add3A_791, %broadcast_in_dim3A_792], %mul3A_787 : memref<64x257xf32, #tpu.memory_space<vmem>>[vector<16xi32>, vector<16xi32>], vector<16xf32>,
          %get3A_797 = arith.constant 1 : i32
          %get3A_798 = arith.index_cast %get3A_797 : i32 to index
          %get3A_799 = arith.index_cast %scan3A_762 : i32 to index
          %get3A_800 = arith.constant 32 : index
          %get3A_801 = tpu.vector_load %arg6[%get3A_798, %get3A_799, %get3A_800] {strides = array<i32>} : memref<2x256x64xf32, #tpu.memory_space<vmem>>, vector<16xf32>,
          %mul3A_802 = arith.constant 8.000000e+00 : f32
          %mul3A_803 = vector.broadcast %mul3A_802 : f32 to vector<16xf32>
          %mul3A_804 = arith.mulf %get3A_801, %mul3A_803 : vector<16xf32>
          %iota3A_805 = tpu.iota {dimensions = array<i32: 0>} : vector<16xi32>
          %add3A_806 = arith.constant 32 : i32
          %add3A_807 = vector.broadcast %add3A_806 : i32 to vector<16xi32>
          %add3A_808 = arith.addi %iota3A_805, %add3A_807 : vector<16xi32>
          %broadcast_in_dim3A_809 = vector.broadcast %scan3A_762 : i32 to vector<16xi32>
          %scatter3A_810 = arith.constant 0 : i32
          %scatter3A_811 = arith.constant 0 : i32
          %scatter3A_812 = tpu.memref_slice %arg7[%scan3A_185, %scatter3A_810, %scatter3A_811] : memref<2x64x257xf32, #tpu.memory_space<vmem>> -> memref<1x64x257xf32, #tpu.memory_space<vmem>>
          %scatter3A_813 = tpu.memref_squeeze %scatter3A_812 : memref<1x64x257xf32, #tpu.memory_space<vmem>> -> memref<64x257xf32, #tpu.memory_space<vmem>>
          tpu.vector_store_idx %scatter3A_813[%add3A_808, %broadcast_in_dim3A_809], %mul3A_804 : memref<64x257xf32, #tpu.memory_space<vmem>>[vector<16xi32>, vector<16xi32>], vector<16xf32>,
          %get3A_814 = arith.constant 1 : i32
          %get3A_815 = arith.index_cast %get3A_814 : i32 to index
          %get3A_816 = arith.index_cast %scan3A_762 : i32 to index
          %get3A_817 = arith.constant 48 : index
          %get3A_818 = tpu.vector_load %arg6[%get3A_815, %get3A_816, %get3A_817] {strides = array<i32>} : memref<2x256x64xf32, #tpu.memory_space<vmem>>, vector<16xf32>,
          %mul3A_819 = arith.constant 8.000000e+00 : f32
          %mul3A_820 = vector.broadcast %mul3A_819 : f32 to vector<16xf32>
          %mul3A_821 = arith.mulf %get3A_818, %mul3A_820 : vector<16xf32>
          %iota3A_822 = tpu.iota {dimensions = array<i32: 0>} : vector<16xi32>
          %add3A_823 = arith.constant 48 : i32
          %add3A_824 = vector.broadcast %add3A_823 : i32 to vector<16xi32>
          %add3A_825 = arith.addi %iota3A_822, %add3A_824 : vector<16xi32>
          %broadcast_in_dim3A_826 = vector.broadcast %scan3A_762 : i32 to vector<16xi32>
          %scatter3A_827 = arith.constant 0 : i32
          %scatter3A_828 = arith.constant 0 : i32
          %scatter3A_829 = tpu.memref_slice %arg7[%scan3A_185, %scatter3A_827, %scatter3A_828] : memref<2x64x257xf32, #tpu.memory_space<vmem>> -> memref<1x64x257xf32, #tpu.memory_space<vmem>>
          %scatter3A_830 = tpu.memref_squeeze %scatter3A_829 : memref<1x64x257xf32, #tpu.memory_space<vmem>> -> memref<64x257xf32, #tpu.memory_space<vmem>>
          tpu.vector_store_idx %scatter3A_830[%add3A_825, %broadcast_in_dim3A_826], %mul3A_821 : memref<64x257xf32, #tpu.memory_space<vmem>>[vector<16xi32>, vector<16xi32>], vector<16xf32>,
          %scan3A_831 = arith.constant 9 : i32
          %scan3A_832 = arith.addi %scan3A_206, %scan3A_831 : i32
          %get3A_833 = arith.constant 1 : i32
          %get3A_834 = arith.index_cast %get3A_833 : i32 to index
          %get3A_835 = arith.index_cast %scan3A_832 : i32 to index
          %get3A_836 = arith.constant 0 : index
          %get3A_837 = tpu.vector_load %arg6[%get3A_834, %get3A_835, %get3A_836] {strides = array<i32>} : memref<2x256x64xf32, #tpu.memory_space<vmem>>, vector<16xf32>,
          %mul3A_838 = arith.constant 8.000000e+00 : f32
          %mul3A_839 = vector.broadcast %mul3A_838 : f32 to vector<16xf32>
          %mul3A_840 = arith.mulf %get3A_837, %mul3A_839 : vector<16xf32>
          %iota3A_841 = tpu.iota {dimensions = array<i32: 0>} : vector<16xi32>
          %add3A_842 = arith.constant 0 : i32
          %add3A_843 = vector.broadcast %add3A_842 : i32 to vector<16xi32>
          %add3A_844 = arith.addi %iota3A_841, %add3A_843 : vector<16xi32>
          %broadcast_in_dim3A_845 = vector.broadcast %scan3A_832 : i32 to vector<16xi32>
          %scatter3A_846 = arith.constant 0 : i32
          %scatter3A_847 = arith.constant 0 : i32
          %scatter3A_848 = tpu.memref_slice %arg7[%scan3A_185, %scatter3A_846, %scatter3A_847] : memref<2x64x257xf32, #tpu.memory_space<vmem>> -> memref<1x64x257xf32, #tpu.memory_space<vmem>>
          %scatter3A_849 = tpu.memref_squeeze %scatter3A_848 : memref<1x64x257xf32, #tpu.memory_space<vmem>> -> memref<64x257xf32, #tpu.memory_space<vmem>>
          tpu.vector_store_idx %scatter3A_849[%add3A_844, %broadcast_in_dim3A_845], %mul3A_840 : memref<64x257xf32, #tpu.memory_space<vmem>>[vector<16xi32>, vector<16xi32>], vector<16xf32>,
          %get3A_850 = arith.constant 1 : i32
          %get3A_851 = arith.index_cast %get3A_850 : i32 to index
          %get3A_852 = arith.index_cast %scan3A_832 : i32 to index
          %get3A_853 = arith.constant 16 : index
          %get3A_854 = tpu.vector_load %arg6[%get3A_851, %get3A_852, %get3A_853] {strides = array<i32>} : memref<2x256x64xf32, #tpu.memory_space<vmem>>, vector<16xf32>,
          %mul3A_855 = arith.constant 8.000000e+00 : f32
          %mul3A_856 = vector.broadcast %mul3A_855 : f32 to vector<16xf32>
          %mul3A_857 = arith.mulf %get3A_854, %mul3A_856 : vector<16xf32>
          %iota3A_858 = tpu.iota {dimensions = array<i32: 0>} : vector<16xi32>
          %add3A_859 = arith.constant 16 : i32
          %add3A_860 = vector.broadcast %add3A_859 : i32 to vector<16xi32>
          %add3A_861 = arith.addi %iota3A_858, %add3A_860 : vector<16xi32>
          %broadcast_in_dim3A_862 = vector.broadcast %scan3A_832 : i32 to vector<16xi32>
          %scatter3A_863 = arith.constant 0 : i32
          %scatter3A_864 = arith.constant 0 : i32
          %scatter3A_865 = tpu.memref_slice %arg7[%scan3A_185, %scatter3A_863, %scatter3A_864] : memref<2x64x257xf32, #tpu.memory_space<vmem>> -> memref<1x64x257xf32, #tpu.memory_space<vmem>>
          %scatter3A_866 = tpu.memref_squeeze %scatter3A_865 : memref<1x64x257xf32, #tpu.memory_space<vmem>> -> memref<64x257xf32, #tpu.memory_space<vmem>>
          tpu.vector_store_idx %scatter3A_866[%add3A_861, %broadcast_in_dim3A_862], %mul3A_857 : memref<64x257xf32, #tpu.memory_space<vmem>>[vector<16xi32>, vector<16xi32>], vector<16xf32>,
          %get3A_867 = arith.constant 1 : i32
          %get3A_868 = arith.index_cast %get3A_867 : i32 to index
          %get3A_869 = arith.index_cast %scan3A_832 : i32 to index
          %get3A_870 = arith.constant 32 : index
          %get3A_871 = tpu.vector_load %arg6[%get3A_868, %get3A_869, %get3A_870] {strides = array<i32>} : memref<2x256x64xf32, #tpu.memory_space<vmem>>, vector<16xf32>,
          %mul3A_872 = arith.constant 8.000000e+00 : f32
          %mul3A_873 = vector.broadcast %mul3A_872 : f32 to vector<16xf32>
          %mul3A_874 = arith.mulf %get3A_871, %mul3A_873 : vector<16xf32>
          %iota3A_875 = tpu.iota {dimensions = array<i32: 0>} : vector<16xi32>
          %add3A_876 = arith.constant 32 : i32
          %add3A_877 = vector.broadcast %add3A_876 : i32 to vector<16xi32>
          %add3A_878 = arith.addi %iota3A_875, %add3A_877 : vector<16xi32>
          %broadcast_in_dim3A_879 = vector.broadcast %scan3A_832 : i32 to vector<16xi32>
          %scatter3A_880 = arith.constant 0 : i32
          %scatter3A_881 = arith.constant 0 : i32
          %scatter3A_882 = tpu.memref_slice %arg7[%scan3A_185, %scatter3A_880, %scatter3A_881] : memref<2x64x257xf32, #tpu.memory_space<vmem>> -> memref<1x64x257xf32, #tpu.memory_space<vmem>>
          %scatter3A_883 = tpu.memref_squeeze %scatter3A_882 : memref<1x64x257xf32, #tpu.memory_space<vmem>> -> memref<64x257xf32, #tpu.memory_space<vmem>>
          tpu.vector_store_idx %scatter3A_883[%add3A_878, %broadcast_in_dim3A_879], %mul3A_874 : memref<64x257xf32, #tpu.memory_space<vmem>>[vector<16xi32>, vector<16xi32>], vector<16xf32>,
          %get3A_884 = arith.constant 1 : i32
          %get3A_885 = arith.index_cast %get3A_884 : i32 to index
          %get3A_886 = arith.index_cast %scan3A_832 : i32 to index
          %get3A_887 = arith.constant 48 : index
          %get3A_888 = tpu.vector_load %arg6[%get3A_885, %get3A_886, %get3A_887] {strides = array<i32>} : memref<2x256x64xf32, #tpu.memory_space<vmem>>, vector<16xf32>,
          %mul3A_889 = arith.constant 8.000000e+00 : f32
          %mul3A_890 = vector.broadcast %mul3A_889 : f32 to vector<16xf32>
          %mul3A_891 = arith.mulf %get3A_888, %mul3A_890 : vector<16xf32>
          %iota3A_892 = tpu.iota {dimensions = array<i32: 0>} : vector<16xi32>
          %add3A_893 = arith.constant 48 : i32
          %add3A_894 = vector.broadcast %add3A_893 : i32 to vector<16xi32>
          %add3A_895 = arith.addi %iota3A_892, %add3A_894 : vector<16xi32>
          %broadcast_in_dim3A_896 = vector.broadcast %scan3A_832 : i32 to vector<16xi32>
          %scatter3A_897 = arith.constant 0 : i32
          %scatter3A_898 = arith.constant 0 : i32
          %scatter3A_899 = tpu.memref_slice %arg7[%scan3A_185, %scatter3A_897, %scatter3A_898] : memref<2x64x257xf32, #tpu.memory_space<vmem>> -> memref<1x64x257xf32, #tpu.memory_space<vmem>>
          %scatter3A_900 = tpu.memref_squeeze %scatter3A_899 : memref<1x64x257xf32, #tpu.memory_space<vmem>> -> memref<64x257xf32, #tpu.memory_space<vmem>>
          tpu.vector_store_idx %scatter3A_900[%add3A_895, %broadcast_in_dim3A_896], %mul3A_891 : memref<64x257xf32, #tpu.memory_space<vmem>>[vector<16xi32>, vector<16xi32>], vector<16xf32>,
          %scan3A_901 = arith.constant 10 : i32
          %scan3A_902 = arith.addi %scan3A_206, %scan3A_901 : i32
          %get3A_903 = arith.constant 1 : i32
          %get3A_904 = arith.index_cast %get3A_903 : i32 to index
          %get3A_905 = arith.index_cast %scan3A_902 : i32 to index
          %get3A_906 = arith.constant 0 : index
          %get3A_907 = tpu.vector_load %arg6[%get3A_904, %get3A_905, %get3A_906] {strides = array<i32>} : memref<2x256x64xf32, #tpu.memory_space<vmem>>, vector<16xf32>,
          %mul3A_908 = arith.constant 8.000000e+00 : f32
          %mul3A_909 = vector.broadcast %mul3A_908 : f32 to vector<16xf32>
          %mul3A_910 = arith.mulf %get3A_907, %mul3A_909 : vector<16xf32>
          %iota3A_911 = tpu.iota {dimensions = array<i32: 0>} : vector<16xi32>
          %add3A_912 = arith.constant 0 : i32
          %add3A_913 = vector.broadcast %add3A_912 : i32 to vector<16xi32>
          %add3A_914 = arith.addi %iota3A_911, %add3A_913 : vector<16xi32>
          %broadcast_in_dim3A_915 = vector.broadcast %scan3A_902 : i32 to vector<16xi32>
          %scatter3A_916 = arith.constant 0 : i32
          %scatter3A_917 = arith.constant 0 : i32
          %scatter3A_918 = tpu.memref_slice %arg7[%scan3A_185, %scatter3A_916, %scatter3A_917] : memref<2x64x257xf32, #tpu.memory_space<vmem>> -> memref<1x64x257xf32, #tpu.memory_space<vmem>>
          %scatter3A_919 = tpu.memref_squeeze %scatter3A_918 : memref<1x64x257xf32, #tpu.memory_space<vmem>> -> memref<64x257xf32, #tpu.memory_space<vmem>>
          tpu.vector_store_idx %scatter3A_919[%add3A_914, %broadcast_in_dim3A_915], %mul3A_910 : memref<64x257xf32, #tpu.memory_space<vmem>>[vector<16xi32>, vector<16xi32>], vector<16xf32>,
          %get3A_920 = arith.constant 1 : i32
          %get3A_921 = arith.index_cast %get3A_920 : i32 to index
          %get3A_922 = arith.index_cast %scan3A_902 : i32 to index
          %get3A_923 = arith.constant 16 : index
          %get3A_924 = tpu.vector_load %arg6[%get3A_921, %get3A_922, %get3A_923] {strides = array<i32>} : memref<2x256x64xf32, #tpu.memory_space<vmem>>, vector<16xf32>,
          %mul3A_925 = arith.constant 8.000000e+00 : f32
          %mul3A_926 = vector.broadcast %mul3A_925 : f32 to vector<16xf32>
          %mul3A_927 = arith.mulf %get3A_924, %mul3A_926 : vector<16xf32>
          %iota3A_928 = tpu.iota {dimensions = array<i32: 0>} : vector<16xi32>
          %add3A_929 = arith.constant 16 : i32
          %add3A_930 = vector.broadcast %add3A_929 : i32 to vector<16xi32>
          %add3A_931 = arith.addi %iota3A_928, %add3A_930 : vector<16xi32>
          %broadcast_in_dim3A_932 = vector.broadcast %scan3A_902 : i32 to vector<16xi32>
          %scatter3A_933 = arith.constant 0 : i32
          %scatter3A_934 = arith.constant 0 : i32
          %scatter3A_935 = tpu.memref_slice %arg7[%scan3A_185, %scatter3A_933, %scatter3A_934] : memref<2x64x257xf32, #tpu.memory_space<vmem>> -> memref<1x64x257xf32, #tpu.memory_space<vmem>>
          %scatter3A_936 = tpu.memref_squeeze %scatter3A_935 : memref<1x64x257xf32, #tpu.memory_space<vmem>> -> memref<64x257xf32, #tpu.memory_space<vmem>>
          tpu.vector_store_idx %scatter3A_936[%add3A_931, %broadcast_in_dim3A_932], %mul3A_927 : memref<64x257xf32, #tpu.memory_space<vmem>>[vector<16xi32>, vector<16xi32>], vector<16xf32>,
          %get3A_937 = arith.constant 1 : i32
          %get3A_938 = arith.index_cast %get3A_937 : i32 to index
          %get3A_939 = arith.index_cast %scan3A_902 : i32 to index
          %get3A_940 = arith.constant 32 : index
          %get3A_941 = tpu.vector_load %arg6[%get3A_938, %get3A_939, %get3A_940] {strides = array<i32>} : memref<2x256x64xf32, #tpu.memory_space<vmem>>, vector<16xf32>,
          %mul3A_942 = arith.constant 8.000000e+00 : f32
          %mul3A_943 = vector.broadcast %mul3A_942 : f32 to vector<16xf32>
          %mul3A_944 = arith.mulf %get3A_941, %mul3A_943 : vector<16xf32>
          %iota3A_945 = tpu.iota {dimensions = array<i32: 0>} : vector<16xi32>
          %add3A_946 = arith.constant 32 : i32
          %add3A_947 = vector.broadcast %add3A_946 : i32 to vector<16xi32>
          %add3A_948 = arith.addi %iota3A_945, %add3A_947 : vector<16xi32>
          %broadcast_in_dim3A_949 = vector.broadcast %scan3A_902 : i32 to vector<16xi32>
          %scatter3A_950 = arith.constant 0 : i32
          %scatter3A_951 = arith.constant 0 : i32
          %scatter3A_952 = tpu.memref_slice %arg7[%scan3A_185, %scatter3A_950, %scatter3A_951] : memref<2x64x257xf32, #tpu.memory_space<vmem>> -> memref<1x64x257xf32, #tpu.memory_space<vmem>>
          %scatter3A_953 = tpu.memref_squeeze %scatter3A_952 : memref<1x64x257xf32, #tpu.memory_space<vmem>> -> memref<64x257xf32, #tpu.memory_space<vmem>>
          tpu.vector_store_idx %scatter3A_953[%add3A_948, %broadcast_in_dim3A_949], %mul3A_944 : memref<64x257xf32, #tpu.memory_space<vmem>>[vector<16xi32>, vector<16xi32>], vector<16xf32>,
          %get3A_954 = arith.constant 1 : i32
          %get3A_955 = arith.index_cast %get3A_954 : i32 to index
          %get3A_956 = arith.index_cast %scan3A_902 : i32 to index
          %get3A_957 = arith.constant 48 : index
          %get3A_958 = tpu.vector_load %arg6[%get3A_955, %get3A_956, %get3A_957] {strides = array<i32>} : memref<2x256x64xf32, #tpu.memory_space<vmem>>, vector<16xf32>,
          %mul3A_959 = arith.constant 8.000000e+00 : f32
          %mul3A_960 = vector.broadcast %mul3A_959 : f32 to vector<16xf32>
          %mul3A_961 = arith.mulf %get3A_958, %mul3A_960 : vector<16xf32>
          %iota3A_962 = tpu.iota {dimensions = array<i32: 0>} : vector<16xi32>
          %add3A_963 = arith.constant 48 : i32
          %add3A_964 = vector.broadcast %add3A_963 : i32 to vector<16xi32>
          %add3A_965 = arith.addi %iota3A_962, %add3A_964 : vector<16xi32>
          %broadcast_in_dim3A_966 = vector.broadcast %scan3A_902 : i32 to vector<16xi32>
          %scatter3A_967 = arith.constant 0 : i32
          %scatter3A_968 = arith.constant 0 : i32
          %scatter3A_969 = tpu.memref_slice %arg7[%scan3A_185, %scatter3A_967, %scatter3A_968] : memref<2x64x257xf32, #tpu.memory_space<vmem>> -> memref<1x64x257xf32, #tpu.memory_space<vmem>>
          %scatter3A_970 = tpu.memref_squeeze %scatter3A_969 : memref<1x64x257xf32, #tpu.memory_space<vmem>> -> memref<64x257xf32, #tpu.memory_space<vmem>>
          tpu.vector_store_idx %scatter3A_970[%add3A_965, %broadcast_in_dim3A_966], %mul3A_961 : memref<64x257xf32, #tpu.memory_space<vmem>>[vector<16xi32>, vector<16xi32>], vector<16xf32>,
          %scan3A_971 = arith.constant 11 : i32
          %scan3A_972 = arith.addi %scan3A_206, %scan3A_971 : i32
          %get3A_973 = arith.constant 1 : i32
          %get3A_974 = arith.index_cast %get3A_973 : i32 to index
          %get3A_975 = arith.index_cast %scan3A_972 : i32 to index
          %get3A_976 = arith.constant 0 : index
          %get3A_977 = tpu.vector_load %arg6[%get3A_974, %get3A_975, %get3A_976] {strides = array<i32>} : memref<2x256x64xf32, #tpu.memory_space<vmem>>, vector<16xf32>,
          %mul3A_978 = arith.constant 8.000000e+00 : f32
          %mul3A_979 = vector.broadcast %mul3A_978 : f32 to vector<16xf32>
          %mul3A_980 = arith.mulf %get3A_977, %mul3A_979 : vector<16xf32>
          %iota3A_981 = tpu.iota {dimensions = array<i32: 0>} : vector<16xi32>
          %add3A_982 = arith.constant 0 : i32
          %add3A_983 = vector.broadcast %add3A_982 : i32 to vector<16xi32>
          %add3A_984 = arith.addi %iota3A_981, %add3A_983 : vector<16xi32>
          %broadcast_in_dim3A_985 = vector.broadcast %scan3A_972 : i32 to vector<16xi32>
          %scatter3A_986 = arith.constant 0 : i32
          %scatter3A_987 = arith.constant 0 : i32
          %scatter3A_988 = tpu.memref_slice %arg7[%scan3A_185, %scatter3A_986, %scatter3A_987] : memref<2x64x257xf32, #tpu.memory_space<vmem>> -> memref<1x64x257xf32, #tpu.memory_space<vmem>>
          %scatter3A_989 = tpu.memref_squeeze %scatter3A_988 : memref<1x64x257xf32, #tpu.memory_space<vmem>> -> memref<64x257xf32, #tpu.memory_space<vmem>>
          tpu.vector_store_idx %scatter3A_989[%add3A_984, %broadcast_in_dim3A_985], %mul3A_980 : memref<64x257xf32, #tpu.memory_space<vmem>>[vector<16xi32>, vector<16xi32>], vector<16xf32>,
          %get3A_990 = arith.constant 1 : i32
          %get3A_991 = arith.index_cast %get3A_990 : i32 to index
          %get3A_992 = arith.index_cast %scan3A_972 : i32 to index
          %get3A_993 = arith.constant 16 : index
          %get3A_994 = tpu.vector_load %arg6[%get3A_991, %get3A_992, %get3A_993] {strides = array<i32>} : memref<2x256x64xf32, #tpu.memory_space<vmem>>, vector<16xf32>,
          %mul3A_995 = arith.constant 8.000000e+00 : f32
          %mul3A_996 = vector.broadcast %mul3A_995 : f32 to vector<16xf32>
          %mul3A_997 = arith.mulf %get3A_994, %mul3A_996 : vector<16xf32>
          %iota3A_998 = tpu.iota {dimensions = array<i32: 0>} : vector<16xi32>
          %add3A_999 = arith.constant 16 : i32
          %add3A_1000 = vector.broadcast %add3A_999 : i32 to vector<16xi32>
          %add3A_1001 = arith.addi %iota3A_998, %add3A_1000 : vector<16xi32>
          %broadcast_in_dim3A_1002 = vector.broadcast %scan3A_972 : i32 to vector<16xi32>
          %scatter3A_1003 = arith.constant 0 : i32
          %scatter3A_1004 = arith.constant 0 : i32
          %scatter3A_1005 = tpu.memref_slice %arg7[%scan3A_185, %scatter3A_1003, %scatter3A_1004] : memref<2x64x257xf32, #tpu.memory_space<vmem>> -> memref<1x64x257xf32, #tpu.memory_space<vmem>>
          %scatter3A_1006 = tpu.memref_squeeze %scatter3A_1005 : memref<1x64x257xf32, #tpu.memory_space<vmem>> -> memref<64x257xf32, #tpu.memory_space<vmem>>
          tpu.vector_store_idx %scatter3A_1006[%add3A_1001, %broadcast_in_dim3A_1002], %mul3A_997 : memref<64x257xf32, #tpu.memory_space<vmem>>[vector<16xi32>, vector<16xi32>], vector<16xf32>,
          %get3A_1007 = arith.constant 1 : i32
          %get3A_1008 = arith.index_cast %get3A_1007 : i32 to index
          %get3A_1009 = arith.index_cast %scan3A_972 : i32 to index
          %get3A_1010 = arith.constant 32 : index
          %get3A_1011 = tpu.vector_load %arg6[%get3A_1008, %get3A_1009, %get3A_1010] {strides = array<i32>} : memref<2x256x64xf32, #tpu.memory_space<vmem>>, vector<16xf32>,
          %mul3A_1012 = arith.constant 8.000000e+00 : f32
          %mul3A_1013 = vector.broadcast %mul3A_1012 : f32 to vector<16xf32>
          %mul3A_1014 = arith.mulf %get3A_1011, %mul3A_1013 : vector<16xf32>
          %iota3A_1015 = tpu.iota {dimensions = array<i32: 0>} : vector<16xi32>
          %add3A_1016 = arith.constant 32 : i32
          %add3A_1017 = vector.broadcast %add3A_1016 : i32 to vector<16xi32>
          %add3A_1018 = arith.addi %iota3A_1015, %add3A_1017 : vector<16xi32>
          %broadcast_in_dim3A_1019 = vector.broadcast %scan3A_972 : i32 to vector<16xi32>
          %scatter3A_1020 = arith.constant 0 : i32
          %scatter3A_1021 = arith.constant 0 : i32
          %scatter3A_1022 = tpu.memref_slice %arg7[%scan3A_185, %scatter3A_1020, %scatter3A_1021] : memref<2x64x257xf32, #tpu.memory_space<vmem>> -> memref<1x64x257xf32, #tpu.memory_space<vmem>>
          %scatter3A_1023 = tpu.memref_squeeze %scatter3A_1022 : memref<1x64x257xf32, #tpu.memory_space<vmem>> -> memref<64x257xf32, #tpu.memory_space<vmem>>
          tpu.vector_store_idx %scatter3A_1023[%add3A_1018, %broadcast_in_dim3A_1019], %mul3A_1014 : memref<64x257xf32, #tpu.memory_space<vmem>>[vector<16xi32>, vector<16xi32>], vector<16xf32>,
          %get3A_1024 = arith.constant 1 : i32
          %get3A_1025 = arith.index_cast %get3A_1024 : i32 to index
          %get3A_1026 = arith.index_cast %scan3A_972 : i32 to index
          %get3A_1027 = arith.constant 48 : index
          %get3A_1028 = tpu.vector_load %arg6[%get3A_1025, %get3A_1026, %get3A_1027] {strides = array<i32>} : memref<2x256x64xf32, #tpu.memory_space<vmem>>, vector<16xf32>,
          %mul3A_1029 = arith.constant 8.000000e+00 : f32
          %mul3A_1030 = vector.broadcast %mul3A_1029 : f32 to vector<16xf32>
          %mul3A_1031 = arith.mulf %get3A_1028, %mul3A_1030 : vector<16xf32>
          %iota3A_1032 = tpu.iota {dimensions = array<i32: 0>} : vector<16xi32>
          %add3A_1033 = arith.constant 48 : i32
          %add3A_1034 = vector.broadcast %add3A_1033 : i32 to vector<16xi32>
          %add3A_1035 = arith.addi %iota3A_1032, %add3A_1034 : vector<16xi32>
          %broadcast_in_dim3A_1036 = vector.broadcast %scan3A_972 : i32 to vector<16xi32>
          %scatter3A_1037 = arith.constant 0 : i32
          %scatter3A_1038 = arith.constant 0 : i32
          %scatter3A_1039 = tpu.memref_slice %arg7[%scan3A_185, %scatter3A_1037, %scatter3A_1038] : memref<2x64x257xf32, #tpu.memory_space<vmem>> -> memref<1x64x257xf32, #tpu.memory_space<vmem>>
          %scatter3A_1040 = tpu.memref_squeeze %scatter3A_1039 : memref<1x64x257xf32, #tpu.memory_space<vmem>> -> memref<64x257xf32, #tpu.memory_space<vmem>>
          tpu.vector_store_idx %scatter3A_1040[%add3A_1035, %broadcast_in_dim3A_1036], %mul3A_1031 : memref<64x257xf32, #tpu.memory_space<vmem>>[vector<16xi32>, vector<16xi32>], vector<16xf32>,
          %scan3A_1041 = arith.constant 12 : i32
          %scan3A_1042 = arith.addi %scan3A_206, %scan3A_1041 : i32
          %get3A_1043 = arith.constant 1 : i32
          %get3A_1044 = arith.index_cast %get3A_1043 : i32 to index
          %get3A_1045 = arith.index_cast %scan3A_1042 : i32 to index
          %get3A_1046 = arith.constant 0 : index
          %get3A_1047 = tpu.vector_load %arg6[%get3A_1044, %get3A_1045, %get3A_1046] {strides = array<i32>} : memref<2x256x64xf32, #tpu.memory_space<vmem>>, vector<16xf32>,
          %mul3A_1048 = arith.constant 8.000000e+00 : f32
          %mul3A_1049 = vector.broadcast %mul3A_1048 : f32 to vector<16xf32>
          %mul3A_1050 = arith.mulf %get3A_1047, %mul3A_1049 : vector<16xf32>
          %iota3A_1051 = tpu.iota {dimensions = array<i32: 0>} : vector<16xi32>
          %add3A_1052 = arith.constant 0 : i32
          %add3A_1053 = vector.broadcast %add3A_1052 : i32 to vector<16xi32>
          %add3A_1054 = arith.addi %iota3A_1051, %add3A_1053 : vector<16xi32>
          %broadcast_in_dim3A_1055 = vector.broadcast %scan3A_1042 : i32 to vector<16xi32>
          %scatter3A_1056 = arith.constant 0 : i32
          %scatter3A_1057 = arith.constant 0 : i32
          %scatter3A_1058 = tpu.memref_slice %arg7[%scan3A_185, %scatter3A_1056, %scatter3A_1057] : memref<2x64x257xf32, #tpu.memory_space<vmem>> -> memref<1x64x257xf32, #tpu.memory_space<vmem>>
          %scatter3A_1059 = tpu.memref_squeeze %scatter3A_1058 : memref<1x64x257xf32, #tpu.memory_space<vmem>> -> memref<64x257xf32, #tpu.memory_space<vmem>>
          tpu.vector_store_idx %scatter3A_1059[%add3A_1054, %broadcast_in_dim3A_1055], %mul3A_1050 : memref<64x257xf32, #tpu.memory_space<vmem>>[vector<16xi32>, vector<16xi32>], vector<16xf32>,
          %get3A_1060 = arith.constant 1 : i32
          %get3A_1061 = arith.index_cast %get3A_1060 : i32 to index
          %get3A_1062 = arith.index_cast %scan3A_1042 : i32 to index
          %get3A_1063 = arith.constant 16 : index
          %get3A_1064 = tpu.vector_load %arg6[%get3A_1061, %get3A_1062, %get3A_1063] {strides = array<i32>} : memref<2x256x64xf32, #tpu.memory_space<vmem>>, vector<16xf32>,
          %mul3A_1065 = arith.constant 8.000000e+00 : f32
          %mul3A_1066 = vector.broadcast %mul3A_1065 : f32 to vector<16xf32>
          %mul3A_1067 = arith.mulf %get3A_1064, %mul3A_1066 : vector<16xf32>
          %iota3A_1068 = tpu.iota {dimensions = array<i32: 0>} : vector<16xi32>
          %add3A_1069 = arith.constant 16 : i32
          %add3A_1070 = vector.broadcast %add3A_1069 : i32 to vector<16xi32>
          %add3A_1071 = arith.addi %iota3A_1068, %add3A_1070 : vector<16xi32>
          %broadcast_in_dim3A_1072 = vector.broadcast %scan3A_1042 : i32 to vector<16xi32>
          %scatter3A_1073 = arith.constant 0 : i32
          %scatter3A_1074 = arith.constant 0 : i32
          %scatter3A_1075 = tpu.memref_slice %arg7[%scan3A_185, %scatter3A_1073, %scatter3A_1074] : memref<2x64x257xf32, #tpu.memory_space<vmem>> -> memref<1x64x257xf32, #tpu.memory_space<vmem>>
          %scatter3A_1076 = tpu.memref_squeeze %scatter3A_1075 : memref<1x64x257xf32, #tpu.memory_space<vmem>> -> memref<64x257xf32, #tpu.memory_space<vmem>>
          tpu.vector_store_idx %scatter3A_1076[%add3A_1071, %broadcast_in_dim3A_1072], %mul3A_1067 : memref<64x257xf32, #tpu.memory_space<vmem>>[vector<16xi32>, vector<16xi32>], vector<16xf32>,
          %get3A_1077 = arith.constant 1 : i32
          %get3A_1078 = arith.index_cast %get3A_1077 : i32 to index
          %get3A_1079 = arith.index_cast %scan3A_1042 : i32 to index
          %get3A_1080 = arith.constant 32 : index
          %get3A_1081 = tpu.vector_load %arg6[%get3A_1078, %get3A_1079, %get3A_1080] {strides = array<i32>} : memref<2x256x64xf32, #tpu.memory_space<vmem>>, vector<16xf32>,
          %mul3A_1082 = arith.constant 8.000000e+00 : f32
          %mul3A_1083 = vector.broadcast %mul3A_1082 : f32 to vector<16xf32>
          %mul3A_1084 = arith.mulf %get3A_1081, %mul3A_1083 : vector<16xf32>
          %iota3A_1085 = tpu.iota {dimensions = array<i32: 0>} : vector<16xi32>
          %add3A_1086 = arith.constant 32 : i32
          %add3A_1087 = vector.broadcast %add3A_1086 : i32 to vector<16xi32>
          %add3A_1088 = arith.addi %iota3A_1085, %add3A_1087 : vector<16xi32>
          %broadcast_in_dim3A_1089 = vector.broadcast %scan3A_1042 : i32 to vector<16xi32>
          %scatter3A_1090 = arith.constant 0 : i32
          %scatter3A_1091 = arith.constant 0 : i32
          %scatter3A_1092 = tpu.memref_slice %arg7[%scan3A_185, %scatter3A_1090, %scatter3A_1091] : memref<2x64x257xf32, #tpu.memory_space<vmem>> -> memref<1x64x257xf32, #tpu.memory_space<vmem>>
          %scatter3A_1093 = tpu.memref_squeeze %scatter3A_1092 : memref<1x64x257xf32, #tpu.memory_space<vmem>> -> memref<64x257xf32, #tpu.memory_space<vmem>>
          tpu.vector_store_idx %scatter3A_1093[%add3A_1088, %broadcast_in_dim3A_1089], %mul3A_1084 : memref<64x257xf32, #tpu.memory_space<vmem>>[vector<16xi32>, vector<16xi32>], vector<16xf32>,
          %get3A_1094 = arith.constant 1 : i32
          %get3A_1095 = arith.index_cast %get3A_1094 : i32 to index
          %get3A_1096 = arith.index_cast %scan3A_1042 : i32 to index
          %get3A_1097 = arith.constant 48 : index
          %get3A_1098 = tpu.vector_load %arg6[%get3A_1095, %get3A_1096, %get3A_1097] {strides = array<i32>} : memref<2x256x64xf32, #tpu.memory_space<vmem>>, vector<16xf32>,
          %mul3A_1099 = arith.constant 8.000000e+00 : f32
          %mul3A_1100 = vector.broadcast %mul3A_1099 : f32 to vector<16xf32>
          %mul3A_1101 = arith.mulf %get3A_1098, %mul3A_1100 : vector<16xf32>
          %iota3A_1102 = tpu.iota {dimensions = array<i32: 0>} : vector<16xi32>
          %add3A_1103 = arith.constant 48 : i32
          %add3A_1104 = vector.broadcast %add3A_1103 : i32 to vector<16xi32>
          %add3A_1105 = arith.addi %iota3A_1102, %add3A_1104 : vector<16xi32>
          %broadcast_in_dim3A_1106 = vector.broadcast %scan3A_1042 : i32 to vector<16xi32>
          %scatter3A_1107 = arith.constant 0 : i32
          %scatter3A_1108 = arith.constant 0 : i32
          %scatter3A_1109 = tpu.memref_slice %arg7[%scan3A_185, %scatter3A_1107, %scatter3A_1108] : memref<2x64x257xf32, #tpu.memory_space<vmem>> -> memref<1x64x257xf32, #tpu.memory_space<vmem>>
          %scatter3A_1110 = tpu.memref_squeeze %scatter3A_1109 : memref<1x64x257xf32, #tpu.memory_space<vmem>> -> memref<64x257xf32, #tpu.memory_space<vmem>>
          tpu.vector_store_idx %scatter3A_1110[%add3A_1105, %broadcast_in_dim3A_1106], %mul3A_1101 : memref<64x257xf32, #tpu.memory_space<vmem>>[vector<16xi32>, vector<16xi32>], vector<16xf32>,
          %scan3A_1111 = arith.constant 13 : i32
          %scan3A_1112 = arith.addi %scan3A_206, %scan3A_1111 : i32
          %get3A_1113 = arith.constant 1 : i32
          %get3A_1114 = arith.index_cast %get3A_1113 : i32 to index
          %get3A_1115 = arith.index_cast %scan3A_1112 : i32 to index
          %get3A_1116 = arith.constant 0 : index
          %get3A_1117 = tpu.vector_load %arg6[%get3A_1114, %get3A_1115, %get3A_1116] {strides = array<i32>} : memref<2x256x64xf32, #tpu.memory_space<vmem>>, vector<16xf32>,
          %mul3A_1118 = arith.constant 8.000000e+00 : f32
          %mul3A_1119 = vector.broadcast %mul3A_1118 : f32 to vector<16xf32>
          %mul3A_1120 = arith.mulf %get3A_1117, %mul3A_1119 : vector<16xf32>
          %iota3A_1121 = tpu.iota {dimensions = array<i32: 0>} : vector<16xi32>
          %add3A_1122 = arith.constant 0 : i32
          %add3A_1123 = vector.broadcast %add3A_1122 : i32 to vector<16xi32>
          %add3A_1124 = arith.addi %iota3A_1121, %add3A_1123 : vector<16xi32>
          %broadcast_in_dim3A_1125 = vector.broadcast %scan3A_1112 : i32 to vector<16xi32>
          %scatter3A_1126 = arith.constant 0 : i32
          %scatter3A_1127 = arith.constant 0 : i32
          %scatter3A_1128 = tpu.memref_slice %arg7[%scan3A_185, %scatter3A_1126, %scatter3A_1127] : memref<2x64x257xf32, #tpu.memory_space<vmem>> -> memref<1x64x257xf32, #tpu.memory_space<vmem>>
          %scatter3A_1129 = tpu.memref_squeeze %scatter3A_1128 : memref<1x64x257xf32, #tpu.memory_space<vmem>> -> memref<64x257xf32, #tpu.memory_space<vmem>>
          tpu.vector_store_idx %scatter3A_1129[%add3A_1124, %broadcast_in_dim3A_1125], %mul3A_1120 : memref<64x257xf32, #tpu.memory_space<vmem>>[vector<16xi32>, vector<16xi32>], vector<16xf32>,
          %get3A_1130 = arith.constant 1 : i32
          %get3A_1131 = arith.index_cast %get3A_1130 : i32 to index
          %get3A_1132 = arith.index_cast %scan3A_1112 : i32 to index
          %get3A_1133 = arith.constant 16 : index
          %get3A_1134 = tpu.vector_load %arg6[%get3A_1131, %get3A_1132, %get3A_1133] {strides = array<i32>} : memref<2x256x64xf32, #tpu.memory_space<vmem>>, vector<16xf32>,
          %mul3A_1135 = arith.constant 8.000000e+00 : f32
          %mul3A_1136 = vector.broadcast %mul3A_1135 : f32 to vector<16xf32>
          %mul3A_1137 = arith.mulf %get3A_1134, %mul3A_1136 : vector<16xf32>
          %iota3A_1138 = tpu.iota {dimensions = array<i32: 0>} : vector<16xi32>
          %add3A_1139 = arith.constant 16 : i32
          %add3A_1140 = vector.broadcast %add3A_1139 : i32 to vector<16xi32>
          %add3A_1141 = arith.addi %iota3A_1138, %add3A_1140 : vector<16xi32>
          %broadcast_in_dim3A_1142 = vector.broadcast %scan3A_1112 : i32 to vector<16xi32>
          %scatter3A_1143 = arith.constant 0 : i32
          %scatter3A_1144 = arith.constant 0 : i32
          %scatter3A_1145 = tpu.memref_slice %arg7[%scan3A_185, %scatter3A_1143, %scatter3A_1144] : memref<2x64x257xf32, #tpu.memory_space<vmem>> -> memref<1x64x257xf32, #tpu.memory_space<vmem>>
          %scatter3A_1146 = tpu.memref_squeeze %scatter3A_1145 : memref<1x64x257xf32, #tpu.memory_space<vmem>> -> memref<64x257xf32, #tpu.memory_space<vmem>>
          tpu.vector_store_idx %scatter3A_1146[%add3A_1141, %broadcast_in_dim3A_1142], %mul3A_1137 : memref<64x257xf32, #tpu.memory_space<vmem>>[vector<16xi32>, vector<16xi32>], vector<16xf32>,
          %get3A_1147 = arith.constant 1 : i32
          %get3A_1148 = arith.index_cast %get3A_1147 : i32 to index
          %get3A_1149 = arith.index_cast %scan3A_1112 : i32 to index
          %get3A_1150 = arith.constant 32 : index
          %get3A_1151 = tpu.vector_load %arg6[%get3A_1148, %get3A_1149, %get3A_1150] {strides = array<i32>} : memref<2x256x64xf32, #tpu.memory_space<vmem>>, vector<16xf32>,
          %mul3A_1152 = arith.constant 8.000000e+00 : f32
          %mul3A_1153 = vector.broadcast %mul3A_1152 : f32 to vector<16xf32>
          %mul3A_1154 = arith.mulf %get3A_1151, %mul3A_1153 : vector<16xf32>
          %iota3A_1155 = tpu.iota {dimensions = array<i32: 0>} : vector<16xi32>
          %add3A_1156 = arith.constant 32 : i32
          %add3A_1157 = vector.broadcast %add3A_1156 : i32 to vector<16xi32>
          %add3A_1158 = arith.addi %iota3A_1155, %add3A_1157 : vector<16xi32>
          %broadcast_in_dim3A_1159 = vector.broadcast %scan3A_1112 : i32 to vector<16xi32>
          %scatter3A_1160 = arith.constant 0 : i32
          %scatter3A_1161 = arith.constant 0 : i32
          %scatter3A_1162 = tpu.memref_slice %arg7[%scan3A_185, %scatter3A_1160, %scatter3A_1161] : memref<2x64x257xf32, #tpu.memory_space<vmem>> -> memref<1x64x257xf32, #tpu.memory_space<vmem>>
          %scatter3A_1163 = tpu.memref_squeeze %scatter3A_1162 : memref<1x64x257xf32, #tpu.memory_space<vmem>> -> memref<64x257xf32, #tpu.memory_space<vmem>>
          tpu.vector_store_idx %scatter3A_1163[%add3A_1158, %broadcast_in_dim3A_1159], %mul3A_1154 : memref<64x257xf32, #tpu.memory_space<vmem>>[vector<16xi32>, vector<16xi32>], vector<16xf32>,
          %get3A_1164 = arith.constant 1 : i32
          %get3A_1165 = arith.index_cast %get3A_1164 : i32 to index
          %get3A_1166 = arith.index_cast %scan3A_1112 : i32 to index
          %get3A_1167 = arith.constant 48 : index
          %get3A_1168 = tpu.vector_load %arg6[%get3A_1165, %get3A_1166, %get3A_1167] {strides = array<i32>} : memref<2x256x64xf32, #tpu.memory_space<vmem>>, vector<16xf32>,
          %mul3A_1169 = arith.constant 8.000000e+00 : f32
          %mul3A_1170 = vector.broadcast %mul3A_1169 : f32 to vector<16xf32>
          %mul3A_1171 = arith.mulf %get3A_1168, %mul3A_1170 : vector<16xf32>
          %iota3A_1172 = tpu.iota {dimensions = array<i32: 0>} : vector<16xi32>
          %add3A_1173 = arith.constant 48 : i32
          %add3A_1174 = vector.broadcast %add3A_1173 : i32 to vector<16xi32>
          %add3A_1175 = arith.addi %iota3A_1172, %add3A_1174 : vector<16xi32>
          %broadcast_in_dim3A_1176 = vector.broadcast %scan3A_1112 : i32 to vector<16xi32>
          %scatter3A_1177 = arith.constant 0 : i32
          %scatter3A_1178 = arith.constant 0 : i32
          %scatter3A_1179 = tpu.memref_slice %arg7[%scan3A_185, %scatter3A_1177, %scatter3A_1178] : memref<2x64x257xf32, #tpu.memory_space<vmem>> -> memref<1x64x257xf32, #tpu.memory_space<vmem>>
          %scatter3A_1180 = tpu.memref_squeeze %scatter3A_1179 : memref<1x64x257xf32, #tpu.memory_space<vmem>> -> memref<64x257xf32, #tpu.memory_space<vmem>>
          tpu.vector_store_idx %scatter3A_1180[%add3A_1175, %broadcast_in_dim3A_1176], %mul3A_1171 : memref<64x257xf32, #tpu.memory_space<vmem>>[vector<16xi32>, vector<16xi32>], vector<16xf32>,
          %scan3A_1181 = arith.constant 14 : i32
          %scan3A_1182 = arith.addi %scan3A_206, %scan3A_1181 : i32
          %get3A_1183 = arith.constant 1 : i32
          %get3A_1184 = arith.index_cast %get3A_1183 : i32 to index
          %get3A_1185 = arith.index_cast %scan3A_1182 : i32 to index
          %get3A_1186 = arith.constant 0 : index
          %get3A_1187 = tpu.vector_load %arg6[%get3A_1184, %get3A_1185, %get3A_1186] {strides = array<i32>} : memref<2x256x64xf32, #tpu.memory_space<vmem>>, vector<16xf32>,
          %mul3A_1188 = arith.constant 8.000000e+00 : f32
          %mul3A_1189 = vector.broadcast %mul3A_1188 : f32 to vector<16xf32>
          %mul3A_1190 = arith.mulf %get3A_1187, %mul3A_1189 : vector<16xf32>
          %iota3A_1191 = tpu.iota {dimensions = array<i32: 0>} : vector<16xi32>
          %add3A_1192 = arith.constant 0 : i32
          %add3A_1193 = vector.broadcast %add3A_1192 : i32 to vector<16xi32>
          %add3A_1194 = arith.addi %iota3A_1191, %add3A_1193 : vector<16xi32>
          %broadcast_in_dim3A_1195 = vector.broadcast %scan3A_1182 : i32 to vector<16xi32>
          %scatter3A_1196 = arith.constant 0 : i32
          %scatter3A_1197 = arith.constant 0 : i32
          %scatter3A_1198 = tpu.memref_slice %arg7[%scan3A_185, %scatter3A_1196, %scatter3A_1197] : memref<2x64x257xf32, #tpu.memory_space<vmem>> -> memref<1x64x257xf32, #tpu.memory_space<vmem>>
          %scatter3A_1199 = tpu.memref_squeeze %scatter3A_1198 : memref<1x64x257xf32, #tpu.memory_space<vmem>> -> memref<64x257xf32, #tpu.memory_space<vmem>>
          tpu.vector_store_idx %scatter3A_1199[%add3A_1194, %broadcast_in_dim3A_1195], %mul3A_1190 : memref<64x257xf32, #tpu.memory_space<vmem>>[vector<16xi32>, vector<16xi32>], vector<16xf32>,
          %get3A_1200 = arith.constant 1 : i32
          %get3A_1201 = arith.index_cast %get3A_1200 : i32 to index
          %get3A_1202 = arith.index_cast %scan3A_1182 : i32 to index
          %get3A_1203 = arith.constant 16 : index
          %get3A_1204 = tpu.vector_load %arg6[%get3A_1201, %get3A_1202, %get3A_1203] {strides = array<i32>} : memref<2x256x64xf32, #tpu.memory_space<vmem>>, vector<16xf32>,
          %mul3A_1205 = arith.constant 8.000000e+00 : f32
          %mul3A_1206 = vector.broadcast %mul3A_1205 : f32 to vector<16xf32>
          %mul3A_1207 = arith.mulf %get3A_1204, %mul3A_1206 : vector<16xf32>
          %iota3A_1208 = tpu.iota {dimensions = array<i32: 0>} : vector<16xi32>
          %add3A_1209 = arith.constant 16 : i32
          %add3A_1210 = vector.broadcast %add3A_1209 : i32 to vector<16xi32>
          %add3A_1211 = arith.addi %iota3A_1208, %add3A_1210 : vector<16xi32>
          %broadcast_in_dim3A_1212 = vector.broadcast %scan3A_1182 : i32 to vector<16xi32>
          %scatter3A_1213 = arith.constant 0 : i32
          %scatter3A_1214 = arith.constant 0 : i32
          %scatter3A_1215 = tpu.memref_slice %arg7[%scan3A_185, %scatter3A_1213, %scatter3A_1214] : memref<2x64x257xf32, #tpu.memory_space<vmem>> -> memref<1x64x257xf32, #tpu.memory_space<vmem>>
          %scatter3A_1216 = tpu.memref_squeeze %scatter3A_1215 : memref<1x64x257xf32, #tpu.memory_space<vmem>> -> memref<64x257xf32, #tpu.memory_space<vmem>>
          tpu.vector_store_idx %scatter3A_1216[%add3A_1211, %broadcast_in_dim3A_1212], %mul3A_1207 : memref<64x257xf32, #tpu.memory_space<vmem>>[vector<16xi32>, vector<16xi32>], vector<16xf32>,
          %get3A_1217 = arith.constant 1 : i32
          %get3A_1218 = arith.index_cast %get3A_1217 : i32 to index
          %get3A_1219 = arith.index_cast %scan3A_1182 : i32 to index
          %get3A_1220 = arith.constant 32 : index
          %get3A_1221 = tpu.vector_load %arg6[%get3A_1218, %get3A_1219, %get3A_1220] {strides = array<i32>} : memref<2x256x64xf32, #tpu.memory_space<vmem>>, vector<16xf32>,
          %mul3A_1222 = arith.constant 8.000000e+00 : f32
          %mul3A_1223 = vector.broadcast %mul3A_1222 : f32 to vector<16xf32>
          %mul3A_1224 = arith.mulf %get3A_1221, %mul3A_1223 : vector<16xf32>
          %iota3A_1225 = tpu.iota {dimensions = array<i32: 0>} : vector<16xi32>
          %add3A_1226 = arith.constant 32 : i32
          %add3A_1227 = vector.broadcast %add3A_1226 : i32 to vector<16xi32>
          %add3A_1228 = arith.addi %iota3A_1225, %add3A_1227 : vector<16xi32>
          %broadcast_in_dim3A_1229 = vector.broadcast %scan3A_1182 : i32 to vector<16xi32>
          %scatter3A_1230 = arith.constant 0 : i32
          %scatter3A_1231 = arith.constant 0 : i32
          %scatter3A_1232 = tpu.memref_slice %arg7[%scan3A_185, %scatter3A_1230, %scatter3A_1231] : memref<2x64x257xf32, #tpu.memory_space<vmem>> -> memref<1x64x257xf32, #tpu.memory_space<vmem>>
          %scatter3A_1233 = tpu.memref_squeeze %scatter3A_1232 : memref<1x64x257xf32, #tpu.memory_space<vmem>> -> memref<64x257xf32, #tpu.memory_space<vmem>>
          tpu.vector_store_idx %scatter3A_1233[%add3A_1228, %broadcast_in_dim3A_1229], %mul3A_1224 : memref<64x257xf32, #tpu.memory_space<vmem>>[vector<16xi32>, vector<16xi32>], vector<16xf32>,
          %get3A_1234 = arith.constant 1 : i32
          %get3A_1235 = arith.index_cast %get3A_1234 : i32 to index
          %get3A_1236 = arith.index_cast %scan3A_1182 : i32 to index
          %get3A_1237 = arith.constant 48 : index
          %get3A_1238 = tpu.vector_load %arg6[%get3A_1235, %get3A_1236, %get3A_1237] {strides = array<i32>} : memref<2x256x64xf32, #tpu.memory_space<vmem>>, vector<16xf32>,
          %mul3A_1239 = arith.constant 8.000000e+00 : f32
          %mul3A_1240 = vector.broadcast %mul3A_1239 : f32 to vector<16xf32>
          %mul3A_1241 = arith.mulf %get3A_1238, %mul3A_1240 : vector<16xf32>
          %iota3A_1242 = tpu.iota {dimensions = array<i32: 0>} : vector<16xi32>
          %add3A_1243 = arith.constant 48 : i32
          %add3A_1244 = vector.broadcast %add3A_1243 : i32 to vector<16xi32>
          %add3A_1245 = arith.addi %iota3A_1242, %add3A_1244 : vector<16xi32>
          %broadcast_in_dim3A_1246 = vector.broadcast %scan3A_1182 : i32 to vector<16xi32>
          %scatter3A_1247 = arith.constant 0 : i32
          %scatter3A_1248 = arith.constant 0 : i32
          %scatter3A_1249 = tpu.memref_slice %arg7[%scan3A_185, %scatter3A_1247, %scatter3A_1248] : memref<2x64x257xf32, #tpu.memory_space<vmem>> -> memref<1x64x257xf32, #tpu.memory_space<vmem>>
          %scatter3A_1250 = tpu.memref_squeeze %scatter3A_1249 : memref<1x64x257xf32, #tpu.memory_space<vmem>> -> memref<64x257xf32, #tpu.memory_space<vmem>>
          tpu.vector_store_idx %scatter3A_1250[%add3A_1245, %broadcast_in_dim3A_1246], %mul3A_1241 : memref<64x257xf32, #tpu.memory_space<vmem>>[vector<16xi32>, vector<16xi32>], vector<16xf32>,
          %scan3A_1251 = arith.constant 15 : i32
          %scan3A_1252 = arith.addi %scan3A_206, %scan3A_1251 : i32
          %get3A_1253 = arith.constant 1 : i32
          %get3A_1254 = arith.index_cast %get3A_1253 : i32 to index
          %get3A_1255 = arith.index_cast %scan3A_1252 : i32 to index
          %get3A_1256 = arith.constant 0 : index
          %get3A_1257 = tpu.vector_load %arg6[%get3A_1254, %get3A_1255, %get3A_1256] {strides = array<i32>} : memref<2x256x64xf32, #tpu.memory_space<vmem>>, vector<16xf32>,
          %mul3A_1258 = arith.constant 8.000000e+00 : f32
          %mul3A_1259 = vector.broadcast %mul3A_1258 : f32 to vector<16xf32>
          %mul3A_1260 = arith.mulf %get3A_1257, %mul3A_1259 : vector<16xf32>
          %iota3A_1261 = tpu.iota {dimensions = array<i32: 0>} : vector<16xi32>
          %add3A_1262 = arith.constant 0 : i32
          %add3A_1263 = vector.broadcast %add3A_1262 : i32 to vector<16xi32>
          %add3A_1264 = arith.addi %iota3A_1261, %add3A_1263 : vector<16xi32>
          %broadcast_in_dim3A_1265 = vector.broadcast %scan3A_1252 : i32 to vector<16xi32>
          %scatter3A_1266 = arith.constant 0 : i32
          %scatter3A_1267 = arith.constant 0 : i32
          %scatter3A_1268 = tpu.memref_slice %arg7[%scan3A_185, %scatter3A_1266, %scatter3A_1267] : memref<2x64x257xf32, #tpu.memory_space<vmem>> -> memref<1x64x257xf32, #tpu.memory_space<vmem>>
          %scatter3A_1269 = tpu.memref_squeeze %scatter3A_1268 : memref<1x64x257xf32, #tpu.memory_space<vmem>> -> memref<64x257xf32, #tpu.memory_space<vmem>>
          tpu.vector_store_idx %scatter3A_1269[%add3A_1264, %broadcast_in_dim3A_1265], %mul3A_1260 : memref<64x257xf32, #tpu.memory_space<vmem>>[vector<16xi32>, vector<16xi32>], vector<16xf32>,
          %get3A_1270 = arith.constant 1 : i32
          %get3A_1271 = arith.index_cast %get3A_1270 : i32 to index
          %get3A_1272 = arith.index_cast %scan3A_1252 : i32 to index
          %get3A_1273 = arith.constant 16 : index
          %get3A_1274 = tpu.vector_load %arg6[%get3A_1271, %get3A_1272, %get3A_1273] {strides = array<i32>} : memref<2x256x64xf32, #tpu.memory_space<vmem>>, vector<16xf32>,
          %mul3A_1275 = arith.constant 8.000000e+00 : f32
          %mul3A_1276 = vector.broadcast %mul3A_1275 : f32 to vector<16xf32>
          %mul3A_1277 = arith.mulf %get3A_1274, %mul3A_1276 : vector<16xf32>
          %iota3A_1278 = tpu.iota {dimensions = array<i32: 0>} : vector<16xi32>
          %add3A_1279 = arith.constant 16 : i32
          %add3A_1280 = vector.broadcast %add3A_1279 : i32 to vector<16xi32>
          %add3A_1281 = arith.addi %iota3A_1278, %add3A_1280 : vector<16xi32>
          %broadcast_in_dim3A_1282 = vector.broadcast %scan3A_1252 : i32 to vector<16xi32>
          %scatter3A_1283 = arith.constant 0 : i32
          %scatter3A_1284 = arith.constant 0 : i32
          %scatter3A_1285 = tpu.memref_slice %arg7[%scan3A_185, %scatter3A_1283, %scatter3A_1284] : memref<2x64x257xf32, #tpu.memory_space<vmem>> -> memref<1x64x257xf32, #tpu.memory_space<vmem>>
          %scatter3A_1286 = tpu.memref_squeeze %scatter3A_1285 : memref<1x64x257xf32, #tpu.memory_space<vmem>> -> memref<64x257xf32, #tpu.memory_space<vmem>>
          tpu.vector_store_idx %scatter3A_1286[%add3A_1281, %broadcast_in_dim3A_1282], %mul3A_1277 : memref<64x257xf32, #tpu.memory_space<vmem>>[vector<16xi32>, vector<16xi32>], vector<16xf32>,
          %get3A_1287 = arith.constant 1 : i32
          %get3A_1288 = arith.index_cast %get3A_1287 : i32 to index
          %get3A_1289 = arith.index_cast %scan3A_1252 : i32 to index
          %get3A_1290 = arith.constant 32 : index
          %get3A_1291 = tpu.vector_load %arg6[%get3A_1288, %get3A_1289, %get3A_1290] {strides = array<i32>} : memref<2x256x64xf32, #tpu.memory_space<vmem>>, vector<16xf32>,
          %mul3A_1292 = arith.constant 8.000000e+00 : f32
          %mul3A_1293 = vector.broadcast %mul3A_1292 : f32 to vector<16xf32>
          %mul3A_1294 = arith.mulf %get3A_1291, %mul3A_1293 : vector<16xf32>
          %iota3A_1295 = tpu.iota {dimensions = array<i32: 0>} : vector<16xi32>
          %add3A_1296 = arith.constant 32 : i32
          %add3A_1297 = vector.broadcast %add3A_1296 : i32 to vector<16xi32>
          %add3A_1298 = arith.addi %iota3A_1295, %add3A_1297 : vector<16xi32>
          %broadcast_in_dim3A_1299 = vector.broadcast %scan3A_1252 : i32 to vector<16xi32>
          %scatter3A_1300 = arith.constant 0 : i32
          %scatter3A_1301 = arith.constant 0 : i32
          %scatter3A_1302 = tpu.memref_slice %arg7[%scan3A_185, %scatter3A_1300, %scatter3A_1301] : memref<2x64x257xf32, #tpu.memory_space<vmem>> -> memref<1x64x257xf32, #tpu.memory_space<vmem>>
          %scatter3A_1303 = tpu.memref_squeeze %scatter3A_1302 : memref<1x64x257xf32, #tpu.memory_space<vmem>> -> memref<64x257xf32, #tpu.memory_space<vmem>>
          tpu.vector_store_idx %scatter3A_1303[%add3A_1298, %broadcast_in_dim3A_1299], %mul3A_1294 : memref<64x257xf32, #tpu.memory_space<vmem>>[vector<16xi32>, vector<16xi32>], vector<16xf32>,
          %get3A_1304 = arith.constant 1 : i32
          %get3A_1305 = arith.index_cast %get3A_1304 : i32 to index
          %get3A_1306 = arith.index_cast %scan3A_1252 : i32 to index
          %get3A_1307 = arith.constant 48 : index
          %get3A_1308 = tpu.vector_load %arg6[%get3A_1305, %get3A_1306, %get3A_1307] {strides = array<i32>} : memref<2x256x64xf32, #tpu.memory_space<vmem>>, vector<16xf32>,
          %mul3A_1309 = arith.constant 8.000000e+00 : f32
          %mul3A_1310 = vector.broadcast %mul3A_1309 : f32 to vector<16xf32>
          %mul3A_1311 = arith.mulf %get3A_1308, %mul3A_1310 : vector<16xf32>
          %iota3A_1312 = tpu.iota {dimensions = array<i32: 0>} : vector<16xi32>
          %add3A_1313 = arith.constant 48 : i32
          %add3A_1314 = vector.broadcast %add3A_1313 : i32 to vector<16xi32>
          %add3A_1315 = arith.addi %iota3A_1312, %add3A_1314 : vector<16xi32>
          %broadcast_in_dim3A_1316 = vector.broadcast %scan3A_1252 : i32 to vector<16xi32>
          %scatter3A_1317 = arith.constant 0 : i32
          %scatter3A_1318 = arith.constant 0 : i32
          %scatter3A_1319 = tpu.memref_slice %arg7[%scan3A_185, %scatter3A_1317, %scatter3A_1318] : memref<2x64x257xf32, #tpu.memory_space<vmem>> -> memref<1x64x257xf32, #tpu.memory_space<vmem>>
          %scatter3A_1320 = tpu.memref_squeeze %scatter3A_1319 : memref<1x64x257xf32, #tpu.memory_space<vmem>> -> memref<64x257xf32, #tpu.memory_space<vmem>>
          tpu.vector_store_idx %scatter3A_1320[%add3A_1315, %broadcast_in_dim3A_1316], %mul3A_1311 : memref<64x257xf32, #tpu.memory_space<vmem>>[vector<16xi32>, vector<16xi32>], vector<16xf32>,
        }
        %scan3A_190 = arith.constant 256 : i32
        %dma_start3A_191 = arith.constant 1 : i32
        %dma_start3A_192 = arith.constant 0 : i32
        %dma_start3A_193 = arith.constant 0 : i32
        %dma_start3A_194 = tpu.memref_slice %arg7[%dma_start3A_191, %dma_start3A_192, %dma_start3A_193] : memref<2x64x257xf32, #tpu.memory_space<vmem>> -> memref<1x64x256xf32, #tpu.memory_space<vmem>>
        %dma_start3A_195 = tpu.memref_squeeze %dma_start3A_194 : memref<1x64x256xf32, #tpu.memory_space<vmem>> -> memref<64x256xf32, #tpu.memory_space<vmem>>
        %dma_start3A_196 = arith.constant 0 : i32
        %dma_start3A_197 = tpu.memref_slice %arg4[%scan3A_88, %dma_start3A_196, %add3A_177] : memref<50x64x16384xf32, #tpu.memory_space<hbm>> -> memref<1x64x256xf32, #tpu.memory_space<hbm>>
        %dma_start3A_198 = tpu.memref_squeeze %dma_start3A_197 : memref<1x64x256xf32, #tpu.memory_space<hbm>> -> memref<64x256xf32, #tpu.memory_space<hbm>>
        %dma_start3A_199 = arith.constant 0 : i32
        %dma_start3A_200 = tpu.memref_slice %arg4[%scan3A_88, %dma_start3A_199, %add3A_177] : memref<50x64x16384xf32, #tpu.memory_space<hbm>> -> memref<1x64x256xf32, #tpu.memory_space<hbm>>
        %dma_start3A_201 = tpu.memref_squeeze %dma_start3A_200 : memref<1x64x256xf32, #tpu.memory_space<hbm>> -> memref<64x256xf32, #tpu.memory_space<hbm>>
        %dma_start3A_202 = arith.constant 0 : i32
        %dma_start3A_203 = arith.constant 0 : i32
        %dma_start3A_204 = tpu.memref_slice %arg7[%dma_start3A_191, %dma_start3A_202, %dma_start3A_203] : memref<2x64x257xf32, #tpu.memory_space<vmem>> -> memref<1x64x256xf32, #tpu.memory_space<vmem>>
        %dma_start3A_205 = tpu.memref_squeeze %dma_start3A_204 : memref<1x64x256xf32, #tpu.memory_space<vmem>> -> memref<64x256xf32, #tpu.memory_space<vmem>>
        tpu.enqueue_dma source(%dma_start3A_205 : memref<64x256xf32, #tpu.memory_space<vmem>>) target(%dma_start3A_201 : memref<64x256xf32, #tpu.memory_space<hbm>>) target_semaphore(%arg11 : memref<!tpu.dma_semaphore, #tpu.memory_space<semaphore_mem>>)
      } else {
      }
    }
    %scan3A_53 = arith.constant 50 : i32
    %dma_wait3A_54 = arith.constant 0 : i32
    %dma_wait3A_55 = arith.constant 49 : i32
    %dma_wait3A_56 = arith.constant 0 : i32
    %dma_wait3A_57 = arith.constant 0 : i32
    %dma_wait3A_58 = tpu.memref_slice %arg7[%dma_wait3A_54, %dma_wait3A_56, %dma_wait3A_57] : memref<2x64x257xf32, #tpu.memory_space<vmem>> -> memref<1x64x256xf32, #tpu.memory_space<vmem>>
    %dma_wait3A_59 = tpu.memref_squeeze %dma_wait3A_58 : memref<1x64x256xf32, #tpu.memory_space<vmem>> -> memref<64x256xf32, #tpu.memory_space<vmem>>
    %dma_wait3A_60 = arith.constant 0 : i32
    %dma_wait3A_61 = tpu.memref_slice %arg4[%dma_wait3A_55, %dma_wait3A_60, %mul3A_2] : memref<50x64x16384xf32, #tpu.memory_space<hbm>> -> memref<1x64x256xf32, #tpu.memory_space<hbm>>
    %dma_wait3A_62 = tpu.memref_squeeze %dma_wait3A_61 : memref<1x64x256xf32, #tpu.memory_space<hbm>> -> memref<64x256xf32, #tpu.memory_space<hbm>>
    %dma_wait3A_63 = arith.constant 0 : i32
    %dma_wait3A_64 = tpu.memref_slice %arg4[%dma_wait3A_55, %dma_wait3A_63, %mul3A_2] : memref<50x64x16384xf32, #tpu.memory_space<hbm>> -> memref<1x64x256xf32, #tpu.memory_space<hbm>>
    %dma_wait3A_65 = tpu.memref_squeeze %dma_wait3A_64 : memref<1x64x256xf32, #tpu.memory_space<hbm>> -> memref<64x256xf32, #tpu.memory_space<hbm>>
    %dma_wait3A_66 = arith.constant 0 : i32
    %dma_wait3A_67 = arith.constant 0 : i32
    %dma_wait3A_68 = tpu.memref_slice %arg7[%dma_wait3A_54, %dma_wait3A_66, %dma_wait3A_67] : memref<2x64x257xf32, #tpu.memory_space<vmem>> -> memref<1x64x256xf32, #tpu.memory_space<vmem>>
    %dma_wait3A_69 = tpu.memref_squeeze %dma_wait3A_68 : memref<1x64x256xf32, #tpu.memory_space<vmem>> -> memref<64x256xf32, #tpu.memory_space<vmem>>
    tpu.wait_dma2 semaphore(%arg10 : memref<!tpu.dma_semaphore, #tpu.memory_space<semaphore_mem>>) src(%dma_wait3A_69 : memref<64x256xf32, #tpu.memory_space<vmem>>) dst(%dma_wait3A_65 : memref<64x256xf32, #tpu.memory_space<hbm>>)
    %add3A_70 = arith.constant 256 : i32
    %add3A_71 = arith.addi %mul3A_2, %add3A_70 : i32
    %dma_wait3A_72 = arith.constant 1 : i32
    %dma_wait3A_73 = arith.constant 49 : i32
    %dma_wait3A_74 = arith.constant 0 : i32
    %dma_wait3A_75 = arith.constant 0 : i32
    %dma_wait3A_76 = tpu.memref_slice %arg7[%dma_wait3A_72, %dma_wait3A_74, %dma_wait3A_75] : memref<2x64x257xf32, #tpu.memory_space<vmem>> -> memref<1x64x256xf32, #tpu.memory_space<vmem>>
    %dma_wait3A_77 = tpu.memref_squeeze %dma_wait3A_76 : memref<1x64x256xf32, #tpu.memory_space<vmem>> -> memref<64x256xf32, #tpu.memory_space<vmem>>
    %dma_wait3A_78 = arith.constant 0 : i32
    %dma_wait3A_79 = tpu.memref_slice %arg4[%dma_wait3A_73, %dma_wait3A_78, %add3A_71] : memref<50x64x16384xf32, #tpu.memory_space<hbm>> -> memref<1x64x256xf32, #tpu.memory_space<hbm>>
    %dma_wait3A_80 = tpu.memref_squeeze %dma_wait3A_79 : memref<1x64x256xf32, #tpu.memory_space<hbm>> -> memref<64x256xf32, #tpu.memory_space<hbm>>
    %dma_wait3A_81 = arith.constant 0 : i32
    %dma_wait3A_82 = tpu.memref_slice %arg4[%dma_wait3A_73, %dma_wait3A_81, %add3A_71] : memref<50x64x16384xf32, #tpu.memory_space<hbm>> -> memref<1x64x256xf32, #tpu.memory_space<hbm>>
    %dma_wait3A_83 = tpu.memref_squeeze %dma_wait3A_82 : memref<1x64x256xf32, #tpu.memory_space<hbm>> -> memref<64x256xf32, #tpu.memory_space<hbm>>
    %dma_wait3A_84 = arith.constant 0 : i32
    %dma_wait3A_85 = arith.constant 0 : i32
    %dma_wait3A_86 = tpu.memref_slice %arg7[%dma_wait3A_72, %dma_wait3A_84, %dma_wait3A_85] : memref<2x64x257xf32, #tpu.memory_space<vmem>> -> memref<1x64x256xf32, #tpu.memory_space<vmem>>
    %dma_wait3A_87 = tpu.memref_squeeze %dma_wait3A_86 : memref<1x64x256xf32, #tpu.memory_space<vmem>> -> memref<64x256xf32, #tpu.memory_space<vmem>>
    tpu.wait_dma2 semaphore(%arg11 : memref<!tpu.dma_semaphore, #tpu.memory_space<semaphore_mem>>) src(%dma_wait3A_87 : memref<64x256xf32, #tpu.memory_space<vmem>>) dst(%dma_wait3A_83 : memref<64x256xf32, #tpu.memory_space<hbm>>)
    return
  }
}

</mosaic_0001>

<sc_bundles>
// kernel: _lookup.3.cloned.1.call-start
scs
__scs_entry_jumppad:
0x0: {  	(pc) =	sbr.rel $0x88, $3  }
0x1: {  	(tag) =	ssettag $0x0;
	lr =	simm.s32 $0x1  }
0x2: {  	[smem:$0x3F9F] =	sst lr;
	_ =	strace $0xD0000000  }
0x3: {  	_ = 	snop  }
0x4: {  	_ = 	snop  }
0x5: {  	_ = 	snop  }
0x6: {  	_ = 	snop  }
0x7: {  	_ = 	snop  }
__scs_overlays_trampoline_lowered:
0x8: {  	[smem:$0x3FAE] =	sst s0  }
0x9: {  	[smem:$0x3FAF] =	sst s1  }
0xa: {  	[smem:$0x3FB0] =	sst s2  }
0xb: {  	[smem:$0x3FB1] =	sst s3  }
0xc: {  	[smem:$0x3FB2] =	sst s4  }
0xd: {  	[smem:$0x3FB3] =	sst s5  }
0xe: {  	[smem:$0x3FB4] =	sst s6  }
0xf: {  	[smem:$0x3FB5] =	sst s7  }
0x10: {  	[smem:$0x3FB6] =	sst s8  }
0x11: {  	[smem:$0x3FB7] =	sst s9;
	s0 =	simm.s32 @!p0 $0x0  }
0x12: {  	s1 =	sld [smem:$0x3F9D];
	s0 =	simm.s32 @p0 $0x1  }
0x13: {  	[smem:$0x3FB8] =	sst s0;
	s0 =	simm.s32 @!p1 $0x0  }
0x14: {  	s2 =	sld [smem:$0x3F9C];
	s0 =	simm.s32 @p1 $0x1  }
0x15: {  	[smem:$0x3FB9] =	sst s0;
	s0 =	simm.s32 @!p2 $0x0  }
0x16: {  	s3 =	sld [smem:$0x3FDB];
	s0 =	simm.s32 @p2 $0x1  }
0x17: {  	s4 =	simm.s32 $0x1BF5;
	[smem:$0x3FBB] =	sst s0  }
0x18: {  	s0 =	sld [smem:$0x3F9E];
	_ =	swait.ge [sflag:s4], $0x0  }
0x19: {  	s7 =	sld [smem:$0x3F9F]  }
0x1a: {  	s8 =	sadd.s32 $0xFFFFE003, lr  }
0x1b: {  	s9 =	sadd.s32 $0xFFFFFEF7, lr;
	s5 =	simm.s32 $0xFFFFFFFF;
	p2 =	slt.u32 s8, $0xFFFFF086  }
0x1c: {  	p1 =	slt.u32 s9, $0xF7A;
	s5 =	simm.s32 @!p2 $0x0  }
0x1d: {  	s5 =	simm.s32 @p1 $0x1;
	p0 =	seq.s32 s7, s2  }
0x1e: {  	s7 =	smul.u32 @!p0 $0xF7A, s2;
	p2 =	seq.s32 @!p0 s5, $0x0  }
0x1f: {  	s9 =	smul.u32 $0xF7A, s1;
	s8 =	simm.s32 @!p0 $0x1BF5;
	p2 =	por !p2, p0  }
0x20: {  	[sflag:s8] =	ssyncset.s32 @!p0 $0xFFFFF086;
	s6 =	sadd.s32 @!p0 s3, s7;
	s7 =	simm.s32 @!p0 $0x108  }
0x21: {  	s3 =	sadd.s32 s3, s9;
	s6 =	sadd.s32 @!p0 $0x88, s6;
	s7 =	simm.s32 @p2 $0x1082  }
0x22: {  	[simem:s7], [sflag:s8] =	dma.local @!p0 [hbm:s6], $0xF7A  }
0x23: {  	s9 =	sor.u32 $0xD0000000, s2;
	s6 =	simm.s32 $0x108;
	_ =	swait.ge @!p0 [sflag:s8], $0x0  }
0x24: {  	s3 =	sadd.s32 $0x88, s3;
	s6 =	simm.s32 @!p1 $0x1082;
	[sflag:s4] =	ssyncset.s32 $0xFFFFF086  }
0x25: {  	[simem:s6], [sflag:s4] =	dma.local [hbm:s3], $0xF7A  }
0x26: {  	[smem:$0x3F9F] =	sst s1;
	(tag) =	ssettag s2;
	_ =	strace s9  }
0x27: {  	s1 =	sld [smem:$0x3FAF]  }
0x28: {  	s2 =	sld [smem:$0x3FB0]  }
0x29: {  	s4 =	sld [smem:$0x3FB2]  }
0x2a: {  	p0 =	seq.s32 s5, $0x0;
	s5 =	sld [smem:$0x3FB3]  }
0x2b: {  	s6 =	sld [smem:$0x3FB4]  }
0x2c: {  	s7 =	sld [smem:$0x3FB5]  }
0x2d: {  	s3 =	simm.s32 $0x108;
	s8 =	sld [smem:$0x3FB6]  }
0x2e: {  	s3 =	simm.s32 @!p0 $0x1082;
	s9 =	sld [smem:$0x3FB7]  }
0x2f: {  	lr =	sadd.s32 s0, s3;
	s0 =	sld [smem:$0x3FAE]  }
0x30: {  	s3 =	sld [smem:$0x3FB1]  }
0x31: {  	[smem:$0x3FBA] =	sst s10  }
0x32: {  	s10 =	sld [smem:$0x3FB8];
	_ =	sdelay $0x3  }
0x33: {  	p0 =	seq.s32 s10, $0x1;
	s10 =	sld [smem:$0x3FBA];
	_ =	sdelay $0x3  }
0x34: {  	[smem:$0x3FBA] =	sst s10  }
0x35: {  	s10 =	sld [smem:$0x3FB9];
	_ =	sdelay $0x3  }
0x36: {  	p1 =	seq.s32 s10, $0x1;
	s10 =	sld [smem:$0x3FBA];
	_ =	sdelay $0x3  }
0x37: {  	[smem:$0x3FBA] =	sst s10  }
0x38: {  	s10 =	sld [smem:$0x3FBB]  }
0x39: {  	_ = 	snop;
	(pc) =	sbr.ind lr, $3  }
0x3a: {  	_ = 	snop  }
0x3b: {  	_ = 	snop  }
0x3c: {  	p2 =	seq.s32 s10, $0x1;
	s10 =	sld [smem:$0x3FBA]  }
0x3d: {  	_ =	shalt  }
0x3e: {  	_ =	shalt  }
0x3f: {  	_ =	shalt  }
0x40: {  	_ =	shalt  }
0x41: {  	_ =	shalt  }
0x42: {  	_ =	shalt  }
0x43: {  	_ =	shalt  }
0x44: {  	_ =	shalt  }
0x45: {  	_ =	shalt  }
0x46: {  	_ =	shalt  }
0x47: {  	_ =	shalt  }
0x48: {  	_ =	shalt  }
0x49: {  	_ =	shalt  }
0x4a: {  	_ =	shalt  }
0x4b: {  	_ =	shalt  }
0x4c: {  	_ =	shalt  }
0x4d: {  	_ =	shalt  }
0x4e: {  	_ =	shalt  }
0x4f: {  	_ =	shalt  }
0x50: {  	_ =	shalt  }
0x51: {  	_ =	shalt  }
0x52: {  	_ =	shalt  }
0x53: {  	_ =	shalt  }
0x54: {  	_ =	shalt  }
0x55: {  	_ =	shalt  }
0x56: {  	_ =	shalt  }
0x57: {  	_ =	shalt  }
0x58: {  	_ =	shalt  }
0x59: {  	_ =	shalt  }
0x5a: {  	_ =	shalt  }
0x5b: {  	_ =	shalt  }
0x5c: {  	_ =	shalt  }
0x5d: {  	_ =	shalt  }
0x5e: {  	_ =	shalt  }
0x5f: {  	_ =	shalt  }
0x60: {  	_ =	shalt  }
0x61: {  	_ =	shalt  }
0x62: {  	_ =	shalt  }
0x63: {  	_ =	shalt  }
0x64: {  	_ =	shalt  }
0x65: {  	_ =	shalt  }
0x66: {  	_ =	shalt  }
0x67: {  	_ =	shalt  }
0x68: {  	_ =	shalt  }
0x69: {  	_ =	shalt  }
0x6a: {  	_ =	shalt  }
0x6b: {  	_ =	shalt  }
0x6c: {  	_ =	shalt  }
0x6d: {  	_ =	shalt  }
0x6e: {  	_ =	shalt  }
0x6f: {  	_ =	shalt  }
0x70: {  	_ =	shalt  }
0x71: {  	_ =	shalt  }
0x72: {  	_ =	shalt  }
0x73: {  	_ =	shalt  }
0x74: {  	_ =	shalt  }
0x75: {  	_ =	shalt  }
0x76: {  	_ =	shalt  }
0x77: {  	_ =	shalt  }
0x78: {  	_ =	shalt  }
0x79: {  	_ =	shalt  }
0x7a: {  	_ =	shalt  }
0x7b: {  	_ =	shalt  }
0x7c: {  	_ =	shalt  }
0x7d: {  	_ =	shalt  }
0x7e: {  	_ =	shalt  }
0x7f: {  	_ =	shalt  }
0x80: {  	_ =	shalt  }
0x81: {  	_ =	shalt  }
0x82: {  	_ =	shalt  }
0x83: {  	_ =	shalt  }
0x84: {  	_ =	shalt  }
0x85: {  	_ =	shalt  }
0x86: {  	_ =	shalt  }
0x87: {  	_ =	shalt  }
.Lfunc_end0:
.L_simem_size_0:
called_computation_lowered:
.L_overlay_start_0:
0x88: {  	s2 =	sld [smem:$0x3FD9]  }
0x89: {  	s3 =	sld [smem:$0x3FFE];
	_ =	sdelay $0x1  }
0x8a: {  	s1 =	srdreg.scid  }
0x8b: {  	s0 =	sand.u32 $0x1, s1  }
0x8c: {  	s17 =	sshll.u32 s0, $0xA;
	s2 =	sadd.s32 s3, s2  }
0x8d: {  	s2 =	sadd.s32 s2, s17  }
0x8e: {  	[smem:$0x3FC6] =	sst s2  }
0x8f: {  	_ = 	snop  }
0x90: {  	s2 =	sld [smem:$0x3FD0];
	(tm) =	ssettm $0x1  }
0x91: {  	s18 =	sld [smem:$0x3FFB];
	_ =	sdelay $0x3  }
0x92: {  	_ =	strace s18  }
0x93: {  	s3 =	sld [smem:$0x3FFC];
	_ =	sdelay $0x3  }
0x94: {  	_ =	strace s3  }
0x95: {  	s3 =	sld [smem:$0x3FFD];
	_ =	sdelay $0x3  }
0x96: {  	_ =	strace s3  }
0x97: {  	_ =	strace $0x8FFFFFFF  }
0x98: {  	s19 =	sld [smem:$0x3FDB];
	_ =	sdelay $0x1  }
0x99: {  	s4 =	simm.s32 $_scs_section_size  }
0x9a: {  	s5 =	simm.s32 $_size__tile_overlayer_lowered;
	s6 =	simm.s32 $_tile_overlayer_lowered  }
0x9b: {  	s22 =	simm.s32 $0x1BFF;
	s21 =	sshll.u32 s6, $0x1;
	s3 =	sadd.s32 s4, s19  }
0x9c: {  	s7 =	simm.s32 $0x0;
	s20 =	sshll.u32 s5, $0x1;
	s5 =	sadd.s32 s21, s3  }
0x9d: {  	[timem:s7], [sflag:s22] =	dma.local [hbm:s5], s20  }
0x9e: {  	_ =	swait.ge [sflag:s22], s20  }
0x9f: {  	s4 =	ssub.s32 $0x0, s20;
	[sflag:s22] =	ssyncset.done $0x0  }
0xa0: {  	[sflag:s22] =	ssyncadd.s32 s4;
	_ =	sdelay $0x1  }
0xa1: {  	s23 =	simm.s32 $0x1B8B  }
0xa2: {  	_ =	swait.ge [sflag:s23], $0x1  }
0xa3: {  	[sflag:s23] =	ssyncset.done $0x0  }
0xa4: {  	s25 =	simm.s32 $0x1B8E;
	s24 =	sld [smem:$0x3FFE];
	[sflag:s23] =	ssyncadd.s32 $0xFFFFFFFF  }
0xa5: {  	s26 =	simm.s32 $execute0_lowered;
	[smem:$0x3FD2] =	sst s25  }
0xa6: {  	s5 =	sshll.u32 s26, $0x1;
	_ =	strace $0x80000046;
	[dreg:$0x1] =	wrdreg $0xFFFFFFFF  }
0xa7: {  	s28 =	simm.s32 $_size_execute0_lowered;
	s3 =	sadd.s32 s3, s5;
	[dreg:$0x0] =	wrdreg $0x0  }
0xa8: {  	s5 =	sshll.u32 s28, $0x1;
	[dreg:$0x2] =	wrdreg s3  }
0xa9: {  	[dreg:$0x3] =	wrdreg s5  }
0xaa: {  	[dreg:$0x4] =	wrdreg $0xC0  }
0xab: {  	_ =	task [dreg:s7], $0x5FFFF  }
0xac: {  	[dreg:$0x1] =	wrdreg $0xFFFFFFFF  }
0xad: {  	[dreg:$0x0] =	wrdreg $0x60  }
0xae: {  	[dreg:$0x2] =	wrdreg s2  }
0xaf: {  	[dreg:$0x3] =	wrdreg s24  }
0xb0: {  	[dreg:$0x4] =	wrdreg $0x9  }
0xb1: {  	_ =	task.clear_ibuf [dreg:s7], $0x5FFFF;
	_ =	strace $0x90000046  }
0xb2: {  	s29 =	simm.s32 $0x9;
	_ =	strace $0x80000048  }
0xb3: {  	_ =	swait.ge [sflag:s29], $0x1  }
0xb4: {  	[sflag:s29] =	ssyncadd.s32 $0xFFFFFFFF  }
0xb5: {  	_ =	strace $0x90000048  }
0xb6: {  	_ =	sfence  }
0xb7: {  	s30 =	sld [smem:$0x0];
	_ =	sdelay $0x2  }
0xb8: {  	s31 =	sshll.u32 s1, $0xD;
	s1 =	sshrl.u32 s1, $0x2  }
0xb9: {  	s3 =	sand.u32 $0x4000, s31;
	s1 =	sadd.s32 s1, s30  }
0xba: {  	s0 =	sor.u32 s3, s0;
	s1 =	sshll.u32 s1, $0x11  }
0xbb: {  	s0 =	sor.u32 s1, s0  }
0xbc: {  	s0 =	sadd.s32 $0x8F2B, s0  }
0xbd: {  	[sflag:s0] =	ssyncadd.remote.s32 $0x1  }
0xbe: {  	_ =	sfence.sel $0xFFFF  }
0xbf: {  	[dreg:$0x0] =	wrdreg $0xFFFFFFFF;
	(pc) =	sbr.abs _section_cstart, $3  }
0xc0: {  	[dreg:$0x1] =	wrdreg $0xFFFFFFFF  }
0xc1: {  	_ =	task.clear_ibuf [dreg:s7], $0x2FFFF;
	_ =	strace $0x9FFFFFFF  }
0xc2: {  	(tm) =	ssettm $0x7FFFFFFF  }
0xc3: {  	_ =	shalt  }
tec
execute0_lowered:
.L_overlay_start_1:
0x0: {  	(tag) =	ssettag $0x1  }
0x1: {  	v0 =	vlaneseq.u32  }
0x2: {  	s6 =	rddreg [dreg:$0x0];
	v0 =	vmul.u32 $0x108, v0  }
0x3: {  	s5 =	rddreg [dreg:$0x1];
	v1 =	vimm.s32 $0x0;
	vm0 =	vcmask $0x300  }
0x4: {  	s0 =	rddreg [dreg:$0x2];
	s1 =	simm.s32 $0x0;
	s3 =	srdreg.scid;
	v1 =	vsel vm0, $0x3, v1;
	v2 =	vadd.s32 $0x1080, v0  }
0x5: {  	s2 =	stileid.u32;
	s9 =	simm.s32 $0x4000;
	s10 =	simm.s32 $0x5;
	v3 =	vadd.s32 $0x2100, v0;
	v4 =	vadd.s32 $0x3180, v0;
	v5 =	vor.u32 $0x1, v0  }
0x6: {  	s11 =	simm.s32 $0x80;
	s12 =	simm.s32 $0x6400;
	s13 =	simm.s32 $0x8400;
	v6 =	vadd.s32 $0x1081, v0;
	v7 =	vadd.s32 $0x2101, v0;
	v8 =	vadd.s32 $0x3181, v0  }
0x7: {  	s14 =	simm.s32 $0x1;
	s15 =	simm.s32 $0xA400;
	s16 =	simm.s32 $0xC400;
	v9 =	vor.u32 $0x2, v0;
	v10 =	vadd.s32 $0x1082, v0;
	v11 =	vadd.s32 $0x2102, v0  }
0x8: {  	s17 =	simm.s32 $0xE400;
	s18 =	simm.s32 $0x2;
	s19 =	simm.s32 $0x4;
	v12 =	vadd.s32 $0x3182, v0;
	v13 =	vor.u32 $0x3, v0;
	v14 =	vadd.s32 $0x1083, v0  }
0x9: {  	s20 =	simm.s32 $0x12600;
	s21 =	simm.s32 $0x3;
	s22 =	simm.s32 $0x0;
	v15 =	vadd.s32 $0x2103, v0;
	v16 =	vadd.s32 $0x3183, v0;
	v17 =	vor.u32 $0x4, v0  }
0xa: {  	[smem:$0x7FF] =	sst s1;
	s3 =	sand.u32 $0x1, s3;
	s4 =	sshll.u32 s2, $0xA;
	v18 =	vadd.s32 $0x1084, v0;
	v19 =	vadd.s32 $0x2104, v0;
	v20 =	vadd.s32 $0x3184, v0  }
0xb: {  	s7 =	ssub.s32 $0x2, s3;
	s3 =	sshll.u32 s3, $0x9;
	_ =	strace $0x80000047;
	v21 =	vor.u32 $0x5, v0;
	v22 =	vadd.s32 $0x1085, v0;
	v23 =	vadd.s32 $0x2105, v0  }
0xc: {  	s8 =	sshrl.u32 s7, $0x1;
	s3 =	sor.u32 s3, s4;
	s4 =	sadd.s32 $0xF42A00, s5;
	v24 =	vadd.s32 $0x3185, v0;
	v25 =	vor.u32 $0x6, v0;
	v26 =	vadd.s32 $0x1086, v0  }
0xd: {  	s5 =	sadd.s32 $0x600, s5;
	v27 =	vadd.s32 $0x2106, v0;
	v28 =	vadd.s32 $0x3186, v0;
	v29 =	vor.u32 $0x7, v0;
	s7 =	ssub.s32 s7, s8;
	s31 =	sshrl.u32 s3, $0x3  }
0xe: {  	v30 =	vadd.s32 $0x1087, v0;
	v31 =	vadd.s32 $0x2107, v0;
	v32 =	vadd.s32 $0x3187, v0;
	s8 =	simm.s32 $0x200;
	s6 =	sadd.s32 s6, s31;
	s7 =	smax.u32 s7, $0x1  }
.LBB2_1:
0xf: {  	[tilespmem:s1], [sflag:$0x5] =	stream.strided.gather [hbm4b:s6+s8], $0x6400, s9, s8, $0x38;
	[tilespmem:$0x16800] =	vst v63  }
0x10: {  	_ =	swait.ge [sflag:s10], $0x6400  }
0x11: {  	[sflag:s10] =	ssyncset.done $0x0  }
0x12: {  	[sflag:s10] =	ssyncadd.s32 $0xFFFF9C00  }
0x13: {  	[tilespmem:s12], [sflag:$0x1] =	stream.indirect.gather [hbm4b:s4+s11], $0x40, s1, s11, $0xb8;
	[tilespmem:$0x16800] =	vst v63  }
0x14: {  	_ = 	snop  }
0x15: {  	[tilespmem:s13], [sflag:$0x1] =	stream.indirect.gather [hbm4b:s4+s11], $0x40, s11, s11, $0xb8;
	[tilespmem:$0x16800] =	vst v63  }
0x16: {  	_ =	swait.ge [sflag:s14], $0x2000  }
0x17: {  	[sflag:s14] =	ssyncset.done $0x0  }
0x18: {  	[sflag:s14] =	ssyncadd.s32 $0xFFFFE000  }
0x19: {  	_ =	swait.ge [sflag:s14], $0x2000  }
0x1a: {  	[sflag:s14] =	ssyncset.done $0x0  }
0x1b: {  	s23 =	simm.s32 $0x0;
	[sflag:s14] =	ssyncadd.s32 $0xFFFFE000  }
.LBB2_2:
0x1c: {  	s24 =	sshll.u32 s23, $0x9  }
0x1d: {  	s24 =	sand.u32 $0x3FFFFE00, s24  }
0x1e: {  	s25 =	sor.u32 $0x100, s24  }
0x1f: {  	[tilespmem:s15], [sflag:$0x2] =	stream.indirect.gather [hbm4b:s4+s11], $0x40, s25, s11, $0xb8;
	[tilespmem:$0x16800] =	vst v63  }
0x20: {  	p0 =	seq.s32 s23, $0x0;
	s24 =	sor.u32 $0x180, s24  }
0x21: {  	[tilespmem:s16], [sflag:$0x2] =	stream.indirect.gather [hbm4b:s4+s11], $0x40, s24, s11, $0xb8;
	[tilespmem:$0x16800] =	vst v63  }
0x22: {  	s24 =	simm.s32 @!p0 $0x3  }
0x23: {  	_ =	swait.ge @!p0 [sflag:s24], $0x4000  }
0x24: {  	[sflag:s24] =	ssyncset.done @!p0 $0x0  }
0x25: {  	s25 =	simm.s32 $0x6600;
	[sflag:s24] =	ssyncadd.s32 @!p0 $0xFFFFC000;
	s24 =	simm.s32 $0x0  }
.LBB2_3:
0x26: {  	v33 =	vmov s24  }
0x27: {  	v33 =	vshrl.u32 v33, $0x3  }
0x28: {  	v33 =	vshll.u32 v33, v1  }
0x29: {  	v34 =	vld [tilespmem:s25+$0xFFFFFE00];
	v33 =	vbroadcast v33, $0x0;
	_ =	sdelay $0x1  }
0x2a: {  	v35 =	vadd.s32 v0, v33;
	_ =	sdelay $0x2  }
0x2b: {  	v34 =	vmul.f32 $8.000000000e+00, v34;
	_ =	sdelay $0x1  }
0x2c: {  	[tilespmem:v35+s17+$0x0] =	vst.idx.msk $0xffff, v34  }
0x2d: {  	v34 =	vld [tilespmem:s25+$0xFFFFFE10];
	_ =	sdelay $0x1  }
0x2e: {  	v43 =	vadd.s32 v2, v33;
	_ =	sdelay $0x2  }
0x2f: {  	v34 =	vmul.f32 $8.000000000e+00, v34;
	_ =	sdelay $0x1  }
0x30: {  	[tilespmem:v43+s17+$0x0] =	vst.idx.msk $0xffff, v34  }
0x31: {  	v34 =	vld [tilespmem:s25+$0xFFFFFE20];
	_ =	sdelay $0x1  }
0x32: {  	v44 =	vadd.s32 v3, v33;
	_ =	sdelay $0x2  }
0x33: {  	v34 =	vmul.f32 $8.000000000e+00, v34;
	_ =	sdelay $0x1  }
0x34: {  	[tilespmem:v44+s17+$0x0] =	vst.idx.msk $0xffff, v34  }
0x35: {  	v34 =	vld [tilespmem:s25+$0xFFFFFE30];
	_ =	sdelay $0x1  }
0x36: {  	v33 =	vadd.s32 v4, v33;
	_ =	sdelay $0x1  }
0x37: {  	s26 =	sadd.s32 $0x1, s24  }
0x38: {  	v45 =	vmov s26;
	v34 =	vmul.f32 $8.000000000e+00, v34  }
0x39: {  	v35 =	vshrl.u32 v45, $0x3  }
0x3a: {  	v46 =	vshll.u32 v35, v1;
	[tilespmem:v33+s17+$0x0] =	vst.idx.msk $0xffff, v34  }
0x3b: {  	v33 =	vbroadcast v46, $0x0;
	v34 =	vld [tilespmem:s25+$0xFFFFFE40];
	_ =	sdelay $0x1  }
0x3c: {  	v47 =	vadd.s32 v5, v33;
	_ =	sdelay $0x2  }
0x3d: {  	v34 =	vmul.f32 $8.000000000e+00, v34;
	_ =	sdelay $0x1  }
0x3e: {  	[tilespmem:v47+s17+$0x0] =	vst.idx.msk $0xffff, v34  }
0x3f: {  	v34 =	vld [tilespmem:s25+$0xFFFFFE50];
	_ =	sdelay $0x1  }
0x40: {  	v48 =	vadd.s32 v6, v33;
	_ =	sdelay $0x2  }
0x41: {  	v34 =	vmul.f32 $8.000000000e+00, v34;
	_ =	sdelay $0x1  }
0x42: {  	[tilespmem:v48+s17+$0x0] =	vst.idx.msk $0xffff, v34  }
0x43: {  	v34 =	vld [tilespmem:s25+$0xFFFFFE60];
	_ =	sdelay $0x1  }
0x44: {  	v49 =	vadd.s32 v7, v33;
	_ =	sdelay $0x2  }
0x45: {  	v34 =	vmul.f32 $8.000000000e+00, v34;
	_ =	sdelay $0x1  }
0x46: {  	[tilespmem:v49+s17+$0x0] =	vst.idx.msk $0xffff, v34  }
0x47: {  	v34 =	vld [tilespmem:s25+$0xFFFFFE70];
	_ =	sdelay $0x1  }
0x48: {  	v33 =	vadd.s32 v8, v33;
	_ =	sdelay $0x1  }
0x49: {  	s30 =	sadd.s32 $0x2, s24  }
0x4a: {  	v50 =	vmov s30;
	v34 =	vmul.f32 $8.000000000e+00, v34  }
0x4b: {  	v35 =	vshrl.u32 v50, $0x3  }
0x4c: {  	v51 =	vshll.u32 v35, v1;
	[tilespmem:v33+s17+$0x0] =	vst.idx.msk $0xffff, v34  }
0x4d: {  	v33 =	vbroadcast v51, $0x0;
	v34 =	vld [tilespmem:s25+$0xFFFFFE80];
	_ =	sdelay $0x1  }
0x4e: {  	v52 =	vadd.s32 v9, v33;
	_ =	sdelay $0x2  }
0x4f: {  	v34 =	vmul.f32 $8.000000000e+00, v34;
	_ =	sdelay $0x1  }
0x50: {  	[tilespmem:v52+s17+$0x0] =	vst.idx.msk $0xffff, v34  }
0x51: {  	v34 =	vld [tilespmem:s25+$0xFFFFFE90];
	_ =	sdelay $0x1  }
0x52: {  	v53 =	vadd.s32 v10, v33;
	_ =	sdelay $0x2  }
0x53: {  	v34 =	vmul.f32 $8.000000000e+00, v34;
	_ =	sdelay $0x1  }
0x54: {  	[tilespmem:v53+s17+$0x0] =	vst.idx.msk $0xffff, v34  }
0x55: {  	v34 =	vld [tilespmem:s25+$0xFFFFFEA0];
	_ =	sdelay $0x1  }
0x56: {  	v54 =	vadd.s32 v11, v33;
	_ =	sdelay $0x2  }
0x57: {  	v34 =	vmul.f32 $8.000000000e+00, v34;
	_ =	sdelay $0x1  }
0x58: {  	[tilespmem:v54+s17+$0x0] =	vst.idx.msk $0xffff, v34  }
0x59: {  	v34 =	vld [tilespmem:s25+$0xFFFFFEB0];
	_ =	sdelay $0x1  }
0x5a: {  	v33 =	vadd.s32 v12, v33;
	_ =	sdelay $0x1  }
0x5b: {  	s31 =	sadd.s32 $0x3, s24  }
0x5c: {  	v55 =	vmov s31;
	v34 =	vmul.f32 $8.000000000e+00, v34  }
0x5d: {  	v35 =	vshrl.u32 v55, $0x3  }
0x5e: {  	v56 =	vshll.u32 v35, v1;
	[tilespmem:v33+s17+$0x0] =	vst.idx.msk $0xffff, v34  }
0x5f: {  	v33 =	vbroadcast v56, $0x0;
	v34 =	vld [tilespmem:s25+$0xFFFFFEC0];
	_ =	sdelay $0x1  }
0x60: {  	v57 =	vadd.s32 v13, v33;
	_ =	sdelay $0x2  }
0x61: {  	v34 =	vmul.f32 $8.000000000e+00, v34;
	_ =	sdelay $0x1  }
0x62: {  	[tilespmem:v57+s17+$0x0] =	vst.idx.msk $0xffff, v34  }
0x63: {  	v34 =	vld [tilespmem:s25+$0xFFFFFED0];
	_ =	sdelay $0x1  }
0x64: {  	v58 =	vadd.s32 v14, v33;
	_ =	sdelay $0x2  }
0x65: {  	v34 =	vmul.f32 $8.000000000e+00, v34;
	_ =	sdelay $0x1  }
0x66: {  	[tilespmem:v58+s17+$0x0] =	vst.idx.msk $0xffff, v34  }
0x67: {  	v34 =	vld [tilespmem:s25+$0xFFFFFEE0];
	_ =	sdelay $0x1  }
0x68: {  	v59 =	vadd.s32 v15, v33;
	_ =	sdelay $0x2  }
0x69: {  	v34 =	vmul.f32 $8.000000000e+00, v34;
	_ =	sdelay $0x1  }
0x6a: {  	[tilespmem:v59+s17+$0x0] =	vst.idx.msk $0xffff, v34  }
0x6b: {  	v34 =	vld [tilespmem:s25+$0xFFFFFEF0];
	_ =	sdelay $0x1  }
0x6c: {  	v33 =	vadd.s32 v16, v33;
	_ =	sdelay $0x1  }
0x6d: {  	s28 =	sadd.s32 $0x4, s24  }
0x6e: {  	v60 =	vmov s28;
	v34 =	vmul.f32 $8.000000000e+00, v34  }
0x6f: {  	v35 =	vshrl.u32 v60, $0x3  }
0x70: {  	v61 =	vshll.u32 v35, v1;
	[tilespmem:v33+s17+$0x0] =	vst.idx.msk $0xffff, v34  }
0x71: {  	v33 =	vbroadcast v61, $0x0;
	v34 =	vld [tilespmem:s25+$0xFFFFFF00];
	_ =	sdelay $0x1  }
0x72: {  	v62 =	vadd.s32 v17, v33;
	_ =	sdelay $0x2  }
0x73: {  	v34 =	vmul.f32 $8.000000000e+00, v34;
	_ =	sdelay $0x1  }
0x74: {  	[tilespmem:v62+s17+$0x0] =	vst.idx.msk $0xffff, v34  }
0x75: {  	v34 =	vld [tilespmem:s25+$0xFFFFFF10];
	_ =	sdelay $0x1  }
0x76: {  	v63 =	vadd.s32 v18, v33;
	_ =	sdelay $0x2  }
0x77: {  	v34 =	vmul.f32 $8.000000000e+00, v34;
	_ =	sdelay $0x1  }
0x78: {  	[tilespmem:v63+s17+$0x0] =	vst.idx.msk $0xffff, v34  }
0x79: {  	v34 =	vld [tilespmem:s25+$0xFFFFFF20];
	_ =	sdelay $0x1  }
0x7a: {  	v36 =	vadd.s32 v19, v33;
	_ =	sdelay $0x2  }
0x7b: {  	v34 =	vmul.f32 $8.000000000e+00, v34;
	_ =	sdelay $0x1  }
0x7c: {  	[tilespmem:v36+s17+$0x0] =	vst.idx.msk $0xffff, v34  }
0x7d: {  	v34 =	vld [tilespmem:s25+$0xFFFFFF30];
	_ =	sdelay $0x1  }
0x7e: {  	v33 =	vadd.s32 v20, v33;
	_ =	sdelay $0x1  }
0x7f: {  	s29 =	sadd.s32 $0x5, s24  }
0x80: {  	v37 =	vmov s29;
	v34 =	vmul.f32 $8.000000000e+00, v34  }
0x81: {  	v35 =	vshrl.u32 v37, $0x3  }
0x82: {  	v38 =	vshll.u32 v35, v1;
	[tilespmem:v33+s17+$0x0] =	vst.idx.msk $0xffff, v34  }
0x83: {  	v33 =	vbroadcast v38, $0x0;
	v34 =	vld [tilespmem:s25+$0xFFFFFF40];
	_ =	sdelay $0x1  }
0x84: {  	v39 =	vadd.s32 v21, v33;
	_ =	sdelay $0x2  }
0x85: {  	v34 =	vmul.f32 $8.000000000e+00, v34;
	_ =	sdelay $0x1  }
0x86: {  	[tilespmem:v39+s17+$0x0] =	vst.idx.msk $0xffff, v34  }
0x87: {  	v34 =	vld [tilespmem:s25+$0xFFFFFF50];
	_ =	sdelay $0x1  }
0x88: {  	v40 =	vadd.s32 v22, v33;
	_ =	sdelay $0x2  }
0x89: {  	v34 =	vmul.f32 $8.000000000e+00, v34;
	_ =	sdelay $0x1  }
0x8a: {  	[tilespmem:v40+s17+$0x0] =	vst.idx.msk $0xffff, v34  }
0x8b: {  	v34 =	vld [tilespmem:s25+$0xFFFFFF60];
	_ =	sdelay $0x1  }
0x8c: {  	v41 =	vadd.s32 v23, v33;
	_ =	sdelay $0x2  }
0x8d: {  	v34 =	vmul.f32 $8.000000000e+00, v34;
	_ =	sdelay $0x1  }
0x8e: {  	[tilespmem:v41+s17+$0x0] =	vst.idx.msk $0xffff, v34  }
0x8f: {  	v34 =	vld [tilespmem:s25+$0xFFFFFF70];
	_ =	sdelay $0x1  }
0x90: {  	v33 =	vadd.s32 v24, v33;
	_ =	sdelay $0x1  }
0x91: {  	s30 =	sadd.s32 $0x6, s24  }
0x92: {  	v42 =	vmov s30;
	v34 =	vmul.f32 $8.000000000e+00, v34  }
0x93: {  	v35 =	vshrl.u32 v42, $0x3  }
0x94: {  	v43 =	vshll.u32 v35, v1;
	[tilespmem:v33+s17+$0x0] =	vst.idx.msk $0xffff, v34  }
0x95: {  	v33 =	vbroadcast v43, $0x0;
	v34 =	vld [tilespmem:s25+$0xFFFFFF80];
	_ =	sdelay $0x1  }
0x96: {  	v44 =	vadd.s32 v25, v33;
	_ =	sdelay $0x2  }
0x97: {  	v34 =	vmul.f32 $8.000000000e+00, v34;
	_ =	sdelay $0x1  }
0x98: {  	[tilespmem:v44+s17+$0x0] =	vst.idx.msk $0xffff, v34  }
0x99: {  	v34 =	vld [tilespmem:s25+$0xFFFFFF90];
	_ =	sdelay $0x1  }
0x9a: {  	v45 =	vadd.s32 v26, v33;
	_ =	sdelay $0x2  }
0x9b: {  	v34 =	vmul.f32 $8.000000000e+00, v34;
	_ =	sdelay $0x1  }
0x9c: {  	[tilespmem:v45+s17+$0x0] =	vst.idx.msk $0xffff, v34  }
0x9d: {  	v34 =	vld [tilespmem:s25+$0xFFFFFFA0];
	_ =	sdelay $0x1  }
0x9e: {  	v46 =	vadd.s32 v27, v33;
	_ =	sdelay $0x2  }
0x9f: {  	v34 =	vmul.f32 $8.000000000e+00, v34;
	_ =	sdelay $0x1  }
0xa0: {  	[tilespmem:v46+s17+$0x0] =	vst.idx.msk $0xffff, v34  }
0xa1: {  	v34 =	vld [tilespmem:s25+$0xFFFFFFB0];
	_ =	sdelay $0x1  }
0xa2: {  	v33 =	vadd.s32 v28, v33;
	_ =	sdelay $0x1  }
0xa3: {  	s31 =	sadd.s32 $0x7, s24  }
0xa4: {  	v47 =	vmov s31;
	v34 =	vmul.f32 $8.000000000e+00, v34  }
0xa5: {  	v35 =	vshrl.u32 v47, $0x3  }
0xa6: {  	v48 =	vshll.u32 v35, v1;
	[tilespmem:v33+s17+$0x0] =	vst.idx.msk $0xffff, v34  }
0xa7: {  	v33 =	vbroadcast v48, $0x0;
	v34 =	vld [tilespmem:s25+$0xFFFFFFC0];
	_ =	sdelay $0x1  }
0xa8: {  	v49 =	vadd.s32 v29, v33;
	_ =	sdelay $0x2  }
0xa9: {  	v34 =	vmul.f32 $8.000000000e+00, v34;
	_ =	sdelay $0x1  }
0xaa: {  	[tilespmem:v49+s17+$0x0] =	vst.idx.msk $0xffff, v34  }
0xab: {  	v34 =	vld [tilespmem:s25+$0xFFFFFFD0];
	_ =	sdelay $0x1  }
0xac: {  	v50 =	vadd.s32 v30, v33;
	_ =	sdelay $0x2  }
0xad: {  	v34 =	vmul.f32 $8.000000000e+00, v34;
	_ =	sdelay $0x1  }
0xae: {  	[tilespmem:v50+s17+$0x0] =	vst.idx.msk $0xffff, v34  }
0xaf: {  	v34 =	vld [tilespmem:s25+$0xFFFFFFE0];
	_ =	sdelay $0x1  }
0xb0: {  	v51 =	vadd.s32 v31, v33;
	_ =	sdelay $0x2  }
0xb1: {  	v34 =	vmul.f32 $8.000000000e+00, v34;
	_ =	sdelay $0x1  }
0xb2: {  	[tilespmem:v51+s17+$0x0] =	vst.idx.msk $0xffff, v34  }
0xb3: {  	v34 =	vld [tilespmem:s25+$0xFFFFFFF0];
	_ =	sdelay $0x1  }
0xb4: {  	v33 =	vadd.s32 v32, v33;
	_ =	sdelay $0x1  }
0xb5: {  	s28 =	sadd.s32 $0x8, s24  }
0xb6: {  	v52 =	vmov s28;
	v34 =	vmul.f32 $8.000000000e+00, v34  }
0xb7: {  	v35 =	vshrl.u32 v52, $0x3  }
0xb8: {  	v53 =	vshll.u32 v35, v1;
	[tilespmem:v33+s17+$0x0] =	vst.idx.msk $0xffff, v34  }
0xb9: {  	v33 =	vbroadcast v53, $0x0;
	v34 =	vld [tilespmem:s25+$0x0];
	_ =	sdelay $0x1  }
0xba: {  	v54 =	vadd.s32 v0, v33;
	_ =	sdelay $0x2  }
0xbb: {  	v34 =	vmul.f32 $8.000000000e+00, v34;
	_ =	sdelay $0x1  }
0xbc: {  	[tilespmem:v54+s17+$0x0] =	vst.idx.msk $0xffff, v34  }
0xbd: {  	v34 =	vld [tilespmem:s25+$0x10];
	_ =	sdelay $0x1  }
0xbe: {  	v55 =	vadd.s32 v2, v33;
	_ =	sdelay $0x2  }
0xbf: {  	v34 =	vmul.f32 $8.000000000e+00, v34;
	_ =	sdelay $0x1  }
0xc0: {  	[tilespmem:v55+s17+$0x0] =	vst.idx.msk $0xffff, v34  }
0xc1: {  	v34 =	vld [tilespmem:s25+$0x20];
	_ =	sdelay $0x1  }
0xc2: {  	v56 =	vadd.s32 v3, v33;
	_ =	sdelay $0x2  }
0xc3: {  	v34 =	vmul.f32 $8.000000000e+00, v34;
	_ =	sdelay $0x1  }
0xc4: {  	[tilespmem:v56+s17+$0x0] =	vst.idx.msk $0xffff, v34  }
0xc5: {  	v34 =	vld [tilespmem:s25+$0x30];
	_ =	sdelay $0x1  }
0xc6: {  	v33 =	vadd.s32 v4, v33;
	_ =	sdelay $0x1  }
0xc7: {  	s29 =	sadd.s32 $0x9, s24  }
0xc8: {  	v57 =	vmov s29;
	v34 =	vmul.f32 $8.000000000e+00, v34  }
0xc9: {  	v35 =	vshrl.u32 v57, $0x3  }
0xca: {  	v58 =	vshll.u32 v35, v1;
	[tilespmem:v33+s17+$0x0] =	vst.idx.msk $0xffff, v34  }
0xcb: {  	v33 =	vbroadcast v58, $0x0;
	v34 =	vld [tilespmem:s25+$0x40];
	_ =	sdelay $0x1  }
0xcc: {  	v59 =	vadd.s32 v5, v33;
	_ =	sdelay $0x2  }
0xcd: {  	v34 =	vmul.f32 $8.000000000e+00, v34;
	_ =	sdelay $0x1  }
0xce: {  	[tilespmem:v59+s17+$0x0] =	vst.idx.msk $0xffff, v34  }
0xcf: {  	v34 =	vld [tilespmem:s25+$0x50];
	_ =	sdelay $0x1  }
0xd0: {  	v60 =	vadd.s32 v6, v33;
	_ =	sdelay $0x2  }
0xd1: {  	v34 =	vmul.f32 $8.000000000e+00, v34;
	_ =	sdelay $0x1  }
0xd2: {  	[tilespmem:v60+s17+$0x0] =	vst.idx.msk $0xffff, v34  }
0xd3: {  	v34 =	vld [tilespmem:s25+$0x60];
	_ =	sdelay $0x1  }
0xd4: {  	v61 =	vadd.s32 v7, v33;
	_ =	sdelay $0x2  }
0xd5: {  	v34 =	vmul.f32 $8.000000000e+00, v34;
	_ =	sdelay $0x1  }
0xd6: {  	[tilespmem:v61+s17+$0x0] =	vst.idx.msk $0xffff, v34  }
0xd7: {  	v34 =	vld [tilespmem:s25+$0x70];
	_ =	sdelay $0x1  }
0xd8: {  	v33 =	vadd.s32 v8, v33;
	_ =	sdelay $0x1  }
0xd9: {  	s30 =	sadd.s32 $0xA, s24  }
0xda: {  	v62 =	vmov s30;
	v34 =	vmul.f32 $8.000000000e+00, v34  }
0xdb: {  	v35 =	vshrl.u32 v62, $0x3  }
0xdc: {  	v63 =	vshll.u32 v35, v1;
	[tilespmem:v33+s17+$0x0] =	vst.idx.msk $0xffff, v34  }
0xdd: {  	v33 =	vbroadcast v63, $0x0;
	v34 =	vld [tilespmem:s25+$0x80];
	_ =	sdelay $0x1  }
0xde: {  	v36 =	vadd.s32 v9, v33;
	_ =	sdelay $0x2  }
0xdf: {  	v34 =	vmul.f32 $8.000000000e+00, v34;
	_ =	sdelay $0x1  }
0xe0: {  	[tilespmem:v36+s17+$0x0] =	vst.idx.msk $0xffff, v34  }
0xe1: {  	v34 =	vld [tilespmem:s25+$0x90];
	_ =	sdelay $0x1  }
0xe2: {  	v37 =	vadd.s32 v10, v33;
	_ =	sdelay $0x2  }
0xe3: {  	v34 =	vmul.f32 $8.000000000e+00, v34;
	_ =	sdelay $0x1  }
0xe4: {  	[tilespmem:v37+s17+$0x0] =	vst.idx.msk $0xffff, v34  }
0xe5: {  	v34 =	vld [tilespmem:s25+$0xA0];
	_ =	sdelay $0x1  }
0xe6: {  	v38 =	vadd.s32 v11, v33;
	_ =	sdelay $0x2  }
0xe7: {  	v34 =	vmul.f32 $8.000000000e+00, v34;
	_ =	sdelay $0x1  }
0xe8: {  	[tilespmem:v38+s17+$0x0] =	vst.idx.msk $0xffff, v34  }
0xe9: {  	v34 =	vld [tilespmem:s25+$0xB0];
	_ =	sdelay $0x1  }
0xea: {  	v33 =	vadd.s32 v12, v33;
	_ =	sdelay $0x1  }
0xeb: {  	s31 =	sadd.s32 $0xB, s24  }
0xec: {  	v39 =	vmov s31;
	v34 =	vmul.f32 $8.000000000e+00, v34  }
0xed: {  	v35 =	vshrl.u32 v39, $0x3  }
0xee: {  	v40 =	vshll.u32 v35, v1;
	[tilespmem:v33+s17+$0x0] =	vst.idx.msk $0xffff, v34  }
0xef: {  	v33 =	vbroadcast v40, $0x0;
	v34 =	vld [tilespmem:s25+$0xC0];
	_ =	sdelay $0x1  }
0xf0: {  	v41 =	vadd.s32 v13, v33;
	_ =	sdelay $0x2  }
0xf1: {  	v34 =	vmul.f32 $8.000000000e+00, v34;
	_ =	sdelay $0x1  }
0xf2: {  	[tilespmem:v41+s17+$0x0] =	vst.idx.msk $0xffff, v34  }
0xf3: {  	v34 =	vld [tilespmem:s25+$0xD0];
	_ =	sdelay $0x1  }
0xf4: {  	v42 =	vadd.s32 v14, v33;
	_ =	sdelay $0x2  }
0xf5: {  	v34 =	vmul.f32 $8.000000000e+00, v34;
	_ =	sdelay $0x1  }
0xf6: {  	[tilespmem:v42+s17+$0x0] =	vst.idx.msk $0xffff, v34  }
0xf7: {  	v34 =	vld [tilespmem:s25+$0xE0];
	_ =	sdelay $0x1  }
0xf8: {  	v43 =	vadd.s32 v15, v33;
	_ =	sdelay $0x2  }
0xf9: {  	v34 =	vmul.f32 $8.000000000e+00, v34;
	_ =	sdelay $0x1  }
0xfa: {  	[tilespmem:v43+s17+$0x0] =	vst.idx.msk $0xffff, v34  }
0xfb: {  	v34 =	vld [tilespmem:s25+$0xF0];
	_ =	sdelay $0x1  }
0xfc: {  	v33 =	vadd.s32 v16, v33;
	_ =	sdelay $0x1  }
0xfd: {  	s28 =	sadd.s32 $0xC, s24  }
0xfe: {  	v44 =	vmov s28;
	v34 =	vmul.f32 $8.000000000e+00, v34  }
0xff: {  	v35 =	vshrl.u32 v44, $0x3  }
0x100: {  	v45 =	vshll.u32 v35, v1;
	[tilespmem:v33+s17+$0x0] =	vst.idx.msk $0xffff, v34  }
0x101: {  	v33 =	vbroadcast v45, $0x0;
	v34 =	vld [tilespmem:s25+$0x100];
	_ =	sdelay $0x1  }
0x102: {  	v46 =	vadd.s32 v17, v33;
	_ =	sdelay $0x2  }
0x103: {  	v34 =	vmul.f32 $8.000000000e+00, v34;
	_ =	sdelay $0x1  }
0x104: {  	[tilespmem:v46+s17+$0x0] =	vst.idx.msk $0xffff, v34  }
0x105: {  	v34 =	vld [tilespmem:s25+$0x110];
	_ =	sdelay $0x1  }
0x106: {  	v47 =	vadd.s32 v18, v33;
	_ =	sdelay $0x2  }
0x107: {  	v34 =	vmul.f32 $8.000000000e+00, v34;
	_ =	sdelay $0x1  }
0x108: {  	[tilespmem:v47+s17+$0x0] =	vst.idx.msk $0xffff, v34  }
0x109: {  	v34 =	vld [tilespmem:s25+$0x120];
	_ =	sdelay $0x1  }
0x10a: {  	v48 =	vadd.s32 v19, v33;
	_ =	sdelay $0x2  }
0x10b: {  	v34 =	vmul.f32 $8.000000000e+00, v34;
	_ =	sdelay $0x1  }
0x10c: {  	[tilespmem:v48+s17+$0x0] =	vst.idx.msk $0xffff, v34  }
0x10d: {  	v34 =	vld [tilespmem:s25+$0x130];
	_ =	sdelay $0x1  }
0x10e: {  	v33 =	vadd.s32 v20, v33;
	_ =	sdelay $0x1  }
0x10f: {  	s29 =	sadd.s32 $0xD, s24  }
0x110: {  	v49 =	vmov s29;
	v34 =	vmul.f32 $8.000000000e+00, v34  }
0x111: {  	v35 =	vshrl.u32 v49, $0x3  }
0x112: {  	v50 =	vshll.u32 v35, v1;
	[tilespmem:v33+s17+$0x0] =	vst.idx.msk $0xffff, v34  }
0x113: {  	v33 =	vbroadcast v50, $0x0;
	v34 =	vld [tilespmem:s25+$0x140];
	_ =	sdelay $0x1  }
0x114: {  	v51 =	vadd.s32 v21, v33;
	_ =	sdelay $0x2  }
0x115: {  	v34 =	vmul.f32 $8.000000000e+00, v34;
	_ =	sdelay $0x1  }
0x116: {  	[tilespmem:v51+s17+$0x0] =	vst.idx.msk $0xffff, v34  }
0x117: {  	v34 =	vld [tilespmem:s25+$0x150];
	_ =	sdelay $0x1  }
0x118: {  	v52 =	vadd.s32 v22, v33;
	_ =	sdelay $0x2  }
0x119: {  	v34 =	vmul.f32 $8.000000000e+00, v34;
	_ =	sdelay $0x1  }
0x11a: {  	[tilespmem:v52+s17+$0x0] =	vst.idx.msk $0xffff, v34  }
0x11b: {  	v34 =	vld [tilespmem:s25+$0x160];
	_ =	sdelay $0x1  }
0x11c: {  	v53 =	vadd.s32 v23, v33;
	_ =	sdelay $0x2  }
0x11d: {  	v34 =	vmul.f32 $8.000000000e+00, v34;
	_ =	sdelay $0x1  }
0x11e: {  	[tilespmem:v53+s17+$0x0] =	vst.idx.msk $0xffff, v34  }
0x11f: {  	v34 =	vld [tilespmem:s25+$0x170];
	_ =	sdelay $0x1  }
0x120: {  	v33 =	vadd.s32 v24, v33;
	_ =	sdelay $0x1  }
0x121: {  	s30 =	sadd.s32 $0xE, s24  }
0x122: {  	v54 =	vmov s30;
	v34 =	vmul.f32 $8.000000000e+00, v34  }
0x123: {  	v35 =	vshrl.u32 v54, $0x3  }
0x124: {  	v55 =	vshll.u32 v35, v1;
	[tilespmem:v33+s17+$0x0] =	vst.idx.msk $0xffff, v34  }
0x125: {  	v33 =	vbroadcast v55, $0x0;
	v34 =	vld [tilespmem:s25+$0x180];
	_ =	sdelay $0x1  }
0x126: {  	v56 =	vadd.s32 v25, v33;
	_ =	sdelay $0x2  }
0x127: {  	v34 =	vmul.f32 $8.000000000e+00, v34;
	_ =	sdelay $0x1  }
0x128: {  	[tilespmem:v56+s17+$0x0] =	vst.idx.msk $0xffff, v34  }
0x129: {  	v34 =	vld [tilespmem:s25+$0x190];
	_ =	sdelay $0x1  }
0x12a: {  	v57 =	vadd.s32 v26, v33;
	_ =	sdelay $0x2  }
0x12b: {  	v34 =	vmul.f32 $8.000000000e+00, v34;
	_ =	sdelay $0x1  }
0x12c: {  	[tilespmem:v57+s17+$0x0] =	vst.idx.msk $0xffff, v34  }
0x12d: {  	v34 =	vld [tilespmem:s25+$0x1A0];
	_ =	sdelay $0x1  }
0x12e: {  	v58 =	vadd.s32 v27, v33;
	_ =	sdelay $0x2  }
0x12f: {  	v34 =	vmul.f32 $8.000000000e+00, v34;
	_ =	sdelay $0x1  }
0x130: {  	[tilespmem:v58+s17+$0x0] =	vst.idx.msk $0xffff, v34  }
0x131: {  	v34 =	vld [tilespmem:s25+$0x1B0];
	_ =	sdelay $0x1  }
0x132: {  	v33 =	vadd.s32 v28, v33;
	_ =	sdelay $0x1  }
0x133: {  	s31 =	sadd.s32 $0xF, s24  }
0x134: {  	v59 =	vmov s31;
	v34 =	vmul.f32 $8.000000000e+00, v34  }
0x135: {  	v35 =	vshrl.u32 v59, $0x3  }
0x136: {  	v60 =	vshll.u32 v35, v1;
	[tilespmem:v33+s17+$0x0] =	vst.idx.msk $0xffff, v34  }
0x137: {  	v33 =	vbroadcast v60, $0x0;
	v34 =	vld [tilespmem:s25+$0x1C0];
	_ =	sdelay $0x1  }
0x138: {  	v61 =	vadd.s32 v29, v33;
	_ =	sdelay $0x2  }
0x139: {  	v34 =	vmul.f32 $8.000000000e+00, v34;
	_ =	sdelay $0x1  }
0x13a: {  	[tilespmem:v61+s17+$0x0] =	vst.idx.msk $0xffff, v34  }
0x13b: {  	v34 =	vld [tilespmem:s25+$0x1D0];
	_ =	sdelay $0x1  }
0x13c: {  	v62 =	vadd.s32 v30, v33;
	_ =	sdelay $0x2  }
0x13d: {  	v34 =	vmul.f32 $8.000000000e+00, v34;
	_ =	sdelay $0x1  }
0x13e: {  	[tilespmem:v62+s17+$0x0] =	vst.idx.msk $0xffff, v34  }
0x13f: {  	v34 =	vld [tilespmem:s25+$0x1E0];
	_ =	sdelay $0x1  }
0x140: {  	v63 =	vadd.s32 v31, v33;
	_ =	sdelay $0x2  }
0x141: {  	v34 =	vmul.f32 $8.000000000e+00, v34;
	_ =	sdelay $0x1  }
0x142: {  	[tilespmem:v63+s17+$0x0] =	vst.idx.msk $0xffff, v34  }
0x143: {  	v34 =	vld [tilespmem:s25+$0x1F0];
	_ =	sdelay $0x1  }
0x144: {  	p1 =	slt.u32 s24, $0xF0;
	v33 =	vadd.s32 v32, v33  }
.Ltmp0:
0x145: {  	_ = 	snop;
	(pc) =	sbr.rel @p1 .LBB2_3-.Ltmp0, $3  }
0x146: {  	_ = 	snop  }
0x147: {  	v34 =	vmul.f32 $8.000000000e+00, v34;
	_ =	sdelay $0x1  }
0x148: {  	s24 =	sadd.s32 $0x10, s24;
	s25 =	sadd.s32 $0x400, s25;
	[tilespmem:v33+s17+$0x0] =	vst.idx.msk $0xffff, v34  }
0x149: {  	s24 =	sshll.u32 s23, $0x14  }
0x14a: {  	s24 =	sor.u32 s3, s24  }
0x14b: {  	s24 =	sshrl.u32 s24, $0x3  }
0x14c: {  	s26 =	simm.s32 $0xE400;
	s25 =	sadd.s32 s5, s24  }
0x14d: {  	[hbm4b:s25+s1] =	stream.linear.scatter [tilespmem:s26], [sflag:$0x3], $0x100, $0x38;
	[tilespmem:$0x16800] =	vst v63  }
0x14e: {  	s26 =	simm.s32 $0x420  }
.LBB2_5:
0x14f: {  	p1 =	sne.s32 s26, $0x103E0  }
.Ltmp1:
0x150: {  	_ = 	snop;
	(pc) =	sbr.rel @p1 .LBB2_5-.Ltmp1, $4  }
0x151: {  	_ = 	snop  }
0x152: {  	s28 =	sshra.s32 s26, $0x2;
	s26 =	sadd.s32 $0x420, s26  }
0x153: {  	s25 =	sadd.s32 $0x800, s25;
	s28 =	sadd.s32 $0xE400, s28  }
0x154: {  	[hbm4b:s25+s1] =	stream.linear.scatter [tilespmem:s28], [sflag:$0x3], $0x100, $0x38;
	[tilespmem:$0x16800] =	vst v63  }
0x155: {  	_ =	swait.ge [sflag:s18], $0x2000;
	p1 =	seq.s32 s23, $0x31  }
.Ltmp2:
0x156: {  	[sflag:s18] =	ssyncset.done $0x0;
	(pc) =	sbr.rel @p1 .LBB2_12-.Ltmp2, $4  }
0x157: {  	[sflag:s18] =	ssyncadd.s32 $0xFFFFE000  }
0x158: {  	_ =	swait.ge [sflag:s18], $0x2000  }
0x159: {  	[sflag:s18] =	ssyncset.done $0x0  }
0x15a: {  	[sflag:s18] =	ssyncadd.s32 $0xFFFFE000  }
0x15b: {  	s23 =	sadd.s32 $0x1, s23  }
0x15c: {  	s25 =	sshll.u32 s23, $0x9  }
0x15d: {  	s25 =	sand.u32 $0x3FFFFE00, s25  }
0x15e: {  	[tilespmem:s12], [sflag:$0x1] =	stream.indirect.gather [hbm4b:s4+s11], $0x40, s25, s11, $0xb8;
	[tilespmem:$0x16800] =	vst v63  }
0x15f: {  	s25 =	sor.u32 $0x80, s25  }
0x160: {  	[tilespmem:s13], [sflag:$0x1] =	stream.indirect.gather [hbm4b:s4+s11], $0x40, s25, s11, $0xb8;
	[tilespmem:$0x16800] =	vst v63  }
0x161: {  	s25 =	simm.s32 @!p0 $0x4  }
0x162: {  	_ =	swait.ge @!p0 [sflag:s25], $0x4000  }
0x163: {  	[sflag:s25] =	ssyncset.done @!p0 $0x0  }
0x164: {  	s26 =	simm.s32 $0xA7F0;
	[sflag:s25] =	ssyncadd.s32 @!p0 $0xFFFFC000;
	s25 =	simm.s32 $0x0  }
.LBB2_8:
0x165: {  	v33 =	vmov s25  }
0x166: {  	v33 =	vshrl.u32 v33, $0x3  }
0x167: {  	v33 =	vshll.u32 v33, v1  }
0x168: {  	v34 =	vld [tilespmem:s26+$0xFFFFFC10];
	v33 =	vbroadcast v33, $0x0;
	_ =	sdelay $0x1  }
0x169: {  	v35 =	vadd.s32 v0, v33;
	_ =	sdelay $0x2  }
0x16a: {  	v34 =	vmul.f32 $8.000000000e+00, v34;
	_ =	sdelay $0x1  }
0x16b: {  	[tilespmem:v35+s20+$0x0] =	vst.idx.msk $0xffff, v34  }
0x16c: {  	v34 =	vld [tilespmem:s26+$0xFFFFFC20];
	_ =	sdelay $0x1  }
0x16d: {  	v43 =	vadd.s32 v2, v33;
	_ =	sdelay $0x2  }
0x16e: {  	v34 =	vmul.f32 $8.000000000e+00, v34;
	_ =	sdelay $0x1  }
0x16f: {  	[tilespmem:v43+s20+$0x0] =	vst.idx.msk $0xffff, v34  }
0x170: {  	v34 =	vld [tilespmem:s26+$0xFFFFFC30];
	_ =	sdelay $0x1  }
0x171: {  	v44 =	vadd.s32 v3, v33;
	_ =	sdelay $0x2  }
0x172: {  	v34 =	vmul.f32 $8.000000000e+00, v34;
	_ =	sdelay $0x1  }
0x173: {  	[tilespmem:v44+s20+$0x0] =	vst.idx.msk $0xffff, v34  }
0x174: {  	v34 =	vld [tilespmem:s26+$0xFFFFFC40];
	_ =	sdelay $0x1  }
0x175: {  	v33 =	vadd.s32 v4, v33;
	_ =	sdelay $0x1  }
0x176: {  	s28 =	sadd.s32 $0x1, s25  }
0x177: {  	v45 =	vmov s28;
	v34 =	vmul.f32 $8.000000000e+00, v34  }
0x178: {  	v35 =	vshrl.u32 v45, $0x3  }
0x179: {  	v46 =	vshll.u32 v35, v1;
	[tilespmem:v33+s20+$0x0] =	vst.idx.msk $0xffff, v34  }
0x17a: {  	v33 =	vbroadcast v46, $0x0;
	v34 =	vld [tilespmem:s26+$0xFFFFFC50];
	_ =	sdelay $0x1  }
0x17b: {  	v47 =	vadd.s32 v5, v33;
	_ =	sdelay $0x2  }
0x17c: {  	v34 =	vmul.f32 $8.000000000e+00, v34;
	_ =	sdelay $0x1  }
0x17d: {  	[tilespmem:v47+s20+$0x0] =	vst.idx.msk $0xffff, v34  }
0x17e: {  	v34 =	vld [tilespmem:s26+$0xFFFFFC60];
	_ =	sdelay $0x1  }
0x17f: {  	v48 =	vadd.s32 v6, v33;
	_ =	sdelay $0x2  }
0x180: {  	v34 =	vmul.f32 $8.000000000e+00, v34;
	_ =	sdelay $0x1  }
0x181: {  	[tilespmem:v48+s20+$0x0] =	vst.idx.msk $0xffff, v34  }
0x182: {  	v34 =	vld [tilespmem:s26+$0xFFFFFC70];
	_ =	sdelay $0x1  }
0x183: {  	v49 =	vadd.s32 v7, v33;
	_ =	sdelay $0x2  }
0x184: {  	v34 =	vmul.f32 $8.000000000e+00, v34;
	_ =	sdelay $0x1  }
0x185: {  	[tilespmem:v49+s20+$0x0] =	vst.idx.msk $0xffff, v34  }
0x186: {  	v34 =	vld [tilespmem:s26+$0xFFFFFC80];
	_ =	sdelay $0x1  }
0x187: {  	v33 =	vadd.s32 v8, v33;
	_ =	sdelay $0x1  }
0x188: {  	s30 =	sadd.s32 $0x2, s25  }
0x189: {  	v50 =	vmov s30;
	v34 =	vmul.f32 $8.000000000e+00, v34  }
0x18a: {  	v35 =	vshrl.u32 v50, $0x3  }
0x18b: {  	v51 =	vshll.u32 v35, v1;
	[tilespmem:v33+s20+$0x0] =	vst.idx.msk $0xffff, v34  }
0x18c: {  	v33 =	vbroadcast v51, $0x0;
	v34 =	vld [tilespmem:s26+$0xFFFFFC90];
	_ =	sdelay $0x1  }
0x18d: {  	v52 =	vadd.s32 v9, v33;
	_ =	sdelay $0x2  }
0x18e: {  	v34 =	vmul.f32 $8.000000000e+00, v34;
	_ =	sdelay $0x1  }
0x18f: {  	[tilespmem:v52+s20+$0x0] =	vst.idx.msk $0xffff, v34  }
0x190: {  	v34 =	vld [tilespmem:s26+$0xFFFFFCA0];
	_ =	sdelay $0x1  }
0x191: {  	v53 =	vadd.s32 v10, v33;
	_ =	sdelay $0x2  }
0x192: {  	v34 =	vmul.f32 $8.000000000e+00, v34;
	_ =	sdelay $0x1  }
0x193: {  	[tilespmem:v53+s20+$0x0] =	vst.idx.msk $0xffff, v34  }
0x194: {  	v34 =	vld [tilespmem:s26+$0xFFFFFCB0];
	_ =	sdelay $0x1  }
0x195: {  	v54 =	vadd.s32 v11, v33;
	_ =	sdelay $0x2  }
0x196: {  	v34 =	vmul.f32 $8.000000000e+00, v34;
	_ =	sdelay $0x1  }
0x197: {  	[tilespmem:v54+s20+$0x0] =	vst.idx.msk $0xffff, v34  }
0x198: {  	v34 =	vld [tilespmem:s26+$0xFFFFFCC0];
	_ =	sdelay $0x1  }
0x199: {  	v33 =	vadd.s32 v12, v33;
	_ =	sdelay $0x1  }
0x19a: {  	s31 =	sadd.s32 $0x3, s25  }
0x19b: {  	v55 =	vmov s31;
	v34 =	vmul.f32 $8.000000000e+00, v34  }
0x19c: {  	v35 =	vshrl.u32 v55, $0x3  }
0x19d: {  	v56 =	vshll.u32 v35, v1;
	[tilespmem:v33+s20+$0x0] =	vst.idx.msk $0xffff, v34  }
0x19e: {  	v33 =	vbroadcast v56, $0x0;
	v34 =	vld [tilespmem:s26+$0xFFFFFCD0];
	_ =	sdelay $0x1  }
0x19f: {  	v57 =	vadd.s32 v13, v33;
	_ =	sdelay $0x2  }
0x1a0: {  	v34 =	vmul.f32 $8.000000000e+00, v34;
	_ =	sdelay $0x1  }
0x1a1: {  	[tilespmem:v57+s20+$0x0] =	vst.idx.msk $0xffff, v34  }
0x1a2: {  	v34 =	vld [tilespmem:s26+$0xFFFFFCE0];
	_ =	sdelay $0x1  }
0x1a3: {  	v58 =	vadd.s32 v14, v33;
	_ =	sdelay $0x2  }
0x1a4: {  	v34 =	vmul.f32 $8.000000000e+00, v34;
	_ =	sdelay $0x1  }
0x1a5: {  	[tilespmem:v58+s20+$0x0] =	vst.idx.msk $0xffff, v34  }
0x1a6: {  	v34 =	vld [tilespmem:s26+$0xFFFFFCF0];
	_ =	sdelay $0x1  }
0x1a7: {  	v59 =	vadd.s32 v15, v33;
	_ =	sdelay $0x2  }
0x1a8: {  	v34 =	vmul.f32 $8.000000000e+00, v34;
	_ =	sdelay $0x1  }
0x1a9: {  	[tilespmem:v59+s20+$0x0] =	vst.idx.msk $0xffff, v34  }
0x1aa: {  	v34 =	vld [tilespmem:s26+$0xFFFFFD00];
	_ =	sdelay $0x1  }
0x1ab: {  	v33 =	vadd.s32 v16, v33;
	_ =	sdelay $0x1  }
0x1ac: {  	s29 =	sadd.s32 $0x4, s25  }
0x1ad: {  	v60 =	vmov s29;
	v34 =	vmul.f32 $8.000000000e+00, v34  }
0x1ae: {  	v35 =	vshrl.u32 v60, $0x3  }
0x1af: {  	v61 =	vshll.u32 v35, v1;
	[tilespmem:v33+s20+$0x0] =	vst.idx.msk $0xffff, v34  }
0x1b0: {  	v33 =	vbroadcast v61, $0x0;
	v34 =	vld [tilespmem:s26+$0xFFFFFD10];
	_ =	sdelay $0x1  }
0x1b1: {  	v62 =	vadd.s32 v17, v33;
	_ =	sdelay $0x2  }
0x1b2: {  	v34 =	vmul.f32 $8.000000000e+00, v34;
	_ =	sdelay $0x1  }
0x1b3: {  	[tilespmem:v62+s20+$0x0] =	vst.idx.msk $0xffff, v34  }
0x1b4: {  	v34 =	vld [tilespmem:s26+$0xFFFFFD20];
	_ =	sdelay $0x1  }
0x1b5: {  	v63 =	vadd.s32 v18, v33;
	_ =	sdelay $0x2  }
0x1b6: {  	v34 =	vmul.f32 $8.000000000e+00, v34;
	_ =	sdelay $0x1  }
0x1b7: {  	[tilespmem:v63+s20+$0x0] =	vst.idx.msk $0xffff, v34  }
0x1b8: {  	v34 =	vld [tilespmem:s26+$0xFFFFFD30];
	_ =	sdelay $0x1  }
0x1b9: {  	v36 =	vadd.s32 v19, v33;
	_ =	sdelay $0x2  }
0x1ba: {  	v34 =	vmul.f32 $8.000000000e+00, v34;
	_ =	sdelay $0x1  }
0x1bb: {  	[tilespmem:v36+s20+$0x0] =	vst.idx.msk $0xffff, v34  }
0x1bc: {  	v34 =	vld [tilespmem:s26+$0xFFFFFD40];
	_ =	sdelay $0x1  }
0x1bd: {  	v33 =	vadd.s32 v20, v33;
	_ =	sdelay $0x1  }
0x1be: {  	s30 =	sadd.s32 $0x5, s25  }
0x1bf: {  	v37 =	vmov s30;
	v34 =	vmul.f32 $8.000000000e+00, v34  }
0x1c0: {  	v35 =	vshrl.u32 v37, $0x3  }
0x1c1: {  	v38 =	vshll.u32 v35, v1;
	[tilespmem:v33+s20+$0x0] =	vst.idx.msk $0xffff, v34  }
0x1c2: {  	v33 =	vbroadcast v38, $0x0;
	v34 =	vld [tilespmem:s26+$0xFFFFFD50];
	_ =	sdelay $0x1  }
0x1c3: {  	v39 =	vadd.s32 v21, v33;
	_ =	sdelay $0x2  }
0x1c4: {  	v34 =	vmul.f32 $8.000000000e+00, v34;
	_ =	sdelay $0x1  }
0x1c5: {  	[tilespmem:v39+s20+$0x0] =	vst.idx.msk $0xffff, v34  }
0x1c6: {  	v34 =	vld [tilespmem:s26+$0xFFFFFD60];
	_ =	sdelay $0x1  }
0x1c7: {  	v40 =	vadd.s32 v22, v33;
	_ =	sdelay $0x2  }
0x1c8: {  	v34 =	vmul.f32 $8.000000000e+00, v34;
	_ =	sdelay $0x1  }
0x1c9: {  	[tilespmem:v40+s20+$0x0] =	vst.idx.msk $0xffff, v34  }
0x1ca: {  	v34 =	vld [tilespmem:s26+$0xFFFFFD70];
	_ =	sdelay $0x1  }
0x1cb: {  	v41 =	vadd.s32 v23, v33;
	_ =	sdelay $0x2  }
0x1cc: {  	v34 =	vmul.f32 $8.000000000e+00, v34;
	_ =	sdelay $0x1  }
0x1cd: {  	[tilespmem:v41+s20+$0x0] =	vst.idx.msk $0xffff, v34  }
0x1ce: {  	v34 =	vld [tilespmem:s26+$0xFFFFFD80];
	_ =	sdelay $0x1  }
0x1cf: {  	v33 =	vadd.s32 v24, v33;
	_ =	sdelay $0x1  }
0x1d0: {  	s31 =	sadd.s32 $0x6, s25  }
0x1d1: {  	v42 =	vmov s31;
	v34 =	vmul.f32 $8.000000000e+00, v34  }
0x1d2: {  	v35 =	vshrl.u32 v42, $0x3  }
0x1d3: {  	v43 =	vshll.u32 v35, v1;
	[tilespmem:v33+s20+$0x0] =	vst.idx.msk $0xffff, v34  }
0x1d4: {  	v33 =	vbroadcast v43, $0x0;
	v34 =	vld [tilespmem:s26+$0xFFFFFD90];
	_ =	sdelay $0x1  }
0x1d5: {  	v44 =	vadd.s32 v25, v33;
	_ =	sdelay $0x2  }
0x1d6: {  	v34 =	vmul.f32 $8.000000000e+00, v34;
	_ =	sdelay $0x1  }
0x1d7: {  	[tilespmem:v44+s20+$0x0] =	vst.idx.msk $0xffff, v34  }
0x1d8: {  	v34 =	vld [tilespmem:s26+$0xFFFFFDA0];
	_ =	sdelay $0x1  }
0x1d9: {  	v45 =	vadd.s32 v26, v33;
	_ =	sdelay $0x2  }
0x1da: {  	v34 =	vmul.f32 $8.000000000e+00, v34;
	_ =	sdelay $0x1  }
0x1db: {  	[tilespmem:v45+s20+$0x0] =	vst.idx.msk $0xffff, v34  }
0x1dc: {  	v34 =	vld [tilespmem:s26+$0xFFFFFDB0];
	_ =	sdelay $0x1  }
0x1dd: {  	v46 =	vadd.s32 v27, v33;
	_ =	sdelay $0x2  }
0x1de: {  	v34 =	vmul.f32 $8.000000000e+00, v34;
	_ =	sdelay $0x1  }
0x1df: {  	[tilespmem:v46+s20+$0x0] =	vst.idx.msk $0xffff, v34  }
0x1e0: {  	v34 =	vld [tilespmem:s26+$0xFFFFFDC0];
	_ =	sdelay $0x1  }
0x1e1: {  	v33 =	vadd.s32 v28, v33;
	_ =	sdelay $0x1  }
0x1e2: {  	s29 =	sadd.s32 $0x7, s25  }
0x1e3: {  	v47 =	vmov s29;
	v34 =	vmul.f32 $8.000000000e+00, v34  }
0x1e4: {  	v35 =	vshrl.u32 v47, $0x3  }
0x1e5: {  	v48 =	vshll.u32 v35, v1;
	[tilespmem:v33+s20+$0x0] =	vst.idx.msk $0xffff, v34  }
0x1e6: {  	v33 =	vbroadcast v48, $0x0;
	v34 =	vld [tilespmem:s26+$0xFFFFFDD0];
	_ =	sdelay $0x1  }
0x1e7: {  	v49 =	vadd.s32 v29, v33;
	_ =	sdelay $0x2  }
0x1e8: {  	v34 =	vmul.f32 $8.000000000e+00, v34;
	_ =	sdelay $0x1  }
0x1e9: {  	[tilespmem:v49+s20+$0x0] =	vst.idx.msk $0xffff, v34  }
0x1ea: {  	v34 =	vld [tilespmem:s26+$0xFFFFFDE0];
	_ =	sdelay $0x1  }
0x1eb: {  	v50 =	vadd.s32 v30, v33;
	_ =	sdelay $0x2  }
0x1ec: {  	v34 =	vmul.f32 $8.000000000e+00, v34;
	_ =	sdelay $0x1  }
0x1ed: {  	[tilespmem:v50+s20+$0x0] =	vst.idx.msk $0xffff, v34  }
0x1ee: {  	v34 =	vld [tilespmem:s26+$0xFFFFFDF0];
	_ =	sdelay $0x1  }
0x1ef: {  	v51 =	vadd.s32 v31, v33;
	_ =	sdelay $0x2  }
0x1f0: {  	v34 =	vmul.f32 $8.000000000e+00, v34;
	_ =	sdelay $0x1  }
0x1f1: {  	[tilespmem:v51+s20+$0x0] =	vst.idx.msk $0xffff, v34  }
0x1f2: {  	v34 =	vld [tilespmem:s26+$0xFFFFFE00];
	_ =	sdelay $0x1  }
0x1f3: {  	v33 =	vadd.s32 v32, v33;
	_ =	sdelay $0x1  }
0x1f4: {  	s30 =	sadd.s32 $0x8, s25  }
0x1f5: {  	v52 =	vmov s30;
	v34 =	vmul.f32 $8.000000000e+00, v34  }
0x1f6: {  	v35 =	vshrl.u32 v52, $0x3  }
0x1f7: {  	v53 =	vshll.u32 v35, v1;
	[tilespmem:v33+s20+$0x0] =	vst.idx.msk $0xffff, v34  }
0x1f8: {  	v33 =	vbroadcast v53, $0x0;
	v34 =	vld [tilespmem:s26+$0xFFFFFE10];
	_ =	sdelay $0x1  }
0x1f9: {  	v54 =	vadd.s32 v0, v33;
	_ =	sdelay $0x2  }
0x1fa: {  	v34 =	vmul.f32 $8.000000000e+00, v34;
	_ =	sdelay $0x1  }
0x1fb: {  	[tilespmem:v54+s20+$0x0] =	vst.idx.msk $0xffff, v34  }
0x1fc: {  	v34 =	vld [tilespmem:s26+$0xFFFFFE20];
	_ =	sdelay $0x1  }
0x1fd: {  	v55 =	vadd.s32 v2, v33;
	_ =	sdelay $0x2  }
0x1fe: {  	v34 =	vmul.f32 $8.000000000e+00, v34;
	_ =	sdelay $0x1  }
0x1ff: {  	[tilespmem:v55+s20+$0x0] =	vst.idx.msk $0xffff, v34  }
0x200: {  	v34 =	vld [tilespmem:s26+$0xFFFFFE30];
	_ =	sdelay $0x1  }
0x201: {  	v56 =	vadd.s32 v3, v33;
	_ =	sdelay $0x2  }
0x202: {  	v34 =	vmul.f32 $8.000000000e+00, v34;
	_ =	sdelay $0x1  }
0x203: {  	[tilespmem:v56+s20+$0x0] =	vst.idx.msk $0xffff, v34  }
0x204: {  	v34 =	vld [tilespmem:s26+$0xFFFFFE40];
	_ =	sdelay $0x1  }
0x205: {  	v33 =	vadd.s32 v4, v33;
	_ =	sdelay $0x1  }
0x206: {  	s31 =	sadd.s32 $0x9, s25  }
0x207: {  	v57 =	vmov s31;
	v34 =	vmul.f32 $8.000000000e+00, v34  }
0x208: {  	v35 =	vshrl.u32 v57, $0x3  }
0x209: {  	v58 =	vshll.u32 v35, v1;
	[tilespmem:v33+s20+$0x0] =	vst.idx.msk $0xffff, v34  }
0x20a: {  	v33 =	vbroadcast v58, $0x0;
	v34 =	vld [tilespmem:s26+$0xFFFFFE50];
	_ =	sdelay $0x1  }
0x20b: {  	v59 =	vadd.s32 v5, v33;
	_ =	sdelay $0x2  }
0x20c: {  	v34 =	vmul.f32 $8.000000000e+00, v34;
	_ =	sdelay $0x1  }
0x20d: {  	[tilespmem:v59+s20+$0x0] =	vst.idx.msk $0xffff, v34  }
0x20e: {  	v34 =	vld [tilespmem:s26+$0xFFFFFE60];
	_ =	sdelay $0x1  }
0x20f: {  	v60 =	vadd.s32 v6, v33;
	_ =	sdelay $0x2  }
0x210: {  	v34 =	vmul.f32 $8.000000000e+00, v34;
	_ =	sdelay $0x1  }
0x211: {  	[tilespmem:v60+s20+$0x0] =	vst.idx.msk $0xffff, v34  }
0x212: {  	v34 =	vld [tilespmem:s26+$0xFFFFFE70];
	_ =	sdelay $0x1  }
0x213: {  	v61 =	vadd.s32 v7, v33;
	_ =	sdelay $0x2  }
0x214: {  	v34 =	vmul.f32 $8.000000000e+00, v34;
	_ =	sdelay $0x1  }
0x215: {  	[tilespmem:v61+s20+$0x0] =	vst.idx.msk $0xffff, v34  }
0x216: {  	v34 =	vld [tilespmem:s26+$0xFFFFFE80];
	_ =	sdelay $0x1  }
0x217: {  	v33 =	vadd.s32 v8, v33;
	_ =	sdelay $0x1  }
0x218: {  	s29 =	sadd.s32 $0xA, s25  }
0x219: {  	v62 =	vmov s29;
	v34 =	vmul.f32 $8.000000000e+00, v34  }
0x21a: {  	v35 =	vshrl.u32 v62, $0x3  }
0x21b: {  	v63 =	vshll.u32 v35, v1;
	[tilespmem:v33+s20+$0x0] =	vst.idx.msk $0xffff, v34  }
0x21c: {  	v33 =	vbroadcast v63, $0x0;
	v34 =	vld [tilespmem:s26+$0xFFFFFE90];
	_ =	sdelay $0x1  }
0x21d: {  	v36 =	vadd.s32 v9, v33;
	_ =	sdelay $0x2  }
0x21e: {  	v34 =	vmul.f32 $8.000000000e+00, v34;
	_ =	sdelay $0x1  }
0x21f: {  	[tilespmem:v36+s20+$0x0] =	vst.idx.msk $0xffff, v34  }
0x220: {  	v34 =	vld [tilespmem:s26+$0xFFFFFEA0];
	_ =	sdelay $0x1  }
0x221: {  	v37 =	vadd.s32 v10, v33;
	_ =	sdelay $0x2  }
0x222: {  	v34 =	vmul.f32 $8.000000000e+00, v34;
	_ =	sdelay $0x1  }
0x223: {  	[tilespmem:v37+s20+$0x0] =	vst.idx.msk $0xffff, v34  }
0x224: {  	v34 =	vld [tilespmem:s26+$0xFFFFFEB0];
	_ =	sdelay $0x1  }
0x225: {  	v38 =	vadd.s32 v11, v33;
	_ =	sdelay $0x2  }
0x226: {  	v34 =	vmul.f32 $8.000000000e+00, v34;
	_ =	sdelay $0x1  }
0x227: {  	[tilespmem:v38+s20+$0x0] =	vst.idx.msk $0xffff, v34  }
0x228: {  	v34 =	vld [tilespmem:s26+$0xFFFFFEC0];
	_ =	sdelay $0x1  }
0x229: {  	v33 =	vadd.s32 v12, v33;
	_ =	sdelay $0x1  }
0x22a: {  	s30 =	sadd.s32 $0xB, s25  }
0x22b: {  	v39 =	vmov s30;
	v34 =	vmul.f32 $8.000000000e+00, v34  }
0x22c: {  	v35 =	vshrl.u32 v39, $0x3  }
0x22d: {  	v40 =	vshll.u32 v35, v1;
	[tilespmem:v33+s20+$0x0] =	vst.idx.msk $0xffff, v34  }
0x22e: {  	v33 =	vbroadcast v40, $0x0;
	v34 =	vld [tilespmem:s26+$0xFFFFFED0];
	_ =	sdelay $0x1  }
0x22f: {  	v41 =	vadd.s32 v13, v33;
	_ =	sdelay $0x2  }
0x230: {  	v34 =	vmul.f32 $8.000000000e+00, v34;
	_ =	sdelay $0x1  }
0x231: {  	[tilespmem:v41+s20+$0x0] =	vst.idx.msk $0xffff, v34  }
0x232: {  	v34 =	vld [tilespmem:s26+$0xFFFFFEE0];
	_ =	sdelay $0x1  }
0x233: {  	v42 =	vadd.s32 v14, v33;
	_ =	sdelay $0x2  }
0x234: {  	v34 =	vmul.f32 $8.000000000e+00, v34;
	_ =	sdelay $0x1  }
0x235: {  	[tilespmem:v42+s20+$0x0] =	vst.idx.msk $0xffff, v34  }
0x236: {  	v34 =	vld [tilespmem:s26+$0xFFFFFEF0];
	_ =	sdelay $0x1  }
0x237: {  	v43 =	vadd.s32 v15, v33;
	_ =	sdelay $0x2  }
0x238: {  	v34 =	vmul.f32 $8.000000000e+00, v34;
	_ =	sdelay $0x1  }
0x239: {  	[tilespmem:v43+s20+$0x0] =	vst.idx.msk $0xffff, v34  }
0x23a: {  	v34 =	vld [tilespmem:s26+$0xFFFFFF00];
	_ =	sdelay $0x1  }
0x23b: {  	v33 =	vadd.s32 v16, v33;
	_ =	sdelay $0x1  }
0x23c: {  	s31 =	sadd.s32 $0xC, s25  }
0x23d: {  	v44 =	vmov s31;
	v34 =	vmul.f32 $8.000000000e+00, v34  }
0x23e: {  	v35 =	vshrl.u32 v44, $0x3  }
0x23f: {  	v45 =	vshll.u32 v35, v1;
	[tilespmem:v33+s20+$0x0] =	vst.idx.msk $0xffff, v34  }
0x240: {  	v33 =	vbroadcast v45, $0x0;
	v34 =	vld [tilespmem:s26+$0xFFFFFF10];
	_ =	sdelay $0x1  }
0x241: {  	v46 =	vadd.s32 v17, v33;
	_ =	sdelay $0x2  }
0x242: {  	v34 =	vmul.f32 $8.000000000e+00, v34;
	_ =	sdelay $0x1  }
0x243: {  	[tilespmem:v46+s20+$0x0] =	vst.idx.msk $0xffff, v34  }
0x244: {  	v34 =	vld [tilespmem:s26+$0xFFFFFF20];
	_ =	sdelay $0x1  }
0x245: {  	v47 =	vadd.s32 v18, v33;
	_ =	sdelay $0x2  }
0x246: {  	v34 =	vmul.f32 $8.000000000e+00, v34;
	_ =	sdelay $0x1  }
0x247: {  	[tilespmem:v47+s20+$0x0] =	vst.idx.msk $0xffff, v34  }
0x248: {  	v34 =	vld [tilespmem:s26+$0xFFFFFF30];
	_ =	sdelay $0x1  }
0x249: {  	v48 =	vadd.s32 v19, v33;
	_ =	sdelay $0x2  }
0x24a: {  	v34 =	vmul.f32 $8.000000000e+00, v34;
	_ =	sdelay $0x1  }
0x24b: {  	[tilespmem:v48+s20+$0x0] =	vst.idx.msk $0xffff, v34  }
0x24c: {  	v34 =	vld [tilespmem:s26+$0xFFFFFF40];
	_ =	sdelay $0x1  }
0x24d: {  	v33 =	vadd.s32 v20, v33;
	_ =	sdelay $0x1  }
0x24e: {  	s29 =	sadd.s32 $0xD, s25  }
0x24f: {  	v49 =	vmov s29;
	v34 =	vmul.f32 $8.000000000e+00, v34  }
0x250: {  	v35 =	vshrl.u32 v49, $0x3  }
0x251: {  	v50 =	vshll.u32 v35, v1;
	[tilespmem:v33+s20+$0x0] =	vst.idx.msk $0xffff, v34  }
0x252: {  	v33 =	vbroadcast v50, $0x0;
	v34 =	vld [tilespmem:s26+$0xFFFFFF50];
	_ =	sdelay $0x1  }
0x253: {  	v51 =	vadd.s32 v21, v33;
	_ =	sdelay $0x2  }
0x254: {  	v34 =	vmul.f32 $8.000000000e+00, v34;
	_ =	sdelay $0x1  }
0x255: {  	[tilespmem:v51+s20+$0x0] =	vst.idx.msk $0xffff, v34  }
0x256: {  	v34 =	vld [tilespmem:s26+$0xFFFFFF60];
	_ =	sdelay $0x1  }
0x257: {  	v52 =	vadd.s32 v22, v33;
	_ =	sdelay $0x2  }
0x258: {  	v34 =	vmul.f32 $8.000000000e+00, v34;
	_ =	sdelay $0x1  }
0x259: {  	[tilespmem:v52+s20+$0x0] =	vst.idx.msk $0xffff, v34  }
0x25a: {  	v34 =	vld [tilespmem:s26+$0xFFFFFF70];
	_ =	sdelay $0x1  }
0x25b: {  	v53 =	vadd.s32 v23, v33;
	_ =	sdelay $0x2  }
0x25c: {  	v34 =	vmul.f32 $8.000000000e+00, v34;
	_ =	sdelay $0x1  }
0x25d: {  	[tilespmem:v53+s20+$0x0] =	vst.idx.msk $0xffff, v34  }
0x25e: {  	v34 =	vld [tilespmem:s26+$0xFFFFFF80];
	_ =	sdelay $0x1  }
0x25f: {  	v33 =	vadd.s32 v24, v33;
	_ =	sdelay $0x1  }
0x260: {  	s30 =	sadd.s32 $0xE, s25  }
0x261: {  	v54 =	vmov s30;
	v34 =	vmul.f32 $8.000000000e+00, v34  }
0x262: {  	v35 =	vshrl.u32 v54, $0x3  }
0x263: {  	v55 =	vshll.u32 v35, v1;
	[tilespmem:v33+s20+$0x0] =	vst.idx.msk $0xffff, v34  }
0x264: {  	v33 =	vbroadcast v55, $0x0;
	v34 =	vld [tilespmem:s26+$0xFFFFFF90];
	_ =	sdelay $0x1  }
0x265: {  	v56 =	vadd.s32 v25, v33;
	_ =	sdelay $0x2  }
0x266: {  	v34 =	vmul.f32 $8.000000000e+00, v34;
	_ =	sdelay $0x1  }
0x267: {  	[tilespmem:v56+s20+$0x0] =	vst.idx.msk $0xffff, v34  }
0x268: {  	v34 =	vld [tilespmem:s26+$0xFFFFFFA0];
	_ =	sdelay $0x1  }
0x269: {  	v57 =	vadd.s32 v26, v33;
	_ =	sdelay $0x2  }
0x26a: {  	v34 =	vmul.f32 $8.000000000e+00, v34;
	_ =	sdelay $0x1  }
0x26b: {  	[tilespmem:v57+s20+$0x0] =	vst.idx.msk $0xffff, v34  }
0x26c: {  	v34 =	vld [tilespmem:s26+$0xFFFFFFB0];
	_ =	sdelay $0x1  }
0x26d: {  	v58 =	vadd.s32 v27, v33;
	_ =	sdelay $0x2  }
0x26e: {  	v34 =	vmul.f32 $8.000000000e+00, v34;
	_ =	sdelay $0x1  }
0x26f: {  	[tilespmem:v58+s20+$0x0] =	vst.idx.msk $0xffff, v34  }
0x270: {  	v34 =	vld [tilespmem:s26+$0xFFFFFFC0];
	_ =	sdelay $0x1  }
0x271: {  	v33 =	vadd.s32 v28, v33;
	_ =	sdelay $0x1  }
0x272: {  	s31 =	sadd.s32 $0xF, s25  }
0x273: {  	v59 =	vmov s31;
	v34 =	vmul.f32 $8.000000000e+00, v34  }
0x274: {  	v35 =	vshrl.u32 v59, $0x3  }
0x275: {  	v60 =	vshll.u32 v35, v1;
	[tilespmem:v33+s20+$0x0] =	vst.idx.msk $0xffff, v34  }
0x276: {  	v33 =	vbroadcast v60, $0x0;
	v34 =	vld [tilespmem:s26+$0xFFFFFFD0];
	_ =	sdelay $0x1  }
0x277: {  	v61 =	vadd.s32 v29, v33;
	_ =	sdelay $0x2  }
0x278: {  	v34 =	vmul.f32 $8.000000000e+00, v34;
	_ =	sdelay $0x1  }
0x279: {  	[tilespmem:v61+s20+$0x0] =	vst.idx.msk $0xffff, v34  }
0x27a: {  	v34 =	vld [tilespmem:s26+$0xFFFFFFE0];
	_ =	sdelay $0x1  }
0x27b: {  	v62 =	vadd.s32 v30, v33;
	_ =	sdelay $0x2  }
0x27c: {  	v34 =	vmul.f32 $8.000000000e+00, v34;
	_ =	sdelay $0x1  }
0x27d: {  	[tilespmem:v62+s20+$0x0] =	vst.idx.msk $0xffff, v34  }
0x27e: {  	v34 =	vld [tilespmem:s26+$0xFFFFFFF0];
	_ =	sdelay $0x1  }
0x27f: {  	v63 =	vadd.s32 v31, v33;
	_ =	sdelay $0x2  }
0x280: {  	v34 =	vmul.f32 $8.000000000e+00, v34;
	_ =	sdelay $0x1  }
0x281: {  	[tilespmem:v63+s20+$0x0] =	vst.idx.msk $0xffff, v34  }
0x282: {  	v34 =	vld [tilespmem:s26+$0x0];
	_ =	sdelay $0x1  }
0x283: {  	p0 =	slt.u32 s25, $0xF0;
	v33 =	vadd.s32 v32, v33  }
.Ltmp3:
0x284: {  	_ = 	snop;
	(pc) =	sbr.rel @p0 .LBB2_8-.Ltmp3, $3  }
0x285: {  	_ = 	snop  }
0x286: {  	v34 =	vmul.f32 $8.000000000e+00, v34;
	_ =	sdelay $0x1  }
0x287: {  	s25 =	sadd.s32 $0x10, s25;
	s26 =	sadd.s32 $0x400, s26;
	[tilespmem:v33+s20+$0x0] =	vst.idx.msk $0xffff, v34  }
0x288: {  	s25 =	sadd.s32 s24, s5  }
0x289: {  	s26 =	simm.s32 $0x12600;
	s25 =	sadd.s32 $0x20, s25  }
0x28a: {  	[hbm4b:s25+s1] =	stream.linear.scatter [tilespmem:s26], [sflag:$0x4], $0x100, $0x38;
	[tilespmem:$0x16800] =	vst v63  }
0x28b: {  	s26 =	simm.s32 $0x420  }
.LBB2_10:
0x28c: {  	p0 =	sne.s32 s26, $0x103E0  }
.Ltmp4:
0x28d: {  	_ = 	snop;
	(pc) =	sbr.rel @p0 .LBB2_10-.Ltmp4, $4  }
0x28e: {  	_ = 	snop  }
0x28f: {  	s28 =	sshra.s32 s26, $0x2;
	s26 =	sadd.s32 $0x420, s26  }
0x290: {  	s25 =	sadd.s32 $0x800, s25;
	s28 =	sadd.s32 $0x12600, s28  }
0x291: {  	[hbm4b:s25+s1] =	stream.linear.scatter [tilespmem:s28], [sflag:$0x4], $0x100, $0x38;
	[tilespmem:$0x16800] =	vst v63  }
0x292: {  	_ =	swait.ge [sflag:s14], $0x2000;
	p0 =	sne.s32 s23, $0x32  }
.Ltmp5:
0x293: {  	[sflag:s14] =	ssyncset.done $0x0;
	(pc) =	sbr.rel @p0 .LBB2_2-.Ltmp5, $4  }
0x294: {  	[sflag:s14] =	ssyncadd.s32 $0xFFFFE000  }
0x295: {  	_ =	swait.ge [sflag:s14], $0x2000  }
0x296: {  	[sflag:s14] =	ssyncset.done $0x0  }
0x297: {  	[sflag:s14] =	ssyncadd.s32 $0xFFFFE000  }
.LBB2_12:
0x298: {  	_ =	swait.ge [sflag:s19], $0x4000  }
0x299: {  	[sflag:s19] =	ssyncset.done $0x0  }
0x29a: {  	s23 =	simm.s32 $0x0;
	s25 =	simm.s32 $0xA7F0;
	[sflag:s19] =	ssyncadd.s32 $0xFFFFC000  }
.LBB2_13:
0x29b: {  	v33 =	vmov s23  }
0x29c: {  	v33 =	vshrl.u32 v33, $0x3  }
0x29d: {  	v33 =	vshll.u32 v33, v1  }
0x29e: {  	v34 =	vld [tilespmem:s25+$0xFFFFFC10];
	v33 =	vbroadcast v33, $0x0;
	_ =	sdelay $0x1  }
0x29f: {  	v35 =	vadd.s32 v0, v33;
	_ =	sdelay $0x2  }
0x2a0: {  	v34 =	vmul.f32 $8.000000000e+00, v34;
	_ =	sdelay $0x1  }
0x2a1: {  	[tilespmem:v35+s20+$0x0] =	vst.idx.msk $0xffff, v34  }
0x2a2: {  	v34 =	vld [tilespmem:s25+$0xFFFFFC20];
	_ =	sdelay $0x1  }
0x2a3: {  	v43 =	vadd.s32 v2, v33;
	_ =	sdelay $0x2  }
0x2a4: {  	v34 =	vmul.f32 $8.000000000e+00, v34;
	_ =	sdelay $0x1  }
0x2a5: {  	[tilespmem:v43+s20+$0x0] =	vst.idx.msk $0xffff, v34  }
0x2a6: {  	v34 =	vld [tilespmem:s25+$0xFFFFFC30];
	_ =	sdelay $0x1  }
0x2a7: {  	v44 =	vadd.s32 v3, v33;
	_ =	sdelay $0x2  }
0x2a8: {  	v34 =	vmul.f32 $8.000000000e+00, v34;
	_ =	sdelay $0x1  }
0x2a9: {  	[tilespmem:v44+s20+$0x0] =	vst.idx.msk $0xffff, v34  }
0x2aa: {  	v34 =	vld [tilespmem:s25+$0xFFFFFC40];
	_ =	sdelay $0x1  }
0x2ab: {  	v33 =	vadd.s32 v4, v33;
	_ =	sdelay $0x1  }
0x2ac: {  	s26 =	sadd.s32 $0x1, s23  }
0x2ad: {  	v45 =	vmov s26;
	v34 =	vmul.f32 $8.000000000e+00, v34  }
0x2ae: {  	v35 =	vshrl.u32 v45, $0x3  }
0x2af: {  	v46 =	vshll.u32 v35, v1;
	[tilespmem:v33+s20+$0x0] =	vst.idx.msk $0xffff, v34  }
0x2b0: {  	v33 =	vbroadcast v46, $0x0;
	v34 =	vld [tilespmem:s25+$0xFFFFFC50];
	_ =	sdelay $0x1  }
0x2b1: {  	v47 =	vadd.s32 v5, v33;
	_ =	sdelay $0x2  }
0x2b2: {  	v34 =	vmul.f32 $8.000000000e+00, v34;
	_ =	sdelay $0x1  }
0x2b3: {  	[tilespmem:v47+s20+$0x0] =	vst.idx.msk $0xffff, v34  }
0x2b4: {  	v34 =	vld [tilespmem:s25+$0xFFFFFC60];
	_ =	sdelay $0x1  }
0x2b5: {  	v48 =	vadd.s32 v6, v33;
	_ =	sdelay $0x2  }
0x2b6: {  	v34 =	vmul.f32 $8.000000000e+00, v34;
	_ =	sdelay $0x1  }
0x2b7: {  	[tilespmem:v48+s20+$0x0] =	vst.idx.msk $0xffff, v34  }
0x2b8: {  	v34 =	vld [tilespmem:s25+$0xFFFFFC70];
	_ =	sdelay $0x1  }
0x2b9: {  	v49 =	vadd.s32 v7, v33;
	_ =	sdelay $0x2  }
0x2ba: {  	v34 =	vmul.f32 $8.000000000e+00, v34;
	_ =	sdelay $0x1  }
0x2bb: {  	[tilespmem:v49+s20+$0x0] =	vst.idx.msk $0xffff, v34  }
0x2bc: {  	v34 =	vld [tilespmem:s25+$0xFFFFFC80];
	_ =	sdelay $0x1  }
0x2bd: {  	v33 =	vadd.s32 v8, v33;
	_ =	sdelay $0x1  }
0x2be: {  	s30 =	sadd.s32 $0x2, s23  }
0x2bf: {  	v50 =	vmov s30;
	v34 =	vmul.f32 $8.000000000e+00, v34  }
0x2c0: {  	v35 =	vshrl.u32 v50, $0x3  }
0x2c1: {  	v51 =	vshll.u32 v35, v1;
	[tilespmem:v33+s20+$0x0] =	vst.idx.msk $0xffff, v34  }
0x2c2: {  	v33 =	vbroadcast v51, $0x0;
	v34 =	vld [tilespmem:s25+$0xFFFFFC90];
	_ =	sdelay $0x1  }
0x2c3: {  	v52 =	vadd.s32 v9, v33;
	_ =	sdelay $0x2  }
0x2c4: {  	v34 =	vmul.f32 $8.000000000e+00, v34;
	_ =	sdelay $0x1  }
0x2c5: {  	[tilespmem:v52+s20+$0x0] =	vst.idx.msk $0xffff, v34  }
0x2c6: {  	v34 =	vld [tilespmem:s25+$0xFFFFFCA0];
	_ =	sdelay $0x1  }
0x2c7: {  	v53 =	vadd.s32 v10, v33;
	_ =	sdelay $0x2  }
0x2c8: {  	v34 =	vmul.f32 $8.000000000e+00, v34;
	_ =	sdelay $0x1  }
0x2c9: {  	[tilespmem:v53+s20+$0x0] =	vst.idx.msk $0xffff, v34  }
0x2ca: {  	v34 =	vld [tilespmem:s25+$0xFFFFFCB0];
	_ =	sdelay $0x1  }
0x2cb: {  	v54 =	vadd.s32 v11, v33;
	_ =	sdelay $0x2  }
0x2cc: {  	v34 =	vmul.f32 $8.000000000e+00, v34;
	_ =	sdelay $0x1  }
0x2cd: {  	[tilespmem:v54+s20+$0x0] =	vst.idx.msk $0xffff, v34  }
0x2ce: {  	v34 =	vld [tilespmem:s25+$0xFFFFFCC0];
	_ =	sdelay $0x1  }
0x2cf: {  	v33 =	vadd.s32 v12, v33;
	_ =	sdelay $0x1  }
0x2d0: {  	s31 =	sadd.s32 $0x3, s23  }
0x2d1: {  	v55 =	vmov s31;
	v34 =	vmul.f32 $8.000000000e+00, v34  }
0x2d2: {  	v35 =	vshrl.u32 v55, $0x3  }
0x2d3: {  	v56 =	vshll.u32 v35, v1;
	[tilespmem:v33+s20+$0x0] =	vst.idx.msk $0xffff, v34  }
0x2d4: {  	v33 =	vbroadcast v56, $0x0;
	v34 =	vld [tilespmem:s25+$0xFFFFFCD0];
	_ =	sdelay $0x1  }
0x2d5: {  	v57 =	vadd.s32 v13, v33;
	_ =	sdelay $0x2  }
0x2d6: {  	v34 =	vmul.f32 $8.000000000e+00, v34;
	_ =	sdelay $0x1  }
0x2d7: {  	[tilespmem:v57+s20+$0x0] =	vst.idx.msk $0xffff, v34  }
0x2d8: {  	v34 =	vld [tilespmem:s25+$0xFFFFFCE0];
	_ =	sdelay $0x1  }
0x2d9: {  	v58 =	vadd.s32 v14, v33;
	_ =	sdelay $0x2  }
0x2da: {  	v34 =	vmul.f32 $8.000000000e+00, v34;
	_ =	sdelay $0x1  }
0x2db: {  	[tilespmem:v58+s20+$0x0] =	vst.idx.msk $0xffff, v34  }
0x2dc: {  	v34 =	vld [tilespmem:s25+$0xFFFFFCF0];
	_ =	sdelay $0x1  }
0x2dd: {  	v59 =	vadd.s32 v15, v33;
	_ =	sdelay $0x2  }
0x2de: {  	v34 =	vmul.f32 $8.000000000e+00, v34;
	_ =	sdelay $0x1  }
0x2df: {  	[tilespmem:v59+s20+$0x0] =	vst.idx.msk $0xffff, v34  }
0x2e0: {  	v34 =	vld [tilespmem:s25+$0xFFFFFD00];
	_ =	sdelay $0x1  }
0x2e1: {  	v33 =	vadd.s32 v16, v33;
	_ =	sdelay $0x1  }
0x2e2: {  	s28 =	sadd.s32 $0x4, s23  }
0x2e3: {  	v60 =	vmov s28;
	v34 =	vmul.f32 $8.000000000e+00, v34  }
0x2e4: {  	v35 =	vshrl.u32 v60, $0x3  }
0x2e5: {  	v61 =	vshll.u32 v35, v1;
	[tilespmem:v33+s20+$0x0] =	vst.idx.msk $0xffff, v34  }
0x2e6: {  	v33 =	vbroadcast v61, $0x0;
	v34 =	vld [tilespmem:s25+$0xFFFFFD10];
	_ =	sdelay $0x1  }
0x2e7: {  	v62 =	vadd.s32 v17, v33;
	_ =	sdelay $0x2  }
0x2e8: {  	v34 =	vmul.f32 $8.000000000e+00, v34;
	_ =	sdelay $0x1  }
0x2e9: {  	[tilespmem:v62+s20+$0x0] =	vst.idx.msk $0xffff, v34  }
0x2ea: {  	v34 =	vld [tilespmem:s25+$0xFFFFFD20];
	_ =	sdelay $0x1  }
0x2eb: {  	v63 =	vadd.s32 v18, v33;
	_ =	sdelay $0x2  }
0x2ec: {  	v34 =	vmul.f32 $8.000000000e+00, v34;
	_ =	sdelay $0x1  }
0x2ed: {  	[tilespmem:v63+s20+$0x0] =	vst.idx.msk $0xffff, v34  }
0x2ee: {  	v34 =	vld [tilespmem:s25+$0xFFFFFD30];
	_ =	sdelay $0x1  }
0x2ef: {  	v36 =	vadd.s32 v19, v33;
	_ =	sdelay $0x2  }
0x2f0: {  	v34 =	vmul.f32 $8.000000000e+00, v34;
	_ =	sdelay $0x1  }
0x2f1: {  	[tilespmem:v36+s20+$0x0] =	vst.idx.msk $0xffff, v34  }
0x2f2: {  	v34 =	vld [tilespmem:s25+$0xFFFFFD40];
	_ =	sdelay $0x1  }
0x2f3: {  	v33 =	vadd.s32 v20, v33;
	_ =	sdelay $0x1  }
0x2f4: {  	s29 =	sadd.s32 $0x5, s23  }
0x2f5: {  	v37 =	vmov s29;
	v34 =	vmul.f32 $8.000000000e+00, v34  }
0x2f6: {  	v35 =	vshrl.u32 v37, $0x3  }
0x2f7: {  	v38 =	vshll.u32 v35, v1;
	[tilespmem:v33+s20+$0x0] =	vst.idx.msk $0xffff, v34  }
0x2f8: {  	v33 =	vbroadcast v38, $0x0;
	v34 =	vld [tilespmem:s25+$0xFFFFFD50];
	_ =	sdelay $0x1  }
0x2f9: {  	v39 =	vadd.s32 v21, v33;
	_ =	sdelay $0x2  }
0x2fa: {  	v34 =	vmul.f32 $8.000000000e+00, v34;
	_ =	sdelay $0x1  }
0x2fb: {  	[tilespmem:v39+s20+$0x0] =	vst.idx.msk $0xffff, v34  }
0x2fc: {  	v34 =	vld [tilespmem:s25+$0xFFFFFD60];
	_ =	sdelay $0x1  }
0x2fd: {  	v40 =	vadd.s32 v22, v33;
	_ =	sdelay $0x2  }
0x2fe: {  	v34 =	vmul.f32 $8.000000000e+00, v34;
	_ =	sdelay $0x1  }
0x2ff: {  	[tilespmem:v40+s20+$0x0] =	vst.idx.msk $0xffff, v34  }
0x300: {  	v34 =	vld [tilespmem:s25+$0xFFFFFD70];
	_ =	sdelay $0x1  }
0x301: {  	v41 =	vadd.s32 v23, v33;
	_ =	sdelay $0x2  }
0x302: {  	v34 =	vmul.f32 $8.000000000e+00, v34;
	_ =	sdelay $0x1  }
0x303: {  	[tilespmem:v41+s20+$0x0] =	vst.idx.msk $0xffff, v34  }
0x304: {  	v34 =	vld [tilespmem:s25+$0xFFFFFD80];
	_ =	sdelay $0x1  }
0x305: {  	v33 =	vadd.s32 v24, v33;
	_ =	sdelay $0x1  }
0x306: {  	s30 =	sadd.s32 $0x6, s23  }
0x307: {  	v42 =	vmov s30;
	v34 =	vmul.f32 $8.000000000e+00, v34  }
0x308: {  	v35 =	vshrl.u32 v42, $0x3  }
0x309: {  	v43 =	vshll.u32 v35, v1;
	[tilespmem:v33+s20+$0x0] =	vst.idx.msk $0xffff, v34  }
0x30a: {  	v33 =	vbroadcast v43, $0x0;
	v34 =	vld [tilespmem:s25+$0xFFFFFD90];
	_ =	sdelay $0x1  }
0x30b: {  	v44 =	vadd.s32 v25, v33;
	_ =	sdelay $0x2  }
0x30c: {  	v34 =	vmul.f32 $8.000000000e+00, v34;
	_ =	sdelay $0x1  }
0x30d: {  	[tilespmem:v44+s20+$0x0] =	vst.idx.msk $0xffff, v34  }
0x30e: {  	v34 =	vld [tilespmem:s25+$0xFFFFFDA0];
	_ =	sdelay $0x1  }
0x30f: {  	v45 =	vadd.s32 v26, v33;
	_ =	sdelay $0x2  }
0x310: {  	v34 =	vmul.f32 $8.000000000e+00, v34;
	_ =	sdelay $0x1  }
0x311: {  	[tilespmem:v45+s20+$0x0] =	vst.idx.msk $0xffff, v34  }
0x312: {  	v34 =	vld [tilespmem:s25+$0xFFFFFDB0];
	_ =	sdelay $0x1  }
0x313: {  	v46 =	vadd.s32 v27, v33;
	_ =	sdelay $0x2  }
0x314: {  	v34 =	vmul.f32 $8.000000000e+00, v34;
	_ =	sdelay $0x1  }
0x315: {  	[tilespmem:v46+s20+$0x0] =	vst.idx.msk $0xffff, v34  }
0x316: {  	v34 =	vld [tilespmem:s25+$0xFFFFFDC0];
	_ =	sdelay $0x1  }
0x317: {  	v33 =	vadd.s32 v28, v33;
	_ =	sdelay $0x1  }
0x318: {  	s31 =	sadd.s32 $0x7, s23  }
0x319: {  	v47 =	vmov s31;
	v34 =	vmul.f32 $8.000000000e+00, v34  }
0x31a: {  	v35 =	vshrl.u32 v47, $0x3  }
0x31b: {  	v48 =	vshll.u32 v35, v1;
	[tilespmem:v33+s20+$0x0] =	vst.idx.msk $0xffff, v34  }
0x31c: {  	v33 =	vbroadcast v48, $0x0;
	v34 =	vld [tilespmem:s25+$0xFFFFFDD0];
	_ =	sdelay $0x1  }
0x31d: {  	v49 =	vadd.s32 v29, v33;
	_ =	sdelay $0x2  }
0x31e: {  	v34 =	vmul.f32 $8.000000000e+00, v34;
	_ =	sdelay $0x1  }
0x31f: {  	[tilespmem:v49+s20+$0x0] =	vst.idx.msk $0xffff, v34  }
0x320: {  	v34 =	vld [tilespmem:s25+$0xFFFFFDE0];
	_ =	sdelay $0x1  }
0x321: {  	v50 =	vadd.s32 v30, v33;
	_ =	sdelay $0x2  }
0x322: {  	v34 =	vmul.f32 $8.000000000e+00, v34;
	_ =	sdelay $0x1  }
0x323: {  	[tilespmem:v50+s20+$0x0] =	vst.idx.msk $0xffff, v34  }
0x324: {  	v34 =	vld [tilespmem:s25+$0xFFFFFDF0];
	_ =	sdelay $0x1  }
0x325: {  	v51 =	vadd.s32 v31, v33;
	_ =	sdelay $0x2  }
0x326: {  	v34 =	vmul.f32 $8.000000000e+00, v34;
	_ =	sdelay $0x1  }
0x327: {  	[tilespmem:v51+s20+$0x0] =	vst.idx.msk $0xffff, v34  }
0x328: {  	v34 =	vld [tilespmem:s25+$0xFFFFFE00];
	_ =	sdelay $0x1  }
0x329: {  	v33 =	vadd.s32 v32, v33;
	_ =	sdelay $0x1  }
0x32a: {  	s28 =	sadd.s32 $0x8, s23  }
0x32b: {  	v52 =	vmov s28;
	v34 =	vmul.f32 $8.000000000e+00, v34  }
0x32c: {  	v35 =	vshrl.u32 v52, $0x3  }
0x32d: {  	v53 =	vshll.u32 v35, v1;
	[tilespmem:v33+s20+$0x0] =	vst.idx.msk $0xffff, v34  }
0x32e: {  	v33 =	vbroadcast v53, $0x0;
	v34 =	vld [tilespmem:s25+$0xFFFFFE10];
	_ =	sdelay $0x1  }
0x32f: {  	v54 =	vadd.s32 v0, v33;
	_ =	sdelay $0x2  }
0x330: {  	v34 =	vmul.f32 $8.000000000e+00, v34;
	_ =	sdelay $0x1  }
0x331: {  	[tilespmem:v54+s20+$0x0] =	vst.idx.msk $0xffff, v34  }
0x332: {  	v34 =	vld [tilespmem:s25+$0xFFFFFE20];
	_ =	sdelay $0x1  }
0x333: {  	v55 =	vadd.s32 v2, v33;
	_ =	sdelay $0x2  }
0x334: {  	v34 =	vmul.f32 $8.000000000e+00, v34;
	_ =	sdelay $0x1  }
0x335: {  	[tilespmem:v55+s20+$0x0] =	vst.idx.msk $0xffff, v34  }
0x336: {  	v34 =	vld [tilespmem:s25+$0xFFFFFE30];
	_ =	sdelay $0x1  }
0x337: {  	v56 =	vadd.s32 v3, v33;
	_ =	sdelay $0x2  }
0x338: {  	v34 =	vmul.f32 $8.000000000e+00, v34;
	_ =	sdelay $0x1  }
0x339: {  	[tilespmem:v56+s20+$0x0] =	vst.idx.msk $0xffff, v34  }
0x33a: {  	v34 =	vld [tilespmem:s25+$0xFFFFFE40];
	_ =	sdelay $0x1  }
0x33b: {  	v33 =	vadd.s32 v4, v33;
	_ =	sdelay $0x1  }
0x33c: {  	s29 =	sadd.s32 $0x9, s23  }
0x33d: {  	v57 =	vmov s29;
	v34 =	vmul.f32 $8.000000000e+00, v34  }
0x33e: {  	v35 =	vshrl.u32 v57, $0x3  }
0x33f: {  	v58 =	vshll.u32 v35, v1;
	[tilespmem:v33+s20+$0x0] =	vst.idx.msk $0xffff, v34  }
0x340: {  	v33 =	vbroadcast v58, $0x0;
	v34 =	vld [tilespmem:s25+$0xFFFFFE50];
	_ =	sdelay $0x1  }
0x341: {  	v59 =	vadd.s32 v5, v33;
	_ =	sdelay $0x2  }
0x342: {  	v34 =	vmul.f32 $8.000000000e+00, v34;
	_ =	sdelay $0x1  }
0x343: {  	[tilespmem:v59+s20+$0x0] =	vst.idx.msk $0xffff, v34  }
0x344: {  	v34 =	vld [tilespmem:s25+$0xFFFFFE60];
	_ =	sdelay $0x1  }
0x345: {  	v60 =	vadd.s32 v6, v33;
	_ =	sdelay $0x2  }
0x346: {  	v34 =	vmul.f32 $8.000000000e+00, v34;
	_ =	sdelay $0x1  }
0x347: {  	[tilespmem:v60+s20+$0x0] =	vst.idx.msk $0xffff, v34  }
0x348: {  	v34 =	vld [tilespmem:s25+$0xFFFFFE70];
	_ =	sdelay $0x1  }
0x349: {  	v61 =	vadd.s32 v7, v33;
	_ =	sdelay $0x2  }
0x34a: {  	v34 =	vmul.f32 $8.000000000e+00, v34;
	_ =	sdelay $0x1  }
0x34b: {  	[tilespmem:v61+s20+$0x0] =	vst.idx.msk $0xffff, v34  }
0x34c: {  	v34 =	vld [tilespmem:s25+$0xFFFFFE80];
	_ =	sdelay $0x1  }
0x34d: {  	v33 =	vadd.s32 v8, v33;
	_ =	sdelay $0x1  }
0x34e: {  	s30 =	sadd.s32 $0xA, s23  }
0x34f: {  	v62 =	vmov s30;
	v34 =	vmul.f32 $8.000000000e+00, v34  }
0x350: {  	v35 =	vshrl.u32 v62, $0x3  }
0x351: {  	v63 =	vshll.u32 v35, v1;
	[tilespmem:v33+s20+$0x0] =	vst.idx.msk $0xffff, v34  }
0x352: {  	v33 =	vbroadcast v63, $0x0;
	v34 =	vld [tilespmem:s25+$0xFFFFFE90];
	_ =	sdelay $0x1  }
0x353: {  	v36 =	vadd.s32 v9, v33;
	_ =	sdelay $0x2  }
0x354: {  	v34 =	vmul.f32 $8.000000000e+00, v34;
	_ =	sdelay $0x1  }
0x355: {  	[tilespmem:v36+s20+$0x0] =	vst.idx.msk $0xffff, v34  }
0x356: {  	v34 =	vld [tilespmem:s25+$0xFFFFFEA0];
	_ =	sdelay $0x1  }
0x357: {  	v37 =	vadd.s32 v10, v33;
	_ =	sdelay $0x2  }
0x358: {  	v34 =	vmul.f32 $8.000000000e+00, v34;
	_ =	sdelay $0x1  }
0x359: {  	[tilespmem:v37+s20+$0x0] =	vst.idx.msk $0xffff, v34  }
0x35a: {  	v34 =	vld [tilespmem:s25+$0xFFFFFEB0];
	_ =	sdelay $0x1  }
0x35b: {  	v38 =	vadd.s32 v11, v33;
	_ =	sdelay $0x2  }
0x35c: {  	v34 =	vmul.f32 $8.000000000e+00, v34;
	_ =	sdelay $0x1  }
0x35d: {  	[tilespmem:v38+s20+$0x0] =	vst.idx.msk $0xffff, v34  }
0x35e: {  	v34 =	vld [tilespmem:s25+$0xFFFFFEC0];
	_ =	sdelay $0x1  }
0x35f: {  	v33 =	vadd.s32 v12, v33;
	_ =	sdelay $0x1  }
0x360: {  	s31 =	sadd.s32 $0xB, s23  }
0x361: {  	v39 =	vmov s31;
	v34 =	vmul.f32 $8.000000000e+00, v34  }
0x362: {  	v35 =	vshrl.u32 v39, $0x3  }
0x363: {  	v40 =	vshll.u32 v35, v1;
	[tilespmem:v33+s20+$0x0] =	vst.idx.msk $0xffff, v34  }
0x364: {  	v33 =	vbroadcast v40, $0x0;
	v34 =	vld [tilespmem:s25+$0xFFFFFED0];
	_ =	sdelay $0x1  }
0x365: {  	v41 =	vadd.s32 v13, v33;
	_ =	sdelay $0x2  }
0x366: {  	v34 =	vmul.f32 $8.000000000e+00, v34;
	_ =	sdelay $0x1  }
0x367: {  	[tilespmem:v41+s20+$0x0] =	vst.idx.msk $0xffff, v34  }
0x368: {  	v34 =	vld [tilespmem:s25+$0xFFFFFEE0];
	_ =	sdelay $0x1  }
0x369: {  	v42 =	vadd.s32 v14, v33;
	_ =	sdelay $0x2  }
0x36a: {  	v34 =	vmul.f32 $8.000000000e+00, v34;
	_ =	sdelay $0x1  }
0x36b: {  	[tilespmem:v42+s20+$0x0] =	vst.idx.msk $0xffff, v34  }
0x36c: {  	v34 =	vld [tilespmem:s25+$0xFFFFFEF0];
	_ =	sdelay $0x1  }
0x36d: {  	v43 =	vadd.s32 v15, v33;
	_ =	sdelay $0x2  }
0x36e: {  	v34 =	vmul.f32 $8.000000000e+00, v34;
	_ =	sdelay $0x1  }
0x36f: {  	[tilespmem:v43+s20+$0x0] =	vst.idx.msk $0xffff, v34  }
0x370: {  	v34 =	vld [tilespmem:s25+$0xFFFFFF00];
	_ =	sdelay $0x1  }
0x371: {  	v33 =	vadd.s32 v16, v33;
	_ =	sdelay $0x1  }
0x372: {  	s28 =	sadd.s32 $0xC, s23  }
0x373: {  	v44 =	vmov s28;
	v34 =	vmul.f32 $8.000000000e+00, v34  }
0x374: {  	v35 =	vshrl.u32 v44, $0x3  }
0x375: {  	v45 =	vshll.u32 v35, v1;
	[tilespmem:v33+s20+$0x0] =	vst.idx.msk $0xffff, v34  }
0x376: {  	v33 =	vbroadcast v45, $0x0;
	v34 =	vld [tilespmem:s25+$0xFFFFFF10];
	_ =	sdelay $0x1  }
0x377: {  	v46 =	vadd.s32 v17, v33;
	_ =	sdelay $0x2  }
0x378: {  	v34 =	vmul.f32 $8.000000000e+00, v34;
	_ =	sdelay $0x1  }
0x379: {  	[tilespmem:v46+s20+$0x0] =	vst.idx.msk $0xffff, v34  }
0x37a: {  	v34 =	vld [tilespmem:s25+$0xFFFFFF20];
	_ =	sdelay $0x1  }
0x37b: {  	v47 =	vadd.s32 v18, v33;
	_ =	sdelay $0x2  }
0x37c: {  	v34 =	vmul.f32 $8.000000000e+00, v34;
	_ =	sdelay $0x1  }
0x37d: {  	[tilespmem:v47+s20+$0x0] =	vst.idx.msk $0xffff, v34  }
0x37e: {  	v34 =	vld [tilespmem:s25+$0xFFFFFF30];
	_ =	sdelay $0x1  }
0x37f: {  	v48 =	vadd.s32 v19, v33;
	_ =	sdelay $0x2  }
0x380: {  	v34 =	vmul.f32 $8.000000000e+00, v34;
	_ =	sdelay $0x1  }
0x381: {  	[tilespmem:v48+s20+$0x0] =	vst.idx.msk $0xffff, v34  }
0x382: {  	v34 =	vld [tilespmem:s25+$0xFFFFFF40];
	_ =	sdelay $0x1  }
0x383: {  	v33 =	vadd.s32 v20, v33;
	_ =	sdelay $0x1  }
0x384: {  	s29 =	sadd.s32 $0xD, s23  }
0x385: {  	v49 =	vmov s29;
	v34 =	vmul.f32 $8.000000000e+00, v34  }
0x386: {  	v35 =	vshrl.u32 v49, $0x3  }
0x387: {  	v50 =	vshll.u32 v35, v1;
	[tilespmem:v33+s20+$0x0] =	vst.idx.msk $0xffff, v34  }
0x388: {  	v33 =	vbroadcast v50, $0x0;
	v34 =	vld [tilespmem:s25+$0xFFFFFF50];
	_ =	sdelay $0x1  }
0x389: {  	v51 =	vadd.s32 v21, v33;
	_ =	sdelay $0x2  }
0x38a: {  	v34 =	vmul.f32 $8.000000000e+00, v34;
	_ =	sdelay $0x1  }
0x38b: {  	[tilespmem:v51+s20+$0x0] =	vst.idx.msk $0xffff, v34  }
0x38c: {  	v34 =	vld [tilespmem:s25+$0xFFFFFF60];
	_ =	sdelay $0x1  }
0x38d: {  	v52 =	vadd.s32 v22, v33;
	_ =	sdelay $0x2  }
0x38e: {  	v34 =	vmul.f32 $8.000000000e+00, v34;
	_ =	sdelay $0x1  }
0x38f: {  	[tilespmem:v52+s20+$0x0] =	vst.idx.msk $0xffff, v34  }
0x390: {  	v34 =	vld [tilespmem:s25+$0xFFFFFF70];
	_ =	sdelay $0x1  }
0x391: {  	v53 =	vadd.s32 v23, v33;
	_ =	sdelay $0x2  }
0x392: {  	v34 =	vmul.f32 $8.000000000e+00, v34;
	_ =	sdelay $0x1  }
0x393: {  	[tilespmem:v53+s20+$0x0] =	vst.idx.msk $0xffff, v34  }
0x394: {  	v34 =	vld [tilespmem:s25+$0xFFFFFF80];
	_ =	sdelay $0x1  }
0x395: {  	v33 =	vadd.s32 v24, v33;
	_ =	sdelay $0x1  }
0x396: {  	s30 =	sadd.s32 $0xE, s23  }
0x397: {  	v54 =	vmov s30;
	v34 =	vmul.f32 $8.000000000e+00, v34  }
0x398: {  	v35 =	vshrl.u32 v54, $0x3  }
0x399: {  	v55 =	vshll.u32 v35, v1;
	[tilespmem:v33+s20+$0x0] =	vst.idx.msk $0xffff, v34  }
0x39a: {  	v33 =	vbroadcast v55, $0x0;
	v34 =	vld [tilespmem:s25+$0xFFFFFF90];
	_ =	sdelay $0x1  }
0x39b: {  	v56 =	vadd.s32 v25, v33;
	_ =	sdelay $0x2  }
0x39c: {  	v34 =	vmul.f32 $8.000000000e+00, v34;
	_ =	sdelay $0x1  }
0x39d: {  	[tilespmem:v56+s20+$0x0] =	vst.idx.msk $0xffff, v34  }
0x39e: {  	v34 =	vld [tilespmem:s25+$0xFFFFFFA0];
	_ =	sdelay $0x1  }
0x39f: {  	v57 =	vadd.s32 v26, v33;
	_ =	sdelay $0x2  }
0x3a0: {  	v34 =	vmul.f32 $8.000000000e+00, v34;
	_ =	sdelay $0x1  }
0x3a1: {  	[tilespmem:v57+s20+$0x0] =	vst.idx.msk $0xffff, v34  }
0x3a2: {  	v34 =	vld [tilespmem:s25+$0xFFFFFFB0];
	_ =	sdelay $0x1  }
0x3a3: {  	v58 =	vadd.s32 v27, v33;
	_ =	sdelay $0x2  }
0x3a4: {  	v34 =	vmul.f32 $8.000000000e+00, v34;
	_ =	sdelay $0x1  }
0x3a5: {  	[tilespmem:v58+s20+$0x0] =	vst.idx.msk $0xffff, v34  }
0x3a6: {  	v34 =	vld [tilespmem:s25+$0xFFFFFFC0];
	_ =	sdelay $0x1  }
0x3a7: {  	v33 =	vadd.s32 v28, v33;
	_ =	sdelay $0x1  }
0x3a8: {  	s31 =	sadd.s32 $0xF, s23  }
0x3a9: {  	v59 =	vmov s31;
	v34 =	vmul.f32 $8.000000000e+00, v34  }
0x3aa: {  	v35 =	vshrl.u32 v59, $0x3  }
0x3ab: {  	v60 =	vshll.u32 v35, v1;
	[tilespmem:v33+s20+$0x0] =	vst.idx.msk $0xffff, v34  }
0x3ac: {  	v33 =	vbroadcast v60, $0x0;
	v34 =	vld [tilespmem:s25+$0xFFFFFFD0];
	_ =	sdelay $0x1  }
0x3ad: {  	v61 =	vadd.s32 v29, v33;
	_ =	sdelay $0x2  }
0x3ae: {  	v34 =	vmul.f32 $8.000000000e+00, v34;
	_ =	sdelay $0x1  }
0x3af: {  	[tilespmem:v61+s20+$0x0] =	vst.idx.msk $0xffff, v34  }
0x3b0: {  	v34 =	vld [tilespmem:s25+$0xFFFFFFE0];
	_ =	sdelay $0x1  }
0x3b1: {  	v62 =	vadd.s32 v30, v33;
	_ =	sdelay $0x2  }
0x3b2: {  	v34 =	vmul.f32 $8.000000000e+00, v34;
	_ =	sdelay $0x1  }
0x3b3: {  	[tilespmem:v62+s20+$0x0] =	vst.idx.msk $0xffff, v34  }
0x3b4: {  	v34 =	vld [tilespmem:s25+$0xFFFFFFF0];
	_ =	sdelay $0x1  }
0x3b5: {  	v63 =	vadd.s32 v31, v33;
	_ =	sdelay $0x2  }
0x3b6: {  	v34 =	vmul.f32 $8.000000000e+00, v34;
	_ =	sdelay $0x1  }
0x3b7: {  	[tilespmem:v63+s20+$0x0] =	vst.idx.msk $0xffff, v34  }
0x3b8: {  	v34 =	vld [tilespmem:s25+$0x0];
	_ =	sdelay $0x1  }
0x3b9: {  	p0 =	slt.u32 s23, $0xF0;
	v33 =	vadd.s32 v32, v33  }
.Ltmp6:
0x3ba: {  	_ = 	snop;
	(pc) =	sbr.rel @p0 .LBB2_13-.Ltmp6, $3  }
0x3bb: {  	_ = 	snop  }
0x3bc: {  	v34 =	vmul.f32 $8.000000000e+00, v34;
	_ =	sdelay $0x1  }
0x3bd: {  	s23 =	sadd.s32 $0x10, s23;
	s25 =	sadd.s32 $0x400, s25;
	[tilespmem:v33+s20+$0x0] =	vst.idx.msk $0xffff, v34  }
0x3be: {  	s23 =	sadd.s32 s24, s5  }
0x3bf: {  	s31 =	simm.s32 $0x12600;
	s24 =	simm.s32 $0x420;
	s23 =	sadd.s32 $0x20, s23  }
0x3c0: {  	[hbm4b:s23+s1] =	stream.linear.scatter [tilespmem:s31], [sflag:$0x4], $0x100, $0x38;
	[tilespmem:$0x16800] =	vst v63  }
.LBB2_15:
0x3c1: {  	p0 =	sne.s32 s24, $0x103E0  }
.Ltmp7:
0x3c2: {  	_ = 	snop;
	(pc) =	sbr.rel @p0 .LBB2_15-.Ltmp7, $4  }
0x3c3: {  	_ = 	snop  }
0x3c4: {  	s25 =	sshra.s32 s24, $0x2;
	s24 =	sadd.s32 $0x420, s24  }
0x3c5: {  	s23 =	sadd.s32 $0x800, s23;
	s25 =	sadd.s32 $0x12600, s25  }
0x3c6: {  	[hbm4b:s23+s1] =	stream.linear.scatter [tilespmem:s25], [sflag:$0x4], $0x100, $0x38;
	[tilespmem:$0x16800] =	vst v63  }
0x3c7: {  	s22 =	sadd.s32 $0x1, s22  }
0x3c8: {  	_ =	swait.ge [sflag:s21], $0x4000;
	p0 =	sne.s32 s22, s7  }
.Ltmp8:
0x3c9: {  	[sflag:s21] =	ssyncset.done $0x0;
	(pc) =	sbr.rel @p0 .LBB2_1-.Ltmp8, $4  }
0x3ca: {  	[sflag:s21] =	ssyncadd.s32 $0xFFFFC000  }
0x3cb: {  	_ =	swait.ge [sflag:s19], $0x4000  }
0x3cc: {  	[sflag:s19] =	ssyncset.done $0x0  }
0x3cd: {  	[sflag:s19] =	ssyncadd.s32 $0xFFFFC000  }
0x3ce: {  	_ =	sfence.sel $0x180000  }
0x3cf: {  	[bflag:$0x0] =	sbarrier.arrive $0xFFFF  }
0x3d0: {  	p0 =	sne.s32 s2, $0x0;
	_ =	strace $0x90000047  }
0x3d1: {  	s0 =	sadd.s32 @!p0 $0x100000, s0;
	[bflag:$0x2] =	sbarrier.arrive $0xFFFF  }
0x3d2: {  	[sflag:s0] =	ssyncadd.tile.s32 @!p0 $0x1;
	_ =	shalt  }
.Lfunc_end2:
_tile_overlayer_lowered:
.L_overlay_start_2:
0x3d3: {  	(tag) =	ssettag $0x2  }
0x3d4: {  	s0 =	rddreg [dreg:$0x0];
	s2 =	stileid.u32  }
0x3d5: {  	s1 =	rddreg [dreg:$0x1];
	p0 =	sne.s32 s2, $0x0  }
0x3d6: {  	s3 =	rddreg [dreg:$0x2];
	[bflag:$0x3] =	sbarrier.arrive $0xFFFF;
	s2 =	simm.s32 @!p0 $0x1C05  }
0x3d7: {  	[timem:s3], [sflag:s2] =	dma.local @!p0 [hbm:s0], s1  }
0x3d8: {  	s0 =	simm.s32 @!p0 $0x5  }
0x3d9: {  	_ =	swait.ge @!p0 [sflag:s0], s1  }
0x3da: {  	s1 =	ssub.s32 @!p0 $0x0, s1;
	[sflag:s0] =	ssyncset.done @!p0 $0x0  }
0x3db: {  	[sflag:s0] =	ssyncadd.s32 @!p0 s1  }
0x3dc: {  	[bflag:$0x3] =	sbarrier.arrive $0xFFFF  }
0x3dd: {  	_ =	shalt  }

</sc_bundles>
